<compile_context>
chip_gen: v7x
topology: tpu7x:2x2x1
jax: 0.10.2.dev20260603
libtpu: 0.0.44.dev20260713+nightly
codegen_flags: <defaults>
</compile_context>

<pallas_src>
import functools

import jax
import jax.numpy as jnp
from jax import lax
from jax.experimental import pallas as pl
from jax.experimental.pallas import tpu as pltpu
from jax.experimental.pallas import tpu_sc as plsc

_N = 4096
_BC = 512
_NBLK = _N // _BC
_K0 = _N // 3
_K1 = 2 * (_N // 3)
_MASK31 = 0x7FFFFFFF
_MIN32 = -(2 ** 31)


def _lsrv(x, n):
    return lax.shift_right_logical(x, jnp.full(x.shape, n, jnp.int32))


def _lsrs(x, n):
    return lax.shift_right_logical(x, jnp.int32(n))



def _sc_body(scores_hbm, out_hbm, s_v, ub_v, hist_v, out_v):
    on_worker0 = jnp.logical_and(
        lax.axis_index("s") == 0, lax.axis_index("c") == 0)

    @pl.when(on_worker0)
    def _():
        pltpu.sync_copy(scores_hbm, s_v)

        def init_body(i, carry):
            v = s_v[pl.ds(i * 16, 16)]
            b = lax.bitcast_convert_type(v, jnp.int32)
            key = b ^ (b >> 31) & jnp.int32(_MASK31)
            ub_v[pl.ds(i * 16, 16)] = key ^ jnp.int32(_MIN32)
            return carry

        lax.fori_loop(0, _N // 16, init_body, jnp.int32(0), unroll=8)

        iota = lax.iota(jnp.int32, 16)
        ones = jnp.ones((16,), jnp.int32)
        zeros = jnp.zeros((16,), jnp.int32)

        def select(kk):
            prefix = jnp.int32(0)
            base = jnp.int32(0)
            for shift in (24, 16, 8, 0):
                for g in range(16):
                    hist_v[pl.ds(g * 16, 16)] = zeros
                if shift == 24:
                    def hbody(i, carry):
                        v = ub_v[pl.ds(i * 16, 16)]
                        digit = _lsrv(v, 24) & jnp.int32(0xFF)
                        plsc.addupdate_scatter(hist_v, [digit], ones,
                                               mask=digit >= 0)
                        return carry
                else:
                    ph = _lsrs(prefix, shift + 8)

                    def hbody(i, carry, shift=shift, ph=ph):
                        v = ub_v[pl.ds(i * 16, 16)]
                        digit = _lsrv(v, shift) & jnp.int32(0xFF)
                        m = _lsrv(v, shift + 8) == ph
                        plsc.addupdate_scatter(hist_v, [digit], ones, mask=m)
                        return carry

                lax.fori_loop(0, _N // 16, hbody, jnp.int32(0), unroll=8)

                def gbody(g, carry):
                    cnt, found, dsel, bsel = carry
                    h = hist_v[pl.ds(g * 16, 16)]
                    csum = plsc.cumsum(h)
                    inc = csum + cnt
                    tot = jnp.sum(h)
                    found_here = jnp.logical_and(found == 0, cnt + tot > kk)
                    d_local = jnp.min(jnp.where(inc > kk, iota, jnp.int32(16)))
                    excl = jnp.sum(jnp.where(iota < d_local, h, jnp.int32(0)))
                    dsel = jnp.where(found_here, g * 16 + d_local, dsel)
                    bsel = jnp.where(found_here, cnt + excl, bsel)
                    found = jnp.where(found_here, jnp.int32(1), found)
                    return (cnt + tot, found, dsel, bsel)

                _, _, dsel, bsel = lax.fori_loop(
                    0, 16, gbody,
                    (base, jnp.int32(0), jnp.int32(0), jnp.int32(0)))
                prefix = prefix | lax.shift_left(dsel, jnp.int32(shift))
                base = bsel
            return prefix

        p0 = select(jnp.int32(_K0))
        p1 = select(jnp.int32(_K1))
        ub_vec = jnp.where(iota == 0, p0,
                           jnp.where(iota == 1, p1, jnp.int32(0)))
        key_vec = ub_vec ^ jnp.int32(_MIN32)
        val_vec = lax.bitcast_convert_type(
            jnp.where(key_vec >= 0, key_vec, key_vec ^ jnp.int32(_MASK31)),
            jnp.float32)
        out_v[...] = val_vec
        pltpu.sync_copy(out_v, out_hbm)


def _sc_thresholds(scores):
    mesh = plsc.VectorSubcoreMesh(core_axis_name="c", subcore_axis_name="s")
    return pl.kernel(
        _sc_body,
        mesh=mesh,
        out_type=jax.ShapeDtypeStruct((16,), jnp.float32),
        scratch_types=[
            pltpu.VMEM((_N,), jnp.float32),
            pltpu.VMEM((_N,), jnp.int32),
            pltpu.VMEM((256,), jnp.int32),
            pltpu.VMEM((16,), jnp.float32),
        ],
        compiler_params=pltpu.CompilerParams(needs_layout_passes=False),
    )(scores)



def _tc_body(thr_ref, scores_blk_ref, w_ref, o_ref):
    t0 = thr_ref[0]
    t1 = thr_ref[1]
    s = scores_blk_ref[...]
    half = jnp.where(s <= t0, 2.0, jnp.where(s <= t1, 8.0, 32.0))
    q_min = -half
    q_max = half - 1.0

    w = w_ref[...]
    mn = jnp.min(w, axis=0, keepdims=True)
    mx = jnp.max(w, axis=0, keepdims=True)
    scale = (mx - mn) / (q_max - q_min)
    scale = jnp.where(jnp.abs(scale) < 1e-6, jnp.float32(1e-6), scale)
    inv = 1.0 / scale
    zp = jnp.clip(jnp.round(q_min - mn / scale), q_min, q_max)
    q = jnp.clip(jnp.round(w * inv) + zp, -128.0, 127.0)
    o_ref[...] = (q - zp) * scale


def kernel(weight, scores):
    thr = _sc_thresholds(scores)
    scores_row = scores.reshape(1, _N)
    return pl.pallas_call(
        _tc_body,
        grid=(_NBLK,),
        in_specs=[
            pl.BlockSpec(memory_space=pltpu.SMEM),
            pl.BlockSpec((1, _BC), lambda j: (0, j)),
            pl.BlockSpec((_N, _BC), lambda j: (0, j)),
        ],
        out_specs=pl.BlockSpec((_N, _BC), lambda j: (0, j)),
        out_shape=jax.ShapeDtypeStruct((_N, _N), jnp.float32),
        compiler_params=pltpu.CompilerParams(
            dimension_semantics=("arbitrary",),
        ),
    )(thr, scores_row, weight)

# --- scband reference (transcript-rebuilt; emitter-appended) ---
"""Pipeline reference for scband-selective-quantizer-5351529251297 (READ-ONLY COPY).

The authoritative reference and input builder live on the scoring server;
editing this copy changes nothing except your own understanding.
"""

import jax, jax.numpy as jnp
import numpy as np

MIN_BITS = 2
MAX_BITS = 8
NUM_BINS = 3


def setup_inputs(seed: int = 0) -> dict:
    key = jax.random.key(seed)
    k1, k2 = jax.random.split(key)
    weight = jax.random.normal(k1, (4096, 4096), dtype=jnp.float32)
    scores = jax.random.uniform(k2, (4096,), dtype=jnp.float32)
    return {"weight": weight, "scores": scores}


def _forward(weight, scores):
    n = scores.shape[0]
    sorted_scores = jnp.sort(scores)
    bin_size = n // NUM_BINS
    bin_thresholds = [sorted_scores[i * bin_size] for i in range(1, NUM_BINS)]
    # torch.linspace(2, 8, 4).int() -> [2, 4, 6, 8]
    bitwidths = jnp.linspace(MIN_BITS, MAX_BITS, NUM_BINS + 1).astype(jnp.int32)
    column_bits = jnp.zeros_like(scores, dtype=jnp.int32)
    for i in range(NUM_BINS):
        if i == 0:
            mask = scores <= bin_thresholds[0]
        elif i == NUM_BINS - 1:
            mask = scores > bin_thresholds[-1]
        else:
            mask = (scores > bin_thresholds[i - 1]) & (scores <= bin_thresholds[i])
        column_bits = jnp.where(mask, bitwidths[i], column_bits)
    # quantize_adaptive per column (vectorized over columns)
    bits_f = column_bits.astype(jnp.float32)
    q_min = -jnp.exp2(bits_f - 1.0)          # -(1 << (bits-1))
    q_max = jnp.exp2(bits_f - 1.0) - 1.0     # (1 << (bits-1)) - 1
    min_vals = jnp.min(weight, axis=0)
    max_vals = jnp.max(weight, axis=0)
    scale = (max_vals - min_vals) / (q_max - q_min)
    scale = jnp.where(jnp.abs(scale) < 1e-6, jnp.float32(1e-6), scale)
    zero_point = jnp.clip(jnp.round(q_min - min_vals / scale), q_min, q_max)
    # torch.quantize_per_tensor with qint8: clamp to [-128, 127]
    q = jnp.clip(jnp.round(weight / scale[None, :]) + zero_point[None, :], -128.0, 127.0)
    deq = (q - zero_point[None, :]) * scale[None, :]
    # columns with bits == max_bits are skipped (kept as original weight)
    keep = (column_bits == MAX_BITS)
    new_weight = jnp.where(keep[None, :], weight, deq)
    return new_weight


def reference(weight, scores):
    return _forward(weight, scores)

if __name__ == "__main__":
    import jax
    _d = setup_inputs()
    print(jax.jit(kernel)(*tuple(_d.values())))

</pallas_src>

<mosaic_0001>
#map = affine_map<(d0, d1) -> (0)>
module attributes {stable_mosaic.version = 14 : i64} {
  func.func @_sc_body(%arg0: i32, %arg1: i32, %arg2: memref<4096xf32, #tpu.memory_space<hbm>>, %arg3: memref<16xf32, #tpu.memory_space<hbm>>, %arg4: memref<4096xf32, #tpu.memory_space<vmem>>, %arg5: memref<4096xi32, #tpu.memory_space<vmem>>, %arg6: memref<256xi32, #tpu.memory_space<vmem>>, %arg7: memref<16xf32, #tpu.memory_space<vmem>>) attributes {dimension_semantics = [#tpu.dimension_semantics<core_parallel>, #tpu.dimension_semantics<subcore_parallel>], iteration_bounds = array<i64: 2, 16>, scalar_prefetch = 0 : i64, scratch_operands = 4 : i64, tpu.core_type = #tpu.core_type<sc_vector_subcore>, window_params = [{transform_indices = #map}, {transform_indices = #map}]} {
    %eq3A = arith.constant 0 : i32
    %eq3A_0 = arith.cmpi eq, %arg1, %eq3A : i32
    %eq3A_1 = arith.constant 0 : i32
    %eq3A_2 = arith.cmpi eq, %arg0, %eq3A_1 : i32
    %and3A = arith.andi %eq3A_0, %eq3A_2 : i1
    %convert_element_type3A = arith.extui %and3A : i1 to i32
    %cond3A = arith.constant 0 : i32
    %cond3A_3 = arith.cmpi ne, %convert_element_type3A, %cond3A : i32
    scf.if %cond3A_3 {
      "tpu.region"() ({
        %run_scoped3A = tpu.sem_alloc : memref<!tpu.dma_semaphore, #tpu.memory_space<semaphore_mem>>
        tpu.enqueue_dma source(%arg2 : memref<4096xf32, #tpu.memory_space<hbm>>) target(%arg4 : memref<4096xf32, #tpu.memory_space<vmem>>) target_semaphore(%run_scoped3A : memref<!tpu.dma_semaphore, #tpu.memory_space<semaphore_mem>>)
        tpu.wait_dma2 semaphore(%run_scoped3A : memref<!tpu.dma_semaphore, #tpu.memory_space<semaphore_mem>>) src(%arg2 : memref<4096xf32, #tpu.memory_space<hbm>>) dst(%arg4 : memref<4096xf32, #tpu.memory_space<vmem>>)
        tpu.yield
      }) : () -> ()
      %scan3A = arith.constant 0 : i32
      %scan3A_4 = arith.constant 0 : i32
      %scan3A_5 = arith.constant 256 : i32
      %scan3A_6 = arith.addi %scan3A_4, %scan3A_5 : i32
      %scan3A_7 = arith.constant 8 : i32
      scf.for %scan3A_452 = %scan3A_4 to %scan3A_6 step %scan3A_7  : i32 {
        %mul3A = arith.constant 16 : i32
        %mul3A_453 = arith.muli %scan3A_452, %mul3A : i32
        %get3A = arith.index_cast %mul3A_453 : i32 to index
        %get3A_454 = tpu.vector_load %arg4[%get3A] {strides = array<i32>} : memref<4096xf32, #tpu.memory_space<vmem>>, vector<16xf32>,
        %bitcast_convert_type3A_455 = tpu.bitcast %get3A_454 : vector<16xf32> -> vector<16xi32>
        %shift_right_arithmetic3A = arith.constant 31 : i32
        %shift_right_arithmetic3A_456 = vector.broadcast %shift_right_arithmetic3A : i32 to vector<16xi32>
        %shift_right_arithmetic3A_457 = arith.shrsi %bitcast_convert_type3A_455, %shift_right_arithmetic3A_456 : vector<16xi32>
        %and3A_458 = arith.constant 2147483647 : i32
        %and3A_459 = vector.broadcast %and3A_458 : i32 to vector<16xi32>
        %and3A_460 = arith.andi %shift_right_arithmetic3A_457, %and3A_459 : vector<16xi32>
        %xor3A_461 = arith.xori %bitcast_convert_type3A_455, %and3A_460 : vector<16xi32>
        %xor3A_462 = arith.constant -2147483648 : i32
        %xor3A_463 = vector.broadcast %xor3A_462 : i32 to vector<16xi32>
        %xor3A_464 = arith.xori %xor3A_461, %xor3A_463 : vector<16xi32>
        %mul3A_465 = arith.constant 16 : i32
        %mul3A_466 = arith.muli %scan3A_452, %mul3A_465 : i32
        %swap3A_467 = arith.index_cast %mul3A_466 : i32 to index
        %swap3A_468 = tpu.vector_load %arg5[%swap3A_467] {strides = array<i32>} : memref<4096xi32, #tpu.memory_space<vmem>>, vector<16xi32>,
        tpu.vector_store %arg5[%swap3A_467], %xor3A_464 {strides = array<i32>} : memref<4096xi32, #tpu.memory_space<vmem>>, vector<16xi32>,
        %scan3A_469 = arith.constant 1 : i32
        %scan3A_470 = arith.addi %scan3A_452, %scan3A_469 : i32
        %mul3A_471 = arith.constant 16 : i32
        %mul3A_472 = arith.muli %scan3A_470, %mul3A_471 : i32
        %get3A_473 = arith.index_cast %mul3A_472 : i32 to index
        %get3A_474 = tpu.vector_load %arg4[%get3A_473] {strides = array<i32>} : memref<4096xf32, #tpu.memory_space<vmem>>, vector<16xf32>,
        %bitcast_convert_type3A_475 = tpu.bitcast %get3A_474 : vector<16xf32> -> vector<16xi32>
        %shift_right_arithmetic3A_476 = arith.constant 31 : i32
        %shift_right_arithmetic3A_477 = vector.broadcast %shift_right_arithmetic3A_476 : i32 to vector<16xi32>
        %shift_right_arithmetic3A_478 = arith.shrsi %bitcast_convert_type3A_475, %shift_right_arithmetic3A_477 : vector<16xi32>
        %and3A_479 = arith.constant 2147483647 : i32
        %and3A_480 = vector.broadcast %and3A_479 : i32 to vector<16xi32>
        %and3A_481 = arith.andi %shift_right_arithmetic3A_478, %and3A_480 : vector<16xi32>
        %xor3A_482 = arith.xori %bitcast_convert_type3A_475, %and3A_481 : vector<16xi32>
        %xor3A_483 = arith.constant -2147483648 : i32
        %xor3A_484 = vector.broadcast %xor3A_483 : i32 to vector<16xi32>
        %xor3A_485 = arith.xori %xor3A_482, %xor3A_484 : vector<16xi32>
        %mul3A_486 = arith.constant 16 : i32
        %mul3A_487 = arith.muli %scan3A_470, %mul3A_486 : i32
        %swap3A_488 = arith.index_cast %mul3A_487 : i32 to index
        %swap3A_489 = tpu.vector_load %arg5[%swap3A_488] {strides = array<i32>} : memref<4096xi32, #tpu.memory_space<vmem>>, vector<16xi32>,
        tpu.vector_store %arg5[%swap3A_488], %xor3A_485 {strides = array<i32>} : memref<4096xi32, #tpu.memory_space<vmem>>, vector<16xi32>,
        %scan3A_490 = arith.constant 2 : i32
        %scan3A_491 = arith.addi %scan3A_452, %scan3A_490 : i32
        %mul3A_492 = arith.constant 16 : i32
        %mul3A_493 = arith.muli %scan3A_491, %mul3A_492 : i32
        %get3A_494 = arith.index_cast %mul3A_493 : i32 to index
        %get3A_495 = tpu.vector_load %arg4[%get3A_494] {strides = array<i32>} : memref<4096xf32, #tpu.memory_space<vmem>>, vector<16xf32>,
        %bitcast_convert_type3A_496 = tpu.bitcast %get3A_495 : vector<16xf32> -> vector<16xi32>
        %shift_right_arithmetic3A_497 = arith.constant 31 : i32
        %shift_right_arithmetic3A_498 = vector.broadcast %shift_right_arithmetic3A_497 : i32 to vector<16xi32>
        %shift_right_arithmetic3A_499 = arith.shrsi %bitcast_convert_type3A_496, %shift_right_arithmetic3A_498 : vector<16xi32>
        %and3A_500 = arith.constant 2147483647 : i32
        %and3A_501 = vector.broadcast %and3A_500 : i32 to vector<16xi32>
        %and3A_502 = arith.andi %shift_right_arithmetic3A_499, %and3A_501 : vector<16xi32>
        %xor3A_503 = arith.xori %bitcast_convert_type3A_496, %and3A_502 : vector<16xi32>
        %xor3A_504 = arith.constant -2147483648 : i32
        %xor3A_505 = vector.broadcast %xor3A_504 : i32 to vector<16xi32>
        %xor3A_506 = arith.xori %xor3A_503, %xor3A_505 : vector<16xi32>
        %mul3A_507 = arith.constant 16 : i32
        %mul3A_508 = arith.muli %scan3A_491, %mul3A_507 : i32
        %swap3A_509 = arith.index_cast %mul3A_508 : i32 to index
        %swap3A_510 = tpu.vector_load %arg5[%swap3A_509] {strides = array<i32>} : memref<4096xi32, #tpu.memory_space<vmem>>, vector<16xi32>,
        tpu.vector_store %arg5[%swap3A_509], %xor3A_506 {strides = array<i32>} : memref<4096xi32, #tpu.memory_space<vmem>>, vector<16xi32>,
        %scan3A_511 = arith.constant 3 : i32
        %scan3A_512 = arith.addi %scan3A_452, %scan3A_511 : i32
        %mul3A_513 = arith.constant 16 : i32
        %mul3A_514 = arith.muli %scan3A_512, %mul3A_513 : i32
        %get3A_515 = arith.index_cast %mul3A_514 : i32 to index
        %get3A_516 = tpu.vector_load %arg4[%get3A_515] {strides = array<i32>} : memref<4096xf32, #tpu.memory_space<vmem>>, vector<16xf32>,
        %bitcast_convert_type3A_517 = tpu.bitcast %get3A_516 : vector<16xf32> -> vector<16xi32>
        %shift_right_arithmetic3A_518 = arith.constant 31 : i32
        %shift_right_arithmetic3A_519 = vector.broadcast %shift_right_arithmetic3A_518 : i32 to vector<16xi32>
        %shift_right_arithmetic3A_520 = arith.shrsi %bitcast_convert_type3A_517, %shift_right_arithmetic3A_519 : vector<16xi32>
        %and3A_521 = arith.constant 2147483647 : i32
        %and3A_522 = vector.broadcast %and3A_521 : i32 to vector<16xi32>
        %and3A_523 = arith.andi %shift_right_arithmetic3A_520, %and3A_522 : vector<16xi32>
        %xor3A_524 = arith.xori %bitcast_convert_type3A_517, %and3A_523 : vector<16xi32>
        %xor3A_525 = arith.constant -2147483648 : i32
        %xor3A_526 = vector.broadcast %xor3A_525 : i32 to vector<16xi32>
        %xor3A_527 = arith.xori %xor3A_524, %xor3A_526 : vector<16xi32>
        %mul3A_528 = arith.constant 16 : i32
        %mul3A_529 = arith.muli %scan3A_512, %mul3A_528 : i32
        %swap3A_530 = arith.index_cast %mul3A_529 : i32 to index
        %swap3A_531 = tpu.vector_load %arg5[%swap3A_530] {strides = array<i32>} : memref<4096xi32, #tpu.memory_space<vmem>>, vector<16xi32>,
        tpu.vector_store %arg5[%swap3A_530], %xor3A_527 {strides = array<i32>} : memref<4096xi32, #tpu.memory_space<vmem>>, vector<16xi32>,
        %scan3A_532 = arith.constant 4 : i32
        %scan3A_533 = arith.addi %scan3A_452, %scan3A_532 : i32
        %mul3A_534 = arith.constant 16 : i32
        %mul3A_535 = arith.muli %scan3A_533, %mul3A_534 : i32
        %get3A_536 = arith.index_cast %mul3A_535 : i32 to index
        %get3A_537 = tpu.vector_load %arg4[%get3A_536] {strides = array<i32>} : memref<4096xf32, #tpu.memory_space<vmem>>, vector<16xf32>,
        %bitcast_convert_type3A_538 = tpu.bitcast %get3A_537 : vector<16xf32> -> vector<16xi32>
        %shift_right_arithmetic3A_539 = arith.constant 31 : i32
        %shift_right_arithmetic3A_540 = vector.broadcast %shift_right_arithmetic3A_539 : i32 to vector<16xi32>
        %shift_right_arithmetic3A_541 = arith.shrsi %bitcast_convert_type3A_538, %shift_right_arithmetic3A_540 : vector<16xi32>
        %and3A_542 = arith.constant 2147483647 : i32
        %and3A_543 = vector.broadcast %and3A_542 : i32 to vector<16xi32>
        %and3A_544 = arith.andi %shift_right_arithmetic3A_541, %and3A_543 : vector<16xi32>
        %xor3A_545 = arith.xori %bitcast_convert_type3A_538, %and3A_544 : vector<16xi32>
        %xor3A_546 = arith.constant -2147483648 : i32
        %xor3A_547 = vector.broadcast %xor3A_546 : i32 to vector<16xi32>
        %xor3A_548 = arith.xori %xor3A_545, %xor3A_547 : vector<16xi32>
        %mul3A_549 = arith.constant 16 : i32
        %mul3A_550 = arith.muli %scan3A_533, %mul3A_549 : i32
        %swap3A_551 = arith.index_cast %mul3A_550 : i32 to index
        %swap3A_552 = tpu.vector_load %arg5[%swap3A_551] {strides = array<i32>} : memref<4096xi32, #tpu.memory_space<vmem>>, vector<16xi32>,
        tpu.vector_store %arg5[%swap3A_551], %xor3A_548 {strides = array<i32>} : memref<4096xi32, #tpu.memory_space<vmem>>, vector<16xi32>,
        %scan3A_553 = arith.constant 5 : i32
        %scan3A_554 = arith.addi %scan3A_452, %scan3A_553 : i32
        %mul3A_555 = arith.constant 16 : i32
        %mul3A_556 = arith.muli %scan3A_554, %mul3A_555 : i32
        %get3A_557 = arith.index_cast %mul3A_556 : i32 to index
        %get3A_558 = tpu.vector_load %arg4[%get3A_557] {strides = array<i32>} : memref<4096xf32, #tpu.memory_space<vmem>>, vector<16xf32>,
        %bitcast_convert_type3A_559 = tpu.bitcast %get3A_558 : vector<16xf32> -> vector<16xi32>
        %shift_right_arithmetic3A_560 = arith.constant 31 : i32
        %shift_right_arithmetic3A_561 = vector.broadcast %shift_right_arithmetic3A_560 : i32 to vector<16xi32>
        %shift_right_arithmetic3A_562 = arith.shrsi %bitcast_convert_type3A_559, %shift_right_arithmetic3A_561 : vector<16xi32>
        %and3A_563 = arith.constant 2147483647 : i32
        %and3A_564 = vector.broadcast %and3A_563 : i32 to vector<16xi32>
        %and3A_565 = arith.andi %shift_right_arithmetic3A_562, %and3A_564 : vector<16xi32>
        %xor3A_566 = arith.xori %bitcast_convert_type3A_559, %and3A_565 : vector<16xi32>
        %xor3A_567 = arith.constant -2147483648 : i32
        %xor3A_568 = vector.broadcast %xor3A_567 : i32 to vector<16xi32>
        %xor3A_569 = arith.xori %xor3A_566, %xor3A_568 : vector<16xi32>
        %mul3A_570 = arith.constant 16 : i32
        %mul3A_571 = arith.muli %scan3A_554, %mul3A_570 : i32
        %swap3A_572 = arith.index_cast %mul3A_571 : i32 to index
        %swap3A_573 = tpu.vector_load %arg5[%swap3A_572] {strides = array<i32>} : memref<4096xi32, #tpu.memory_space<vmem>>, vector<16xi32>,
        tpu.vector_store %arg5[%swap3A_572], %xor3A_569 {strides = array<i32>} : memref<4096xi32, #tpu.memory_space<vmem>>, vector<16xi32>,
        %scan3A_574 = arith.constant 6 : i32
        %scan3A_575 = arith.addi %scan3A_452, %scan3A_574 : i32
        %mul3A_576 = arith.constant 16 : i32
        %mul3A_577 = arith.muli %scan3A_575, %mul3A_576 : i32
        %get3A_578 = arith.index_cast %mul3A_577 : i32 to index
        %get3A_579 = tpu.vector_load %arg4[%get3A_578] {strides = array<i32>} : memref<4096xf32, #tpu.memory_space<vmem>>, vector<16xf32>,
        %bitcast_convert_type3A_580 = tpu.bitcast %get3A_579 : vector<16xf32> -> vector<16xi32>
        %shift_right_arithmetic3A_581 = arith.constant 31 : i32
        %shift_right_arithmetic3A_582 = vector.broadcast %shift_right_arithmetic3A_581 : i32 to vector<16xi32>
        %shift_right_arithmetic3A_583 = arith.shrsi %bitcast_convert_type3A_580, %shift_right_arithmetic3A_582 : vector<16xi32>
        %and3A_584 = arith.constant 2147483647 : i32
        %and3A_585 = vector.broadcast %and3A_584 : i32 to vector<16xi32>
        %and3A_586 = arith.andi %shift_right_arithmetic3A_583, %and3A_585 : vector<16xi32>
        %xor3A_587 = arith.xori %bitcast_convert_type3A_580, %and3A_586 : vector<16xi32>
        %xor3A_588 = arith.constant -2147483648 : i32
        %xor3A_589 = vector.broadcast %xor3A_588 : i32 to vector<16xi32>
        %xor3A_590 = arith.xori %xor3A_587, %xor3A_589 : vector<16xi32>
        %mul3A_591 = arith.constant 16 : i32
        %mul3A_592 = arith.muli %scan3A_575, %mul3A_591 : i32
        %swap3A_593 = arith.index_cast %mul3A_592 : i32 to index
        %swap3A_594 = tpu.vector_load %arg5[%swap3A_593] {strides = array<i32>} : memref<4096xi32, #tpu.memory_space<vmem>>, vector<16xi32>,
        tpu.vector_store %arg5[%swap3A_593], %xor3A_590 {strides = array<i32>} : memref<4096xi32, #tpu.memory_space<vmem>>, vector<16xi32>,
        %scan3A_595 = arith.constant 7 : i32
        %scan3A_596 = arith.addi %scan3A_452, %scan3A_595 : i32
        %mul3A_597 = arith.constant 16 : i32
        %mul3A_598 = arith.muli %scan3A_596, %mul3A_597 : i32
        %get3A_599 = arith.index_cast %mul3A_598 : i32 to index
        %get3A_600 = tpu.vector_load %arg4[%get3A_599] {strides = array<i32>} : memref<4096xf32, #tpu.memory_space<vmem>>, vector<16xf32>,
        %bitcast_convert_type3A_601 = tpu.bitcast %get3A_600 : vector<16xf32> -> vector<16xi32>
        %shift_right_arithmetic3A_602 = arith.constant 31 : i32
        %shift_right_arithmetic3A_603 = vector.broadcast %shift_right_arithmetic3A_602 : i32 to vector<16xi32>
        %shift_right_arithmetic3A_604 = arith.shrsi %bitcast_convert_type3A_601, %shift_right_arithmetic3A_603 : vector<16xi32>
        %and3A_605 = arith.constant 2147483647 : i32
        %and3A_606 = vector.broadcast %and3A_605 : i32 to vector<16xi32>
        %and3A_607 = arith.andi %shift_right_arithmetic3A_604, %and3A_606 : vector<16xi32>
        %xor3A_608 = arith.xori %bitcast_convert_type3A_601, %and3A_607 : vector<16xi32>
        %xor3A_609 = arith.constant -2147483648 : i32
        %xor3A_610 = vector.broadcast %xor3A_609 : i32 to vector<16xi32>
        %xor3A_611 = arith.xori %xor3A_608, %xor3A_610 : vector<16xi32>
        %mul3A_612 = arith.constant 16 : i32
        %mul3A_613 = arith.muli %scan3A_596, %mul3A_612 : i32
        %swap3A_614 = arith.index_cast %mul3A_613 : i32 to index
        %swap3A_615 = tpu.vector_load %arg5[%swap3A_614] {strides = array<i32>} : memref<4096xi32, #tpu.memory_space<vmem>>, vector<16xi32>,
        tpu.vector_store %arg5[%swap3A_614], %xor3A_611 {strides = array<i32>} : memref<4096xi32, #tpu.memory_space<vmem>>, vector<16xi32>,
      }
      %scan3A_8 = arith.constant 256 : i32
      %iota3A = tpu.iota {dimensions = array<i32: 0>} : vector<16xi32>
      %broadcast_in_dim3A = arith.constant 1 : i32
      %broadcast_in_dim3A_9 = vector.broadcast %broadcast_in_dim3A : i32 to vector<16xi32>
      %broadcast_in_dim3A_10 = arith.constant 0 : i32
      %broadcast_in_dim3A_11 = vector.broadcast %broadcast_in_dim3A_10 : i32 to vector<16xi32>
      %swap3A = arith.constant 0 : index
      %swap3A_12 = tpu.vector_load %arg6[%swap3A] {strides = array<i32>} : memref<256xi32, #tpu.memory_space<vmem>>, vector<16xi32>,
      tpu.vector_store %arg6[%swap3A], %broadcast_in_dim3A_11 {strides = array<i32>} : memref<256xi32, #tpu.memory_space<vmem>>, vector<16xi32>,
      %swap3A_13 = arith.constant 16 : index
      %swap3A_14 = tpu.vector_load %arg6[%swap3A_13] {strides = array<i32>} : memref<256xi32, #tpu.memory_space<vmem>>, vector<16xi32>,
      tpu.vector_store %arg6[%swap3A_13], %broadcast_in_dim3A_11 {strides = array<i32>} : memref<256xi32, #tpu.memory_space<vmem>>, vector<16xi32>,
      %swap3A_15 = arith.constant 32 : index
      %swap3A_16 = tpu.vector_load %arg6[%swap3A_15] {strides = array<i32>} : memref<256xi32, #tpu.memory_space<vmem>>, vector<16xi32>,
      tpu.vector_store %arg6[%swap3A_15], %broadcast_in_dim3A_11 {strides = array<i32>} : memref<256xi32, #tpu.memory_space<vmem>>, vector<16xi32>,
      %swap3A_17 = arith.constant 48 : index
      %swap3A_18 = tpu.vector_load %arg6[%swap3A_17] {strides = array<i32>} : memref<256xi32, #tpu.memory_space<vmem>>, vector<16xi32>,
      tpu.vector_store %arg6[%swap3A_17], %broadcast_in_dim3A_11 {strides = array<i32>} : memref<256xi32, #tpu.memory_space<vmem>>, vector<16xi32>,
      %swap3A_19 = arith.constant 64 : index
      %swap3A_20 = tpu.vector_load %arg6[%swap3A_19] {strides = array<i32>} : memref<256xi32, #tpu.memory_space<vmem>>, vector<16xi32>,
      tpu.vector_store %arg6[%swap3A_19], %broadcast_in_dim3A_11 {strides = array<i32>} : memref<256xi32, #tpu.memory_space<vmem>>, vector<16xi32>,
      %swap3A_21 = arith.constant 80 : index
      %swap3A_22 = tpu.vector_load %arg6[%swap3A_21] {strides = array<i32>} : memref<256xi32, #tpu.memory_space<vmem>>, vector<16xi32>,
      tpu.vector_store %arg6[%swap3A_21], %broadcast_in_dim3A_11 {strides = array<i32>} : memref<256xi32, #tpu.memory_space<vmem>>, vector<16xi32>,
      %swap3A_23 = arith.constant 96 : index
      %swap3A_24 = tpu.vector_load %arg6[%swap3A_23] {strides = array<i32>} : memref<256xi32, #tpu.memory_space<vmem>>, vector<16xi32>,
      tpu.vector_store %arg6[%swap3A_23], %broadcast_in_dim3A_11 {strides = array<i32>} : memref<256xi32, #tpu.memory_space<vmem>>, vector<16xi32>,
      %swap3A_25 = arith.constant 112 : index
      %swap3A_26 = tpu.vector_load %arg6[%swap3A_25] {strides = array<i32>} : memref<256xi32, #tpu.memory_space<vmem>>, vector<16xi32>,
      tpu.vector_store %arg6[%swap3A_25], %broadcast_in_dim3A_11 {strides = array<i32>} : memref<256xi32, #tpu.memory_space<vmem>>, vector<16xi32>,
      %swap3A_27 = arith.constant 128 : index
      %swap3A_28 = tpu.vector_load %arg6[%swap3A_27] {strides = array<i32>} : memref<256xi32, #tpu.memory_space<vmem>>, vector<16xi32>,
      tpu.vector_store %arg6[%swap3A_27], %broadcast_in_dim3A_11 {strides = array<i32>} : memref<256xi32, #tpu.memory_space<vmem>>, vector<16xi32>,
      %swap3A_29 = arith.constant 144 : index
      %swap3A_30 = tpu.vector_load %arg6[%swap3A_29] {strides = array<i32>} : memref<256xi32, #tpu.memory_space<vmem>>, vector<16xi32>,
      tpu.vector_store %arg6[%swap3A_29], %broadcast_in_dim3A_11 {strides = array<i32>} : memref<256xi32, #tpu.memory_space<vmem>>, vector<16xi32>,
      %swap3A_31 = arith.constant 160 : index
      %swap3A_32 = tpu.vector_load %arg6[%swap3A_31] {strides = array<i32>} : memref<256xi32, #tpu.memory_space<vmem>>, vector<16xi32>,
      tpu.vector_store %arg6[%swap3A_31], %broadcast_in_dim3A_11 {strides = array<i32>} : memref<256xi32, #tpu.memory_space<vmem>>, vector<16xi32>,
      %swap3A_33 = arith.constant 176 : index
      %swap3A_34 = tpu.vector_load %arg6[%swap3A_33] {strides = array<i32>} : memref<256xi32, #tpu.memory_space<vmem>>, vector<16xi32>,
      tpu.vector_store %arg6[%swap3A_33], %broadcast_in_dim3A_11 {strides = array<i32>} : memref<256xi32, #tpu.memory_space<vmem>>, vector<16xi32>,
      %swap3A_35 = arith.constant 192 : index
      %swap3A_36 = tpu.vector_load %arg6[%swap3A_35] {strides = array<i32>} : memref<256xi32, #tpu.memory_space<vmem>>, vector<16xi32>,
      tpu.vector_store %arg6[%swap3A_35], %broadcast_in_dim3A_11 {strides = array<i32>} : memref<256xi32, #tpu.memory_space<vmem>>, vector<16xi32>,
      %swap3A_37 = arith.constant 208 : index
      %swap3A_38 = tpu.vector_load %arg6[%swap3A_37] {strides = array<i32>} : memref<256xi32, #tpu.memory_space<vmem>>, vector<16xi32>,
      tpu.vector_store %arg6[%swap3A_37], %broadcast_in_dim3A_11 {strides = array<i32>} : memref<256xi32, #tpu.memory_space<vmem>>, vector<16xi32>,
      %swap3A_39 = arith.constant 224 : index
      %swap3A_40 = tpu.vector_load %arg6[%swap3A_39] {strides = array<i32>} : memref<256xi32, #tpu.memory_space<vmem>>, vector<16xi32>,
      tpu.vector_store %arg6[%swap3A_39], %broadcast_in_dim3A_11 {strides = array<i32>} : memref<256xi32, #tpu.memory_space<vmem>>, vector<16xi32>,
      %swap3A_41 = arith.constant 240 : index
      %swap3A_42 = tpu.vector_load %arg6[%swap3A_41] {strides = array<i32>} : memref<256xi32, #tpu.memory_space<vmem>>, vector<16xi32>,
      tpu.vector_store %arg6[%swap3A_41], %broadcast_in_dim3A_11 {strides = array<i32>} : memref<256xi32, #tpu.memory_space<vmem>>, vector<16xi32>,
      %scan3A_43 = arith.constant 0 : i32
      %scan3A_44 = arith.constant 0 : i32
      %scan3A_45 = arith.constant 256 : i32
      %scan3A_46 = arith.addi %scan3A_44, %scan3A_45 : i32
      %scan3A_47 = arith.constant 8 : i32
      scf.for %scan3A_452 = %scan3A_44 to %scan3A_46 step %scan3A_47  : i32 {
        %mul3A = arith.constant 16 : i32
        %mul3A_453 = arith.muli %scan3A_452, %mul3A : i32
        %get3A = arith.index_cast %mul3A_453 : i32 to index
        %get3A_454 = tpu.vector_load %arg5[%get3A] {strides = array<i32>} : memref<4096xi32, #tpu.memory_space<vmem>>, vector<16xi32>,
        %broadcast_in_dim3A_455 = arith.constant 24 : i32
        %broadcast_in_dim3A_456 = vector.broadcast %broadcast_in_dim3A_455 : i32 to vector<16xi32>
        %shift_right_logical3A_457 = arith.shrui %get3A_454, %broadcast_in_dim3A_456 : vector<16xi32>
        %and3A_458 = arith.constant 255 : i32
        %and3A_459 = vector.broadcast %and3A_458 : i32 to vector<16xi32>
        %and3A_460 = arith.andi %shift_right_logical3A_457, %and3A_459 : vector<16xi32>
        %ge3A_461 = arith.constant 0 : i32
        %ge3A_462 = vector.broadcast %ge3A_461 : i32 to vector<16xi32>
        %ge3A_463 = arith.cmpi sge, %and3A_460, %ge3A_462 : vector<16xi32>
        tpu.vector_store_idx %arg6[%and3A_460], %broadcast_in_dim3A_9 masked %ge3A_463 {add = true} : memref<256xi32, #tpu.memory_space<vmem>>[vector<16xi32>], vector<16xi32>, vector<16xi1>
        %scan3A_464 = arith.constant 1 : i32
        %scan3A_465 = arith.addi %scan3A_452, %scan3A_464 : i32
        %mul3A_466 = arith.constant 16 : i32
        %mul3A_467 = arith.muli %scan3A_465, %mul3A_466 : i32
        %get3A_468 = arith.index_cast %mul3A_467 : i32 to index
        %get3A_469 = tpu.vector_load %arg5[%get3A_468] {strides = array<i32>} : memref<4096xi32, #tpu.memory_space<vmem>>, vector<16xi32>,
        %broadcast_in_dim3A_470 = arith.constant 24 : i32
        %broadcast_in_dim3A_471 = vector.broadcast %broadcast_in_dim3A_470 : i32 to vector<16xi32>
        %shift_right_logical3A_472 = arith.shrui %get3A_469, %broadcast_in_dim3A_471 : vector<16xi32>
        %and3A_473 = arith.constant 255 : i32
        %and3A_474 = vector.broadcast %and3A_473 : i32 to vector<16xi32>
        %and3A_475 = arith.andi %shift_right_logical3A_472, %and3A_474 : vector<16xi32>
        %ge3A_476 = arith.constant 0 : i32
        %ge3A_477 = vector.broadcast %ge3A_476 : i32 to vector<16xi32>
        %ge3A_478 = arith.cmpi sge, %and3A_475, %ge3A_477 : vector<16xi32>
        tpu.vector_store_idx %arg6[%and3A_475], %broadcast_in_dim3A_9 masked %ge3A_478 {add = true} : memref<256xi32, #tpu.memory_space<vmem>>[vector<16xi32>], vector<16xi32>, vector<16xi1>
        %scan3A_479 = arith.constant 2 : i32
        %scan3A_480 = arith.addi %scan3A_452, %scan3A_479 : i32
        %mul3A_481 = arith.constant 16 : i32
        %mul3A_482 = arith.muli %scan3A_480, %mul3A_481 : i32
        %get3A_483 = arith.index_cast %mul3A_482 : i32 to index
        %get3A_484 = tpu.vector_load %arg5[%get3A_483] {strides = array<i32>} : memref<4096xi32, #tpu.memory_space<vmem>>, vector<16xi32>,
        %broadcast_in_dim3A_485 = arith.constant 24 : i32
        %broadcast_in_dim3A_486 = vector.broadcast %broadcast_in_dim3A_485 : i32 to vector<16xi32>
        %shift_right_logical3A_487 = arith.shrui %get3A_484, %broadcast_in_dim3A_486 : vector<16xi32>
        %and3A_488 = arith.constant 255 : i32
        %and3A_489 = vector.broadcast %and3A_488 : i32 to vector<16xi32>
        %and3A_490 = arith.andi %shift_right_logical3A_487, %and3A_489 : vector<16xi32>
        %ge3A_491 = arith.constant 0 : i32
        %ge3A_492 = vector.broadcast %ge3A_491 : i32 to vector<16xi32>
        %ge3A_493 = arith.cmpi sge, %and3A_490, %ge3A_492 : vector<16xi32>
        tpu.vector_store_idx %arg6[%and3A_490], %broadcast_in_dim3A_9 masked %ge3A_493 {add = true} : memref<256xi32, #tpu.memory_space<vmem>>[vector<16xi32>], vector<16xi32>, vector<16xi1>
        %scan3A_494 = arith.constant 3 : i32
        %scan3A_495 = arith.addi %scan3A_452, %scan3A_494 : i32
        %mul3A_496 = arith.constant 16 : i32
        %mul3A_497 = arith.muli %scan3A_495, %mul3A_496 : i32
        %get3A_498 = arith.index_cast %mul3A_497 : i32 to index
        %get3A_499 = tpu.vector_load %arg5[%get3A_498] {strides = array<i32>} : memref<4096xi32, #tpu.memory_space<vmem>>, vector<16xi32>,
        %broadcast_in_dim3A_500 = arith.constant 24 : i32
        %broadcast_in_dim3A_501 = vector.broadcast %broadcast_in_dim3A_500 : i32 to vector<16xi32>
        %shift_right_logical3A_502 = arith.shrui %get3A_499, %broadcast_in_dim3A_501 : vector<16xi32>
        %and3A_503 = arith.constant 255 : i32
        %and3A_504 = vector.broadcast %and3A_503 : i32 to vector<16xi32>
        %and3A_505 = arith.andi %shift_right_logical3A_502, %and3A_504 : vector<16xi32>
        %ge3A_506 = arith.constant 0 : i32
        %ge3A_507 = vector.broadcast %ge3A_506 : i32 to vector<16xi32>
        %ge3A_508 = arith.cmpi sge, %and3A_505, %ge3A_507 : vector<16xi32>
        tpu.vector_store_idx %arg6[%and3A_505], %broadcast_in_dim3A_9 masked %ge3A_508 {add = true} : memref<256xi32, #tpu.memory_space<vmem>>[vector<16xi32>], vector<16xi32>, vector<16xi1>
        %scan3A_509 = arith.constant 4 : i32
        %scan3A_510 = arith.addi %scan3A_452, %scan3A_509 : i32
        %mul3A_511 = arith.constant 16 : i32
        %mul3A_512 = arith.muli %scan3A_510, %mul3A_511 : i32
        %get3A_513 = arith.index_cast %mul3A_512 : i32 to index
        %get3A_514 = tpu.vector_load %arg5[%get3A_513] {strides = array<i32>} : memref<4096xi32, #tpu.memory_space<vmem>>, vector<16xi32>,
        %broadcast_in_dim3A_515 = arith.constant 24 : i32
        %broadcast_in_dim3A_516 = vector.broadcast %broadcast_in_dim3A_515 : i32 to vector<16xi32>
        %shift_right_logical3A_517 = arith.shrui %get3A_514, %broadcast_in_dim3A_516 : vector<16xi32>
        %and3A_518 = arith.constant 255 : i32
        %and3A_519 = vector.broadcast %and3A_518 : i32 to vector<16xi32>
        %and3A_520 = arith.andi %shift_right_logical3A_517, %and3A_519 : vector<16xi32>
        %ge3A_521 = arith.constant 0 : i32
        %ge3A_522 = vector.broadcast %ge3A_521 : i32 to vector<16xi32>
        %ge3A_523 = arith.cmpi sge, %and3A_520, %ge3A_522 : vector<16xi32>
        tpu.vector_store_idx %arg6[%and3A_520], %broadcast_in_dim3A_9 masked %ge3A_523 {add = true} : memref<256xi32, #tpu.memory_space<vmem>>[vector<16xi32>], vector<16xi32>, vector<16xi1>
        %scan3A_524 = arith.constant 5 : i32
        %scan3A_525 = arith.addi %scan3A_452, %scan3A_524 : i32
        %mul3A_526 = arith.constant 16 : i32
        %mul3A_527 = arith.muli %scan3A_525, %mul3A_526 : i32
        %get3A_528 = arith.index_cast %mul3A_527 : i32 to index
        %get3A_529 = tpu.vector_load %arg5[%get3A_528] {strides = array<i32>} : memref<4096xi32, #tpu.memory_space<vmem>>, vector<16xi32>,
        %broadcast_in_dim3A_530 = arith.constant 24 : i32
        %broadcast_in_dim3A_531 = vector.broadcast %broadcast_in_dim3A_530 : i32 to vector<16xi32>
        %shift_right_logical3A_532 = arith.shrui %get3A_529, %broadcast_in_dim3A_531 : vector<16xi32>
        %and3A_533 = arith.constant 255 : i32
        %and3A_534 = vector.broadcast %and3A_533 : i32 to vector<16xi32>
        %and3A_535 = arith.andi %shift_right_logical3A_532, %and3A_534 : vector<16xi32>
        %ge3A_536 = arith.constant 0 : i32
        %ge3A_537 = vector.broadcast %ge3A_536 : i32 to vector<16xi32>
        %ge3A_538 = arith.cmpi sge, %and3A_535, %ge3A_537 : vector<16xi32>
        tpu.vector_store_idx %arg6[%and3A_535], %broadcast_in_dim3A_9 masked %ge3A_538 {add = true} : memref<256xi32, #tpu.memory_space<vmem>>[vector<16xi32>], vector<16xi32>, vector<16xi1>
        %scan3A_539 = arith.constant 6 : i32
        %scan3A_540 = arith.addi %scan3A_452, %scan3A_539 : i32
        %mul3A_541 = arith.constant 16 : i32
        %mul3A_542 = arith.muli %scan3A_540, %mul3A_541 : i32
        %get3A_543 = arith.index_cast %mul3A_542 : i32 to index
        %get3A_544 = tpu.vector_load %arg5[%get3A_543] {strides = array<i32>} : memref<4096xi32, #tpu.memory_space<vmem>>, vector<16xi32>,
        %broadcast_in_dim3A_545 = arith.constant 24 : i32
        %broadcast_in_dim3A_546 = vector.broadcast %broadcast_in_dim3A_545 : i32 to vector<16xi32>
        %shift_right_logical3A_547 = arith.shrui %get3A_544, %broadcast_in_dim3A_546 : vector<16xi32>
        %and3A_548 = arith.constant 255 : i32
        %and3A_549 = vector.broadcast %and3A_548 : i32 to vector<16xi32>
        %and3A_550 = arith.andi %shift_right_logical3A_547, %and3A_549 : vector<16xi32>
        %ge3A_551 = arith.constant 0 : i32
        %ge3A_552 = vector.broadcast %ge3A_551 : i32 to vector<16xi32>
        %ge3A_553 = arith.cmpi sge, %and3A_550, %ge3A_552 : vector<16xi32>
        tpu.vector_store_idx %arg6[%and3A_550], %broadcast_in_dim3A_9 masked %ge3A_553 {add = true} : memref<256xi32, #tpu.memory_space<vmem>>[vector<16xi32>], vector<16xi32>, vector<16xi1>
        %scan3A_554 = arith.constant 7 : i32
        %scan3A_555 = arith.addi %scan3A_452, %scan3A_554 : i32
        %mul3A_556 = arith.constant 16 : i32
        %mul3A_557 = arith.muli %scan3A_555, %mul3A_556 : i32
        %get3A_558 = arith.index_cast %mul3A_557 : i32 to index
        %get3A_559 = tpu.vector_load %arg5[%get3A_558] {strides = array<i32>} : memref<4096xi32, #tpu.memory_space<vmem>>, vector<16xi32>,
        %broadcast_in_dim3A_560 = arith.constant 24 : i32
        %broadcast_in_dim3A_561 = vector.broadcast %broadcast_in_dim3A_560 : i32 to vector<16xi32>
        %shift_right_logical3A_562 = arith.shrui %get3A_559, %broadcast_in_dim3A_561 : vector<16xi32>
        %and3A_563 = arith.constant 255 : i32
        %and3A_564 = vector.broadcast %and3A_563 : i32 to vector<16xi32>
        %and3A_565 = arith.andi %shift_right_logical3A_562, %and3A_564 : vector<16xi32>
        %ge3A_566 = arith.constant 0 : i32
        %ge3A_567 = vector.broadcast %ge3A_566 : i32 to vector<16xi32>
        %ge3A_568 = arith.cmpi sge, %and3A_565, %ge3A_567 : vector<16xi32>
        tpu.vector_store_idx %arg6[%and3A_565], %broadcast_in_dim3A_9 masked %ge3A_568 {add = true} : memref<256xi32, #tpu.memory_space<vmem>>[vector<16xi32>], vector<16xi32>, vector<16xi1>
      }
      %scan3A_48 = arith.constant 256 : i32
      %scan3A_49 = arith.constant 1365 : i32
      %scan3A_50 = arith.constant 0 : i32
      %scan3A_51 = arith.constant 0 : i32
      %scan3A_52 = arith.constant 0 : i32
      %scan3A_53 = arith.constant 0 : i32
      %scan3A_54 = arith.constant 0 : i32
      %scan3A_55 = arith.constant 16 : i32
      %scan3A_56 = arith.addi %scan3A_54, %scan3A_55 : i32
      %scan3A_57 = arith.constant 1 : i32
      %scan3A_58:4 = scf.for %scan3A_452 = %scan3A_54 to %scan3A_56 step %scan3A_57 iter_args(%scan3A_453 = %scan3A_50, %scan3A_454 = %scan3A_51, %scan3A_455 = %scan3A_52, %scan3A_456 = %scan3A_53) -> (i32, i32, i32, i32)  : i32 {
        %mul3A = arith.constant 16 : i32
        %mul3A_457 = arith.muli %scan3A_452, %mul3A : i32
        %get3A = arith.index_cast %mul3A_457 : i32 to index
        %get3A_458 = tpu.vector_load %arg6[%get3A] {strides = array<i32>} : memref<256xi32, #tpu.memory_space<vmem>>, vector<16xi32>,
        %broadcast_in_dim3A_459 = arith.constant true
        %broadcast_in_dim3A_460 = vector.broadcast %broadcast_in_dim3A_459 : i1 to vector<16xi1>
        %masked_cumsum3A = tpu.scan <sum>, %get3A_458 masked %broadcast_in_dim3A_460 : vector<16xi32>, vector<16xi1> -> vector<16xi32>
        %add3A = vector.broadcast %scan3A_453 : i32 to vector<16xi32>
        %add3A_461 = arith.addi %masked_cumsum3A, %add3A : vector<16xi32>
        %reduce_sum3A = arith.constant true
        %reduce_sum3A_462 = vector.broadcast %reduce_sum3A : i1 to vector<16xi1>
        %reduce_sum3A_463 = tpu.scan <sum>, %get3A_458 masked %reduce_sum3A_462 : vector<16xi32>, vector<16xi1> -> vector<16xi32>
        %reduce_sum3A_464 = vector.extract %reduce_sum3A_463[15] : i32 from vector<16xi32>
        %eq3A_465 = arith.constant 0 : i32
        %eq3A_466 = arith.cmpi eq, %scan3A_454, %eq3A_465 : i32
        %add3A_467 = arith.addi %scan3A_453, %reduce_sum3A_464 : i32
        %gt3A = arith.cmpi sgt, %add3A_467, %scan3A_49 : i32
        %and3A_468 = arith.andi %eq3A_466, %gt3A : i1
        %gt3A_469 = vector.broadcast %scan3A_49 : i32 to vector<16xi32>
        %gt3A_470 = arith.cmpi sgt, %add3A_461, %gt3A_469 : vector<16xi32>
        %jit3A_471 = arith.constant 16 : i32
        %broadcast_in_dim3A_472 = vector.broadcast %jit3A_471 : i32 to vector<16xi32>
        %select_n3A_473 = arith.select %gt3A_470, %iota3A, %broadcast_in_dim3A_472 : vector<16xi1>, vector<16xi32>
        %reduce_min3A = arith.constant true
        %reduce_min3A_474 = vector.broadcast %reduce_min3A : i1 to vector<16xi1>
        %reduce_min3A_475 = arith.constant -2147483648 : i32
        %reduce_min3A_476 = vector.broadcast %reduce_min3A_475 : i32 to vector<16xi32>
        %reduce_min3A_477 = arith.xori %select_n3A_473, %reduce_min3A_476 : vector<16xi32>
        %reduce_min3A_478 = tpu.scan <min>, %reduce_min3A_477 masked %reduce_min3A_474 : vector<16xi32>, vector<16xi1> -> vector<16xi32>
        %reduce_min3A_479 = arith.xori %reduce_min3A_478, %reduce_min3A_476 : vector<16xi32>
        %reduce_min3A_480 = vector.extract %reduce_min3A_479[15] : i32 from vector<16xi32>
        %lt3A = vector.broadcast %reduce_min3A_480 : i32 to vector<16xi32>
        %lt3A_481 = arith.cmpi slt, %iota3A, %lt3A : vector<16xi32>
        %jit3A_482 = arith.constant 0 : i32
        %broadcast_in_dim3A_483 = vector.broadcast %jit3A_482 : i32 to vector<16xi32>
        %select_n3A_484 = arith.select %lt3A_481, %get3A_458, %broadcast_in_dim3A_483 : vector<16xi1>, vector<16xi32>
        %reduce_sum3A_485 = arith.constant true
        %reduce_sum3A_486 = vector.broadcast %reduce_sum3A_485 : i1 to vector<16xi1>
        %reduce_sum3A_487 = tpu.scan <sum>, %select_n3A_484 masked %reduce_sum3A_486 : vector<16xi32>, vector<16xi1> -> vector<16xi32>
        %reduce_sum3A_488 = vector.extract %reduce_sum3A_487[15] : i32 from vector<16xi32>
        %mul3A_489 = arith.constant 16 : i32
        %mul3A_490 = arith.muli %scan3A_452, %mul3A_489 : i32
        %add3A_491 = arith.addi %mul3A_490, %reduce_min3A_480 : i32
        %select_n3A_492 = arith.select %and3A_468, %add3A_491, %scan3A_455 : i32
        %add3A_493 = arith.addi %scan3A_453, %reduce_sum3A_488 : i32
        %select_n3A_494 = arith.select %and3A_468, %add3A_493, %scan3A_456 : i32
        %jit3A_495 = arith.constant 1 : i32
        %select_n3A_496 = arith.select %and3A_468, %jit3A_495, %scan3A_454 : i32
        %add3A_497 = arith.addi %scan3A_453, %reduce_sum3A_464 : i32
        scf.yield %add3A_497, %select_n3A_496, %select_n3A_492, %select_n3A_494 : i32, i32, i32, i32
      }
      %scan3A_59 = arith.constant 16 : i32
      %shift_left3A = arith.constant 24 : i32
      %shift_left3A_60 = arith.shli %scan3A_58#2, %shift_left3A : i32
      %or3A = arith.constant 0 : i32
      %or3A_61 = arith.ori %or3A, %shift_left3A_60 : i32
      %swap3A_62 = arith.constant 0 : index
      %swap3A_63 = tpu.vector_load %arg6[%swap3A_62] {strides = array<i32>} : memref<256xi32, #tpu.memory_space<vmem>>, vector<16xi32>,
      tpu.vector_store %arg6[%swap3A_62], %broadcast_in_dim3A_11 {strides = array<i32>} : memref<256xi32, #tpu.memory_space<vmem>>, vector<16xi32>,
      %swap3A_64 = arith.constant 16 : index
      %swap3A_65 = tpu.vector_load %arg6[%swap3A_64] {strides = array<i32>} : memref<256xi32, #tpu.memory_space<vmem>>, vector<16xi32>,
      tpu.vector_store %arg6[%swap3A_64], %broadcast_in_dim3A_11 {strides = array<i32>} : memref<256xi32, #tpu.memory_space<vmem>>, vector<16xi32>,
      %swap3A_66 = arith.constant 32 : index
      %swap3A_67 = tpu.vector_load %arg6[%swap3A_66] {strides = array<i32>} : memref<256xi32, #tpu.memory_space<vmem>>, vector<16xi32>,
      tpu.vector_store %arg6[%swap3A_66], %broadcast_in_dim3A_11 {strides = array<i32>} : memref<256xi32, #tpu.memory_space<vmem>>, vector<16xi32>,
      %swap3A_68 = arith.constant 48 : index
      %swap3A_69 = tpu.vector_load %arg6[%swap3A_68] {strides = array<i32>} : memref<256xi32, #tpu.memory_space<vmem>>, vector<16xi32>,
      tpu.vector_store %arg6[%swap3A_68], %broadcast_in_dim3A_11 {strides = array<i32>} : memref<256xi32, #tpu.memory_space<vmem>>, vector<16xi32>,
      %swap3A_70 = arith.constant 64 : index
      %swap3A_71 = tpu.vector_load %arg6[%swap3A_70] {strides = array<i32>} : memref<256xi32, #tpu.memory_space<vmem>>, vector<16xi32>,
      tpu.vector_store %arg6[%swap3A_70], %broadcast_in_dim3A_11 {strides = array<i32>} : memref<256xi32, #tpu.memory_space<vmem>>, vector<16xi32>,
      %swap3A_72 = arith.constant 80 : index
      %swap3A_73 = tpu.vector_load %arg6[%swap3A_72] {strides = array<i32>} : memref<256xi32, #tpu.memory_space<vmem>>, vector<16xi32>,
      tpu.vector_store %arg6[%swap3A_72], %broadcast_in_dim3A_11 {strides = array<i32>} : memref<256xi32, #tpu.memory_space<vmem>>, vector<16xi32>,
      %swap3A_74 = arith.constant 96 : index
      %swap3A_75 = tpu.vector_load %arg6[%swap3A_74] {strides = array<i32>} : memref<256xi32, #tpu.memory_space<vmem>>, vector<16xi32>,
      tpu.vector_store %arg6[%swap3A_74], %broadcast_in_dim3A_11 {strides = array<i32>} : memref<256xi32, #tpu.memory_space<vmem>>, vector<16xi32>,
      %swap3A_76 = arith.constant 112 : index
      %swap3A_77 = tpu.vector_load %arg6[%swap3A_76] {strides = array<i32>} : memref<256xi32, #tpu.memory_space<vmem>>, vector<16xi32>,
      tpu.vector_store %arg6[%swap3A_76], %broadcast_in_dim3A_11 {strides = array<i32>} : memref<256xi32, #tpu.memory_space<vmem>>, vector<16xi32>,
      %swap3A_78 = arith.constant 128 : index
      %swap3A_79 = tpu.vector_load %arg6[%swap3A_78] {strides = array<i32>} : memref<256xi32, #tpu.memory_space<vmem>>, vector<16xi32>,
      tpu.vector_store %arg6[%swap3A_78], %broadcast_in_dim3A_11 {strides = array<i32>} : memref<256xi32, #tpu.memory_space<vmem>>, vector<16xi32>,
      %swap3A_80 = arith.constant 144 : index
      %swap3A_81 = tpu.vector_load %arg6[%swap3A_80] {strides = array<i32>} : memref<256xi32, #tpu.memory_space<vmem>>, vector<16xi32>,
      tpu.vector_store %arg6[%swap3A_80], %broadcast_in_dim3A_11 {strides = array<i32>} : memref<256xi32, #tpu.memory_space<vmem>>, vector<16xi32>,
      %swap3A_82 = arith.constant 160 : index
      %swap3A_83 = tpu.vector_load %arg6[%swap3A_82] {strides = array<i32>} : memref<256xi32, #tpu.memory_space<vmem>>, vector<16xi32>,
      tpu.vector_store %arg6[%swap3A_82], %broadcast_in_dim3A_11 {strides = array<i32>} : memref<256xi32, #tpu.memory_space<vmem>>, vector<16xi32>,
      %swap3A_84 = arith.constant 176 : index
      %swap3A_85 = tpu.vector_load %arg6[%swap3A_84] {strides = array<i32>} : memref<256xi32, #tpu.memory_space<vmem>>, vector<16xi32>,
      tpu.vector_store %arg6[%swap3A_84], %broadcast_in_dim3A_11 {strides = array<i32>} : memref<256xi32, #tpu.memory_space<vmem>>, vector<16xi32>,
      %swap3A_86 = arith.constant 192 : index
      %swap3A_87 = tpu.vector_load %arg6[%swap3A_86] {strides = array<i32>} : memref<256xi32, #tpu.memory_space<vmem>>, vector<16xi32>,
      tpu.vector_store %arg6[%swap3A_86], %broadcast_in_dim3A_11 {strides = array<i32>} : memref<256xi32, #tpu.memory_space<vmem>>, vector<16xi32>,
      %swap3A_88 = arith.constant 208 : index
      %swap3A_89 = tpu.vector_load %arg6[%swap3A_88] {strides = array<i32>} : memref<256xi32, #tpu.memory_space<vmem>>, vector<16xi32>,
      tpu.vector_store %arg6[%swap3A_88], %broadcast_in_dim3A_11 {strides = array<i32>} : memref<256xi32, #tpu.memory_space<vmem>>, vector<16xi32>,
      %swap3A_90 = arith.constant 224 : index
      %swap3A_91 = tpu.vector_load %arg6[%swap3A_90] {strides = array<i32>} : memref<256xi32, #tpu.memory_space<vmem>>, vector<16xi32>,
      tpu.vector_store %arg6[%swap3A_90], %broadcast_in_dim3A_11 {strides = array<i32>} : memref<256xi32, #tpu.memory_space<vmem>>, vector<16xi32>,
      %swap3A_92 = arith.constant 240 : index
      %swap3A_93 = tpu.vector_load %arg6[%swap3A_92] {strides = array<i32>} : memref<256xi32, #tpu.memory_space<vmem>>, vector<16xi32>,
      tpu.vector_store %arg6[%swap3A_92], %broadcast_in_dim3A_11 {strides = array<i32>} : memref<256xi32, #tpu.memory_space<vmem>>, vector<16xi32>,
      %shift_right_logical3A = arith.constant 24 : i32
      %shift_right_logical3A_94 = arith.shrui %or3A_61, %shift_right_logical3A : i32
      %scan3A_95 = arith.constant 0 : i32
      %scan3A_96 = arith.constant 0 : i32
      %scan3A_97 = arith.constant 256 : i32
      %scan3A_98 = arith.addi %scan3A_96, %scan3A_97 : i32
      %scan3A_99 = arith.constant 8 : i32
      scf.for %scan3A_452 = %scan3A_96 to %scan3A_98 step %scan3A_99  : i32 {
        %mul3A = arith.constant 16 : i32
        %mul3A_453 = arith.muli %scan3A_452, %mul3A : i32
        %get3A = arith.index_cast %mul3A_453 : i32 to index
        %get3A_454 = tpu.vector_load %arg5[%get3A] {strides = array<i32>} : memref<4096xi32, #tpu.memory_space<vmem>>, vector<16xi32>,
        %broadcast_in_dim3A_455 = arith.constant 16 : i32
        %broadcast_in_dim3A_456 = vector.broadcast %broadcast_in_dim3A_455 : i32 to vector<16xi32>
        %shift_right_logical3A_457 = arith.shrui %get3A_454, %broadcast_in_dim3A_456 : vector<16xi32>
        %and3A_458 = arith.constant 255 : i32
        %and3A_459 = vector.broadcast %and3A_458 : i32 to vector<16xi32>
        %and3A_460 = arith.andi %shift_right_logical3A_457, %and3A_459 : vector<16xi32>
        %broadcast_in_dim3A_461 = arith.constant 24 : i32
        %broadcast_in_dim3A_462 = vector.broadcast %broadcast_in_dim3A_461 : i32 to vector<16xi32>
        %shift_right_logical3A_463 = arith.shrui %get3A_454, %broadcast_in_dim3A_462 : vector<16xi32>
        %eq3A_464 = vector.broadcast %shift_right_logical3A_94 : i32 to vector<16xi32>
        %eq3A_465 = arith.cmpi eq, %shift_right_logical3A_463, %eq3A_464 : vector<16xi32>
        tpu.vector_store_idx %arg6[%and3A_460], %broadcast_in_dim3A_9 masked %eq3A_465 {add = true} : memref<256xi32, #tpu.memory_space<vmem>>[vector<16xi32>], vector<16xi32>, vector<16xi1>
        %scan3A_466 = arith.constant 1 : i32
        %scan3A_467 = arith.addi %scan3A_452, %scan3A_466 : i32
        %mul3A_468 = arith.constant 16 : i32
        %mul3A_469 = arith.muli %scan3A_467, %mul3A_468 : i32
        %get3A_470 = arith.index_cast %mul3A_469 : i32 to index
        %get3A_471 = tpu.vector_load %arg5[%get3A_470] {strides = array<i32>} : memref<4096xi32, #tpu.memory_space<vmem>>, vector<16xi32>,
        %broadcast_in_dim3A_472 = arith.constant 16 : i32
        %broadcast_in_dim3A_473 = vector.broadcast %broadcast_in_dim3A_472 : i32 to vector<16xi32>
        %shift_right_logical3A_474 = arith.shrui %get3A_471, %broadcast_in_dim3A_473 : vector<16xi32>
        %and3A_475 = arith.constant 255 : i32
        %and3A_476 = vector.broadcast %and3A_475 : i32 to vector<16xi32>
        %and3A_477 = arith.andi %shift_right_logical3A_474, %and3A_476 : vector<16xi32>
        %broadcast_in_dim3A_478 = arith.constant 24 : i32
        %broadcast_in_dim3A_479 = vector.broadcast %broadcast_in_dim3A_478 : i32 to vector<16xi32>
        %shift_right_logical3A_480 = arith.shrui %get3A_471, %broadcast_in_dim3A_479 : vector<16xi32>
        %eq3A_481 = vector.broadcast %shift_right_logical3A_94 : i32 to vector<16xi32>
        %eq3A_482 = arith.cmpi eq, %shift_right_logical3A_480, %eq3A_481 : vector<16xi32>
        tpu.vector_store_idx %arg6[%and3A_477], %broadcast_in_dim3A_9 masked %eq3A_482 {add = true} : memref<256xi32, #tpu.memory_space<vmem>>[vector<16xi32>], vector<16xi32>, vector<16xi1>
        %scan3A_483 = arith.constant 2 : i32
        %scan3A_484 = arith.addi %scan3A_452, %scan3A_483 : i32
        %mul3A_485 = arith.constant 16 : i32
        %mul3A_486 = arith.muli %scan3A_484, %mul3A_485 : i32
        %get3A_487 = arith.index_cast %mul3A_486 : i32 to index
        %get3A_488 = tpu.vector_load %arg5[%get3A_487] {strides = array<i32>} : memref<4096xi32, #tpu.memory_space<vmem>>, vector<16xi32>,
        %broadcast_in_dim3A_489 = arith.constant 16 : i32
        %broadcast_in_dim3A_490 = vector.broadcast %broadcast_in_dim3A_489 : i32 to vector<16xi32>
        %shift_right_logical3A_491 = arith.shrui %get3A_488, %broadcast_in_dim3A_490 : vector<16xi32>
        %and3A_492 = arith.constant 255 : i32
        %and3A_493 = vector.broadcast %and3A_492 : i32 to vector<16xi32>
        %and3A_494 = arith.andi %shift_right_logical3A_491, %and3A_493 : vector<16xi32>
        %broadcast_in_dim3A_495 = arith.constant 24 : i32
        %broadcast_in_dim3A_496 = vector.broadcast %broadcast_in_dim3A_495 : i32 to vector<16xi32>
        %shift_right_logical3A_497 = arith.shrui %get3A_488, %broadcast_in_dim3A_496 : vector<16xi32>
        %eq3A_498 = vector.broadcast %shift_right_logical3A_94 : i32 to vector<16xi32>
        %eq3A_499 = arith.cmpi eq, %shift_right_logical3A_497, %eq3A_498 : vector<16xi32>
        tpu.vector_store_idx %arg6[%and3A_494], %broadcast_in_dim3A_9 masked %eq3A_499 {add = true} : memref<256xi32, #tpu.memory_space<vmem>>[vector<16xi32>], vector<16xi32>, vector<16xi1>
        %scan3A_500 = arith.constant 3 : i32
        %scan3A_501 = arith.addi %scan3A_452, %scan3A_500 : i32
        %mul3A_502 = arith.constant 16 : i32
        %mul3A_503 = arith.muli %scan3A_501, %mul3A_502 : i32
        %get3A_504 = arith.index_cast %mul3A_503 : i32 to index
        %get3A_505 = tpu.vector_load %arg5[%get3A_504] {strides = array<i32>} : memref<4096xi32, #tpu.memory_space<vmem>>, vector<16xi32>,
        %broadcast_in_dim3A_506 = arith.constant 16 : i32
        %broadcast_in_dim3A_507 = vector.broadcast %broadcast_in_dim3A_506 : i32 to vector<16xi32>
        %shift_right_logical3A_508 = arith.shrui %get3A_505, %broadcast_in_dim3A_507 : vector<16xi32>
        %and3A_509 = arith.constant 255 : i32
        %and3A_510 = vector.broadcast %and3A_509 : i32 to vector<16xi32>
        %and3A_511 = arith.andi %shift_right_logical3A_508, %and3A_510 : vector<16xi32>
        %broadcast_in_dim3A_512 = arith.constant 24 : i32
        %broadcast_in_dim3A_513 = vector.broadcast %broadcast_in_dim3A_512 : i32 to vector<16xi32>
        %shift_right_logical3A_514 = arith.shrui %get3A_505, %broadcast_in_dim3A_513 : vector<16xi32>
        %eq3A_515 = vector.broadcast %shift_right_logical3A_94 : i32 to vector<16xi32>
        %eq3A_516 = arith.cmpi eq, %shift_right_logical3A_514, %eq3A_515 : vector<16xi32>
        tpu.vector_store_idx %arg6[%and3A_511], %broadcast_in_dim3A_9 masked %eq3A_516 {add = true} : memref<256xi32, #tpu.memory_space<vmem>>[vector<16xi32>], vector<16xi32>, vector<16xi1>
        %scan3A_517 = arith.constant 4 : i32
        %scan3A_518 = arith.addi %scan3A_452, %scan3A_517 : i32
        %mul3A_519 = arith.constant 16 : i32
        %mul3A_520 = arith.muli %scan3A_518, %mul3A_519 : i32
        %get3A_521 = arith.index_cast %mul3A_520 : i32 to index
        %get3A_522 = tpu.vector_load %arg5[%get3A_521] {strides = array<i32>} : memref<4096xi32, #tpu.memory_space<vmem>>, vector<16xi32>,
        %broadcast_in_dim3A_523 = arith.constant 16 : i32
        %broadcast_in_dim3A_524 = vector.broadcast %broadcast_in_dim3A_523 : i32 to vector<16xi32>
        %shift_right_logical3A_525 = arith.shrui %get3A_522, %broadcast_in_dim3A_524 : vector<16xi32>
        %and3A_526 = arith.constant 255 : i32
        %and3A_527 = vector.broadcast %and3A_526 : i32 to vector<16xi32>
        %and3A_528 = arith.andi %shift_right_logical3A_525, %and3A_527 : vector<16xi32>
        %broadcast_in_dim3A_529 = arith.constant 24 : i32
        %broadcast_in_dim3A_530 = vector.broadcast %broadcast_in_dim3A_529 : i32 to vector<16xi32>
        %shift_right_logical3A_531 = arith.shrui %get3A_522, %broadcast_in_dim3A_530 : vector<16xi32>
        %eq3A_532 = vector.broadcast %shift_right_logical3A_94 : i32 to vector<16xi32>
        %eq3A_533 = arith.cmpi eq, %shift_right_logical3A_531, %eq3A_532 : vector<16xi32>
        tpu.vector_store_idx %arg6[%and3A_528], %broadcast_in_dim3A_9 masked %eq3A_533 {add = true} : memref<256xi32, #tpu.memory_space<vmem>>[vector<16xi32>], vector<16xi32>, vector<16xi1>
        %scan3A_534 = arith.constant 5 : i32
        %scan3A_535 = arith.addi %scan3A_452, %scan3A_534 : i32
        %mul3A_536 = arith.constant 16 : i32
        %mul3A_537 = arith.muli %scan3A_535, %mul3A_536 : i32
        %get3A_538 = arith.index_cast %mul3A_537 : i32 to index
        %get3A_539 = tpu.vector_load %arg5[%get3A_538] {strides = array<i32>} : memref<4096xi32, #tpu.memory_space<vmem>>, vector<16xi32>,
        %broadcast_in_dim3A_540 = arith.constant 16 : i32
        %broadcast_in_dim3A_541 = vector.broadcast %broadcast_in_dim3A_540 : i32 to vector<16xi32>
        %shift_right_logical3A_542 = arith.shrui %get3A_539, %broadcast_in_dim3A_541 : vector<16xi32>
        %and3A_543 = arith.constant 255 : i32
        %and3A_544 = vector.broadcast %and3A_543 : i32 to vector<16xi32>
        %and3A_545 = arith.andi %shift_right_logical3A_542, %and3A_544 : vector<16xi32>
        %broadcast_in_dim3A_546 = arith.constant 24 : i32
        %broadcast_in_dim3A_547 = vector.broadcast %broadcast_in_dim3A_546 : i32 to vector<16xi32>
        %shift_right_logical3A_548 = arith.shrui %get3A_539, %broadcast_in_dim3A_547 : vector<16xi32>
        %eq3A_549 = vector.broadcast %shift_right_logical3A_94 : i32 to vector<16xi32>
        %eq3A_550 = arith.cmpi eq, %shift_right_logical3A_548, %eq3A_549 : vector<16xi32>
        tpu.vector_store_idx %arg6[%and3A_545], %broadcast_in_dim3A_9 masked %eq3A_550 {add = true} : memref<256xi32, #tpu.memory_space<vmem>>[vector<16xi32>], vector<16xi32>, vector<16xi1>
        %scan3A_551 = arith.constant 6 : i32
        %scan3A_552 = arith.addi %scan3A_452, %scan3A_551 : i32
        %mul3A_553 = arith.constant 16 : i32
        %mul3A_554 = arith.muli %scan3A_552, %mul3A_553 : i32
        %get3A_555 = arith.index_cast %mul3A_554 : i32 to index
        %get3A_556 = tpu.vector_load %arg5[%get3A_555] {strides = array<i32>} : memref<4096xi32, #tpu.memory_space<vmem>>, vector<16xi32>,
        %broadcast_in_dim3A_557 = arith.constant 16 : i32
        %broadcast_in_dim3A_558 = vector.broadcast %broadcast_in_dim3A_557 : i32 to vector<16xi32>
        %shift_right_logical3A_559 = arith.shrui %get3A_556, %broadcast_in_dim3A_558 : vector<16xi32>
        %and3A_560 = arith.constant 255 : i32
        %and3A_561 = vector.broadcast %and3A_560 : i32 to vector<16xi32>
        %and3A_562 = arith.andi %shift_right_logical3A_559, %and3A_561 : vector<16xi32>
        %broadcast_in_dim3A_563 = arith.constant 24 : i32
        %broadcast_in_dim3A_564 = vector.broadcast %broadcast_in_dim3A_563 : i32 to vector<16xi32>
        %shift_right_logical3A_565 = arith.shrui %get3A_556, %broadcast_in_dim3A_564 : vector<16xi32>
        %eq3A_566 = vector.broadcast %shift_right_logical3A_94 : i32 to vector<16xi32>
        %eq3A_567 = arith.cmpi eq, %shift_right_logical3A_565, %eq3A_566 : vector<16xi32>
        tpu.vector_store_idx %arg6[%and3A_562], %broadcast_in_dim3A_9 masked %eq3A_567 {add = true} : memref<256xi32, #tpu.memory_space<vmem>>[vector<16xi32>], vector<16xi32>, vector<16xi1>
        %scan3A_568 = arith.constant 7 : i32
        %scan3A_569 = arith.addi %scan3A_452, %scan3A_568 : i32
        %mul3A_570 = arith.constant 16 : i32
        %mul3A_571 = arith.muli %scan3A_569, %mul3A_570 : i32
        %get3A_572 = arith.index_cast %mul3A_571 : i32 to index
        %get3A_573 = tpu.vector_load %arg5[%get3A_572] {strides = array<i32>} : memref<4096xi32, #tpu.memory_space<vmem>>, vector<16xi32>,
        %broadcast_in_dim3A_574 = arith.constant 16 : i32
        %broadcast_in_dim3A_575 = vector.broadcast %broadcast_in_dim3A_574 : i32 to vector<16xi32>
        %shift_right_logical3A_576 = arith.shrui %get3A_573, %broadcast_in_dim3A_575 : vector<16xi32>
        %and3A_577 = arith.constant 255 : i32
        %and3A_578 = vector.broadcast %and3A_577 : i32 to vector<16xi32>
        %and3A_579 = arith.andi %shift_right_logical3A_576, %and3A_578 : vector<16xi32>
        %broadcast_in_dim3A_580 = arith.constant 24 : i32
        %broadcast_in_dim3A_581 = vector.broadcast %broadcast_in_dim3A_580 : i32 to vector<16xi32>
        %shift_right_logical3A_582 = arith.shrui %get3A_573, %broadcast_in_dim3A_581 : vector<16xi32>
        %eq3A_583 = vector.broadcast %shift_right_logical3A_94 : i32 to vector<16xi32>
        %eq3A_584 = arith.cmpi eq, %shift_right_logical3A_582, %eq3A_583 : vector<16xi32>
        tpu.vector_store_idx %arg6[%and3A_579], %broadcast_in_dim3A_9 masked %eq3A_584 {add = true} : memref<256xi32, #tpu.memory_space<vmem>>[vector<16xi32>], vector<16xi32>, vector<16xi1>
      }
      %scan3A_100 = arith.constant 256 : i32
      %scan3A_101 = arith.constant 1365 : i32
      %scan3A_102 = arith.constant 0 : i32
      %scan3A_103 = arith.constant 0 : i32
      %scan3A_104 = arith.constant 0 : i32
      %scan3A_105 = arith.constant 0 : i32
      %scan3A_106 = arith.constant 16 : i32
      %scan3A_107 = arith.addi %scan3A_105, %scan3A_106 : i32
      %scan3A_108 = arith.constant 1 : i32
      %scan3A_109:4 = scf.for %scan3A_452 = %scan3A_105 to %scan3A_107 step %scan3A_108 iter_args(%scan3A_453 = %scan3A_58#3, %scan3A_454 = %scan3A_102, %scan3A_455 = %scan3A_103, %scan3A_456 = %scan3A_104) -> (i32, i32, i32, i32)  : i32 {
        %mul3A = arith.constant 16 : i32
        %mul3A_457 = arith.muli %scan3A_452, %mul3A : i32
        %get3A = arith.index_cast %mul3A_457 : i32 to index
        %get3A_458 = tpu.vector_load %arg6[%get3A] {strides = array<i32>} : memref<256xi32, #tpu.memory_space<vmem>>, vector<16xi32>,
        %broadcast_in_dim3A_459 = arith.constant true
        %broadcast_in_dim3A_460 = vector.broadcast %broadcast_in_dim3A_459 : i1 to vector<16xi1>
        %masked_cumsum3A = tpu.scan <sum>, %get3A_458 masked %broadcast_in_dim3A_460 : vector<16xi32>, vector<16xi1> -> vector<16xi32>
        %add3A = vector.broadcast %scan3A_453 : i32 to vector<16xi32>
        %add3A_461 = arith.addi %masked_cumsum3A, %add3A : vector<16xi32>
        %reduce_sum3A = arith.constant true
        %reduce_sum3A_462 = vector.broadcast %reduce_sum3A : i1 to vector<16xi1>
        %reduce_sum3A_463 = tpu.scan <sum>, %get3A_458 masked %reduce_sum3A_462 : vector<16xi32>, vector<16xi1> -> vector<16xi32>
        %reduce_sum3A_464 = vector.extract %reduce_sum3A_463[15] : i32 from vector<16xi32>
        %eq3A_465 = arith.constant 0 : i32
        %eq3A_466 = arith.cmpi eq, %scan3A_454, %eq3A_465 : i32
        %add3A_467 = arith.addi %scan3A_453, %reduce_sum3A_464 : i32
        %gt3A = arith.cmpi sgt, %add3A_467, %scan3A_101 : i32
        %and3A_468 = arith.andi %eq3A_466, %gt3A : i1
        %gt3A_469 = vector.broadcast %scan3A_101 : i32 to vector<16xi32>
        %gt3A_470 = arith.cmpi sgt, %add3A_461, %gt3A_469 : vector<16xi32>
        %jit3A_471 = arith.constant 16 : i32
        %broadcast_in_dim3A_472 = vector.broadcast %jit3A_471 : i32 to vector<16xi32>
        %select_n3A_473 = arith.select %gt3A_470, %iota3A, %broadcast_in_dim3A_472 : vector<16xi1>, vector<16xi32>
        %reduce_min3A = arith.constant true
        %reduce_min3A_474 = vector.broadcast %reduce_min3A : i1 to vector<16xi1>
        %reduce_min3A_475 = arith.constant -2147483648 : i32
        %reduce_min3A_476 = vector.broadcast %reduce_min3A_475 : i32 to vector<16xi32>
        %reduce_min3A_477 = arith.xori %select_n3A_473, %reduce_min3A_476 : vector<16xi32>
        %reduce_min3A_478 = tpu.scan <min>, %reduce_min3A_477 masked %reduce_min3A_474 : vector<16xi32>, vector<16xi1> -> vector<16xi32>
        %reduce_min3A_479 = arith.xori %reduce_min3A_478, %reduce_min3A_476 : vector<16xi32>
        %reduce_min3A_480 = vector.extract %reduce_min3A_479[15] : i32 from vector<16xi32>
        %lt3A = vector.broadcast %reduce_min3A_480 : i32 to vector<16xi32>
        %lt3A_481 = arith.cmpi slt, %iota3A, %lt3A : vector<16xi32>
        %jit3A_482 = arith.constant 0 : i32
        %broadcast_in_dim3A_483 = vector.broadcast %jit3A_482 : i32 to vector<16xi32>
        %select_n3A_484 = arith.select %lt3A_481, %get3A_458, %broadcast_in_dim3A_483 : vector<16xi1>, vector<16xi32>
        %reduce_sum3A_485 = arith.constant true
        %reduce_sum3A_486 = vector.broadcast %reduce_sum3A_485 : i1 to vector<16xi1>
        %reduce_sum3A_487 = tpu.scan <sum>, %select_n3A_484 masked %reduce_sum3A_486 : vector<16xi32>, vector<16xi1> -> vector<16xi32>
        %reduce_sum3A_488 = vector.extract %reduce_sum3A_487[15] : i32 from vector<16xi32>
        %mul3A_489 = arith.constant 16 : i32
        %mul3A_490 = arith.muli %scan3A_452, %mul3A_489 : i32
        %add3A_491 = arith.addi %mul3A_490, %reduce_min3A_480 : i32
        %select_n3A_492 = arith.select %and3A_468, %add3A_491, %scan3A_455 : i32
        %add3A_493 = arith.addi %scan3A_453, %reduce_sum3A_488 : i32
        %select_n3A_494 = arith.select %and3A_468, %add3A_493, %scan3A_456 : i32
        %jit3A_495 = arith.constant 1 : i32
        %select_n3A_496 = arith.select %and3A_468, %jit3A_495, %scan3A_454 : i32
        %add3A_497 = arith.addi %scan3A_453, %reduce_sum3A_464 : i32
        scf.yield %add3A_497, %select_n3A_496, %select_n3A_492, %select_n3A_494 : i32, i32, i32, i32
      }
      %scan3A_110 = arith.constant 16 : i32
      %shift_left3A_111 = arith.constant 16 : i32
      %shift_left3A_112 = arith.shli %scan3A_109#2, %shift_left3A_111 : i32
      %or3A_113 = arith.ori %or3A_61, %shift_left3A_112 : i32
      %swap3A_114 = arith.constant 0 : index
      %swap3A_115 = tpu.vector_load %arg6[%swap3A_114] {strides = array<i32>} : memref<256xi32, #tpu.memory_space<vmem>>, vector<16xi32>,
      tpu.vector_store %arg6[%swap3A_114], %broadcast_in_dim3A_11 {strides = array<i32>} : memref<256xi32, #tpu.memory_space<vmem>>, vector<16xi32>,
      %swap3A_116 = arith.constant 16 : index
      %swap3A_117 = tpu.vector_load %arg6[%swap3A_116] {strides = array<i32>} : memref<256xi32, #tpu.memory_space<vmem>>, vector<16xi32>,
      tpu.vector_store %arg6[%swap3A_116], %broadcast_in_dim3A_11 {strides = array<i32>} : memref<256xi32, #tpu.memory_space<vmem>>, vector<16xi32>,
      %swap3A_118 = arith.constant 32 : index
      %swap3A_119 = tpu.vector_load %arg6[%swap3A_118] {strides = array<i32>} : memref<256xi32, #tpu.memory_space<vmem>>, vector<16xi32>,
      tpu.vector_store %arg6[%swap3A_118], %broadcast_in_dim3A_11 {strides = array<i32>} : memref<256xi32, #tpu.memory_space<vmem>>, vector<16xi32>,
      %swap3A_120 = arith.constant 48 : index
      %swap3A_121 = tpu.vector_load %arg6[%swap3A_120] {strides = array<i32>} : memref<256xi32, #tpu.memory_space<vmem>>, vector<16xi32>,
      tpu.vector_store %arg6[%swap3A_120], %broadcast_in_dim3A_11 {strides = array<i32>} : memref<256xi32, #tpu.memory_space<vmem>>, vector<16xi32>,
      %swap3A_122 = arith.constant 64 : index
      %swap3A_123 = tpu.vector_load %arg6[%swap3A_122] {strides = array<i32>} : memref<256xi32, #tpu.memory_space<vmem>>, vector<16xi32>,
      tpu.vector_store %arg6[%swap3A_122], %broadcast_in_dim3A_11 {strides = array<i32>} : memref<256xi32, #tpu.memory_space<vmem>>, vector<16xi32>,
      %swap3A_124 = arith.constant 80 : index
      %swap3A_125 = tpu.vector_load %arg6[%swap3A_124] {strides = array<i32>} : memref<256xi32, #tpu.memory_space<vmem>>, vector<16xi32>,
      tpu.vector_store %arg6[%swap3A_124], %broadcast_in_dim3A_11 {strides = array<i32>} : memref<256xi32, #tpu.memory_space<vmem>>, vector<16xi32>,
      %swap3A_126 = arith.constant 96 : index
      %swap3A_127 = tpu.vector_load %arg6[%swap3A_126] {strides = array<i32>} : memref<256xi32, #tpu.memory_space<vmem>>, vector<16xi32>,
      tpu.vector_store %arg6[%swap3A_126], %broadcast_in_dim3A_11 {strides = array<i32>} : memref<256xi32, #tpu.memory_space<vmem>>, vector<16xi32>,
      %swap3A_128 = arith.constant 112 : index
      %swap3A_129 = tpu.vector_load %arg6[%swap3A_128] {strides = array<i32>} : memref<256xi32, #tpu.memory_space<vmem>>, vector<16xi32>,
      tpu.vector_store %arg6[%swap3A_128], %broadcast_in_dim3A_11 {strides = array<i32>} : memref<256xi32, #tpu.memory_space<vmem>>, vector<16xi32>,
      %swap3A_130 = arith.constant 128 : index
      %swap3A_131 = tpu.vector_load %arg6[%swap3A_130] {strides = array<i32>} : memref<256xi32, #tpu.memory_space<vmem>>, vector<16xi32>,
      tpu.vector_store %arg6[%swap3A_130], %broadcast_in_dim3A_11 {strides = array<i32>} : memref<256xi32, #tpu.memory_space<vmem>>, vector<16xi32>,
      %swap3A_132 = arith.constant 144 : index
      %swap3A_133 = tpu.vector_load %arg6[%swap3A_132] {strides = array<i32>} : memref<256xi32, #tpu.memory_space<vmem>>, vector<16xi32>,
      tpu.vector_store %arg6[%swap3A_132], %broadcast_in_dim3A_11 {strides = array<i32>} : memref<256xi32, #tpu.memory_space<vmem>>, vector<16xi32>,
      %swap3A_134 = arith.constant 160 : index
      %swap3A_135 = tpu.vector_load %arg6[%swap3A_134] {strides = array<i32>} : memref<256xi32, #tpu.memory_space<vmem>>, vector<16xi32>,
      tpu.vector_store %arg6[%swap3A_134], %broadcast_in_dim3A_11 {strides = array<i32>} : memref<256xi32, #tpu.memory_space<vmem>>, vector<16xi32>,
      %swap3A_136 = arith.constant 176 : index
      %swap3A_137 = tpu.vector_load %arg6[%swap3A_136] {strides = array<i32>} : memref<256xi32, #tpu.memory_space<vmem>>, vector<16xi32>,
      tpu.vector_store %arg6[%swap3A_136], %broadcast_in_dim3A_11 {strides = array<i32>} : memref<256xi32, #tpu.memory_space<vmem>>, vector<16xi32>,
      %swap3A_138 = arith.constant 192 : index
      %swap3A_139 = tpu.vector_load %arg6[%swap3A_138] {strides = array<i32>} : memref<256xi32, #tpu.memory_space<vmem>>, vector<16xi32>,
      tpu.vector_store %arg6[%swap3A_138], %broadcast_in_dim3A_11 {strides = array<i32>} : memref<256xi32, #tpu.memory_space<vmem>>, vector<16xi32>,
      %swap3A_140 = arith.constant 208 : index
      %swap3A_141 = tpu.vector_load %arg6[%swap3A_140] {strides = array<i32>} : memref<256xi32, #tpu.memory_space<vmem>>, vector<16xi32>,
      tpu.vector_store %arg6[%swap3A_140], %broadcast_in_dim3A_11 {strides = array<i32>} : memref<256xi32, #tpu.memory_space<vmem>>, vector<16xi32>,
      %swap3A_142 = arith.constant 224 : index
      %swap3A_143 = tpu.vector_load %arg6[%swap3A_142] {strides = array<i32>} : memref<256xi32, #tpu.memory_space<vmem>>, vector<16xi32>,
      tpu.vector_store %arg6[%swap3A_142], %broadcast_in_dim3A_11 {strides = array<i32>} : memref<256xi32, #tpu.memory_space<vmem>>, vector<16xi32>,
      %swap3A_144 = arith.constant 240 : index
      %swap3A_145 = tpu.vector_load %arg6[%swap3A_144] {strides = array<i32>} : memref<256xi32, #tpu.memory_space<vmem>>, vector<16xi32>,
      tpu.vector_store %arg6[%swap3A_144], %broadcast_in_dim3A_11 {strides = array<i32>} : memref<256xi32, #tpu.memory_space<vmem>>, vector<16xi32>,
      %shift_right_logical3A_146 = arith.constant 16 : i32
      %shift_right_logical3A_147 = arith.shrui %or3A_113, %shift_right_logical3A_146 : i32
      %scan3A_148 = arith.constant 0 : i32
      %scan3A_149 = arith.constant 0 : i32
      %scan3A_150 = arith.constant 256 : i32
      %scan3A_151 = arith.addi %scan3A_149, %scan3A_150 : i32
      %scan3A_152 = arith.constant 8 : i32
      scf.for %scan3A_452 = %scan3A_149 to %scan3A_151 step %scan3A_152  : i32 {
        %mul3A = arith.constant 16 : i32
        %mul3A_453 = arith.muli %scan3A_452, %mul3A : i32
        %get3A = arith.index_cast %mul3A_453 : i32 to index
        %get3A_454 = tpu.vector_load %arg5[%get3A] {strides = array<i32>} : memref<4096xi32, #tpu.memory_space<vmem>>, vector<16xi32>,
        %broadcast_in_dim3A_455 = arith.constant 8 : i32
        %broadcast_in_dim3A_456 = vector.broadcast %broadcast_in_dim3A_455 : i32 to vector<16xi32>
        %shift_right_logical3A_457 = arith.shrui %get3A_454, %broadcast_in_dim3A_456 : vector<16xi32>
        %and3A_458 = arith.constant 255 : i32
        %and3A_459 = vector.broadcast %and3A_458 : i32 to vector<16xi32>
        %and3A_460 = arith.andi %shift_right_logical3A_457, %and3A_459 : vector<16xi32>
        %broadcast_in_dim3A_461 = arith.constant 16 : i32
        %broadcast_in_dim3A_462 = vector.broadcast %broadcast_in_dim3A_461 : i32 to vector<16xi32>
        %shift_right_logical3A_463 = arith.shrui %get3A_454, %broadcast_in_dim3A_462 : vector<16xi32>
        %eq3A_464 = vector.broadcast %shift_right_logical3A_147 : i32 to vector<16xi32>
        %eq3A_465 = arith.cmpi eq, %shift_right_logical3A_463, %eq3A_464 : vector<16xi32>
        tpu.vector_store_idx %arg6[%and3A_460], %broadcast_in_dim3A_9 masked %eq3A_465 {add = true} : memref<256xi32, #tpu.memory_space<vmem>>[vector<16xi32>], vector<16xi32>, vector<16xi1>
        %scan3A_466 = arith.constant 1 : i32
        %scan3A_467 = arith.addi %scan3A_452, %scan3A_466 : i32
        %mul3A_468 = arith.constant 16 : i32
        %mul3A_469 = arith.muli %scan3A_467, %mul3A_468 : i32
        %get3A_470 = arith.index_cast %mul3A_469 : i32 to index
        %get3A_471 = tpu.vector_load %arg5[%get3A_470] {strides = array<i32>} : memref<4096xi32, #tpu.memory_space<vmem>>, vector<16xi32>,
        %broadcast_in_dim3A_472 = arith.constant 8 : i32
        %broadcast_in_dim3A_473 = vector.broadcast %broadcast_in_dim3A_472 : i32 to vector<16xi32>
        %shift_right_logical3A_474 = arith.shrui %get3A_471, %broadcast_in_dim3A_473 : vector<16xi32>
        %and3A_475 = arith.constant 255 : i32
        %and3A_476 = vector.broadcast %and3A_475 : i32 to vector<16xi32>
        %and3A_477 = arith.andi %shift_right_logical3A_474, %and3A_476 : vector<16xi32>
        %broadcast_in_dim3A_478 = arith.constant 16 : i32
        %broadcast_in_dim3A_479 = vector.broadcast %broadcast_in_dim3A_478 : i32 to vector<16xi32>
        %shift_right_logical3A_480 = arith.shrui %get3A_471, %broadcast_in_dim3A_479 : vector<16xi32>
        %eq3A_481 = vector.broadcast %shift_right_logical3A_147 : i32 to vector<16xi32>
        %eq3A_482 = arith.cmpi eq, %shift_right_logical3A_480, %eq3A_481 : vector<16xi32>
        tpu.vector_store_idx %arg6[%and3A_477], %broadcast_in_dim3A_9 masked %eq3A_482 {add = true} : memref<256xi32, #tpu.memory_space<vmem>>[vector<16xi32>], vector<16xi32>, vector<16xi1>
        %scan3A_483 = arith.constant 2 : i32
        %scan3A_484 = arith.addi %scan3A_452, %scan3A_483 : i32
        %mul3A_485 = arith.constant 16 : i32
        %mul3A_486 = arith.muli %scan3A_484, %mul3A_485 : i32
        %get3A_487 = arith.index_cast %mul3A_486 : i32 to index
        %get3A_488 = tpu.vector_load %arg5[%get3A_487] {strides = array<i32>} : memref<4096xi32, #tpu.memory_space<vmem>>, vector<16xi32>,
        %broadcast_in_dim3A_489 = arith.constant 8 : i32
        %broadcast_in_dim3A_490 = vector.broadcast %broadcast_in_dim3A_489 : i32 to vector<16xi32>
        %shift_right_logical3A_491 = arith.shrui %get3A_488, %broadcast_in_dim3A_490 : vector<16xi32>
        %and3A_492 = arith.constant 255 : i32
        %and3A_493 = vector.broadcast %and3A_492 : i32 to vector<16xi32>
        %and3A_494 = arith.andi %shift_right_logical3A_491, %and3A_493 : vector<16xi32>
        %broadcast_in_dim3A_495 = arith.constant 16 : i32
        %broadcast_in_dim3A_496 = vector.broadcast %broadcast_in_dim3A_495 : i32 to vector<16xi32>
        %shift_right_logical3A_497 = arith.shrui %get3A_488, %broadcast_in_dim3A_496 : vector<16xi32>
        %eq3A_498 = vector.broadcast %shift_right_logical3A_147 : i32 to vector<16xi32>
        %eq3A_499 = arith.cmpi eq, %shift_right_logical3A_497, %eq3A_498 : vector<16xi32>
        tpu.vector_store_idx %arg6[%and3A_494], %broadcast_in_dim3A_9 masked %eq3A_499 {add = true} : memref<256xi32, #tpu.memory_space<vmem>>[vector<16xi32>], vector<16xi32>, vector<16xi1>
        %scan3A_500 = arith.constant 3 : i32
        %scan3A_501 = arith.addi %scan3A_452, %scan3A_500 : i32
        %mul3A_502 = arith.constant 16 : i32
        %mul3A_503 = arith.muli %scan3A_501, %mul3A_502 : i32
        %get3A_504 = arith.index_cast %mul3A_503 : i32 to index
        %get3A_505 = tpu.vector_load %arg5[%get3A_504] {strides = array<i32>} : memref<4096xi32, #tpu.memory_space<vmem>>, vector<16xi32>,
        %broadcast_in_dim3A_506 = arith.constant 8 : i32
        %broadcast_in_dim3A_507 = vector.broadcast %broadcast_in_dim3A_506 : i32 to vector<16xi32>
        %shift_right_logical3A_508 = arith.shrui %get3A_505, %broadcast_in_dim3A_507 : vector<16xi32>
        %and3A_509 = arith.constant 255 : i32
        %and3A_510 = vector.broadcast %and3A_509 : i32 to vector<16xi32>
        %and3A_511 = arith.andi %shift_right_logical3A_508, %and3A_510 : vector<16xi32>
        %broadcast_in_dim3A_512 = arith.constant 16 : i32
        %broadcast_in_dim3A_513 = vector.broadcast %broadcast_in_dim3A_512 : i32 to vector<16xi32>
        %shift_right_logical3A_514 = arith.shrui %get3A_505, %broadcast_in_dim3A_513 : vector<16xi32>
        %eq3A_515 = vector.broadcast %shift_right_logical3A_147 : i32 to vector<16xi32>
        %eq3A_516 = arith.cmpi eq, %shift_right_logical3A_514, %eq3A_515 : vector<16xi32>
        tpu.vector_store_idx %arg6[%and3A_511], %broadcast_in_dim3A_9 masked %eq3A_516 {add = true} : memref<256xi32, #tpu.memory_space<vmem>>[vector<16xi32>], vector<16xi32>, vector<16xi1>
        %scan3A_517 = arith.constant 4 : i32
        %scan3A_518 = arith.addi %scan3A_452, %scan3A_517 : i32
        %mul3A_519 = arith.constant 16 : i32
        %mul3A_520 = arith.muli %scan3A_518, %mul3A_519 : i32
        %get3A_521 = arith.index_cast %mul3A_520 : i32 to index
        %get3A_522 = tpu.vector_load %arg5[%get3A_521] {strides = array<i32>} : memref<4096xi32, #tpu.memory_space<vmem>>, vector<16xi32>,
        %broadcast_in_dim3A_523 = arith.constant 8 : i32
        %broadcast_in_dim3A_524 = vector.broadcast %broadcast_in_dim3A_523 : i32 to vector<16xi32>
        %shift_right_logical3A_525 = arith.shrui %get3A_522, %broadcast_in_dim3A_524 : vector<16xi32>
        %and3A_526 = arith.constant 255 : i32
        %and3A_527 = vector.broadcast %and3A_526 : i32 to vector<16xi32>
        %and3A_528 = arith.andi %shift_right_logical3A_525, %and3A_527 : vector<16xi32>
        %broadcast_in_dim3A_529 = arith.constant 16 : i32
        %broadcast_in_dim3A_530 = vector.broadcast %broadcast_in_dim3A_529 : i32 to vector<16xi32>
        %shift_right_logical3A_531 = arith.shrui %get3A_522, %broadcast_in_dim3A_530 : vector<16xi32>
        %eq3A_532 = vector.broadcast %shift_right_logical3A_147 : i32 to vector<16xi32>
        %eq3A_533 = arith.cmpi eq, %shift_right_logical3A_531, %eq3A_532 : vector<16xi32>
        tpu.vector_store_idx %arg6[%and3A_528], %broadcast_in_dim3A_9 masked %eq3A_533 {add = true} : memref<256xi32, #tpu.memory_space<vmem>>[vector<16xi32>], vector<16xi32>, vector<16xi1>
        %scan3A_534 = arith.constant 5 : i32
        %scan3A_535 = arith.addi %scan3A_452, %scan3A_534 : i32
        %mul3A_536 = arith.constant 16 : i32
        %mul3A_537 = arith.muli %scan3A_535, %mul3A_536 : i32
        %get3A_538 = arith.index_cast %mul3A_537 : i32 to index
        %get3A_539 = tpu.vector_load %arg5[%get3A_538] {strides = array<i32>} : memref<4096xi32, #tpu.memory_space<vmem>>, vector<16xi32>,
        %broadcast_in_dim3A_540 = arith.constant 8 : i32
        %broadcast_in_dim3A_541 = vector.broadcast %broadcast_in_dim3A_540 : i32 to vector<16xi32>
        %shift_right_logical3A_542 = arith.shrui %get3A_539, %broadcast_in_dim3A_541 : vector<16xi32>
        %and3A_543 = arith.constant 255 : i32
        %and3A_544 = vector.broadcast %and3A_543 : i32 to vector<16xi32>
        %and3A_545 = arith.andi %shift_right_logical3A_542, %and3A_544 : vector<16xi32>
        %broadcast_in_dim3A_546 = arith.constant 16 : i32
        %broadcast_in_dim3A_547 = vector.broadcast %broadcast_in_dim3A_546 : i32 to vector<16xi32>
        %shift_right_logical3A_548 = arith.shrui %get3A_539, %broadcast_in_dim3A_547 : vector<16xi32>
        %eq3A_549 = vector.broadcast %shift_right_logical3A_147 : i32 to vector<16xi32>
        %eq3A_550 = arith.cmpi eq, %shift_right_logical3A_548, %eq3A_549 : vector<16xi32>
        tpu.vector_store_idx %arg6[%and3A_545], %broadcast_in_dim3A_9 masked %eq3A_550 {add = true} : memref<256xi32, #tpu.memory_space<vmem>>[vector<16xi32>], vector<16xi32>, vector<16xi1>
        %scan3A_551 = arith.constant 6 : i32
        %scan3A_552 = arith.addi %scan3A_452, %scan3A_551 : i32
        %mul3A_553 = arith.constant 16 : i32
        %mul3A_554 = arith.muli %scan3A_552, %mul3A_553 : i32
        %get3A_555 = arith.index_cast %mul3A_554 : i32 to index
        %get3A_556 = tpu.vector_load %arg5[%get3A_555] {strides = array<i32>} : memref<4096xi32, #tpu.memory_space<vmem>>, vector<16xi32>,
        %broadcast_in_dim3A_557 = arith.constant 8 : i32
        %broadcast_in_dim3A_558 = vector.broadcast %broadcast_in_dim3A_557 : i32 to vector<16xi32>
        %shift_right_logical3A_559 = arith.shrui %get3A_556, %broadcast_in_dim3A_558 : vector<16xi32>
        %and3A_560 = arith.constant 255 : i32
        %and3A_561 = vector.broadcast %and3A_560 : i32 to vector<16xi32>
        %and3A_562 = arith.andi %shift_right_logical3A_559, %and3A_561 : vector<16xi32>
        %broadcast_in_dim3A_563 = arith.constant 16 : i32
        %broadcast_in_dim3A_564 = vector.broadcast %broadcast_in_dim3A_563 : i32 to vector<16xi32>
        %shift_right_logical3A_565 = arith.shrui %get3A_556, %broadcast_in_dim3A_564 : vector<16xi32>
        %eq3A_566 = vector.broadcast %shift_right_logical3A_147 : i32 to vector<16xi32>
        %eq3A_567 = arith.cmpi eq, %shift_right_logical3A_565, %eq3A_566 : vector<16xi32>
        tpu.vector_store_idx %arg6[%and3A_562], %broadcast_in_dim3A_9 masked %eq3A_567 {add = true} : memref<256xi32, #tpu.memory_space<vmem>>[vector<16xi32>], vector<16xi32>, vector<16xi1>
        %scan3A_568 = arith.constant 7 : i32
        %scan3A_569 = arith.addi %scan3A_452, %scan3A_568 : i32
        %mul3A_570 = arith.constant 16 : i32
        %mul3A_571 = arith.muli %scan3A_569, %mul3A_570 : i32
        %get3A_572 = arith.index_cast %mul3A_571 : i32 to index
        %get3A_573 = tpu.vector_load %arg5[%get3A_572] {strides = array<i32>} : memref<4096xi32, #tpu.memory_space<vmem>>, vector<16xi32>,
        %broadcast_in_dim3A_574 = arith.constant 8 : i32
        %broadcast_in_dim3A_575 = vector.broadcast %broadcast_in_dim3A_574 : i32 to vector<16xi32>
        %shift_right_logical3A_576 = arith.shrui %get3A_573, %broadcast_in_dim3A_575 : vector<16xi32>
        %and3A_577 = arith.constant 255 : i32
        %and3A_578 = vector.broadcast %and3A_577 : i32 to vector<16xi32>
        %and3A_579 = arith.andi %shift_right_logical3A_576, %and3A_578 : vector<16xi32>
        %broadcast_in_dim3A_580 = arith.constant 16 : i32
        %broadcast_in_dim3A_581 = vector.broadcast %broadcast_in_dim3A_580 : i32 to vector<16xi32>
        %shift_right_logical3A_582 = arith.shrui %get3A_573, %broadcast_in_dim3A_581 : vector<16xi32>
        %eq3A_583 = vector.broadcast %shift_right_logical3A_147 : i32 to vector<16xi32>
        %eq3A_584 = arith.cmpi eq, %shift_right_logical3A_582, %eq3A_583 : vector<16xi32>
        tpu.vector_store_idx %arg6[%and3A_579], %broadcast_in_dim3A_9 masked %eq3A_584 {add = true} : memref<256xi32, #tpu.memory_space<vmem>>[vector<16xi32>], vector<16xi32>, vector<16xi1>
      }
      %scan3A_153 = arith.constant 256 : i32
      %scan3A_154 = arith.constant 1365 : i32
      %scan3A_155 = arith.constant 0 : i32
      %scan3A_156 = arith.constant 0 : i32
      %scan3A_157 = arith.constant 0 : i32
      %scan3A_158 = arith.constant 0 : i32
      %scan3A_159 = arith.constant 16 : i32
      %scan3A_160 = arith.addi %scan3A_158, %scan3A_159 : i32
      %scan3A_161 = arith.constant 1 : i32
      %scan3A_162:4 = scf.for %scan3A_452 = %scan3A_158 to %scan3A_160 step %scan3A_161 iter_args(%scan3A_453 = %scan3A_109#3, %scan3A_454 = %scan3A_155, %scan3A_455 = %scan3A_156, %scan3A_456 = %scan3A_157) -> (i32, i32, i32, i32)  : i32 {
        %mul3A = arith.constant 16 : i32
        %mul3A_457 = arith.muli %scan3A_452, %mul3A : i32
        %get3A = arith.index_cast %mul3A_457 : i32 to index
        %get3A_458 = tpu.vector_load %arg6[%get3A] {strides = array<i32>} : memref<256xi32, #tpu.memory_space<vmem>>, vector<16xi32>,
        %broadcast_in_dim3A_459 = arith.constant true
        %broadcast_in_dim3A_460 = vector.broadcast %broadcast_in_dim3A_459 : i1 to vector<16xi1>
        %masked_cumsum3A = tpu.scan <sum>, %get3A_458 masked %broadcast_in_dim3A_460 : vector<16xi32>, vector<16xi1> -> vector<16xi32>
        %add3A = vector.broadcast %scan3A_453 : i32 to vector<16xi32>
        %add3A_461 = arith.addi %masked_cumsum3A, %add3A : vector<16xi32>
        %reduce_sum3A = arith.constant true
        %reduce_sum3A_462 = vector.broadcast %reduce_sum3A : i1 to vector<16xi1>
        %reduce_sum3A_463 = tpu.scan <sum>, %get3A_458 masked %reduce_sum3A_462 : vector<16xi32>, vector<16xi1> -> vector<16xi32>
        %reduce_sum3A_464 = vector.extract %reduce_sum3A_463[15] : i32 from vector<16xi32>
        %eq3A_465 = arith.constant 0 : i32
        %eq3A_466 = arith.cmpi eq, %scan3A_454, %eq3A_465 : i32
        %add3A_467 = arith.addi %scan3A_453, %reduce_sum3A_464 : i32
        %gt3A = arith.cmpi sgt, %add3A_467, %scan3A_154 : i32
        %and3A_468 = arith.andi %eq3A_466, %gt3A : i1
        %gt3A_469 = vector.broadcast %scan3A_154 : i32 to vector<16xi32>
        %gt3A_470 = arith.cmpi sgt, %add3A_461, %gt3A_469 : vector<16xi32>
        %jit3A_471 = arith.constant 16 : i32
        %broadcast_in_dim3A_472 = vector.broadcast %jit3A_471 : i32 to vector<16xi32>
        %select_n3A_473 = arith.select %gt3A_470, %iota3A, %broadcast_in_dim3A_472 : vector<16xi1>, vector<16xi32>
        %reduce_min3A = arith.constant true
        %reduce_min3A_474 = vector.broadcast %reduce_min3A : i1 to vector<16xi1>
        %reduce_min3A_475 = arith.constant -2147483648 : i32
        %reduce_min3A_476 = vector.broadcast %reduce_min3A_475 : i32 to vector<16xi32>
        %reduce_min3A_477 = arith.xori %select_n3A_473, %reduce_min3A_476 : vector<16xi32>
        %reduce_min3A_478 = tpu.scan <min>, %reduce_min3A_477 masked %reduce_min3A_474 : vector<16xi32>, vector<16xi1> -> vector<16xi32>
        %reduce_min3A_479 = arith.xori %reduce_min3A_478, %reduce_min3A_476 : vector<16xi32>
        %reduce_min3A_480 = vector.extract %reduce_min3A_479[15] : i32 from vector<16xi32>
        %lt3A = vector.broadcast %reduce_min3A_480 : i32 to vector<16xi32>
        %lt3A_481 = arith.cmpi slt, %iota3A, %lt3A : vector<16xi32>
        %jit3A_482 = arith.constant 0 : i32
        %broadcast_in_dim3A_483 = vector.broadcast %jit3A_482 : i32 to vector<16xi32>
        %select_n3A_484 = arith.select %lt3A_481, %get3A_458, %broadcast_in_dim3A_483 : vector<16xi1>, vector<16xi32>
        %reduce_sum3A_485 = arith.constant true
        %reduce_sum3A_486 = vector.broadcast %reduce_sum3A_485 : i1 to vector<16xi1>
        %reduce_sum3A_487 = tpu.scan <sum>, %select_n3A_484 masked %reduce_sum3A_486 : vector<16xi32>, vector<16xi1> -> vector<16xi32>
        %reduce_sum3A_488 = vector.extract %reduce_sum3A_487[15] : i32 from vector<16xi32>
        %mul3A_489 = arith.constant 16 : i32
        %mul3A_490 = arith.muli %scan3A_452, %mul3A_489 : i32
        %add3A_491 = arith.addi %mul3A_490, %reduce_min3A_480 : i32
        %select_n3A_492 = arith.select %and3A_468, %add3A_491, %scan3A_455 : i32
        %add3A_493 = arith.addi %scan3A_453, %reduce_sum3A_488 : i32
        %select_n3A_494 = arith.select %and3A_468, %add3A_493, %scan3A_456 : i32
        %jit3A_495 = arith.constant 1 : i32
        %select_n3A_496 = arith.select %and3A_468, %jit3A_495, %scan3A_454 : i32
        %add3A_497 = arith.addi %scan3A_453, %reduce_sum3A_464 : i32
        scf.yield %add3A_497, %select_n3A_496, %select_n3A_492, %select_n3A_494 : i32, i32, i32, i32
      }
      %scan3A_163 = arith.constant 16 : i32
      %shift_left3A_164 = arith.constant 8 : i32
      %shift_left3A_165 = arith.shli %scan3A_162#2, %shift_left3A_164 : i32
      %or3A_166 = arith.ori %or3A_113, %shift_left3A_165 : i32
      %swap3A_167 = arith.constant 0 : index
      %swap3A_168 = tpu.vector_load %arg6[%swap3A_167] {strides = array<i32>} : memref<256xi32, #tpu.memory_space<vmem>>, vector<16xi32>,
      tpu.vector_store %arg6[%swap3A_167], %broadcast_in_dim3A_11 {strides = array<i32>} : memref<256xi32, #tpu.memory_space<vmem>>, vector<16xi32>,
      %swap3A_169 = arith.constant 16 : index
      %swap3A_170 = tpu.vector_load %arg6[%swap3A_169] {strides = array<i32>} : memref<256xi32, #tpu.memory_space<vmem>>, vector<16xi32>,
      tpu.vector_store %arg6[%swap3A_169], %broadcast_in_dim3A_11 {strides = array<i32>} : memref<256xi32, #tpu.memory_space<vmem>>, vector<16xi32>,
      %swap3A_171 = arith.constant 32 : index
      %swap3A_172 = tpu.vector_load %arg6[%swap3A_171] {strides = array<i32>} : memref<256xi32, #tpu.memory_space<vmem>>, vector<16xi32>,
      tpu.vector_store %arg6[%swap3A_171], %broadcast_in_dim3A_11 {strides = array<i32>} : memref<256xi32, #tpu.memory_space<vmem>>, vector<16xi32>,
      %swap3A_173 = arith.constant 48 : index
      %swap3A_174 = tpu.vector_load %arg6[%swap3A_173] {strides = array<i32>} : memref<256xi32, #tpu.memory_space<vmem>>, vector<16xi32>,
      tpu.vector_store %arg6[%swap3A_173], %broadcast_in_dim3A_11 {strides = array<i32>} : memref<256xi32, #tpu.memory_space<vmem>>, vector<16xi32>,
      %swap3A_175 = arith.constant 64 : index
      %swap3A_176 = tpu.vector_load %arg6[%swap3A_175] {strides = array<i32>} : memref<256xi32, #tpu.memory_space<vmem>>, vector<16xi32>,
      tpu.vector_store %arg6[%swap3A_175], %broadcast_in_dim3A_11 {strides = array<i32>} : memref<256xi32, #tpu.memory_space<vmem>>, vector<16xi32>,
      %swap3A_177 = arith.constant 80 : index
      %swap3A_178 = tpu.vector_load %arg6[%swap3A_177] {strides = array<i32>} : memref<256xi32, #tpu.memory_space<vmem>>, vector<16xi32>,
      tpu.vector_store %arg6[%swap3A_177], %broadcast_in_dim3A_11 {strides = array<i32>} : memref<256xi32, #tpu.memory_space<vmem>>, vector<16xi32>,
      %swap3A_179 = arith.constant 96 : index
      %swap3A_180 = tpu.vector_load %arg6[%swap3A_179] {strides = array<i32>} : memref<256xi32, #tpu.memory_space<vmem>>, vector<16xi32>,
      tpu.vector_store %arg6[%swap3A_179], %broadcast_in_dim3A_11 {strides = array<i32>} : memref<256xi32, #tpu.memory_space<vmem>>, vector<16xi32>,
      %swap3A_181 = arith.constant 112 : index
      %swap3A_182 = tpu.vector_load %arg6[%swap3A_181] {strides = array<i32>} : memref<256xi32, #tpu.memory_space<vmem>>, vector<16xi32>,
      tpu.vector_store %arg6[%swap3A_181], %broadcast_in_dim3A_11 {strides = array<i32>} : memref<256xi32, #tpu.memory_space<vmem>>, vector<16xi32>,
      %swap3A_183 = arith.constant 128 : index
      %swap3A_184 = tpu.vector_load %arg6[%swap3A_183] {strides = array<i32>} : memref<256xi32, #tpu.memory_space<vmem>>, vector<16xi32>,
      tpu.vector_store %arg6[%swap3A_183], %broadcast_in_dim3A_11 {strides = array<i32>} : memref<256xi32, #tpu.memory_space<vmem>>, vector<16xi32>,
      %swap3A_185 = arith.constant 144 : index
      %swap3A_186 = tpu.vector_load %arg6[%swap3A_185] {strides = array<i32>} : memref<256xi32, #tpu.memory_space<vmem>>, vector<16xi32>,
      tpu.vector_store %arg6[%swap3A_185], %broadcast_in_dim3A_11 {strides = array<i32>} : memref<256xi32, #tpu.memory_space<vmem>>, vector<16xi32>,
      %swap3A_187 = arith.constant 160 : index
      %swap3A_188 = tpu.vector_load %arg6[%swap3A_187] {strides = array<i32>} : memref<256xi32, #tpu.memory_space<vmem>>, vector<16xi32>,
      tpu.vector_store %arg6[%swap3A_187], %broadcast_in_dim3A_11 {strides = array<i32>} : memref<256xi32, #tpu.memory_space<vmem>>, vector<16xi32>,
      %swap3A_189 = arith.constant 176 : index
      %swap3A_190 = tpu.vector_load %arg6[%swap3A_189] {strides = array<i32>} : memref<256xi32, #tpu.memory_space<vmem>>, vector<16xi32>,
      tpu.vector_store %arg6[%swap3A_189], %broadcast_in_dim3A_11 {strides = array<i32>} : memref<256xi32, #tpu.memory_space<vmem>>, vector<16xi32>,
      %swap3A_191 = arith.constant 192 : index
      %swap3A_192 = tpu.vector_load %arg6[%swap3A_191] {strides = array<i32>} : memref<256xi32, #tpu.memory_space<vmem>>, vector<16xi32>,
      tpu.vector_store %arg6[%swap3A_191], %broadcast_in_dim3A_11 {strides = array<i32>} : memref<256xi32, #tpu.memory_space<vmem>>, vector<16xi32>,
      %swap3A_193 = arith.constant 208 : index
      %swap3A_194 = tpu.vector_load %arg6[%swap3A_193] {strides = array<i32>} : memref<256xi32, #tpu.memory_space<vmem>>, vector<16xi32>,
      tpu.vector_store %arg6[%swap3A_193], %broadcast_in_dim3A_11 {strides = array<i32>} : memref<256xi32, #tpu.memory_space<vmem>>, vector<16xi32>,
      %swap3A_195 = arith.constant 224 : index
      %swap3A_196 = tpu.vector_load %arg6[%swap3A_195] {strides = array<i32>} : memref<256xi32, #tpu.memory_space<vmem>>, vector<16xi32>,
      tpu.vector_store %arg6[%swap3A_195], %broadcast_in_dim3A_11 {strides = array<i32>} : memref<256xi32, #tpu.memory_space<vmem>>, vector<16xi32>,
      %swap3A_197 = arith.constant 240 : index
      %swap3A_198 = tpu.vector_load %arg6[%swap3A_197] {strides = array<i32>} : memref<256xi32, #tpu.memory_space<vmem>>, vector<16xi32>,
      tpu.vector_store %arg6[%swap3A_197], %broadcast_in_dim3A_11 {strides = array<i32>} : memref<256xi32, #tpu.memory_space<vmem>>, vector<16xi32>,
      %shift_right_logical3A_199 = arith.constant 8 : i32
      %shift_right_logical3A_200 = arith.shrui %or3A_166, %shift_right_logical3A_199 : i32
      %scan3A_201 = arith.constant 0 : i32
      %scan3A_202 = arith.constant 0 : i32
      %scan3A_203 = arith.constant 256 : i32
      %scan3A_204 = arith.addi %scan3A_202, %scan3A_203 : i32
      %scan3A_205 = arith.constant 8 : i32
      scf.for %scan3A_452 = %scan3A_202 to %scan3A_204 step %scan3A_205  : i32 {
        %mul3A = arith.constant 16 : i32
        %mul3A_453 = arith.muli %scan3A_452, %mul3A : i32
        %get3A = arith.index_cast %mul3A_453 : i32 to index
        %get3A_454 = tpu.vector_load %arg5[%get3A] {strides = array<i32>} : memref<4096xi32, #tpu.memory_space<vmem>>, vector<16xi32>,
        %broadcast_in_dim3A_455 = arith.constant 0 : i32
        %broadcast_in_dim3A_456 = vector.broadcast %broadcast_in_dim3A_455 : i32 to vector<16xi32>
        %shift_right_logical3A_457 = arith.shrui %get3A_454, %broadcast_in_dim3A_456 : vector<16xi32>
        %and3A_458 = arith.constant 255 : i32
        %and3A_459 = vector.broadcast %and3A_458 : i32 to vector<16xi32>
        %and3A_460 = arith.andi %shift_right_logical3A_457, %and3A_459 : vector<16xi32>
        %broadcast_in_dim3A_461 = arith.constant 8 : i32
        %broadcast_in_dim3A_462 = vector.broadcast %broadcast_in_dim3A_461 : i32 to vector<16xi32>
        %shift_right_logical3A_463 = arith.shrui %get3A_454, %broadcast_in_dim3A_462 : vector<16xi32>
        %eq3A_464 = vector.broadcast %shift_right_logical3A_200 : i32 to vector<16xi32>
        %eq3A_465 = arith.cmpi eq, %shift_right_logical3A_463, %eq3A_464 : vector<16xi32>
        tpu.vector_store_idx %arg6[%and3A_460], %broadcast_in_dim3A_9 masked %eq3A_465 {add = true} : memref<256xi32, #tpu.memory_space<vmem>>[vector<16xi32>], vector<16xi32>, vector<16xi1>
        %scan3A_466 = arith.constant 1 : i32
        %scan3A_467 = arith.addi %scan3A_452, %scan3A_466 : i32
        %mul3A_468 = arith.constant 16 : i32
        %mul3A_469 = arith.muli %scan3A_467, %mul3A_468 : i32
        %get3A_470 = arith.index_cast %mul3A_469 : i32 to index
        %get3A_471 = tpu.vector_load %arg5[%get3A_470] {strides = array<i32>} : memref<4096xi32, #tpu.memory_space<vmem>>, vector<16xi32>,
        %broadcast_in_dim3A_472 = arith.constant 0 : i32
        %broadcast_in_dim3A_473 = vector.broadcast %broadcast_in_dim3A_472 : i32 to vector<16xi32>
        %shift_right_logical3A_474 = arith.shrui %get3A_471, %broadcast_in_dim3A_473 : vector<16xi32>
        %and3A_475 = arith.constant 255 : i32
        %and3A_476 = vector.broadcast %and3A_475 : i32 to vector<16xi32>
        %and3A_477 = arith.andi %shift_right_logical3A_474, %and3A_476 : vector<16xi32>
        %broadcast_in_dim3A_478 = arith.constant 8 : i32
        %broadcast_in_dim3A_479 = vector.broadcast %broadcast_in_dim3A_478 : i32 to vector<16xi32>
        %shift_right_logical3A_480 = arith.shrui %get3A_471, %broadcast_in_dim3A_479 : vector<16xi32>
        %eq3A_481 = vector.broadcast %shift_right_logical3A_200 : i32 to vector<16xi32>
        %eq3A_482 = arith.cmpi eq, %shift_right_logical3A_480, %eq3A_481 : vector<16xi32>
        tpu.vector_store_idx %arg6[%and3A_477], %broadcast_in_dim3A_9 masked %eq3A_482 {add = true} : memref<256xi32, #tpu.memory_space<vmem>>[vector<16xi32>], vector<16xi32>, vector<16xi1>
        %scan3A_483 = arith.constant 2 : i32
        %scan3A_484 = arith.addi %scan3A_452, %scan3A_483 : i32
        %mul3A_485 = arith.constant 16 : i32
        %mul3A_486 = arith.muli %scan3A_484, %mul3A_485 : i32
        %get3A_487 = arith.index_cast %mul3A_486 : i32 to index
        %get3A_488 = tpu.vector_load %arg5[%get3A_487] {strides = array<i32>} : memref<4096xi32, #tpu.memory_space<vmem>>, vector<16xi32>,
        %broadcast_in_dim3A_489 = arith.constant 0 : i32
        %broadcast_in_dim3A_490 = vector.broadcast %broadcast_in_dim3A_489 : i32 to vector<16xi32>
        %shift_right_logical3A_491 = arith.shrui %get3A_488, %broadcast_in_dim3A_490 : vector<16xi32>
        %and3A_492 = arith.constant 255 : i32
        %and3A_493 = vector.broadcast %and3A_492 : i32 to vector<16xi32>
        %and3A_494 = arith.andi %shift_right_logical3A_491, %and3A_493 : vector<16xi32>
        %broadcast_in_dim3A_495 = arith.constant 8 : i32
        %broadcast_in_dim3A_496 = vector.broadcast %broadcast_in_dim3A_495 : i32 to vector<16xi32>
        %shift_right_logical3A_497 = arith.shrui %get3A_488, %broadcast_in_dim3A_496 : vector<16xi32>
        %eq3A_498 = vector.broadcast %shift_right_logical3A_200 : i32 to vector<16xi32>
        %eq3A_499 = arith.cmpi eq, %shift_right_logical3A_497, %eq3A_498 : vector<16xi32>
        tpu.vector_store_idx %arg6[%and3A_494], %broadcast_in_dim3A_9 masked %eq3A_499 {add = true} : memref<256xi32, #tpu.memory_space<vmem>>[vector<16xi32>], vector<16xi32>, vector<16xi1>
        %scan3A_500 = arith.constant 3 : i32
        %scan3A_501 = arith.addi %scan3A_452, %scan3A_500 : i32
        %mul3A_502 = arith.constant 16 : i32
        %mul3A_503 = arith.muli %scan3A_501, %mul3A_502 : i32
        %get3A_504 = arith.index_cast %mul3A_503 : i32 to index
        %get3A_505 = tpu.vector_load %arg5[%get3A_504] {strides = array<i32>} : memref<4096xi32, #tpu.memory_space<vmem>>, vector<16xi32>,
        %broadcast_in_dim3A_506 = arith.constant 0 : i32
        %broadcast_in_dim3A_507 = vector.broadcast %broadcast_in_dim3A_506 : i32 to vector<16xi32>
        %shift_right_logical3A_508 = arith.shrui %get3A_505, %broadcast_in_dim3A_507 : vector<16xi32>
        %and3A_509 = arith.constant 255 : i32
        %and3A_510 = vector.broadcast %and3A_509 : i32 to vector<16xi32>
        %and3A_511 = arith.andi %shift_right_logical3A_508, %and3A_510 : vector<16xi32>
        %broadcast_in_dim3A_512 = arith.constant 8 : i32
        %broadcast_in_dim3A_513 = vector.broadcast %broadcast_in_dim3A_512 : i32 to vector<16xi32>
        %shift_right_logical3A_514 = arith.shrui %get3A_505, %broadcast_in_dim3A_513 : vector<16xi32>
        %eq3A_515 = vector.broadcast %shift_right_logical3A_200 : i32 to vector<16xi32>
        %eq3A_516 = arith.cmpi eq, %shift_right_logical3A_514, %eq3A_515 : vector<16xi32>
        tpu.vector_store_idx %arg6[%and3A_511], %broadcast_in_dim3A_9 masked %eq3A_516 {add = true} : memref<256xi32, #tpu.memory_space<vmem>>[vector<16xi32>], vector<16xi32>, vector<16xi1>
        %scan3A_517 = arith.constant 4 : i32
        %scan3A_518 = arith.addi %scan3A_452, %scan3A_517 : i32
        %mul3A_519 = arith.constant 16 : i32
        %mul3A_520 = arith.muli %scan3A_518, %mul3A_519 : i32
        %get3A_521 = arith.index_cast %mul3A_520 : i32 to index
        %get3A_522 = tpu.vector_load %arg5[%get3A_521] {strides = array<i32>} : memref<4096xi32, #tpu.memory_space<vmem>>, vector<16xi32>,
        %broadcast_in_dim3A_523 = arith.constant 0 : i32
        %broadcast_in_dim3A_524 = vector.broadcast %broadcast_in_dim3A_523 : i32 to vector<16xi32>
        %shift_right_logical3A_525 = arith.shrui %get3A_522, %broadcast_in_dim3A_524 : vector<16xi32>
        %and3A_526 = arith.constant 255 : i32
        %and3A_527 = vector.broadcast %and3A_526 : i32 to vector<16xi32>
        %and3A_528 = arith.andi %shift_right_logical3A_525, %and3A_527 : vector<16xi32>
        %broadcast_in_dim3A_529 = arith.constant 8 : i32
        %broadcast_in_dim3A_530 = vector.broadcast %broadcast_in_dim3A_529 : i32 to vector<16xi32>
        %shift_right_logical3A_531 = arith.shrui %get3A_522, %broadcast_in_dim3A_530 : vector<16xi32>
        %eq3A_532 = vector.broadcast %shift_right_logical3A_200 : i32 to vector<16xi32>
        %eq3A_533 = arith.cmpi eq, %shift_right_logical3A_531, %eq3A_532 : vector<16xi32>
        tpu.vector_store_idx %arg6[%and3A_528], %broadcast_in_dim3A_9 masked %eq3A_533 {add = true} : memref<256xi32, #tpu.memory_space<vmem>>[vector<16xi32>], vector<16xi32>, vector<16xi1>
        %scan3A_534 = arith.constant 5 : i32
        %scan3A_535 = arith.addi %scan3A_452, %scan3A_534 : i32
        %mul3A_536 = arith.constant 16 : i32
        %mul3A_537 = arith.muli %scan3A_535, %mul3A_536 : i32
        %get3A_538 = arith.index_cast %mul3A_537 : i32 to index
        %get3A_539 = tpu.vector_load %arg5[%get3A_538] {strides = array<i32>} : memref<4096xi32, #tpu.memory_space<vmem>>, vector<16xi32>,
        %broadcast_in_dim3A_540 = arith.constant 0 : i32
        %broadcast_in_dim3A_541 = vector.broadcast %broadcast_in_dim3A_540 : i32 to vector<16xi32>
        %shift_right_logical3A_542 = arith.shrui %get3A_539, %broadcast_in_dim3A_541 : vector<16xi32>
        %and3A_543 = arith.constant 255 : i32
        %and3A_544 = vector.broadcast %and3A_543 : i32 to vector<16xi32>
        %and3A_545 = arith.andi %shift_right_logical3A_542, %and3A_544 : vector<16xi32>
        %broadcast_in_dim3A_546 = arith.constant 8 : i32
        %broadcast_in_dim3A_547 = vector.broadcast %broadcast_in_dim3A_546 : i32 to vector<16xi32>
        %shift_right_logical3A_548 = arith.shrui %get3A_539, %broadcast_in_dim3A_547 : vector<16xi32>
        %eq3A_549 = vector.broadcast %shift_right_logical3A_200 : i32 to vector<16xi32>
        %eq3A_550 = arith.cmpi eq, %shift_right_logical3A_548, %eq3A_549 : vector<16xi32>
        tpu.vector_store_idx %arg6[%and3A_545], %broadcast_in_dim3A_9 masked %eq3A_550 {add = true} : memref<256xi32, #tpu.memory_space<vmem>>[vector<16xi32>], vector<16xi32>, vector<16xi1>
        %scan3A_551 = arith.constant 6 : i32
        %scan3A_552 = arith.addi %scan3A_452, %scan3A_551 : i32
        %mul3A_553 = arith.constant 16 : i32
        %mul3A_554 = arith.muli %scan3A_552, %mul3A_553 : i32
        %get3A_555 = arith.index_cast %mul3A_554 : i32 to index
        %get3A_556 = tpu.vector_load %arg5[%get3A_555] {strides = array<i32>} : memref<4096xi32, #tpu.memory_space<vmem>>, vector<16xi32>,
        %broadcast_in_dim3A_557 = arith.constant 0 : i32
        %broadcast_in_dim3A_558 = vector.broadcast %broadcast_in_dim3A_557 : i32 to vector<16xi32>
        %shift_right_logical3A_559 = arith.shrui %get3A_556, %broadcast_in_dim3A_558 : vector<16xi32>
        %and3A_560 = arith.constant 255 : i32
        %and3A_561 = vector.broadcast %and3A_560 : i32 to vector<16xi32>
        %and3A_562 = arith.andi %shift_right_logical3A_559, %and3A_561 : vector<16xi32>
        %broadcast_in_dim3A_563 = arith.constant 8 : i32
        %broadcast_in_dim3A_564 = vector.broadcast %broadcast_in_dim3A_563 : i32 to vector<16xi32>
        %shift_right_logical3A_565 = arith.shrui %get3A_556, %broadcast_in_dim3A_564 : vector<16xi32>
        %eq3A_566 = vector.broadcast %shift_right_logical3A_200 : i32 to vector<16xi32>
        %eq3A_567 = arith.cmpi eq, %shift_right_logical3A_565, %eq3A_566 : vector<16xi32>
        tpu.vector_store_idx %arg6[%and3A_562], %broadcast_in_dim3A_9 masked %eq3A_567 {add = true} : memref<256xi32, #tpu.memory_space<vmem>>[vector<16xi32>], vector<16xi32>, vector<16xi1>
        %scan3A_568 = arith.constant 7 : i32
        %scan3A_569 = arith.addi %scan3A_452, %scan3A_568 : i32
        %mul3A_570 = arith.constant 16 : i32
        %mul3A_571 = arith.muli %scan3A_569, %mul3A_570 : i32
        %get3A_572 = arith.index_cast %mul3A_571 : i32 to index
        %get3A_573 = tpu.vector_load %arg5[%get3A_572] {strides = array<i32>} : memref<4096xi32, #tpu.memory_space<vmem>>, vector<16xi32>,
        %broadcast_in_dim3A_574 = arith.constant 0 : i32
        %broadcast_in_dim3A_575 = vector.broadcast %broadcast_in_dim3A_574 : i32 to vector<16xi32>
        %shift_right_logical3A_576 = arith.shrui %get3A_573, %broadcast_in_dim3A_575 : vector<16xi32>
        %and3A_577 = arith.constant 255 : i32
        %and3A_578 = vector.broadcast %and3A_577 : i32 to vector<16xi32>
        %and3A_579 = arith.andi %shift_right_logical3A_576, %and3A_578 : vector<16xi32>
        %broadcast_in_dim3A_580 = arith.constant 8 : i32
        %broadcast_in_dim3A_581 = vector.broadcast %broadcast_in_dim3A_580 : i32 to vector<16xi32>
        %shift_right_logical3A_582 = arith.shrui %get3A_573, %broadcast_in_dim3A_581 : vector<16xi32>
        %eq3A_583 = vector.broadcast %shift_right_logical3A_200 : i32 to vector<16xi32>
        %eq3A_584 = arith.cmpi eq, %shift_right_logical3A_582, %eq3A_583 : vector<16xi32>
        tpu.vector_store_idx %arg6[%and3A_579], %broadcast_in_dim3A_9 masked %eq3A_584 {add = true} : memref<256xi32, #tpu.memory_space<vmem>>[vector<16xi32>], vector<16xi32>, vector<16xi1>
      }
      %scan3A_206 = arith.constant 256 : i32
      %scan3A_207 = arith.constant 1365 : i32
      %scan3A_208 = arith.constant 0 : i32
      %scan3A_209 = arith.constant 0 : i32
      %scan3A_210 = arith.constant 0 : i32
      %scan3A_211 = arith.constant 0 : i32
      %scan3A_212 = arith.constant 16 : i32
      %scan3A_213 = arith.addi %scan3A_211, %scan3A_212 : i32
      %scan3A_214 = arith.constant 1 : i32
      %scan3A_215:4 = scf.for %scan3A_452 = %scan3A_211 to %scan3A_213 step %scan3A_214 iter_args(%scan3A_453 = %scan3A_162#3, %scan3A_454 = %scan3A_208, %scan3A_455 = %scan3A_209, %scan3A_456 = %scan3A_210) -> (i32, i32, i32, i32)  : i32 {
        %mul3A = arith.constant 16 : i32
        %mul3A_457 = arith.muli %scan3A_452, %mul3A : i32
        %get3A = arith.index_cast %mul3A_457 : i32 to index
        %get3A_458 = tpu.vector_load %arg6[%get3A] {strides = array<i32>} : memref<256xi32, #tpu.memory_space<vmem>>, vector<16xi32>,
        %broadcast_in_dim3A_459 = arith.constant true
        %broadcast_in_dim3A_460 = vector.broadcast %broadcast_in_dim3A_459 : i1 to vector<16xi1>
        %masked_cumsum3A = tpu.scan <sum>, %get3A_458 masked %broadcast_in_dim3A_460 : vector<16xi32>, vector<16xi1> -> vector<16xi32>
        %add3A = vector.broadcast %scan3A_453 : i32 to vector<16xi32>
        %add3A_461 = arith.addi %masked_cumsum3A, %add3A : vector<16xi32>
        %reduce_sum3A = arith.constant true
        %reduce_sum3A_462 = vector.broadcast %reduce_sum3A : i1 to vector<16xi1>
        %reduce_sum3A_463 = tpu.scan <sum>, %get3A_458 masked %reduce_sum3A_462 : vector<16xi32>, vector<16xi1> -> vector<16xi32>
        %reduce_sum3A_464 = vector.extract %reduce_sum3A_463[15] : i32 from vector<16xi32>
        %eq3A_465 = arith.constant 0 : i32
        %eq3A_466 = arith.cmpi eq, %scan3A_454, %eq3A_465 : i32
        %add3A_467 = arith.addi %scan3A_453, %reduce_sum3A_464 : i32
        %gt3A = arith.cmpi sgt, %add3A_467, %scan3A_207 : i32
        %and3A_468 = arith.andi %eq3A_466, %gt3A : i1
        %gt3A_469 = vector.broadcast %scan3A_207 : i32 to vector<16xi32>
        %gt3A_470 = arith.cmpi sgt, %add3A_461, %gt3A_469 : vector<16xi32>
        %jit3A_471 = arith.constant 16 : i32
        %broadcast_in_dim3A_472 = vector.broadcast %jit3A_471 : i32 to vector<16xi32>
        %select_n3A_473 = arith.select %gt3A_470, %iota3A, %broadcast_in_dim3A_472 : vector<16xi1>, vector<16xi32>
        %reduce_min3A = arith.constant true
        %reduce_min3A_474 = vector.broadcast %reduce_min3A : i1 to vector<16xi1>
        %reduce_min3A_475 = arith.constant -2147483648 : i32
        %reduce_min3A_476 = vector.broadcast %reduce_min3A_475 : i32 to vector<16xi32>
        %reduce_min3A_477 = arith.xori %select_n3A_473, %reduce_min3A_476 : vector<16xi32>
        %reduce_min3A_478 = tpu.scan <min>, %reduce_min3A_477 masked %reduce_min3A_474 : vector<16xi32>, vector<16xi1> -> vector<16xi32>
        %reduce_min3A_479 = arith.xori %reduce_min3A_478, %reduce_min3A_476 : vector<16xi32>
        %reduce_min3A_480 = vector.extract %reduce_min3A_479[15] : i32 from vector<16xi32>
        %lt3A = vector.broadcast %reduce_min3A_480 : i32 to vector<16xi32>
        %lt3A_481 = arith.cmpi slt, %iota3A, %lt3A : vector<16xi32>
        %jit3A_482 = arith.constant 0 : i32
        %broadcast_in_dim3A_483 = vector.broadcast %jit3A_482 : i32 to vector<16xi32>
        %select_n3A_484 = arith.select %lt3A_481, %get3A_458, %broadcast_in_dim3A_483 : vector<16xi1>, vector<16xi32>
        %reduce_sum3A_485 = arith.constant true
        %reduce_sum3A_486 = vector.broadcast %reduce_sum3A_485 : i1 to vector<16xi1>
        %reduce_sum3A_487 = tpu.scan <sum>, %select_n3A_484 masked %reduce_sum3A_486 : vector<16xi32>, vector<16xi1> -> vector<16xi32>
        %reduce_sum3A_488 = vector.extract %reduce_sum3A_487[15] : i32 from vector<16xi32>
        %mul3A_489 = arith.constant 16 : i32
        %mul3A_490 = arith.muli %scan3A_452, %mul3A_489 : i32
        %add3A_491 = arith.addi %mul3A_490, %reduce_min3A_480 : i32
        %select_n3A_492 = arith.select %and3A_468, %add3A_491, %scan3A_455 : i32
        %add3A_493 = arith.addi %scan3A_453, %reduce_sum3A_488 : i32
        %select_n3A_494 = arith.select %and3A_468, %add3A_493, %scan3A_456 : i32
        %jit3A_495 = arith.constant 1 : i32
        %select_n3A_496 = arith.select %and3A_468, %jit3A_495, %scan3A_454 : i32
        %add3A_497 = arith.addi %scan3A_453, %reduce_sum3A_464 : i32
        scf.yield %add3A_497, %select_n3A_496, %select_n3A_492, %select_n3A_494 : i32, i32, i32, i32
      }
      %scan3A_216 = arith.constant 16 : i32
      %shift_left3A_217 = arith.constant 0 : i32
      %shift_left3A_218 = arith.shli %scan3A_215#2, %shift_left3A_217 : i32
      %or3A_219 = arith.ori %or3A_166, %shift_left3A_218 : i32
      %swap3A_220 = arith.constant 0 : index
      %swap3A_221 = tpu.vector_load %arg6[%swap3A_220] {strides = array<i32>} : memref<256xi32, #tpu.memory_space<vmem>>, vector<16xi32>,
      tpu.vector_store %arg6[%swap3A_220], %broadcast_in_dim3A_11 {strides = array<i32>} : memref<256xi32, #tpu.memory_space<vmem>>, vector<16xi32>,
      %swap3A_222 = arith.constant 16 : index
      %swap3A_223 = tpu.vector_load %arg6[%swap3A_222] {strides = array<i32>} : memref<256xi32, #tpu.memory_space<vmem>>, vector<16xi32>,
      tpu.vector_store %arg6[%swap3A_222], %broadcast_in_dim3A_11 {strides = array<i32>} : memref<256xi32, #tpu.memory_space<vmem>>, vector<16xi32>,
      %swap3A_224 = arith.constant 32 : index
      %swap3A_225 = tpu.vector_load %arg6[%swap3A_224] {strides = array<i32>} : memref<256xi32, #tpu.memory_space<vmem>>, vector<16xi32>,
      tpu.vector_store %arg6[%swap3A_224], %broadcast_in_dim3A_11 {strides = array<i32>} : memref<256xi32, #tpu.memory_space<vmem>>, vector<16xi32>,
      %swap3A_226 = arith.constant 48 : index
      %swap3A_227 = tpu.vector_load %arg6[%swap3A_226] {strides = array<i32>} : memref<256xi32, #tpu.memory_space<vmem>>, vector<16xi32>,
      tpu.vector_store %arg6[%swap3A_226], %broadcast_in_dim3A_11 {strides = array<i32>} : memref<256xi32, #tpu.memory_space<vmem>>, vector<16xi32>,
      %swap3A_228 = arith.constant 64 : index
      %swap3A_229 = tpu.vector_load %arg6[%swap3A_228] {strides = array<i32>} : memref<256xi32, #tpu.memory_space<vmem>>, vector<16xi32>,
      tpu.vector_store %arg6[%swap3A_228], %broadcast_in_dim3A_11 {strides = array<i32>} : memref<256xi32, #tpu.memory_space<vmem>>, vector<16xi32>,
      %swap3A_230 = arith.constant 80 : index
      %swap3A_231 = tpu.vector_load %arg6[%swap3A_230] {strides = array<i32>} : memref<256xi32, #tpu.memory_space<vmem>>, vector<16xi32>,
      tpu.vector_store %arg6[%swap3A_230], %broadcast_in_dim3A_11 {strides = array<i32>} : memref<256xi32, #tpu.memory_space<vmem>>, vector<16xi32>,
      %swap3A_232 = arith.constant 96 : index
      %swap3A_233 = tpu.vector_load %arg6[%swap3A_232] {strides = array<i32>} : memref<256xi32, #tpu.memory_space<vmem>>, vector<16xi32>,
      tpu.vector_store %arg6[%swap3A_232], %broadcast_in_dim3A_11 {strides = array<i32>} : memref<256xi32, #tpu.memory_space<vmem>>, vector<16xi32>,
      %swap3A_234 = arith.constant 112 : index
      %swap3A_235 = tpu.vector_load %arg6[%swap3A_234] {strides = array<i32>} : memref<256xi32, #tpu.memory_space<vmem>>, vector<16xi32>,
      tpu.vector_store %arg6[%swap3A_234], %broadcast_in_dim3A_11 {strides = array<i32>} : memref<256xi32, #tpu.memory_space<vmem>>, vector<16xi32>,
      %swap3A_236 = arith.constant 128 : index
      %swap3A_237 = tpu.vector_load %arg6[%swap3A_236] {strides = array<i32>} : memref<256xi32, #tpu.memory_space<vmem>>, vector<16xi32>,
      tpu.vector_store %arg6[%swap3A_236], %broadcast_in_dim3A_11 {strides = array<i32>} : memref<256xi32, #tpu.memory_space<vmem>>, vector<16xi32>,
      %swap3A_238 = arith.constant 144 : index
      %swap3A_239 = tpu.vector_load %arg6[%swap3A_238] {strides = array<i32>} : memref<256xi32, #tpu.memory_space<vmem>>, vector<16xi32>,
      tpu.vector_store %arg6[%swap3A_238], %broadcast_in_dim3A_11 {strides = array<i32>} : memref<256xi32, #tpu.memory_space<vmem>>, vector<16xi32>,
      %swap3A_240 = arith.constant 160 : index
      %swap3A_241 = tpu.vector_load %arg6[%swap3A_240] {strides = array<i32>} : memref<256xi32, #tpu.memory_space<vmem>>, vector<16xi32>,
      tpu.vector_store %arg6[%swap3A_240], %broadcast_in_dim3A_11 {strides = array<i32>} : memref<256xi32, #tpu.memory_space<vmem>>, vector<16xi32>,
      %swap3A_242 = arith.constant 176 : index
      %swap3A_243 = tpu.vector_load %arg6[%swap3A_242] {strides = array<i32>} : memref<256xi32, #tpu.memory_space<vmem>>, vector<16xi32>,
      tpu.vector_store %arg6[%swap3A_242], %broadcast_in_dim3A_11 {strides = array<i32>} : memref<256xi32, #tpu.memory_space<vmem>>, vector<16xi32>,
      %swap3A_244 = arith.constant 192 : index
      %swap3A_245 = tpu.vector_load %arg6[%swap3A_244] {strides = array<i32>} : memref<256xi32, #tpu.memory_space<vmem>>, vector<16xi32>,
      tpu.vector_store %arg6[%swap3A_244], %broadcast_in_dim3A_11 {strides = array<i32>} : memref<256xi32, #tpu.memory_space<vmem>>, vector<16xi32>,
      %swap3A_246 = arith.constant 208 : index
      %swap3A_247 = tpu.vector_load %arg6[%swap3A_246] {strides = array<i32>} : memref<256xi32, #tpu.memory_space<vmem>>, vector<16xi32>,
      tpu.vector_store %arg6[%swap3A_246], %broadcast_in_dim3A_11 {strides = array<i32>} : memref<256xi32, #tpu.memory_space<vmem>>, vector<16xi32>,
      %swap3A_248 = arith.constant 224 : index
      %swap3A_249 = tpu.vector_load %arg6[%swap3A_248] {strides = array<i32>} : memref<256xi32, #tpu.memory_space<vmem>>, vector<16xi32>,
      tpu.vector_store %arg6[%swap3A_248], %broadcast_in_dim3A_11 {strides = array<i32>} : memref<256xi32, #tpu.memory_space<vmem>>, vector<16xi32>,
      %swap3A_250 = arith.constant 240 : index
      %swap3A_251 = tpu.vector_load %arg6[%swap3A_250] {strides = array<i32>} : memref<256xi32, #tpu.memory_space<vmem>>, vector<16xi32>,
      tpu.vector_store %arg6[%swap3A_250], %broadcast_in_dim3A_11 {strides = array<i32>} : memref<256xi32, #tpu.memory_space<vmem>>, vector<16xi32>,
      %scan3A_252 = arith.constant 0 : i32
      %scan3A_253 = arith.constant 0 : i32
      %scan3A_254 = arith.constant 256 : i32
      %scan3A_255 = arith.addi %scan3A_253, %scan3A_254 : i32
      %scan3A_256 = arith.constant 8 : i32
      scf.for %scan3A_452 = %scan3A_253 to %scan3A_255 step %scan3A_256  : i32 {
        %mul3A = arith.constant 16 : i32
        %mul3A_453 = arith.muli %scan3A_452, %mul3A : i32
        %get3A = arith.index_cast %mul3A_453 : i32 to index
        %get3A_454 = tpu.vector_load %arg5[%get3A] {strides = array<i32>} : memref<4096xi32, #tpu.memory_space<vmem>>, vector<16xi32>,
        %broadcast_in_dim3A_455 = arith.constant 24 : i32
        %broadcast_in_dim3A_456 = vector.broadcast %broadcast_in_dim3A_455 : i32 to vector<16xi32>
        %shift_right_logical3A_457 = arith.shrui %get3A_454, %broadcast_in_dim3A_456 : vector<16xi32>
        %and3A_458 = arith.constant 255 : i32
        %and3A_459 = vector.broadcast %and3A_458 : i32 to vector<16xi32>
        %and3A_460 = arith.andi %shift_right_logical3A_457, %and3A_459 : vector<16xi32>
        %ge3A_461 = arith.constant 0 : i32
        %ge3A_462 = vector.broadcast %ge3A_461 : i32 to vector<16xi32>
        %ge3A_463 = arith.cmpi sge, %and3A_460, %ge3A_462 : vector<16xi32>
        tpu.vector_store_idx %arg6[%and3A_460], %broadcast_in_dim3A_9 masked %ge3A_463 {add = true} : memref<256xi32, #tpu.memory_space<vmem>>[vector<16xi32>], vector<16xi32>, vector<16xi1>
        %scan3A_464 = arith.constant 1 : i32
        %scan3A_465 = arith.addi %scan3A_452, %scan3A_464 : i32
        %mul3A_466 = arith.constant 16 : i32
        %mul3A_467 = arith.muli %scan3A_465, %mul3A_466 : i32
        %get3A_468 = arith.index_cast %mul3A_467 : i32 to index
        %get3A_469 = tpu.vector_load %arg5[%get3A_468] {strides = array<i32>} : memref<4096xi32, #tpu.memory_space<vmem>>, vector<16xi32>,
        %broadcast_in_dim3A_470 = arith.constant 24 : i32
        %broadcast_in_dim3A_471 = vector.broadcast %broadcast_in_dim3A_470 : i32 to vector<16xi32>
        %shift_right_logical3A_472 = arith.shrui %get3A_469, %broadcast_in_dim3A_471 : vector<16xi32>
        %and3A_473 = arith.constant 255 : i32
        %and3A_474 = vector.broadcast %and3A_473 : i32 to vector<16xi32>
        %and3A_475 = arith.andi %shift_right_logical3A_472, %and3A_474 : vector<16xi32>
        %ge3A_476 = arith.constant 0 : i32
        %ge3A_477 = vector.broadcast %ge3A_476 : i32 to vector<16xi32>
        %ge3A_478 = arith.cmpi sge, %and3A_475, %ge3A_477 : vector<16xi32>
        tpu.vector_store_idx %arg6[%and3A_475], %broadcast_in_dim3A_9 masked %ge3A_478 {add = true} : memref<256xi32, #tpu.memory_space<vmem>>[vector<16xi32>], vector<16xi32>, vector<16xi1>
        %scan3A_479 = arith.constant 2 : i32
        %scan3A_480 = arith.addi %scan3A_452, %scan3A_479 : i32
        %mul3A_481 = arith.constant 16 : i32
        %mul3A_482 = arith.muli %scan3A_480, %mul3A_481 : i32
        %get3A_483 = arith.index_cast %mul3A_482 : i32 to index
        %get3A_484 = tpu.vector_load %arg5[%get3A_483] {strides = array<i32>} : memref<4096xi32, #tpu.memory_space<vmem>>, vector<16xi32>,
        %broadcast_in_dim3A_485 = arith.constant 24 : i32
        %broadcast_in_dim3A_486 = vector.broadcast %broadcast_in_dim3A_485 : i32 to vector<16xi32>
        %shift_right_logical3A_487 = arith.shrui %get3A_484, %broadcast_in_dim3A_486 : vector<16xi32>
        %and3A_488 = arith.constant 255 : i32
        %and3A_489 = vector.broadcast %and3A_488 : i32 to vector<16xi32>
        %and3A_490 = arith.andi %shift_right_logical3A_487, %and3A_489 : vector<16xi32>
        %ge3A_491 = arith.constant 0 : i32
        %ge3A_492 = vector.broadcast %ge3A_491 : i32 to vector<16xi32>
        %ge3A_493 = arith.cmpi sge, %and3A_490, %ge3A_492 : vector<16xi32>
        tpu.vector_store_idx %arg6[%and3A_490], %broadcast_in_dim3A_9 masked %ge3A_493 {add = true} : memref<256xi32, #tpu.memory_space<vmem>>[vector<16xi32>], vector<16xi32>, vector<16xi1>
        %scan3A_494 = arith.constant 3 : i32
        %scan3A_495 = arith.addi %scan3A_452, %scan3A_494 : i32
        %mul3A_496 = arith.constant 16 : i32
        %mul3A_497 = arith.muli %scan3A_495, %mul3A_496 : i32
        %get3A_498 = arith.index_cast %mul3A_497 : i32 to index
        %get3A_499 = tpu.vector_load %arg5[%get3A_498] {strides = array<i32>} : memref<4096xi32, #tpu.memory_space<vmem>>, vector<16xi32>,
        %broadcast_in_dim3A_500 = arith.constant 24 : i32
        %broadcast_in_dim3A_501 = vector.broadcast %broadcast_in_dim3A_500 : i32 to vector<16xi32>
        %shift_right_logical3A_502 = arith.shrui %get3A_499, %broadcast_in_dim3A_501 : vector<16xi32>
        %and3A_503 = arith.constant 255 : i32
        %and3A_504 = vector.broadcast %and3A_503 : i32 to vector<16xi32>
        %and3A_505 = arith.andi %shift_right_logical3A_502, %and3A_504 : vector<16xi32>
        %ge3A_506 = arith.constant 0 : i32
        %ge3A_507 = vector.broadcast %ge3A_506 : i32 to vector<16xi32>
        %ge3A_508 = arith.cmpi sge, %and3A_505, %ge3A_507 : vector<16xi32>
        tpu.vector_store_idx %arg6[%and3A_505], %broadcast_in_dim3A_9 masked %ge3A_508 {add = true} : memref<256xi32, #tpu.memory_space<vmem>>[vector<16xi32>], vector<16xi32>, vector<16xi1>
        %scan3A_509 = arith.constant 4 : i32
        %scan3A_510 = arith.addi %scan3A_452, %scan3A_509 : i32
        %mul3A_511 = arith.constant 16 : i32
        %mul3A_512 = arith.muli %scan3A_510, %mul3A_511 : i32
        %get3A_513 = arith.index_cast %mul3A_512 : i32 to index
        %get3A_514 = tpu.vector_load %arg5[%get3A_513] {strides = array<i32>} : memref<4096xi32, #tpu.memory_space<vmem>>, vector<16xi32>,
        %broadcast_in_dim3A_515 = arith.constant 24 : i32
        %broadcast_in_dim3A_516 = vector.broadcast %broadcast_in_dim3A_515 : i32 to vector<16xi32>
        %shift_right_logical3A_517 = arith.shrui %get3A_514, %broadcast_in_dim3A_516 : vector<16xi32>
        %and3A_518 = arith.constant 255 : i32
        %and3A_519 = vector.broadcast %and3A_518 : i32 to vector<16xi32>
        %and3A_520 = arith.andi %shift_right_logical3A_517, %and3A_519 : vector<16xi32>
        %ge3A_521 = arith.constant 0 : i32
        %ge3A_522 = vector.broadcast %ge3A_521 : i32 to vector<16xi32>
        %ge3A_523 = arith.cmpi sge, %and3A_520, %ge3A_522 : vector<16xi32>
        tpu.vector_store_idx %arg6[%and3A_520], %broadcast_in_dim3A_9 masked %ge3A_523 {add = true} : memref<256xi32, #tpu.memory_space<vmem>>[vector<16xi32>], vector<16xi32>, vector<16xi1>
        %scan3A_524 = arith.constant 5 : i32
        %scan3A_525 = arith.addi %scan3A_452, %scan3A_524 : i32
        %mul3A_526 = arith.constant 16 : i32
        %mul3A_527 = arith.muli %scan3A_525, %mul3A_526 : i32
        %get3A_528 = arith.index_cast %mul3A_527 : i32 to index
        %get3A_529 = tpu.vector_load %arg5[%get3A_528] {strides = array<i32>} : memref<4096xi32, #tpu.memory_space<vmem>>, vector<16xi32>,
        %broadcast_in_dim3A_530 = arith.constant 24 : i32
        %broadcast_in_dim3A_531 = vector.broadcast %broadcast_in_dim3A_530 : i32 to vector<16xi32>
        %shift_right_logical3A_532 = arith.shrui %get3A_529, %broadcast_in_dim3A_531 : vector<16xi32>
        %and3A_533 = arith.constant 255 : i32
        %and3A_534 = vector.broadcast %and3A_533 : i32 to vector<16xi32>
        %and3A_535 = arith.andi %shift_right_logical3A_532, %and3A_534 : vector<16xi32>
        %ge3A_536 = arith.constant 0 : i32
        %ge3A_537 = vector.broadcast %ge3A_536 : i32 to vector<16xi32>
        %ge3A_538 = arith.cmpi sge, %and3A_535, %ge3A_537 : vector<16xi32>
        tpu.vector_store_idx %arg6[%and3A_535], %broadcast_in_dim3A_9 masked %ge3A_538 {add = true} : memref<256xi32, #tpu.memory_space<vmem>>[vector<16xi32>], vector<16xi32>, vector<16xi1>
        %scan3A_539 = arith.constant 6 : i32
        %scan3A_540 = arith.addi %scan3A_452, %scan3A_539 : i32
        %mul3A_541 = arith.constant 16 : i32
        %mul3A_542 = arith.muli %scan3A_540, %mul3A_541 : i32
        %get3A_543 = arith.index_cast %mul3A_542 : i32 to index
        %get3A_544 = tpu.vector_load %arg5[%get3A_543] {strides = array<i32>} : memref<4096xi32, #tpu.memory_space<vmem>>, vector<16xi32>,
        %broadcast_in_dim3A_545 = arith.constant 24 : i32
        %broadcast_in_dim3A_546 = vector.broadcast %broadcast_in_dim3A_545 : i32 to vector<16xi32>
        %shift_right_logical3A_547 = arith.shrui %get3A_544, %broadcast_in_dim3A_546 : vector<16xi32>
        %and3A_548 = arith.constant 255 : i32
        %and3A_549 = vector.broadcast %and3A_548 : i32 to vector<16xi32>
        %and3A_550 = arith.andi %shift_right_logical3A_547, %and3A_549 : vector<16xi32>
        %ge3A_551 = arith.constant 0 : i32
        %ge3A_552 = vector.broadcast %ge3A_551 : i32 to vector<16xi32>
        %ge3A_553 = arith.cmpi sge, %and3A_550, %ge3A_552 : vector<16xi32>
        tpu.vector_store_idx %arg6[%and3A_550], %broadcast_in_dim3A_9 masked %ge3A_553 {add = true} : memref<256xi32, #tpu.memory_space<vmem>>[vector<16xi32>], vector<16xi32>, vector<16xi1>
        %scan3A_554 = arith.constant 7 : i32
        %scan3A_555 = arith.addi %scan3A_452, %scan3A_554 : i32
        %mul3A_556 = arith.constant 16 : i32
        %mul3A_557 = arith.muli %scan3A_555, %mul3A_556 : i32
        %get3A_558 = arith.index_cast %mul3A_557 : i32 to index
        %get3A_559 = tpu.vector_load %arg5[%get3A_558] {strides = array<i32>} : memref<4096xi32, #tpu.memory_space<vmem>>, vector<16xi32>,
        %broadcast_in_dim3A_560 = arith.constant 24 : i32
        %broadcast_in_dim3A_561 = vector.broadcast %broadcast_in_dim3A_560 : i32 to vector<16xi32>
        %shift_right_logical3A_562 = arith.shrui %get3A_559, %broadcast_in_dim3A_561 : vector<16xi32>
        %and3A_563 = arith.constant 255 : i32
        %and3A_564 = vector.broadcast %and3A_563 : i32 to vector<16xi32>
        %and3A_565 = arith.andi %shift_right_logical3A_562, %and3A_564 : vector<16xi32>
        %ge3A_566 = arith.constant 0 : i32
        %ge3A_567 = vector.broadcast %ge3A_566 : i32 to vector<16xi32>
        %ge3A_568 = arith.cmpi sge, %and3A_565, %ge3A_567 : vector<16xi32>
        tpu.vector_store_idx %arg6[%and3A_565], %broadcast_in_dim3A_9 masked %ge3A_568 {add = true} : memref<256xi32, #tpu.memory_space<vmem>>[vector<16xi32>], vector<16xi32>, vector<16xi1>
      }
      %scan3A_257 = arith.constant 256 : i32
      %scan3A_258 = arith.constant 2730 : i32
      %scan3A_259 = arith.constant 0 : i32
      %scan3A_260 = arith.constant 0 : i32
      %scan3A_261 = arith.constant 0 : i32
      %scan3A_262 = arith.constant 0 : i32
      %scan3A_263 = arith.constant 0 : i32
      %scan3A_264 = arith.constant 16 : i32
      %scan3A_265 = arith.addi %scan3A_263, %scan3A_264 : i32
      %scan3A_266 = arith.constant 1 : i32
      %scan3A_267:4 = scf.for %scan3A_452 = %scan3A_263 to %scan3A_265 step %scan3A_266 iter_args(%scan3A_453 = %scan3A_259, %scan3A_454 = %scan3A_260, %scan3A_455 = %scan3A_261, %scan3A_456 = %scan3A_262) -> (i32, i32, i32, i32)  : i32 {
        %mul3A = arith.constant 16 : i32
        %mul3A_457 = arith.muli %scan3A_452, %mul3A : i32
        %get3A = arith.index_cast %mul3A_457 : i32 to index
        %get3A_458 = tpu.vector_load %arg6[%get3A] {strides = array<i32>} : memref<256xi32, #tpu.memory_space<vmem>>, vector<16xi32>,
        %broadcast_in_dim3A_459 = arith.constant true
        %broadcast_in_dim3A_460 = vector.broadcast %broadcast_in_dim3A_459 : i1 to vector<16xi1>
        %masked_cumsum3A = tpu.scan <sum>, %get3A_458 masked %broadcast_in_dim3A_460 : vector<16xi32>, vector<16xi1> -> vector<16xi32>
        %add3A = vector.broadcast %scan3A_453 : i32 to vector<16xi32>
        %add3A_461 = arith.addi %masked_cumsum3A, %add3A : vector<16xi32>
        %reduce_sum3A = arith.constant true
        %reduce_sum3A_462 = vector.broadcast %reduce_sum3A : i1 to vector<16xi1>
        %reduce_sum3A_463 = tpu.scan <sum>, %get3A_458 masked %reduce_sum3A_462 : vector<16xi32>, vector<16xi1> -> vector<16xi32>
        %reduce_sum3A_464 = vector.extract %reduce_sum3A_463[15] : i32 from vector<16xi32>
        %eq3A_465 = arith.constant 0 : i32
        %eq3A_466 = arith.cmpi eq, %scan3A_454, %eq3A_465 : i32
        %add3A_467 = arith.addi %scan3A_453, %reduce_sum3A_464 : i32
        %gt3A = arith.cmpi sgt, %add3A_467, %scan3A_258 : i32
        %and3A_468 = arith.andi %eq3A_466, %gt3A : i1
        %gt3A_469 = vector.broadcast %scan3A_258 : i32 to vector<16xi32>
        %gt3A_470 = arith.cmpi sgt, %add3A_461, %gt3A_469 : vector<16xi32>
        %jit3A_471 = arith.constant 16 : i32
        %broadcast_in_dim3A_472 = vector.broadcast %jit3A_471 : i32 to vector<16xi32>
        %select_n3A_473 = arith.select %gt3A_470, %iota3A, %broadcast_in_dim3A_472 : vector<16xi1>, vector<16xi32>
        %reduce_min3A = arith.constant true
        %reduce_min3A_474 = vector.broadcast %reduce_min3A : i1 to vector<16xi1>
        %reduce_min3A_475 = arith.constant -2147483648 : i32
        %reduce_min3A_476 = vector.broadcast %reduce_min3A_475 : i32 to vector<16xi32>
        %reduce_min3A_477 = arith.xori %select_n3A_473, %reduce_min3A_476 : vector<16xi32>
        %reduce_min3A_478 = tpu.scan <min>, %reduce_min3A_477 masked %reduce_min3A_474 : vector<16xi32>, vector<16xi1> -> vector<16xi32>
        %reduce_min3A_479 = arith.xori %reduce_min3A_478, %reduce_min3A_476 : vector<16xi32>
        %reduce_min3A_480 = vector.extract %reduce_min3A_479[15] : i32 from vector<16xi32>
        %lt3A = vector.broadcast %reduce_min3A_480 : i32 to vector<16xi32>
        %lt3A_481 = arith.cmpi slt, %iota3A, %lt3A : vector<16xi32>
        %jit3A_482 = arith.constant 0 : i32
        %broadcast_in_dim3A_483 = vector.broadcast %jit3A_482 : i32 to vector<16xi32>
        %select_n3A_484 = arith.select %lt3A_481, %get3A_458, %broadcast_in_dim3A_483 : vector<16xi1>, vector<16xi32>
        %reduce_sum3A_485 = arith.constant true
        %reduce_sum3A_486 = vector.broadcast %reduce_sum3A_485 : i1 to vector<16xi1>
        %reduce_sum3A_487 = tpu.scan <sum>, %select_n3A_484 masked %reduce_sum3A_486 : vector<16xi32>, vector<16xi1> -> vector<16xi32>
        %reduce_sum3A_488 = vector.extract %reduce_sum3A_487[15] : i32 from vector<16xi32>
        %mul3A_489 = arith.constant 16 : i32
        %mul3A_490 = arith.muli %scan3A_452, %mul3A_489 : i32
        %add3A_491 = arith.addi %mul3A_490, %reduce_min3A_480 : i32
        %select_n3A_492 = arith.select %and3A_468, %add3A_491, %scan3A_455 : i32
        %add3A_493 = arith.addi %scan3A_453, %reduce_sum3A_488 : i32
        %select_n3A_494 = arith.select %and3A_468, %add3A_493, %scan3A_456 : i32
        %jit3A_495 = arith.constant 1 : i32
        %select_n3A_496 = arith.select %and3A_468, %jit3A_495, %scan3A_454 : i32
        %add3A_497 = arith.addi %scan3A_453, %reduce_sum3A_464 : i32
        scf.yield %add3A_497, %select_n3A_496, %select_n3A_492, %select_n3A_494 : i32, i32, i32, i32
      }
      %scan3A_268 = arith.constant 16 : i32
      %shift_left3A_269 = arith.constant 24 : i32
      %shift_left3A_270 = arith.shli %scan3A_267#2, %shift_left3A_269 : i32
      %or3A_271 = arith.constant 0 : i32
      %or3A_272 = arith.ori %or3A_271, %shift_left3A_270 : i32
      %swap3A_273 = arith.constant 0 : index
      %swap3A_274 = tpu.vector_load %arg6[%swap3A_273] {strides = array<i32>} : memref<256xi32, #tpu.memory_space<vmem>>, vector<16xi32>,
      tpu.vector_store %arg6[%swap3A_273], %broadcast_in_dim3A_11 {strides = array<i32>} : memref<256xi32, #tpu.memory_space<vmem>>, vector<16xi32>,
      %swap3A_275 = arith.constant 16 : index
      %swap3A_276 = tpu.vector_load %arg6[%swap3A_275] {strides = array<i32>} : memref<256xi32, #tpu.memory_space<vmem>>, vector<16xi32>,
      tpu.vector_store %arg6[%swap3A_275], %broadcast_in_dim3A_11 {strides = array<i32>} : memref<256xi32, #tpu.memory_space<vmem>>, vector<16xi32>,
      %swap3A_277 = arith.constant 32 : index
      %swap3A_278 = tpu.vector_load %arg6[%swap3A_277] {strides = array<i32>} : memref<256xi32, #tpu.memory_space<vmem>>, vector<16xi32>,
      tpu.vector_store %arg6[%swap3A_277], %broadcast_in_dim3A_11 {strides = array<i32>} : memref<256xi32, #tpu.memory_space<vmem>>, vector<16xi32>,
      %swap3A_279 = arith.constant 48 : index
      %swap3A_280 = tpu.vector_load %arg6[%swap3A_279] {strides = array<i32>} : memref<256xi32, #tpu.memory_space<vmem>>, vector<16xi32>,
      tpu.vector_store %arg6[%swap3A_279], %broadcast_in_dim3A_11 {strides = array<i32>} : memref<256xi32, #tpu.memory_space<vmem>>, vector<16xi32>,
      %swap3A_281 = arith.constant 64 : index
      %swap3A_282 = tpu.vector_load %arg6[%swap3A_281] {strides = array<i32>} : memref<256xi32, #tpu.memory_space<vmem>>, vector<16xi32>,
      tpu.vector_store %arg6[%swap3A_281], %broadcast_in_dim3A_11 {strides = array<i32>} : memref<256xi32, #tpu.memory_space<vmem>>, vector<16xi32>,
      %swap3A_283 = arith.constant 80 : index
      %swap3A_284 = tpu.vector_load %arg6[%swap3A_283] {strides = array<i32>} : memref<256xi32, #tpu.memory_space<vmem>>, vector<16xi32>,
      tpu.vector_store %arg6[%swap3A_283], %broadcast_in_dim3A_11 {strides = array<i32>} : memref<256xi32, #tpu.memory_space<vmem>>, vector<16xi32>,
      %swap3A_285 = arith.constant 96 : index
      %swap3A_286 = tpu.vector_load %arg6[%swap3A_285] {strides = array<i32>} : memref<256xi32, #tpu.memory_space<vmem>>, vector<16xi32>,
      tpu.vector_store %arg6[%swap3A_285], %broadcast_in_dim3A_11 {strides = array<i32>} : memref<256xi32, #tpu.memory_space<vmem>>, vector<16xi32>,
      %swap3A_287 = arith.constant 112 : index
      %swap3A_288 = tpu.vector_load %arg6[%swap3A_287] {strides = array<i32>} : memref<256xi32, #tpu.memory_space<vmem>>, vector<16xi32>,
      tpu.vector_store %arg6[%swap3A_287], %broadcast_in_dim3A_11 {strides = array<i32>} : memref<256xi32, #tpu.memory_space<vmem>>, vector<16xi32>,
      %swap3A_289 = arith.constant 128 : index
      %swap3A_290 = tpu.vector_load %arg6[%swap3A_289] {strides = array<i32>} : memref<256xi32, #tpu.memory_space<vmem>>, vector<16xi32>,
      tpu.vector_store %arg6[%swap3A_289], %broadcast_in_dim3A_11 {strides = array<i32>} : memref<256xi32, #tpu.memory_space<vmem>>, vector<16xi32>,
      %swap3A_291 = arith.constant 144 : index
      %swap3A_292 = tpu.vector_load %arg6[%swap3A_291] {strides = array<i32>} : memref<256xi32, #tpu.memory_space<vmem>>, vector<16xi32>,
      tpu.vector_store %arg6[%swap3A_291], %broadcast_in_dim3A_11 {strides = array<i32>} : memref<256xi32, #tpu.memory_space<vmem>>, vector<16xi32>,
      %swap3A_293 = arith.constant 160 : index
      %swap3A_294 = tpu.vector_load %arg6[%swap3A_293] {strides = array<i32>} : memref<256xi32, #tpu.memory_space<vmem>>, vector<16xi32>,
      tpu.vector_store %arg6[%swap3A_293], %broadcast_in_dim3A_11 {strides = array<i32>} : memref<256xi32, #tpu.memory_space<vmem>>, vector<16xi32>,
      %swap3A_295 = arith.constant 176 : index
      %swap3A_296 = tpu.vector_load %arg6[%swap3A_295] {strides = array<i32>} : memref<256xi32, #tpu.memory_space<vmem>>, vector<16xi32>,
      tpu.vector_store %arg6[%swap3A_295], %broadcast_in_dim3A_11 {strides = array<i32>} : memref<256xi32, #tpu.memory_space<vmem>>, vector<16xi32>,
      %swap3A_297 = arith.constant 192 : index
      %swap3A_298 = tpu.vector_load %arg6[%swap3A_297] {strides = array<i32>} : memref<256xi32, #tpu.memory_space<vmem>>, vector<16xi32>,
      tpu.vector_store %arg6[%swap3A_297], %broadcast_in_dim3A_11 {strides = array<i32>} : memref<256xi32, #tpu.memory_space<vmem>>, vector<16xi32>,
      %swap3A_299 = arith.constant 208 : index
      %swap3A_300 = tpu.vector_load %arg6[%swap3A_299] {strides = array<i32>} : memref<256xi32, #tpu.memory_space<vmem>>, vector<16xi32>,
      tpu.vector_store %arg6[%swap3A_299], %broadcast_in_dim3A_11 {strides = array<i32>} : memref<256xi32, #tpu.memory_space<vmem>>, vector<16xi32>,
      %swap3A_301 = arith.constant 224 : index
      %swap3A_302 = tpu.vector_load %arg6[%swap3A_301] {strides = array<i32>} : memref<256xi32, #tpu.memory_space<vmem>>, vector<16xi32>,
      tpu.vector_store %arg6[%swap3A_301], %broadcast_in_dim3A_11 {strides = array<i32>} : memref<256xi32, #tpu.memory_space<vmem>>, vector<16xi32>,
      %swap3A_303 = arith.constant 240 : index
      %swap3A_304 = tpu.vector_load %arg6[%swap3A_303] {strides = array<i32>} : memref<256xi32, #tpu.memory_space<vmem>>, vector<16xi32>,
      tpu.vector_store %arg6[%swap3A_303], %broadcast_in_dim3A_11 {strides = array<i32>} : memref<256xi32, #tpu.memory_space<vmem>>, vector<16xi32>,
      %shift_right_logical3A_305 = arith.constant 24 : i32
      %shift_right_logical3A_306 = arith.shrui %or3A_272, %shift_right_logical3A_305 : i32
      %scan3A_307 = arith.constant 0 : i32
      %scan3A_308 = arith.constant 0 : i32
      %scan3A_309 = arith.constant 256 : i32
      %scan3A_310 = arith.addi %scan3A_308, %scan3A_309 : i32
      %scan3A_311 = arith.constant 8 : i32
      scf.for %scan3A_452 = %scan3A_308 to %scan3A_310 step %scan3A_311  : i32 {
        %mul3A = arith.constant 16 : i32
        %mul3A_453 = arith.muli %scan3A_452, %mul3A : i32
        %get3A = arith.index_cast %mul3A_453 : i32 to index
        %get3A_454 = tpu.vector_load %arg5[%get3A] {strides = array<i32>} : memref<4096xi32, #tpu.memory_space<vmem>>, vector<16xi32>,
        %broadcast_in_dim3A_455 = arith.constant 16 : i32
        %broadcast_in_dim3A_456 = vector.broadcast %broadcast_in_dim3A_455 : i32 to vector<16xi32>
        %shift_right_logical3A_457 = arith.shrui %get3A_454, %broadcast_in_dim3A_456 : vector<16xi32>
        %and3A_458 = arith.constant 255 : i32
        %and3A_459 = vector.broadcast %and3A_458 : i32 to vector<16xi32>
        %and3A_460 = arith.andi %shift_right_logical3A_457, %and3A_459 : vector<16xi32>
        %broadcast_in_dim3A_461 = arith.constant 24 : i32
        %broadcast_in_dim3A_462 = vector.broadcast %broadcast_in_dim3A_461 : i32 to vector<16xi32>
        %shift_right_logical3A_463 = arith.shrui %get3A_454, %broadcast_in_dim3A_462 : vector<16xi32>
        %eq3A_464 = vector.broadcast %shift_right_logical3A_306 : i32 to vector<16xi32>
        %eq3A_465 = arith.cmpi eq, %shift_right_logical3A_463, %eq3A_464 : vector<16xi32>
        tpu.vector_store_idx %arg6[%and3A_460], %broadcast_in_dim3A_9 masked %eq3A_465 {add = true} : memref<256xi32, #tpu.memory_space<vmem>>[vector<16xi32>], vector<16xi32>, vector<16xi1>
        %scan3A_466 = arith.constant 1 : i32
        %scan3A_467 = arith.addi %scan3A_452, %scan3A_466 : i32
        %mul3A_468 = arith.constant 16 : i32
        %mul3A_469 = arith.muli %scan3A_467, %mul3A_468 : i32
        %get3A_470 = arith.index_cast %mul3A_469 : i32 to index
        %get3A_471 = tpu.vector_load %arg5[%get3A_470] {strides = array<i32>} : memref<4096xi32, #tpu.memory_space<vmem>>, vector<16xi32>,
        %broadcast_in_dim3A_472 = arith.constant 16 : i32
        %broadcast_in_dim3A_473 = vector.broadcast %broadcast_in_dim3A_472 : i32 to vector<16xi32>
        %shift_right_logical3A_474 = arith.shrui %get3A_471, %broadcast_in_dim3A_473 : vector<16xi32>
        %and3A_475 = arith.constant 255 : i32
        %and3A_476 = vector.broadcast %and3A_475 : i32 to vector<16xi32>
        %and3A_477 = arith.andi %shift_right_logical3A_474, %and3A_476 : vector<16xi32>
        %broadcast_in_dim3A_478 = arith.constant 24 : i32
        %broadcast_in_dim3A_479 = vector.broadcast %broadcast_in_dim3A_478 : i32 to vector<16xi32>
        %shift_right_logical3A_480 = arith.shrui %get3A_471, %broadcast_in_dim3A_479 : vector<16xi32>
        %eq3A_481 = vector.broadcast %shift_right_logical3A_306 : i32 to vector<16xi32>
        %eq3A_482 = arith.cmpi eq, %shift_right_logical3A_480, %eq3A_481 : vector<16xi32>
        tpu.vector_store_idx %arg6[%and3A_477], %broadcast_in_dim3A_9 masked %eq3A_482 {add = true} : memref<256xi32, #tpu.memory_space<vmem>>[vector<16xi32>], vector<16xi32>, vector<16xi1>
        %scan3A_483 = arith.constant 2 : i32
        %scan3A_484 = arith.addi %scan3A_452, %scan3A_483 : i32
        %mul3A_485 = arith.constant 16 : i32
        %mul3A_486 = arith.muli %scan3A_484, %mul3A_485 : i32
        %get3A_487 = arith.index_cast %mul3A_486 : i32 to index
        %get3A_488 = tpu.vector_load %arg5[%get3A_487] {strides = array<i32>} : memref<4096xi32, #tpu.memory_space<vmem>>, vector<16xi32>,
        %broadcast_in_dim3A_489 = arith.constant 16 : i32
        %broadcast_in_dim3A_490 = vector.broadcast %broadcast_in_dim3A_489 : i32 to vector<16xi32>
        %shift_right_logical3A_491 = arith.shrui %get3A_488, %broadcast_in_dim3A_490 : vector<16xi32>
        %and3A_492 = arith.constant 255 : i32
        %and3A_493 = vector.broadcast %and3A_492 : i32 to vector<16xi32>
        %and3A_494 = arith.andi %shift_right_logical3A_491, %and3A_493 : vector<16xi32>
        %broadcast_in_dim3A_495 = arith.constant 24 : i32
        %broadcast_in_dim3A_496 = vector.broadcast %broadcast_in_dim3A_495 : i32 to vector<16xi32>
        %shift_right_logical3A_497 = arith.shrui %get3A_488, %broadcast_in_dim3A_496 : vector<16xi32>
        %eq3A_498 = vector.broadcast %shift_right_logical3A_306 : i32 to vector<16xi32>
        %eq3A_499 = arith.cmpi eq, %shift_right_logical3A_497, %eq3A_498 : vector<16xi32>
        tpu.vector_store_idx %arg6[%and3A_494], %broadcast_in_dim3A_9 masked %eq3A_499 {add = true} : memref<256xi32, #tpu.memory_space<vmem>>[vector<16xi32>], vector<16xi32>, vector<16xi1>
        %scan3A_500 = arith.constant 3 : i32
        %scan3A_501 = arith.addi %scan3A_452, %scan3A_500 : i32
        %mul3A_502 = arith.constant 16 : i32
        %mul3A_503 = arith.muli %scan3A_501, %mul3A_502 : i32
        %get3A_504 = arith.index_cast %mul3A_503 : i32 to index
        %get3A_505 = tpu.vector_load %arg5[%get3A_504] {strides = array<i32>} : memref<4096xi32, #tpu.memory_space<vmem>>, vector<16xi32>,
        %broadcast_in_dim3A_506 = arith.constant 16 : i32
        %broadcast_in_dim3A_507 = vector.broadcast %broadcast_in_dim3A_506 : i32 to vector<16xi32>
        %shift_right_logical3A_508 = arith.shrui %get3A_505, %broadcast_in_dim3A_507 : vector<16xi32>
        %and3A_509 = arith.constant 255 : i32
        %and3A_510 = vector.broadcast %and3A_509 : i32 to vector<16xi32>
        %and3A_511 = arith.andi %shift_right_logical3A_508, %and3A_510 : vector<16xi32>
        %broadcast_in_dim3A_512 = arith.constant 24 : i32
        %broadcast_in_dim3A_513 = vector.broadcast %broadcast_in_dim3A_512 : i32 to vector<16xi32>
        %shift_right_logical3A_514 = arith.shrui %get3A_505, %broadcast_in_dim3A_513 : vector<16xi32>
        %eq3A_515 = vector.broadcast %shift_right_logical3A_306 : i32 to vector<16xi32>
        %eq3A_516 = arith.cmpi eq, %shift_right_logical3A_514, %eq3A_515 : vector<16xi32>
        tpu.vector_store_idx %arg6[%and3A_511], %broadcast_in_dim3A_9 masked %eq3A_516 {add = true} : memref<256xi32, #tpu.memory_space<vmem>>[vector<16xi32>], vector<16xi32>, vector<16xi1>
        %scan3A_517 = arith.constant 4 : i32
        %scan3A_518 = arith.addi %scan3A_452, %scan3A_517 : i32
        %mul3A_519 = arith.constant 16 : i32
        %mul3A_520 = arith.muli %scan3A_518, %mul3A_519 : i32
        %get3A_521 = arith.index_cast %mul3A_520 : i32 to index
        %get3A_522 = tpu.vector_load %arg5[%get3A_521] {strides = array<i32>} : memref<4096xi32, #tpu.memory_space<vmem>>, vector<16xi32>,
        %broadcast_in_dim3A_523 = arith.constant 16 : i32
        %broadcast_in_dim3A_524 = vector.broadcast %broadcast_in_dim3A_523 : i32 to vector<16xi32>
        %shift_right_logical3A_525 = arith.shrui %get3A_522, %broadcast_in_dim3A_524 : vector<16xi32>
        %and3A_526 = arith.constant 255 : i32
        %and3A_527 = vector.broadcast %and3A_526 : i32 to vector<16xi32>
        %and3A_528 = arith.andi %shift_right_logical3A_525, %and3A_527 : vector<16xi32>
        %broadcast_in_dim3A_529 = arith.constant 24 : i32
        %broadcast_in_dim3A_530 = vector.broadcast %broadcast_in_dim3A_529 : i32 to vector<16xi32>
        %shift_right_logical3A_531 = arith.shrui %get3A_522, %broadcast_in_dim3A_530 : vector<16xi32>
        %eq3A_532 = vector.broadcast %shift_right_logical3A_306 : i32 to vector<16xi32>
        %eq3A_533 = arith.cmpi eq, %shift_right_logical3A_531, %eq3A_532 : vector<16xi32>
        tpu.vector_store_idx %arg6[%and3A_528], %broadcast_in_dim3A_9 masked %eq3A_533 {add = true} : memref<256xi32, #tpu.memory_space<vmem>>[vector<16xi32>], vector<16xi32>, vector<16xi1>
        %scan3A_534 = arith.constant 5 : i32
        %scan3A_535 = arith.addi %scan3A_452, %scan3A_534 : i32
        %mul3A_536 = arith.constant 16 : i32
        %mul3A_537 = arith.muli %scan3A_535, %mul3A_536 : i32
        %get3A_538 = arith.index_cast %mul3A_537 : i32 to index
        %get3A_539 = tpu.vector_load %arg5[%get3A_538] {strides = array<i32>} : memref<4096xi32, #tpu.memory_space<vmem>>, vector<16xi32>,
        %broadcast_in_dim3A_540 = arith.constant 16 : i32
        %broadcast_in_dim3A_541 = vector.broadcast %broadcast_in_dim3A_540 : i32 to vector<16xi32>
        %shift_right_logical3A_542 = arith.shrui %get3A_539, %broadcast_in_dim3A_541 : vector<16xi32>
        %and3A_543 = arith.constant 255 : i32
        %and3A_544 = vector.broadcast %and3A_543 : i32 to vector<16xi32>
        %and3A_545 = arith.andi %shift_right_logical3A_542, %and3A_544 : vector<16xi32>
        %broadcast_in_dim3A_546 = arith.constant 24 : i32
        %broadcast_in_dim3A_547 = vector.broadcast %broadcast_in_dim3A_546 : i32 to vector<16xi32>
        %shift_right_logical3A_548 = arith.shrui %get3A_539, %broadcast_in_dim3A_547 : vector<16xi32>
        %eq3A_549 = vector.broadcast %shift_right_logical3A_306 : i32 to vector<16xi32>
        %eq3A_550 = arith.cmpi eq, %shift_right_logical3A_548, %eq3A_549 : vector<16xi32>
        tpu.vector_store_idx %arg6[%and3A_545], %broadcast_in_dim3A_9 masked %eq3A_550 {add = true} : memref<256xi32, #tpu.memory_space<vmem>>[vector<16xi32>], vector<16xi32>, vector<16xi1>
        %scan3A_551 = arith.constant 6 : i32
        %scan3A_552 = arith.addi %scan3A_452, %scan3A_551 : i32
        %mul3A_553 = arith.constant 16 : i32
        %mul3A_554 = arith.muli %scan3A_552, %mul3A_553 : i32
        %get3A_555 = arith.index_cast %mul3A_554 : i32 to index
        %get3A_556 = tpu.vector_load %arg5[%get3A_555] {strides = array<i32>} : memref<4096xi32, #tpu.memory_space<vmem>>, vector<16xi32>,
        %broadcast_in_dim3A_557 = arith.constant 16 : i32
        %broadcast_in_dim3A_558 = vector.broadcast %broadcast_in_dim3A_557 : i32 to vector<16xi32>
        %shift_right_logical3A_559 = arith.shrui %get3A_556, %broadcast_in_dim3A_558 : vector<16xi32>
        %and3A_560 = arith.constant 255 : i32
        %and3A_561 = vector.broadcast %and3A_560 : i32 to vector<16xi32>
        %and3A_562 = arith.andi %shift_right_logical3A_559, %and3A_561 : vector<16xi32>
        %broadcast_in_dim3A_563 = arith.constant 24 : i32
        %broadcast_in_dim3A_564 = vector.broadcast %broadcast_in_dim3A_563 : i32 to vector<16xi32>
        %shift_right_logical3A_565 = arith.shrui %get3A_556, %broadcast_in_dim3A_564 : vector<16xi32>
        %eq3A_566 = vector.broadcast %shift_right_logical3A_306 : i32 to vector<16xi32>
        %eq3A_567 = arith.cmpi eq, %shift_right_logical3A_565, %eq3A_566 : vector<16xi32>
        tpu.vector_store_idx %arg6[%and3A_562], %broadcast_in_dim3A_9 masked %eq3A_567 {add = true} : memref<256xi32, #tpu.memory_space<vmem>>[vector<16xi32>], vector<16xi32>, vector<16xi1>
        %scan3A_568 = arith.constant 7 : i32
        %scan3A_569 = arith.addi %scan3A_452, %scan3A_568 : i32
        %mul3A_570 = arith.constant 16 : i32
        %mul3A_571 = arith.muli %scan3A_569, %mul3A_570 : i32
        %get3A_572 = arith.index_cast %mul3A_571 : i32 to index
        %get3A_573 = tpu.vector_load %arg5[%get3A_572] {strides = array<i32>} : memref<4096xi32, #tpu.memory_space<vmem>>, vector<16xi32>,
        %broadcast_in_dim3A_574 = arith.constant 16 : i32
        %broadcast_in_dim3A_575 = vector.broadcast %broadcast_in_dim3A_574 : i32 to vector<16xi32>
        %shift_right_logical3A_576 = arith.shrui %get3A_573, %broadcast_in_dim3A_575 : vector<16xi32>
        %and3A_577 = arith.constant 255 : i32
        %and3A_578 = vector.broadcast %and3A_577 : i32 to vector<16xi32>
        %and3A_579 = arith.andi %shift_right_logical3A_576, %and3A_578 : vector<16xi32>
        %broadcast_in_dim3A_580 = arith.constant 24 : i32
        %broadcast_in_dim3A_581 = vector.broadcast %broadcast_in_dim3A_580 : i32 to vector<16xi32>
        %shift_right_logical3A_582 = arith.shrui %get3A_573, %broadcast_in_dim3A_581 : vector<16xi32>
        %eq3A_583 = vector.broadcast %shift_right_logical3A_306 : i32 to vector<16xi32>
        %eq3A_584 = arith.cmpi eq, %shift_right_logical3A_582, %eq3A_583 : vector<16xi32>
        tpu.vector_store_idx %arg6[%and3A_579], %broadcast_in_dim3A_9 masked %eq3A_584 {add = true} : memref<256xi32, #tpu.memory_space<vmem>>[vector<16xi32>], vector<16xi32>, vector<16xi1>
      }
      %scan3A_312 = arith.constant 256 : i32
      %scan3A_313 = arith.constant 2730 : i32
      %scan3A_314 = arith.constant 0 : i32
      %scan3A_315 = arith.constant 0 : i32
      %scan3A_316 = arith.constant 0 : i32
      %scan3A_317 = arith.constant 0 : i32
      %scan3A_318 = arith.constant 16 : i32
      %scan3A_319 = arith.addi %scan3A_317, %scan3A_318 : i32
      %scan3A_320 = arith.constant 1 : i32
      %scan3A_321:4 = scf.for %scan3A_452 = %scan3A_317 to %scan3A_319 step %scan3A_320 iter_args(%scan3A_453 = %scan3A_267#3, %scan3A_454 = %scan3A_314, %scan3A_455 = %scan3A_315, %scan3A_456 = %scan3A_316) -> (i32, i32, i32, i32)  : i32 {
        %mul3A = arith.constant 16 : i32
        %mul3A_457 = arith.muli %scan3A_452, %mul3A : i32
        %get3A = arith.index_cast %mul3A_457 : i32 to index
        %get3A_458 = tpu.vector_load %arg6[%get3A] {strides = array<i32>} : memref<256xi32, #tpu.memory_space<vmem>>, vector<16xi32>,
        %broadcast_in_dim3A_459 = arith.constant true
        %broadcast_in_dim3A_460 = vector.broadcast %broadcast_in_dim3A_459 : i1 to vector<16xi1>
        %masked_cumsum3A = tpu.scan <sum>, %get3A_458 masked %broadcast_in_dim3A_460 : vector<16xi32>, vector<16xi1> -> vector<16xi32>
        %add3A = vector.broadcast %scan3A_453 : i32 to vector<16xi32>
        %add3A_461 = arith.addi %masked_cumsum3A, %add3A : vector<16xi32>
        %reduce_sum3A = arith.constant true
        %reduce_sum3A_462 = vector.broadcast %reduce_sum3A : i1 to vector<16xi1>
        %reduce_sum3A_463 = tpu.scan <sum>, %get3A_458 masked %reduce_sum3A_462 : vector<16xi32>, vector<16xi1> -> vector<16xi32>
        %reduce_sum3A_464 = vector.extract %reduce_sum3A_463[15] : i32 from vector<16xi32>
        %eq3A_465 = arith.constant 0 : i32
        %eq3A_466 = arith.cmpi eq, %scan3A_454, %eq3A_465 : i32
        %add3A_467 = arith.addi %scan3A_453, %reduce_sum3A_464 : i32
        %gt3A = arith.cmpi sgt, %add3A_467, %scan3A_313 : i32
        %and3A_468 = arith.andi %eq3A_466, %gt3A : i1
        %gt3A_469 = vector.broadcast %scan3A_313 : i32 to vector<16xi32>
        %gt3A_470 = arith.cmpi sgt, %add3A_461, %gt3A_469 : vector<16xi32>
        %jit3A_471 = arith.constant 16 : i32
        %broadcast_in_dim3A_472 = vector.broadcast %jit3A_471 : i32 to vector<16xi32>
        %select_n3A_473 = arith.select %gt3A_470, %iota3A, %broadcast_in_dim3A_472 : vector<16xi1>, vector<16xi32>
        %reduce_min3A = arith.constant true
        %reduce_min3A_474 = vector.broadcast %reduce_min3A : i1 to vector<16xi1>
        %reduce_min3A_475 = arith.constant -2147483648 : i32
        %reduce_min3A_476 = vector.broadcast %reduce_min3A_475 : i32 to vector<16xi32>
        %reduce_min3A_477 = arith.xori %select_n3A_473, %reduce_min3A_476 : vector<16xi32>
        %reduce_min3A_478 = tpu.scan <min>, %reduce_min3A_477 masked %reduce_min3A_474 : vector<16xi32>, vector<16xi1> -> vector<16xi32>
        %reduce_min3A_479 = arith.xori %reduce_min3A_478, %reduce_min3A_476 : vector<16xi32>
        %reduce_min3A_480 = vector.extract %reduce_min3A_479[15] : i32 from vector<16xi32>
        %lt3A = vector.broadcast %reduce_min3A_480 : i32 to vector<16xi32>
        %lt3A_481 = arith.cmpi slt, %iota3A, %lt3A : vector<16xi32>
        %jit3A_482 = arith.constant 0 : i32
        %broadcast_in_dim3A_483 = vector.broadcast %jit3A_482 : i32 to vector<16xi32>
        %select_n3A_484 = arith.select %lt3A_481, %get3A_458, %broadcast_in_dim3A_483 : vector<16xi1>, vector<16xi32>
        %reduce_sum3A_485 = arith.constant true
        %reduce_sum3A_486 = vector.broadcast %reduce_sum3A_485 : i1 to vector<16xi1>
        %reduce_sum3A_487 = tpu.scan <sum>, %select_n3A_484 masked %reduce_sum3A_486 : vector<16xi32>, vector<16xi1> -> vector<16xi32>
        %reduce_sum3A_488 = vector.extract %reduce_sum3A_487[15] : i32 from vector<16xi32>
        %mul3A_489 = arith.constant 16 : i32
        %mul3A_490 = arith.muli %scan3A_452, %mul3A_489 : i32
        %add3A_491 = arith.addi %mul3A_490, %reduce_min3A_480 : i32
        %select_n3A_492 = arith.select %and3A_468, %add3A_491, %scan3A_455 : i32
        %add3A_493 = arith.addi %scan3A_453, %reduce_sum3A_488 : i32
        %select_n3A_494 = arith.select %and3A_468, %add3A_493, %scan3A_456 : i32
        %jit3A_495 = arith.constant 1 : i32
        %select_n3A_496 = arith.select %and3A_468, %jit3A_495, %scan3A_454 : i32
        %add3A_497 = arith.addi %scan3A_453, %reduce_sum3A_464 : i32
        scf.yield %add3A_497, %select_n3A_496, %select_n3A_492, %select_n3A_494 : i32, i32, i32, i32
      }
      %scan3A_322 = arith.constant 16 : i32
      %shift_left3A_323 = arith.constant 16 : i32
      %shift_left3A_324 = arith.shli %scan3A_321#2, %shift_left3A_323 : i32
      %or3A_325 = arith.ori %or3A_272, %shift_left3A_324 : i32
      %swap3A_326 = arith.constant 0 : index
      %swap3A_327 = tpu.vector_load %arg6[%swap3A_326] {strides = array<i32>} : memref<256xi32, #tpu.memory_space<vmem>>, vector<16xi32>,
      tpu.vector_store %arg6[%swap3A_326], %broadcast_in_dim3A_11 {strides = array<i32>} : memref<256xi32, #tpu.memory_space<vmem>>, vector<16xi32>,
      %swap3A_328 = arith.constant 16 : index
      %swap3A_329 = tpu.vector_load %arg6[%swap3A_328] {strides = array<i32>} : memref<256xi32, #tpu.memory_space<vmem>>, vector<16xi32>,
      tpu.vector_store %arg6[%swap3A_328], %broadcast_in_dim3A_11 {strides = array<i32>} : memref<256xi32, #tpu.memory_space<vmem>>, vector<16xi32>,
      %swap3A_330 = arith.constant 32 : index
      %swap3A_331 = tpu.vector_load %arg6[%swap3A_330] {strides = array<i32>} : memref<256xi32, #tpu.memory_space<vmem>>, vector<16xi32>,
      tpu.vector_store %arg6[%swap3A_330], %broadcast_in_dim3A_11 {strides = array<i32>} : memref<256xi32, #tpu.memory_space<vmem>>, vector<16xi32>,
      %swap3A_332 = arith.constant 48 : index
      %swap3A_333 = tpu.vector_load %arg6[%swap3A_332] {strides = array<i32>} : memref<256xi32, #tpu.memory_space<vmem>>, vector<16xi32>,
      tpu.vector_store %arg6[%swap3A_332], %broadcast_in_dim3A_11 {strides = array<i32>} : memref<256xi32, #tpu.memory_space<vmem>>, vector<16xi32>,
      %swap3A_334 = arith.constant 64 : index
      %swap3A_335 = tpu.vector_load %arg6[%swap3A_334] {strides = array<i32>} : memref<256xi32, #tpu.memory_space<vmem>>, vector<16xi32>,
      tpu.vector_store %arg6[%swap3A_334], %broadcast_in_dim3A_11 {strides = array<i32>} : memref<256xi32, #tpu.memory_space<vmem>>, vector<16xi32>,
      %swap3A_336 = arith.constant 80 : index
      %swap3A_337 = tpu.vector_load %arg6[%swap3A_336] {strides = array<i32>} : memref<256xi32, #tpu.memory_space<vmem>>, vector<16xi32>,
      tpu.vector_store %arg6[%swap3A_336], %broadcast_in_dim3A_11 {strides = array<i32>} : memref<256xi32, #tpu.memory_space<vmem>>, vector<16xi32>,
      %swap3A_338 = arith.constant 96 : index
      %swap3A_339 = tpu.vector_load %arg6[%swap3A_338] {strides = array<i32>} : memref<256xi32, #tpu.memory_space<vmem>>, vector<16xi32>,
      tpu.vector_store %arg6[%swap3A_338], %broadcast_in_dim3A_11 {strides = array<i32>} : memref<256xi32, #tpu.memory_space<vmem>>, vector<16xi32>,
      %swap3A_340 = arith.constant 112 : index
      %swap3A_341 = tpu.vector_load %arg6[%swap3A_340] {strides = array<i32>} : memref<256xi32, #tpu.memory_space<vmem>>, vector<16xi32>,
      tpu.vector_store %arg6[%swap3A_340], %broadcast_in_dim3A_11 {strides = array<i32>} : memref<256xi32, #tpu.memory_space<vmem>>, vector<16xi32>,
      %swap3A_342 = arith.constant 128 : index
      %swap3A_343 = tpu.vector_load %arg6[%swap3A_342] {strides = array<i32>} : memref<256xi32, #tpu.memory_space<vmem>>, vector<16xi32>,
      tpu.vector_store %arg6[%swap3A_342], %broadcast_in_dim3A_11 {strides = array<i32>} : memref<256xi32, #tpu.memory_space<vmem>>, vector<16xi32>,
      %swap3A_344 = arith.constant 144 : index
      %swap3A_345 = tpu.vector_load %arg6[%swap3A_344] {strides = array<i32>} : memref<256xi32, #tpu.memory_space<vmem>>, vector<16xi32>,
      tpu.vector_store %arg6[%swap3A_344], %broadcast_in_dim3A_11 {strides = array<i32>} : memref<256xi32, #tpu.memory_space<vmem>>, vector<16xi32>,
      %swap3A_346 = arith.constant 160 : index
      %swap3A_347 = tpu.vector_load %arg6[%swap3A_346] {strides = array<i32>} : memref<256xi32, #tpu.memory_space<vmem>>, vector<16xi32>,
      tpu.vector_store %arg6[%swap3A_346], %broadcast_in_dim3A_11 {strides = array<i32>} : memref<256xi32, #tpu.memory_space<vmem>>, vector<16xi32>,
      %swap3A_348 = arith.constant 176 : index
      %swap3A_349 = tpu.vector_load %arg6[%swap3A_348] {strides = array<i32>} : memref<256xi32, #tpu.memory_space<vmem>>, vector<16xi32>,
      tpu.vector_store %arg6[%swap3A_348], %broadcast_in_dim3A_11 {strides = array<i32>} : memref<256xi32, #tpu.memory_space<vmem>>, vector<16xi32>,
      %swap3A_350 = arith.constant 192 : index
      %swap3A_351 = tpu.vector_load %arg6[%swap3A_350] {strides = array<i32>} : memref<256xi32, #tpu.memory_space<vmem>>, vector<16xi32>,
      tpu.vector_store %arg6[%swap3A_350], %broadcast_in_dim3A_11 {strides = array<i32>} : memref<256xi32, #tpu.memory_space<vmem>>, vector<16xi32>,
      %swap3A_352 = arith.constant 208 : index
      %swap3A_353 = tpu.vector_load %arg6[%swap3A_352] {strides = array<i32>} : memref<256xi32, #tpu.memory_space<vmem>>, vector<16xi32>,
      tpu.vector_store %arg6[%swap3A_352], %broadcast_in_dim3A_11 {strides = array<i32>} : memref<256xi32, #tpu.memory_space<vmem>>, vector<16xi32>,
      %swap3A_354 = arith.constant 224 : index
      %swap3A_355 = tpu.vector_load %arg6[%swap3A_354] {strides = array<i32>} : memref<256xi32, #tpu.memory_space<vmem>>, vector<16xi32>,
      tpu.vector_store %arg6[%swap3A_354], %broadcast_in_dim3A_11 {strides = array<i32>} : memref<256xi32, #tpu.memory_space<vmem>>, vector<16xi32>,
      %swap3A_356 = arith.constant 240 : index
      %swap3A_357 = tpu.vector_load %arg6[%swap3A_356] {strides = array<i32>} : memref<256xi32, #tpu.memory_space<vmem>>, vector<16xi32>,
      tpu.vector_store %arg6[%swap3A_356], %broadcast_in_dim3A_11 {strides = array<i32>} : memref<256xi32, #tpu.memory_space<vmem>>, vector<16xi32>,
      %shift_right_logical3A_358 = arith.constant 16 : i32
      %shift_right_logical3A_359 = arith.shrui %or3A_325, %shift_right_logical3A_358 : i32
      %scan3A_360 = arith.constant 0 : i32
      %scan3A_361 = arith.constant 0 : i32
      %scan3A_362 = arith.constant 256 : i32
      %scan3A_363 = arith.addi %scan3A_361, %scan3A_362 : i32
      %scan3A_364 = arith.constant 8 : i32
      scf.for %scan3A_452 = %scan3A_361 to %scan3A_363 step %scan3A_364  : i32 {
        %mul3A = arith.constant 16 : i32
        %mul3A_453 = arith.muli %scan3A_452, %mul3A : i32
        %get3A = arith.index_cast %mul3A_453 : i32 to index
        %get3A_454 = tpu.vector_load %arg5[%get3A] {strides = array<i32>} : memref<4096xi32, #tpu.memory_space<vmem>>, vector<16xi32>,
        %broadcast_in_dim3A_455 = arith.constant 8 : i32
        %broadcast_in_dim3A_456 = vector.broadcast %broadcast_in_dim3A_455 : i32 to vector<16xi32>
        %shift_right_logical3A_457 = arith.shrui %get3A_454, %broadcast_in_dim3A_456 : vector<16xi32>
        %and3A_458 = arith.constant 255 : i32
        %and3A_459 = vector.broadcast %and3A_458 : i32 to vector<16xi32>
        %and3A_460 = arith.andi %shift_right_logical3A_457, %and3A_459 : vector<16xi32>
        %broadcast_in_dim3A_461 = arith.constant 16 : i32
        %broadcast_in_dim3A_462 = vector.broadcast %broadcast_in_dim3A_461 : i32 to vector<16xi32>
        %shift_right_logical3A_463 = arith.shrui %get3A_454, %broadcast_in_dim3A_462 : vector<16xi32>
        %eq3A_464 = vector.broadcast %shift_right_logical3A_359 : i32 to vector<16xi32>
        %eq3A_465 = arith.cmpi eq, %shift_right_logical3A_463, %eq3A_464 : vector<16xi32>
        tpu.vector_store_idx %arg6[%and3A_460], %broadcast_in_dim3A_9 masked %eq3A_465 {add = true} : memref<256xi32, #tpu.memory_space<vmem>>[vector<16xi32>], vector<16xi32>, vector<16xi1>
        %scan3A_466 = arith.constant 1 : i32
        %scan3A_467 = arith.addi %scan3A_452, %scan3A_466 : i32
        %mul3A_468 = arith.constant 16 : i32
        %mul3A_469 = arith.muli %scan3A_467, %mul3A_468 : i32
        %get3A_470 = arith.index_cast %mul3A_469 : i32 to index
        %get3A_471 = tpu.vector_load %arg5[%get3A_470] {strides = array<i32>} : memref<4096xi32, #tpu.memory_space<vmem>>, vector<16xi32>,
        %broadcast_in_dim3A_472 = arith.constant 8 : i32
        %broadcast_in_dim3A_473 = vector.broadcast %broadcast_in_dim3A_472 : i32 to vector<16xi32>
        %shift_right_logical3A_474 = arith.shrui %get3A_471, %broadcast_in_dim3A_473 : vector<16xi32>
        %and3A_475 = arith.constant 255 : i32
        %and3A_476 = vector.broadcast %and3A_475 : i32 to vector<16xi32>
        %and3A_477 = arith.andi %shift_right_logical3A_474, %and3A_476 : vector<16xi32>
        %broadcast_in_dim3A_478 = arith.constant 16 : i32
        %broadcast_in_dim3A_479 = vector.broadcast %broadcast_in_dim3A_478 : i32 to vector<16xi32>
        %shift_right_logical3A_480 = arith.shrui %get3A_471, %broadcast_in_dim3A_479 : vector<16xi32>
        %eq3A_481 = vector.broadcast %shift_right_logical3A_359 : i32 to vector<16xi32>
        %eq3A_482 = arith.cmpi eq, %shift_right_logical3A_480, %eq3A_481 : vector<16xi32>
        tpu.vector_store_idx %arg6[%and3A_477], %broadcast_in_dim3A_9 masked %eq3A_482 {add = true} : memref<256xi32, #tpu.memory_space<vmem>>[vector<16xi32>], vector<16xi32>, vector<16xi1>
        %scan3A_483 = arith.constant 2 : i32
        %scan3A_484 = arith.addi %scan3A_452, %scan3A_483 : i32
        %mul3A_485 = arith.constant 16 : i32
        %mul3A_486 = arith.muli %scan3A_484, %mul3A_485 : i32
        %get3A_487 = arith.index_cast %mul3A_486 : i32 to index
        %get3A_488 = tpu.vector_load %arg5[%get3A_487] {strides = array<i32>} : memref<4096xi32, #tpu.memory_space<vmem>>, vector<16xi32>,
        %broadcast_in_dim3A_489 = arith.constant 8 : i32
        %broadcast_in_dim3A_490 = vector.broadcast %broadcast_in_dim3A_489 : i32 to vector<16xi32>
        %shift_right_logical3A_491 = arith.shrui %get3A_488, %broadcast_in_dim3A_490 : vector<16xi32>
        %and3A_492 = arith.constant 255 : i32
        %and3A_493 = vector.broadcast %and3A_492 : i32 to vector<16xi32>
        %and3A_494 = arith.andi %shift_right_logical3A_491, %and3A_493 : vector<16xi32>
        %broadcast_in_dim3A_495 = arith.constant 16 : i32
        %broadcast_in_dim3A_496 = vector.broadcast %broadcast_in_dim3A_495 : i32 to vector<16xi32>
        %shift_right_logical3A_497 = arith.shrui %get3A_488, %broadcast_in_dim3A_496 : vector<16xi32>
        %eq3A_498 = vector.broadcast %shift_right_logical3A_359 : i32 to vector<16xi32>
        %eq3A_499 = arith.cmpi eq, %shift_right_logical3A_497, %eq3A_498 : vector<16xi32>
        tpu.vector_store_idx %arg6[%and3A_494], %broadcast_in_dim3A_9 masked %eq3A_499 {add = true} : memref<256xi32, #tpu.memory_space<vmem>>[vector<16xi32>], vector<16xi32>, vector<16xi1>
        %scan3A_500 = arith.constant 3 : i32
        %scan3A_501 = arith.addi %scan3A_452, %scan3A_500 : i32
        %mul3A_502 = arith.constant 16 : i32
        %mul3A_503 = arith.muli %scan3A_501, %mul3A_502 : i32
        %get3A_504 = arith.index_cast %mul3A_503 : i32 to index
        %get3A_505 = tpu.vector_load %arg5[%get3A_504] {strides = array<i32>} : memref<4096xi32, #tpu.memory_space<vmem>>, vector<16xi32>,
        %broadcast_in_dim3A_506 = arith.constant 8 : i32
        %broadcast_in_dim3A_507 = vector.broadcast %broadcast_in_dim3A_506 : i32 to vector<16xi32>
        %shift_right_logical3A_508 = arith.shrui %get3A_505, %broadcast_in_dim3A_507 : vector<16xi32>
        %and3A_509 = arith.constant 255 : i32
        %and3A_510 = vector.broadcast %and3A_509 : i32 to vector<16xi32>
        %and3A_511 = arith.andi %shift_right_logical3A_508, %and3A_510 : vector<16xi32>
        %broadcast_in_dim3A_512 = arith.constant 16 : i32
        %broadcast_in_dim3A_513 = vector.broadcast %broadcast_in_dim3A_512 : i32 to vector<16xi32>
        %shift_right_logical3A_514 = arith.shrui %get3A_505, %broadcast_in_dim3A_513 : vector<16xi32>
        %eq3A_515 = vector.broadcast %shift_right_logical3A_359 : i32 to vector<16xi32>
        %eq3A_516 = arith.cmpi eq, %shift_right_logical3A_514, %eq3A_515 : vector<16xi32>
        tpu.vector_store_idx %arg6[%and3A_511], %broadcast_in_dim3A_9 masked %eq3A_516 {add = true} : memref<256xi32, #tpu.memory_space<vmem>>[vector<16xi32>], vector<16xi32>, vector<16xi1>
        %scan3A_517 = arith.constant 4 : i32
        %scan3A_518 = arith.addi %scan3A_452, %scan3A_517 : i32
        %mul3A_519 = arith.constant 16 : i32
        %mul3A_520 = arith.muli %scan3A_518, %mul3A_519 : i32
        %get3A_521 = arith.index_cast %mul3A_520 : i32 to index
        %get3A_522 = tpu.vector_load %arg5[%get3A_521] {strides = array<i32>} : memref<4096xi32, #tpu.memory_space<vmem>>, vector<16xi32>,
        %broadcast_in_dim3A_523 = arith.constant 8 : i32
        %broadcast_in_dim3A_524 = vector.broadcast %broadcast_in_dim3A_523 : i32 to vector<16xi32>
        %shift_right_logical3A_525 = arith.shrui %get3A_522, %broadcast_in_dim3A_524 : vector<16xi32>
        %and3A_526 = arith.constant 255 : i32
        %and3A_527 = vector.broadcast %and3A_526 : i32 to vector<16xi32>
        %and3A_528 = arith.andi %shift_right_logical3A_525, %and3A_527 : vector<16xi32>
        %broadcast_in_dim3A_529 = arith.constant 16 : i32
        %broadcast_in_dim3A_530 = vector.broadcast %broadcast_in_dim3A_529 : i32 to vector<16xi32>
        %shift_right_logical3A_531 = arith.shrui %get3A_522, %broadcast_in_dim3A_530 : vector<16xi32>
        %eq3A_532 = vector.broadcast %shift_right_logical3A_359 : i32 to vector<16xi32>
        %eq3A_533 = arith.cmpi eq, %shift_right_logical3A_531, %eq3A_532 : vector<16xi32>
        tpu.vector_store_idx %arg6[%and3A_528], %broadcast_in_dim3A_9 masked %eq3A_533 {add = true} : memref<256xi32, #tpu.memory_space<vmem>>[vector<16xi32>], vector<16xi32>, vector<16xi1>
        %scan3A_534 = arith.constant 5 : i32
        %scan3A_535 = arith.addi %scan3A_452, %scan3A_534 : i32
        %mul3A_536 = arith.constant 16 : i32
        %mul3A_537 = arith.muli %scan3A_535, %mul3A_536 : i32
        %get3A_538 = arith.index_cast %mul3A_537 : i32 to index
        %get3A_539 = tpu.vector_load %arg5[%get3A_538] {strides = array<i32>} : memref<4096xi32, #tpu.memory_space<vmem>>, vector<16xi32>,
        %broadcast_in_dim3A_540 = arith.constant 8 : i32
        %broadcast_in_dim3A_541 = vector.broadcast %broadcast_in_dim3A_540 : i32 to vector<16xi32>
        %shift_right_logical3A_542 = arith.shrui %get3A_539, %broadcast_in_dim3A_541 : vector<16xi32>
        %and3A_543 = arith.constant 255 : i32
        %and3A_544 = vector.broadcast %and3A_543 : i32 to vector<16xi32>
        %and3A_545 = arith.andi %shift_right_logical3A_542, %and3A_544 : vector<16xi32>
        %broadcast_in_dim3A_546 = arith.constant 16 : i32
        %broadcast_in_dim3A_547 = vector.broadcast %broadcast_in_dim3A_546 : i32 to vector<16xi32>
        %shift_right_logical3A_548 = arith.shrui %get3A_539, %broadcast_in_dim3A_547 : vector<16xi32>
        %eq3A_549 = vector.broadcast %shift_right_logical3A_359 : i32 to vector<16xi32>
        %eq3A_550 = arith.cmpi eq, %shift_right_logical3A_548, %eq3A_549 : vector<16xi32>
        tpu.vector_store_idx %arg6[%and3A_545], %broadcast_in_dim3A_9 masked %eq3A_550 {add = true} : memref<256xi32, #tpu.memory_space<vmem>>[vector<16xi32>], vector<16xi32>, vector<16xi1>
        %scan3A_551 = arith.constant 6 : i32
        %scan3A_552 = arith.addi %scan3A_452, %scan3A_551 : i32
        %mul3A_553 = arith.constant 16 : i32
        %mul3A_554 = arith.muli %scan3A_552, %mul3A_553 : i32
        %get3A_555 = arith.index_cast %mul3A_554 : i32 to index
        %get3A_556 = tpu.vector_load %arg5[%get3A_555] {strides = array<i32>} : memref<4096xi32, #tpu.memory_space<vmem>>, vector<16xi32>,
        %broadcast_in_dim3A_557 = arith.constant 8 : i32
        %broadcast_in_dim3A_558 = vector.broadcast %broadcast_in_dim3A_557 : i32 to vector<16xi32>
        %shift_right_logical3A_559 = arith.shrui %get3A_556, %broadcast_in_dim3A_558 : vector<16xi32>
        %and3A_560 = arith.constant 255 : i32
        %and3A_561 = vector.broadcast %and3A_560 : i32 to vector<16xi32>
        %and3A_562 = arith.andi %shift_right_logical3A_559, %and3A_561 : vector<16xi32>
        %broadcast_in_dim3A_563 = arith.constant 16 : i32
        %broadcast_in_dim3A_564 = vector.broadcast %broadcast_in_dim3A_563 : i32 to vector<16xi32>
        %shift_right_logical3A_565 = arith.shrui %get3A_556, %broadcast_in_dim3A_564 : vector<16xi32>
        %eq3A_566 = vector.broadcast %shift_right_logical3A_359 : i32 to vector<16xi32>
        %eq3A_567 = arith.cmpi eq, %shift_right_logical3A_565, %eq3A_566 : vector<16xi32>
        tpu.vector_store_idx %arg6[%and3A_562], %broadcast_in_dim3A_9 masked %eq3A_567 {add = true} : memref<256xi32, #tpu.memory_space<vmem>>[vector<16xi32>], vector<16xi32>, vector<16xi1>
        %scan3A_568 = arith.constant 7 : i32
        %scan3A_569 = arith.addi %scan3A_452, %scan3A_568 : i32
        %mul3A_570 = arith.constant 16 : i32
        %mul3A_571 = arith.muli %scan3A_569, %mul3A_570 : i32
        %get3A_572 = arith.index_cast %mul3A_571 : i32 to index
        %get3A_573 = tpu.vector_load %arg5[%get3A_572] {strides = array<i32>} : memref<4096xi32, #tpu.memory_space<vmem>>, vector<16xi32>,
        %broadcast_in_dim3A_574 = arith.constant 8 : i32
        %broadcast_in_dim3A_575 = vector.broadcast %broadcast_in_dim3A_574 : i32 to vector<16xi32>
        %shift_right_logical3A_576 = arith.shrui %get3A_573, %broadcast_in_dim3A_575 : vector<16xi32>
        %and3A_577 = arith.constant 255 : i32
        %and3A_578 = vector.broadcast %and3A_577 : i32 to vector<16xi32>
        %and3A_579 = arith.andi %shift_right_logical3A_576, %and3A_578 : vector<16xi32>
        %broadcast_in_dim3A_580 = arith.constant 16 : i32
        %broadcast_in_dim3A_581 = vector.broadcast %broadcast_in_dim3A_580 : i32 to vector<16xi32>
        %shift_right_logical3A_582 = arith.shrui %get3A_573, %broadcast_in_dim3A_581 : vector<16xi32>
        %eq3A_583 = vector.broadcast %shift_right_logical3A_359 : i32 to vector<16xi32>
        %eq3A_584 = arith.cmpi eq, %shift_right_logical3A_582, %eq3A_583 : vector<16xi32>
        tpu.vector_store_idx %arg6[%and3A_579], %broadcast_in_dim3A_9 masked %eq3A_584 {add = true} : memref<256xi32, #tpu.memory_space<vmem>>[vector<16xi32>], vector<16xi32>, vector<16xi1>
      }
      %scan3A_365 = arith.constant 256 : i32
      %scan3A_366 = arith.constant 2730 : i32
      %scan3A_367 = arith.constant 0 : i32
      %scan3A_368 = arith.constant 0 : i32
      %scan3A_369 = arith.constant 0 : i32
      %scan3A_370 = arith.constant 0 : i32
      %scan3A_371 = arith.constant 16 : i32
      %scan3A_372 = arith.addi %scan3A_370, %scan3A_371 : i32
      %scan3A_373 = arith.constant 1 : i32
      %scan3A_374:4 = scf.for %scan3A_452 = %scan3A_370 to %scan3A_372 step %scan3A_373 iter_args(%scan3A_453 = %scan3A_321#3, %scan3A_454 = %scan3A_367, %scan3A_455 = %scan3A_368, %scan3A_456 = %scan3A_369) -> (i32, i32, i32, i32)  : i32 {
        %mul3A = arith.constant 16 : i32
        %mul3A_457 = arith.muli %scan3A_452, %mul3A : i32
        %get3A = arith.index_cast %mul3A_457 : i32 to index
        %get3A_458 = tpu.vector_load %arg6[%get3A] {strides = array<i32>} : memref<256xi32, #tpu.memory_space<vmem>>, vector<16xi32>,
        %broadcast_in_dim3A_459 = arith.constant true
        %broadcast_in_dim3A_460 = vector.broadcast %broadcast_in_dim3A_459 : i1 to vector<16xi1>
        %masked_cumsum3A = tpu.scan <sum>, %get3A_458 masked %broadcast_in_dim3A_460 : vector<16xi32>, vector<16xi1> -> vector<16xi32>
        %add3A = vector.broadcast %scan3A_453 : i32 to vector<16xi32>
        %add3A_461 = arith.addi %masked_cumsum3A, %add3A : vector<16xi32>
        %reduce_sum3A = arith.constant true
        %reduce_sum3A_462 = vector.broadcast %reduce_sum3A : i1 to vector<16xi1>
        %reduce_sum3A_463 = tpu.scan <sum>, %get3A_458 masked %reduce_sum3A_462 : vector<16xi32>, vector<16xi1> -> vector<16xi32>
        %reduce_sum3A_464 = vector.extract %reduce_sum3A_463[15] : i32 from vector<16xi32>
        %eq3A_465 = arith.constant 0 : i32
        %eq3A_466 = arith.cmpi eq, %scan3A_454, %eq3A_465 : i32
        %add3A_467 = arith.addi %scan3A_453, %reduce_sum3A_464 : i32
        %gt3A = arith.cmpi sgt, %add3A_467, %scan3A_366 : i32
        %and3A_468 = arith.andi %eq3A_466, %gt3A : i1
        %gt3A_469 = vector.broadcast %scan3A_366 : i32 to vector<16xi32>
        %gt3A_470 = arith.cmpi sgt, %add3A_461, %gt3A_469 : vector<16xi32>
        %jit3A_471 = arith.constant 16 : i32
        %broadcast_in_dim3A_472 = vector.broadcast %jit3A_471 : i32 to vector<16xi32>
        %select_n3A_473 = arith.select %gt3A_470, %iota3A, %broadcast_in_dim3A_472 : vector<16xi1>, vector<16xi32>
        %reduce_min3A = arith.constant true
        %reduce_min3A_474 = vector.broadcast %reduce_min3A : i1 to vector<16xi1>
        %reduce_min3A_475 = arith.constant -2147483648 : i32
        %reduce_min3A_476 = vector.broadcast %reduce_min3A_475 : i32 to vector<16xi32>
        %reduce_min3A_477 = arith.xori %select_n3A_473, %reduce_min3A_476 : vector<16xi32>
        %reduce_min3A_478 = tpu.scan <min>, %reduce_min3A_477 masked %reduce_min3A_474 : vector<16xi32>, vector<16xi1> -> vector<16xi32>
        %reduce_min3A_479 = arith.xori %reduce_min3A_478, %reduce_min3A_476 : vector<16xi32>
        %reduce_min3A_480 = vector.extract %reduce_min3A_479[15] : i32 from vector<16xi32>
        %lt3A = vector.broadcast %reduce_min3A_480 : i32 to vector<16xi32>
        %lt3A_481 = arith.cmpi slt, %iota3A, %lt3A : vector<16xi32>
        %jit3A_482 = arith.constant 0 : i32
        %broadcast_in_dim3A_483 = vector.broadcast %jit3A_482 : i32 to vector<16xi32>
        %select_n3A_484 = arith.select %lt3A_481, %get3A_458, %broadcast_in_dim3A_483 : vector<16xi1>, vector<16xi32>
        %reduce_sum3A_485 = arith.constant true
        %reduce_sum3A_486 = vector.broadcast %reduce_sum3A_485 : i1 to vector<16xi1>
        %reduce_sum3A_487 = tpu.scan <sum>, %select_n3A_484 masked %reduce_sum3A_486 : vector<16xi32>, vector<16xi1> -> vector<16xi32>
        %reduce_sum3A_488 = vector.extract %reduce_sum3A_487[15] : i32 from vector<16xi32>
        %mul3A_489 = arith.constant 16 : i32
        %mul3A_490 = arith.muli %scan3A_452, %mul3A_489 : i32
        %add3A_491 = arith.addi %mul3A_490, %reduce_min3A_480 : i32
        %select_n3A_492 = arith.select %and3A_468, %add3A_491, %scan3A_455 : i32
        %add3A_493 = arith.addi %scan3A_453, %reduce_sum3A_488 : i32
        %select_n3A_494 = arith.select %and3A_468, %add3A_493, %scan3A_456 : i32
        %jit3A_495 = arith.constant 1 : i32
        %select_n3A_496 = arith.select %and3A_468, %jit3A_495, %scan3A_454 : i32
        %add3A_497 = arith.addi %scan3A_453, %reduce_sum3A_464 : i32
        scf.yield %add3A_497, %select_n3A_496, %select_n3A_492, %select_n3A_494 : i32, i32, i32, i32
      }
      %scan3A_375 = arith.constant 16 : i32
      %shift_left3A_376 = arith.constant 8 : i32
      %shift_left3A_377 = arith.shli %scan3A_374#2, %shift_left3A_376 : i32
      %or3A_378 = arith.ori %or3A_325, %shift_left3A_377 : i32
      %swap3A_379 = arith.constant 0 : index
      %swap3A_380 = tpu.vector_load %arg6[%swap3A_379] {strides = array<i32>} : memref<256xi32, #tpu.memory_space<vmem>>, vector<16xi32>,
      tpu.vector_store %arg6[%swap3A_379], %broadcast_in_dim3A_11 {strides = array<i32>} : memref<256xi32, #tpu.memory_space<vmem>>, vector<16xi32>,
      %swap3A_381 = arith.constant 16 : index
      %swap3A_382 = tpu.vector_load %arg6[%swap3A_381] {strides = array<i32>} : memref<256xi32, #tpu.memory_space<vmem>>, vector<16xi32>,
      tpu.vector_store %arg6[%swap3A_381], %broadcast_in_dim3A_11 {strides = array<i32>} : memref<256xi32, #tpu.memory_space<vmem>>, vector<16xi32>,
      %swap3A_383 = arith.constant 32 : index
      %swap3A_384 = tpu.vector_load %arg6[%swap3A_383] {strides = array<i32>} : memref<256xi32, #tpu.memory_space<vmem>>, vector<16xi32>,
      tpu.vector_store %arg6[%swap3A_383], %broadcast_in_dim3A_11 {strides = array<i32>} : memref<256xi32, #tpu.memory_space<vmem>>, vector<16xi32>,
      %swap3A_385 = arith.constant 48 : index
      %swap3A_386 = tpu.vector_load %arg6[%swap3A_385] {strides = array<i32>} : memref<256xi32, #tpu.memory_space<vmem>>, vector<16xi32>,
      tpu.vector_store %arg6[%swap3A_385], %broadcast_in_dim3A_11 {strides = array<i32>} : memref<256xi32, #tpu.memory_space<vmem>>, vector<16xi32>,
      %swap3A_387 = arith.constant 64 : index
      %swap3A_388 = tpu.vector_load %arg6[%swap3A_387] {strides = array<i32>} : memref<256xi32, #tpu.memory_space<vmem>>, vector<16xi32>,
      tpu.vector_store %arg6[%swap3A_387], %broadcast_in_dim3A_11 {strides = array<i32>} : memref<256xi32, #tpu.memory_space<vmem>>, vector<16xi32>,
      %swap3A_389 = arith.constant 80 : index
      %swap3A_390 = tpu.vector_load %arg6[%swap3A_389] {strides = array<i32>} : memref<256xi32, #tpu.memory_space<vmem>>, vector<16xi32>,
      tpu.vector_store %arg6[%swap3A_389], %broadcast_in_dim3A_11 {strides = array<i32>} : memref<256xi32, #tpu.memory_space<vmem>>, vector<16xi32>,
      %swap3A_391 = arith.constant 96 : index
      %swap3A_392 = tpu.vector_load %arg6[%swap3A_391] {strides = array<i32>} : memref<256xi32, #tpu.memory_space<vmem>>, vector<16xi32>,
      tpu.vector_store %arg6[%swap3A_391], %broadcast_in_dim3A_11 {strides = array<i32>} : memref<256xi32, #tpu.memory_space<vmem>>, vector<16xi32>,
      %swap3A_393 = arith.constant 112 : index
      %swap3A_394 = tpu.vector_load %arg6[%swap3A_393] {strides = array<i32>} : memref<256xi32, #tpu.memory_space<vmem>>, vector<16xi32>,
      tpu.vector_store %arg6[%swap3A_393], %broadcast_in_dim3A_11 {strides = array<i32>} : memref<256xi32, #tpu.memory_space<vmem>>, vector<16xi32>,
      %swap3A_395 = arith.constant 128 : index
      %swap3A_396 = tpu.vector_load %arg6[%swap3A_395] {strides = array<i32>} : memref<256xi32, #tpu.memory_space<vmem>>, vector<16xi32>,
      tpu.vector_store %arg6[%swap3A_395], %broadcast_in_dim3A_11 {strides = array<i32>} : memref<256xi32, #tpu.memory_space<vmem>>, vector<16xi32>,
      %swap3A_397 = arith.constant 144 : index
      %swap3A_398 = tpu.vector_load %arg6[%swap3A_397] {strides = array<i32>} : memref<256xi32, #tpu.memory_space<vmem>>, vector<16xi32>,
      tpu.vector_store %arg6[%swap3A_397], %broadcast_in_dim3A_11 {strides = array<i32>} : memref<256xi32, #tpu.memory_space<vmem>>, vector<16xi32>,
      %swap3A_399 = arith.constant 160 : index
      %swap3A_400 = tpu.vector_load %arg6[%swap3A_399] {strides = array<i32>} : memref<256xi32, #tpu.memory_space<vmem>>, vector<16xi32>,
      tpu.vector_store %arg6[%swap3A_399], %broadcast_in_dim3A_11 {strides = array<i32>} : memref<256xi32, #tpu.memory_space<vmem>>, vector<16xi32>,
      %swap3A_401 = arith.constant 176 : index
      %swap3A_402 = tpu.vector_load %arg6[%swap3A_401] {strides = array<i32>} : memref<256xi32, #tpu.memory_space<vmem>>, vector<16xi32>,
      tpu.vector_store %arg6[%swap3A_401], %broadcast_in_dim3A_11 {strides = array<i32>} : memref<256xi32, #tpu.memory_space<vmem>>, vector<16xi32>,
      %swap3A_403 = arith.constant 192 : index
      %swap3A_404 = tpu.vector_load %arg6[%swap3A_403] {strides = array<i32>} : memref<256xi32, #tpu.memory_space<vmem>>, vector<16xi32>,
      tpu.vector_store %arg6[%swap3A_403], %broadcast_in_dim3A_11 {strides = array<i32>} : memref<256xi32, #tpu.memory_space<vmem>>, vector<16xi32>,
      %swap3A_405 = arith.constant 208 : index
      %swap3A_406 = tpu.vector_load %arg6[%swap3A_405] {strides = array<i32>} : memref<256xi32, #tpu.memory_space<vmem>>, vector<16xi32>,
      tpu.vector_store %arg6[%swap3A_405], %broadcast_in_dim3A_11 {strides = array<i32>} : memref<256xi32, #tpu.memory_space<vmem>>, vector<16xi32>,
      %swap3A_407 = arith.constant 224 : index
      %swap3A_408 = tpu.vector_load %arg6[%swap3A_407] {strides = array<i32>} : memref<256xi32, #tpu.memory_space<vmem>>, vector<16xi32>,
      tpu.vector_store %arg6[%swap3A_407], %broadcast_in_dim3A_11 {strides = array<i32>} : memref<256xi32, #tpu.memory_space<vmem>>, vector<16xi32>,
      %swap3A_409 = arith.constant 240 : index
      %swap3A_410 = tpu.vector_load %arg6[%swap3A_409] {strides = array<i32>} : memref<256xi32, #tpu.memory_space<vmem>>, vector<16xi32>,
      tpu.vector_store %arg6[%swap3A_409], %broadcast_in_dim3A_11 {strides = array<i32>} : memref<256xi32, #tpu.memory_space<vmem>>, vector<16xi32>,
      %shift_right_logical3A_411 = arith.constant 8 : i32
      %shift_right_logical3A_412 = arith.shrui %or3A_378, %shift_right_logical3A_411 : i32
      %scan3A_413 = arith.constant 0 : i32
      %scan3A_414 = arith.constant 0 : i32
      %scan3A_415 = arith.constant 256 : i32
      %scan3A_416 = arith.addi %scan3A_414, %scan3A_415 : i32
      %scan3A_417 = arith.constant 8 : i32
      scf.for %scan3A_452 = %scan3A_414 to %scan3A_416 step %scan3A_417  : i32 {
        %mul3A = arith.constant 16 : i32
        %mul3A_453 = arith.muli %scan3A_452, %mul3A : i32
        %get3A = arith.index_cast %mul3A_453 : i32 to index
        %get3A_454 = tpu.vector_load %arg5[%get3A] {strides = array<i32>} : memref<4096xi32, #tpu.memory_space<vmem>>, vector<16xi32>,
        %broadcast_in_dim3A_455 = arith.constant 0 : i32
        %broadcast_in_dim3A_456 = vector.broadcast %broadcast_in_dim3A_455 : i32 to vector<16xi32>
        %shift_right_logical3A_457 = arith.shrui %get3A_454, %broadcast_in_dim3A_456 : vector<16xi32>
        %and3A_458 = arith.constant 255 : i32
        %and3A_459 = vector.broadcast %and3A_458 : i32 to vector<16xi32>
        %and3A_460 = arith.andi %shift_right_logical3A_457, %and3A_459 : vector<16xi32>
        %broadcast_in_dim3A_461 = arith.constant 8 : i32
        %broadcast_in_dim3A_462 = vector.broadcast %broadcast_in_dim3A_461 : i32 to vector<16xi32>
        %shift_right_logical3A_463 = arith.shrui %get3A_454, %broadcast_in_dim3A_462 : vector<16xi32>
        %eq3A_464 = vector.broadcast %shift_right_logical3A_412 : i32 to vector<16xi32>
        %eq3A_465 = arith.cmpi eq, %shift_right_logical3A_463, %eq3A_464 : vector<16xi32>
        tpu.vector_store_idx %arg6[%and3A_460], %broadcast_in_dim3A_9 masked %eq3A_465 {add = true} : memref<256xi32, #tpu.memory_space<vmem>>[vector<16xi32>], vector<16xi32>, vector<16xi1>
        %scan3A_466 = arith.constant 1 : i32
        %scan3A_467 = arith.addi %scan3A_452, %scan3A_466 : i32
        %mul3A_468 = arith.constant 16 : i32
        %mul3A_469 = arith.muli %scan3A_467, %mul3A_468 : i32
        %get3A_470 = arith.index_cast %mul3A_469 : i32 to index
        %get3A_471 = tpu.vector_load %arg5[%get3A_470] {strides = array<i32>} : memref<4096xi32, #tpu.memory_space<vmem>>, vector<16xi32>,
        %broadcast_in_dim3A_472 = arith.constant 0 : i32
        %broadcast_in_dim3A_473 = vector.broadcast %broadcast_in_dim3A_472 : i32 to vector<16xi32>
        %shift_right_logical3A_474 = arith.shrui %get3A_471, %broadcast_in_dim3A_473 : vector<16xi32>
        %and3A_475 = arith.constant 255 : i32
        %and3A_476 = vector.broadcast %and3A_475 : i32 to vector<16xi32>
        %and3A_477 = arith.andi %shift_right_logical3A_474, %and3A_476 : vector<16xi32>
        %broadcast_in_dim3A_478 = arith.constant 8 : i32
        %broadcast_in_dim3A_479 = vector.broadcast %broadcast_in_dim3A_478 : i32 to vector<16xi32>
        %shift_right_logical3A_480 = arith.shrui %get3A_471, %broadcast_in_dim3A_479 : vector<16xi32>
        %eq3A_481 = vector.broadcast %shift_right_logical3A_412 : i32 to vector<16xi32>
        %eq3A_482 = arith.cmpi eq, %shift_right_logical3A_480, %eq3A_481 : vector<16xi32>
        tpu.vector_store_idx %arg6[%and3A_477], %broadcast_in_dim3A_9 masked %eq3A_482 {add = true} : memref<256xi32, #tpu.memory_space<vmem>>[vector<16xi32>], vector<16xi32>, vector<16xi1>
        %scan3A_483 = arith.constant 2 : i32
        %scan3A_484 = arith.addi %scan3A_452, %scan3A_483 : i32
        %mul3A_485 = arith.constant 16 : i32
        %mul3A_486 = arith.muli %scan3A_484, %mul3A_485 : i32
        %get3A_487 = arith.index_cast %mul3A_486 : i32 to index
        %get3A_488 = tpu.vector_load %arg5[%get3A_487] {strides = array<i32>} : memref<4096xi32, #tpu.memory_space<vmem>>, vector<16xi32>,
        %broadcast_in_dim3A_489 = arith.constant 0 : i32
        %broadcast_in_dim3A_490 = vector.broadcast %broadcast_in_dim3A_489 : i32 to vector<16xi32>
        %shift_right_logical3A_491 = arith.shrui %get3A_488, %broadcast_in_dim3A_490 : vector<16xi32>
        %and3A_492 = arith.constant 255 : i32
        %and3A_493 = vector.broadcast %and3A_492 : i32 to vector<16xi32>
        %and3A_494 = arith.andi %shift_right_logical3A_491, %and3A_493 : vector<16xi32>
        %broadcast_in_dim3A_495 = arith.constant 8 : i32
        %broadcast_in_dim3A_496 = vector.broadcast %broadcast_in_dim3A_495 : i32 to vector<16xi32>
        %shift_right_logical3A_497 = arith.shrui %get3A_488, %broadcast_in_dim3A_496 : vector<16xi32>
        %eq3A_498 = vector.broadcast %shift_right_logical3A_412 : i32 to vector<16xi32>
        %eq3A_499 = arith.cmpi eq, %shift_right_logical3A_497, %eq3A_498 : vector<16xi32>
        tpu.vector_store_idx %arg6[%and3A_494], %broadcast_in_dim3A_9 masked %eq3A_499 {add = true} : memref<256xi32, #tpu.memory_space<vmem>>[vector<16xi32>], vector<16xi32>, vector<16xi1>
        %scan3A_500 = arith.constant 3 : i32
        %scan3A_501 = arith.addi %scan3A_452, %scan3A_500 : i32
        %mul3A_502 = arith.constant 16 : i32
        %mul3A_503 = arith.muli %scan3A_501, %mul3A_502 : i32
        %get3A_504 = arith.index_cast %mul3A_503 : i32 to index
        %get3A_505 = tpu.vector_load %arg5[%get3A_504] {strides = array<i32>} : memref<4096xi32, #tpu.memory_space<vmem>>, vector<16xi32>,
        %broadcast_in_dim3A_506 = arith.constant 0 : i32
        %broadcast_in_dim3A_507 = vector.broadcast %broadcast_in_dim3A_506 : i32 to vector<16xi32>
        %shift_right_logical3A_508 = arith.shrui %get3A_505, %broadcast_in_dim3A_507 : vector<16xi32>
        %and3A_509 = arith.constant 255 : i32
        %and3A_510 = vector.broadcast %and3A_509 : i32 to vector<16xi32>
        %and3A_511 = arith.andi %shift_right_logical3A_508, %and3A_510 : vector<16xi32>
        %broadcast_in_dim3A_512 = arith.constant 8 : i32
        %broadcast_in_dim3A_513 = vector.broadcast %broadcast_in_dim3A_512 : i32 to vector<16xi32>
        %shift_right_logical3A_514 = arith.shrui %get3A_505, %broadcast_in_dim3A_513 : vector<16xi32>
        %eq3A_515 = vector.broadcast %shift_right_logical3A_412 : i32 to vector<16xi32>
        %eq3A_516 = arith.cmpi eq, %shift_right_logical3A_514, %eq3A_515 : vector<16xi32>
        tpu.vector_store_idx %arg6[%and3A_511], %broadcast_in_dim3A_9 masked %eq3A_516 {add = true} : memref<256xi32, #tpu.memory_space<vmem>>[vector<16xi32>], vector<16xi32>, vector<16xi1>
        %scan3A_517 = arith.constant 4 : i32
        %scan3A_518 = arith.addi %scan3A_452, %scan3A_517 : i32
        %mul3A_519 = arith.constant 16 : i32
        %mul3A_520 = arith.muli %scan3A_518, %mul3A_519 : i32
        %get3A_521 = arith.index_cast %mul3A_520 : i32 to index
        %get3A_522 = tpu.vector_load %arg5[%get3A_521] {strides = array<i32>} : memref<4096xi32, #tpu.memory_space<vmem>>, vector<16xi32>,
        %broadcast_in_dim3A_523 = arith.constant 0 : i32
        %broadcast_in_dim3A_524 = vector.broadcast %broadcast_in_dim3A_523 : i32 to vector<16xi32>
        %shift_right_logical3A_525 = arith.shrui %get3A_522, %broadcast_in_dim3A_524 : vector<16xi32>
        %and3A_526 = arith.constant 255 : i32
        %and3A_527 = vector.broadcast %and3A_526 : i32 to vector<16xi32>
        %and3A_528 = arith.andi %shift_right_logical3A_525, %and3A_527 : vector<16xi32>
        %broadcast_in_dim3A_529 = arith.constant 8 : i32
        %broadcast_in_dim3A_530 = vector.broadcast %broadcast_in_dim3A_529 : i32 to vector<16xi32>
        %shift_right_logical3A_531 = arith.shrui %get3A_522, %broadcast_in_dim3A_530 : vector<16xi32>
        %eq3A_532 = vector.broadcast %shift_right_logical3A_412 : i32 to vector<16xi32>
        %eq3A_533 = arith.cmpi eq, %shift_right_logical3A_531, %eq3A_532 : vector<16xi32>
        tpu.vector_store_idx %arg6[%and3A_528], %broadcast_in_dim3A_9 masked %eq3A_533 {add = true} : memref<256xi32, #tpu.memory_space<vmem>>[vector<16xi32>], vector<16xi32>, vector<16xi1>
        %scan3A_534 = arith.constant 5 : i32
        %scan3A_535 = arith.addi %scan3A_452, %scan3A_534 : i32
        %mul3A_536 = arith.constant 16 : i32
        %mul3A_537 = arith.muli %scan3A_535, %mul3A_536 : i32
        %get3A_538 = arith.index_cast %mul3A_537 : i32 to index
        %get3A_539 = tpu.vector_load %arg5[%get3A_538] {strides = array<i32>} : memref<4096xi32, #tpu.memory_space<vmem>>, vector<16xi32>,
        %broadcast_in_dim3A_540 = arith.constant 0 : i32
        %broadcast_in_dim3A_541 = vector.broadcast %broadcast_in_dim3A_540 : i32 to vector<16xi32>
        %shift_right_logical3A_542 = arith.shrui %get3A_539, %broadcast_in_dim3A_541 : vector<16xi32>
        %and3A_543 = arith.constant 255 : i32
        %and3A_544 = vector.broadcast %and3A_543 : i32 to vector<16xi32>
        %and3A_545 = arith.andi %shift_right_logical3A_542, %and3A_544 : vector<16xi32>
        %broadcast_in_dim3A_546 = arith.constant 8 : i32
        %broadcast_in_dim3A_547 = vector.broadcast %broadcast_in_dim3A_546 : i32 to vector<16xi32>
        %shift_right_logical3A_548 = arith.shrui %get3A_539, %broadcast_in_dim3A_547 : vector<16xi32>
        %eq3A_549 = vector.broadcast %shift_right_logical3A_412 : i32 to vector<16xi32>
        %eq3A_550 = arith.cmpi eq, %shift_right_logical3A_548, %eq3A_549 : vector<16xi32>
        tpu.vector_store_idx %arg6[%and3A_545], %broadcast_in_dim3A_9 masked %eq3A_550 {add = true} : memref<256xi32, #tpu.memory_space<vmem>>[vector<16xi32>], vector<16xi32>, vector<16xi1>
        %scan3A_551 = arith.constant 6 : i32
        %scan3A_552 = arith.addi %scan3A_452, %scan3A_551 : i32
        %mul3A_553 = arith.constant 16 : i32
        %mul3A_554 = arith.muli %scan3A_552, %mul3A_553 : i32
        %get3A_555 = arith.index_cast %mul3A_554 : i32 to index
        %get3A_556 = tpu.vector_load %arg5[%get3A_555] {strides = array<i32>} : memref<4096xi32, #tpu.memory_space<vmem>>, vector<16xi32>,
        %broadcast_in_dim3A_557 = arith.constant 0 : i32
        %broadcast_in_dim3A_558 = vector.broadcast %broadcast_in_dim3A_557 : i32 to vector<16xi32>
        %shift_right_logical3A_559 = arith.shrui %get3A_556, %broadcast_in_dim3A_558 : vector<16xi32>
        %and3A_560 = arith.constant 255 : i32
        %and3A_561 = vector.broadcast %and3A_560 : i32 to vector<16xi32>
        %and3A_562 = arith.andi %shift_right_logical3A_559, %and3A_561 : vector<16xi32>
        %broadcast_in_dim3A_563 = arith.constant 8 : i32
        %broadcast_in_dim3A_564 = vector.broadcast %broadcast_in_dim3A_563 : i32 to vector<16xi32>
        %shift_right_logical3A_565 = arith.shrui %get3A_556, %broadcast_in_dim3A_564 : vector<16xi32>
        %eq3A_566 = vector.broadcast %shift_right_logical3A_412 : i32 to vector<16xi32>
        %eq3A_567 = arith.cmpi eq, %shift_right_logical3A_565, %eq3A_566 : vector<16xi32>
        tpu.vector_store_idx %arg6[%and3A_562], %broadcast_in_dim3A_9 masked %eq3A_567 {add = true} : memref<256xi32, #tpu.memory_space<vmem>>[vector<16xi32>], vector<16xi32>, vector<16xi1>
        %scan3A_568 = arith.constant 7 : i32
        %scan3A_569 = arith.addi %scan3A_452, %scan3A_568 : i32
        %mul3A_570 = arith.constant 16 : i32
        %mul3A_571 = arith.muli %scan3A_569, %mul3A_570 : i32
        %get3A_572 = arith.index_cast %mul3A_571 : i32 to index
        %get3A_573 = tpu.vector_load %arg5[%get3A_572] {strides = array<i32>} : memref<4096xi32, #tpu.memory_space<vmem>>, vector<16xi32>,
        %broadcast_in_dim3A_574 = arith.constant 0 : i32
        %broadcast_in_dim3A_575 = vector.broadcast %broadcast_in_dim3A_574 : i32 to vector<16xi32>
        %shift_right_logical3A_576 = arith.shrui %get3A_573, %broadcast_in_dim3A_575 : vector<16xi32>
        %and3A_577 = arith.constant 255 : i32
        %and3A_578 = vector.broadcast %and3A_577 : i32 to vector<16xi32>
        %and3A_579 = arith.andi %shift_right_logical3A_576, %and3A_578 : vector<16xi32>
        %broadcast_in_dim3A_580 = arith.constant 8 : i32
        %broadcast_in_dim3A_581 = vector.broadcast %broadcast_in_dim3A_580 : i32 to vector<16xi32>
        %shift_right_logical3A_582 = arith.shrui %get3A_573, %broadcast_in_dim3A_581 : vector<16xi32>
        %eq3A_583 = vector.broadcast %shift_right_logical3A_412 : i32 to vector<16xi32>
        %eq3A_584 = arith.cmpi eq, %shift_right_logical3A_582, %eq3A_583 : vector<16xi32>
        tpu.vector_store_idx %arg6[%and3A_579], %broadcast_in_dim3A_9 masked %eq3A_584 {add = true} : memref<256xi32, #tpu.memory_space<vmem>>[vector<16xi32>], vector<16xi32>, vector<16xi1>
      }
      %scan3A_418 = arith.constant 256 : i32
      %scan3A_419 = arith.constant 2730 : i32
      %scan3A_420 = arith.constant 0 : i32
      %scan3A_421 = arith.constant 0 : i32
      %scan3A_422 = arith.constant 0 : i32
      %scan3A_423 = arith.constant 0 : i32
      %scan3A_424 = arith.constant 16 : i32
      %scan3A_425 = arith.addi %scan3A_423, %scan3A_424 : i32
      %scan3A_426 = arith.constant 1 : i32
      %scan3A_427:4 = scf.for %scan3A_452 = %scan3A_423 to %scan3A_425 step %scan3A_426 iter_args(%scan3A_453 = %scan3A_374#3, %scan3A_454 = %scan3A_420, %scan3A_455 = %scan3A_421, %scan3A_456 = %scan3A_422) -> (i32, i32, i32, i32)  : i32 {
        %mul3A = arith.constant 16 : i32
        %mul3A_457 = arith.muli %scan3A_452, %mul3A : i32
        %get3A = arith.index_cast %mul3A_457 : i32 to index
        %get3A_458 = tpu.vector_load %arg6[%get3A] {strides = array<i32>} : memref<256xi32, #tpu.memory_space<vmem>>, vector<16xi32>,
        %broadcast_in_dim3A_459 = arith.constant true
        %broadcast_in_dim3A_460 = vector.broadcast %broadcast_in_dim3A_459 : i1 to vector<16xi1>
        %masked_cumsum3A = tpu.scan <sum>, %get3A_458 masked %broadcast_in_dim3A_460 : vector<16xi32>, vector<16xi1> -> vector<16xi32>
        %add3A = vector.broadcast %scan3A_453 : i32 to vector<16xi32>
        %add3A_461 = arith.addi %masked_cumsum3A, %add3A : vector<16xi32>
        %reduce_sum3A = arith.constant true
        %reduce_sum3A_462 = vector.broadcast %reduce_sum3A : i1 to vector<16xi1>
        %reduce_sum3A_463 = tpu.scan <sum>, %get3A_458 masked %reduce_sum3A_462 : vector<16xi32>, vector<16xi1> -> vector<16xi32>
        %reduce_sum3A_464 = vector.extract %reduce_sum3A_463[15] : i32 from vector<16xi32>
        %eq3A_465 = arith.constant 0 : i32
        %eq3A_466 = arith.cmpi eq, %scan3A_454, %eq3A_465 : i32
        %add3A_467 = arith.addi %scan3A_453, %reduce_sum3A_464 : i32
        %gt3A = arith.cmpi sgt, %add3A_467, %scan3A_419 : i32
        %and3A_468 = arith.andi %eq3A_466, %gt3A : i1
        %gt3A_469 = vector.broadcast %scan3A_419 : i32 to vector<16xi32>
        %gt3A_470 = arith.cmpi sgt, %add3A_461, %gt3A_469 : vector<16xi32>
        %jit3A_471 = arith.constant 16 : i32
        %broadcast_in_dim3A_472 = vector.broadcast %jit3A_471 : i32 to vector<16xi32>
        %select_n3A_473 = arith.select %gt3A_470, %iota3A, %broadcast_in_dim3A_472 : vector<16xi1>, vector<16xi32>
        %reduce_min3A = arith.constant true
        %reduce_min3A_474 = vector.broadcast %reduce_min3A : i1 to vector<16xi1>
        %reduce_min3A_475 = arith.constant -2147483648 : i32
        %reduce_min3A_476 = vector.broadcast %reduce_min3A_475 : i32 to vector<16xi32>
        %reduce_min3A_477 = arith.xori %select_n3A_473, %reduce_min3A_476 : vector<16xi32>
        %reduce_min3A_478 = tpu.scan <min>, %reduce_min3A_477 masked %reduce_min3A_474 : vector<16xi32>, vector<16xi1> -> vector<16xi32>
        %reduce_min3A_479 = arith.xori %reduce_min3A_478, %reduce_min3A_476 : vector<16xi32>
        %reduce_min3A_480 = vector.extract %reduce_min3A_479[15] : i32 from vector<16xi32>
        %lt3A = vector.broadcast %reduce_min3A_480 : i32 to vector<16xi32>
        %lt3A_481 = arith.cmpi slt, %iota3A, %lt3A : vector<16xi32>
        %jit3A_482 = arith.constant 0 : i32
        %broadcast_in_dim3A_483 = vector.broadcast %jit3A_482 : i32 to vector<16xi32>
        %select_n3A_484 = arith.select %lt3A_481, %get3A_458, %broadcast_in_dim3A_483 : vector<16xi1>, vector<16xi32>
        %reduce_sum3A_485 = arith.constant true
        %reduce_sum3A_486 = vector.broadcast %reduce_sum3A_485 : i1 to vector<16xi1>
        %reduce_sum3A_487 = tpu.scan <sum>, %select_n3A_484 masked %reduce_sum3A_486 : vector<16xi32>, vector<16xi1> -> vector<16xi32>
        %reduce_sum3A_488 = vector.extract %reduce_sum3A_487[15] : i32 from vector<16xi32>
        %mul3A_489 = arith.constant 16 : i32
        %mul3A_490 = arith.muli %scan3A_452, %mul3A_489 : i32
        %add3A_491 = arith.addi %mul3A_490, %reduce_min3A_480 : i32
        %select_n3A_492 = arith.select %and3A_468, %add3A_491, %scan3A_455 : i32
        %add3A_493 = arith.addi %scan3A_453, %reduce_sum3A_488 : i32
        %select_n3A_494 = arith.select %and3A_468, %add3A_493, %scan3A_456 : i32
        %jit3A_495 = arith.constant 1 : i32
        %select_n3A_496 = arith.select %and3A_468, %jit3A_495, %scan3A_454 : i32
        %add3A_497 = arith.addi %scan3A_453, %reduce_sum3A_464 : i32
        scf.yield %add3A_497, %select_n3A_496, %select_n3A_492, %select_n3A_494 : i32, i32, i32, i32
      }
      %scan3A_428 = arith.constant 16 : i32
      %shift_left3A_429 = arith.constant 0 : i32
      %shift_left3A_430 = arith.shli %scan3A_427#2, %shift_left3A_429 : i32
      %or3A_431 = arith.ori %or3A_378, %shift_left3A_430 : i32
      %eq3A_432 = arith.constant 0 : i32
      %eq3A_433 = vector.broadcast %eq3A_432 : i32 to vector<16xi32>
      %eq3A_434 = arith.cmpi eq, %iota3A, %eq3A_433 : vector<16xi32>
      %eq3A_435 = arith.constant 1 : i32
      %eq3A_436 = vector.broadcast %eq3A_435 : i32 to vector<16xi32>
      %eq3A_437 = arith.cmpi eq, %iota3A, %eq3A_436 : vector<16xi32>
      %jit3A = arith.constant 0 : i32
      %broadcast_in_dim3A_438 = vector.broadcast %or3A_431 : i32 to vector<16xi32>
      %broadcast_in_dim3A_439 = vector.broadcast %jit3A : i32 to vector<16xi32>
      %select_n3A = arith.select %eq3A_437, %broadcast_in_dim3A_438, %broadcast_in_dim3A_439 : vector<16xi1>, vector<16xi32>
      %broadcast_in_dim3A_440 = vector.broadcast %or3A_219 : i32 to vector<16xi32>
      %select_n3A_441 = arith.select %eq3A_434, %broadcast_in_dim3A_440, %select_n3A : vector<16xi1>, vector<16xi32>
      %xor3A = arith.constant -2147483648 : i32
      %xor3A_442 = vector.broadcast %xor3A : i32 to vector<16xi32>
      %xor3A_443 = arith.xori %select_n3A_441, %xor3A_442 : vector<16xi32>
      %ge3A = arith.constant 0 : i32
      %ge3A_444 = vector.broadcast %ge3A : i32 to vector<16xi32>
      %ge3A_445 = arith.cmpi sge, %xor3A_443, %ge3A_444 : vector<16xi32>
      %xor3A_446 = arith.constant 2147483647 : i32
      %xor3A_447 = vector.broadcast %xor3A_446 : i32 to vector<16xi32>
      %xor3A_448 = arith.xori %xor3A_443, %xor3A_447 : vector<16xi32>
      %select_n3A_449 = arith.select %ge3A_445, %xor3A_443, %xor3A_448 : vector<16xi1>, vector<16xi32>
      %bitcast_convert_type3A = tpu.bitcast %select_n3A_449 : vector<16xi32> -> vector<16xf32>
      %swap3A_450 = arith.constant 0 : index
      %swap3A_451 = tpu.vector_load %arg7[%swap3A_450] {strides = array<i32>} : memref<16xf32, #tpu.memory_space<vmem>>, vector<16xf32>,
      tpu.vector_store %arg7[%swap3A_450], %bitcast_convert_type3A {strides = array<i32>} : memref<16xf32, #tpu.memory_space<vmem>>, vector<16xf32>,
      "tpu.region"() ({
        %run_scoped3A = tpu.sem_alloc : memref<!tpu.dma_semaphore, #tpu.memory_space<semaphore_mem>>
        tpu.enqueue_dma source(%arg7 : memref<16xf32, #tpu.memory_space<vmem>>) target(%arg3 : memref<16xf32, #tpu.memory_space<hbm>>) target_semaphore(%run_scoped3A : memref<!tpu.dma_semaphore, #tpu.memory_space<semaphore_mem>>)
        tpu.wait_dma2 semaphore(%run_scoped3A : memref<!tpu.dma_semaphore, #tpu.memory_space<semaphore_mem>>) src(%arg7 : memref<16xf32, #tpu.memory_space<vmem>>) dst(%arg3 : memref<16xf32, #tpu.memory_space<hbm>>)
        tpu.yield
      }) : () -> ()
    } else {
    }
    return
  }
}

module attributes {stable_mosaic.version = 14 : i64} {
  func.func @_tc_body(%arg0: i32, %arg1: memref<16xf32, #tpu.memory_space<smem>>, %arg2: memref<1x512xf32, #tpu.memory_space<vmem>>, %arg3: memref<4096x512xf32, #tpu.memory_space<vmem>>, %arg4: memref<4096x512xf32, #tpu.memory_space<vmem>>) attributes {dimension_semantics = [#tpu.dimension_semantics<arbitrary>], iteration_bounds = array<i64: 8>, scalar_prefetch = 0 : i64, scratch_operands = 0 : i64, tpu.core_type = #tpu.core_type<tc>, window_params = [{transform_indices = @transform_0, window_bounds = array<i64: 16>}, {transform_indices = @transform_1, window_bounds = array<i64: 1, 512>}, {transform_indices = @transform_2, window_bounds = array<i64: 4096, 512>}, {transform_indices = @transform_3, window_bounds = array<i64: 4096, 512>}]} {
    %get3A = arith.constant 0 : index
    %get3A_0 = memref.load %arg1[%get3A] : memref<16xf32, #tpu.memory_space<smem>>
    %get3A_1 = arith.constant 1 : index
    %get3A_2 = memref.load %arg1[%get3A_1] : memref<16xf32, #tpu.memory_space<smem>>
    %get3A_3 = arith.constant 0 : index
    %get3A_4 = arith.constant 0 : index
    %get3A_5 = vector.load %arg2[%get3A_3, %get3A_4] : memref<1x512xf32, #tpu.memory_space<vmem>>, vector<1x512xf32>
    %le3A = vector.broadcast %get3A_0 : f32 to vector<1x512xf32>
    %le3A_6 = arith.cmpf ole, %get3A_5, %le3A : vector<1x512xf32>
    %le3A_7 = vector.broadcast %get3A_2 : f32 to vector<1x512xf32>
    %le3A_8 = arith.cmpf ole, %get3A_5, %le3A_7 : vector<1x512xf32>
    %jit3A = arith.constant 8.000000e+00 : f32
    %jit3A_9 = arith.constant 3.200000e+01 : f32
    %broadcast_in_dim3A = vector.broadcast %jit3A : f32 to vector<1x512xf32>
    %broadcast_in_dim3A_10 = vector.broadcast %jit3A_9 : f32 to vector<1x512xf32>
    %select_n3A = arith.select %le3A_8, %broadcast_in_dim3A, %broadcast_in_dim3A_10 : vector<1x512xi1>, vector<1x512xf32>
    %jit3A_11 = arith.constant 2.000000e+00 : f32
    %broadcast_in_dim3A_12 = vector.broadcast %jit3A_11 : f32 to vector<1x512xf32>
    %select_n3A_13 = arith.select %le3A_6, %broadcast_in_dim3A_12, %select_n3A : vector<1x512xi1>, vector<1x512xf32>
    %neg3A = arith.constant 0.000000e+00 : f32
    %neg3A_14 = vector.broadcast %neg3A : f32 to vector<1x512xf32>
    %neg3A_15 = arith.subf %neg3A_14, %select_n3A_13 : vector<1x512xf32>
    %sub3A = arith.constant 1.000000e+00 : f32
    %sub3A_16 = vector.broadcast %sub3A : f32 to vector<1x512xf32>
    %sub3A_17 = arith.subf %select_n3A_13, %sub3A_16 : vector<1x512xf32>
    %get3A_18 = arith.constant 0 : index
    %get3A_19 = arith.constant 0 : index
    %get3A_20 = vector.load %arg3[%get3A_18, %get3A_19] : memref<4096x512xf32, #tpu.memory_space<vmem>>, vector<4096x512xf32>
    %reduce_min3A = arith.constant dense<0x7F800000> : vector<512xf32>
    %reduce_min3A_21 = vector.multi_reduction <minimumf>, %get3A_20, %reduce_min3A [0] : vector<4096x512xf32> to vector<512xf32>
    %broadcast_in_dim3A_22 = vector.shape_cast %reduce_min3A_21 : vector<512xf32> to vector<1x512xf32>
    %reduce_max3A = arith.constant dense<0xFF800000> : vector<512xf32>
    %reduce_max3A_23 = vector.multi_reduction <maximumf>, %get3A_20, %reduce_max3A [0] : vector<4096x512xf32> to vector<512xf32>
    %broadcast_in_dim3A_24 = vector.shape_cast %reduce_max3A_23 : vector<512xf32> to vector<1x512xf32>
    %sub3A_25 = arith.subf %broadcast_in_dim3A_24, %broadcast_in_dim3A_22 : vector<1x512xf32>
    %sub3A_26 = arith.subf %sub3A_17, %neg3A_15 : vector<1x512xf32>
    %div3A = arith.divf %sub3A_25, %sub3A_26 : vector<1x512xf32>
    %abs3A = math.absf %div3A : vector<1x512xf32>
    %lt3A = arith.constant 9.99999997E-7 : f32
    %lt3A_27 = vector.broadcast %lt3A : f32 to vector<1x512xf32>
    %lt3A_28 = arith.cmpf olt, %abs3A, %lt3A_27 : vector<1x512xf32>
    %jit3A_29 = arith.constant 9.99999997E-7 : f32
    %broadcast_in_dim3A_30 = vector.broadcast %jit3A_29 : f32 to vector<1x512xf32>
    %select_n3A_31 = arith.select %lt3A_28, %broadcast_in_dim3A_30, %div3A : vector<1x512xi1>, vector<1x512xf32>
    %div3A_32 = arith.constant 1.000000e+00 : f32
    %div3A_33 = vector.broadcast %div3A_32 : f32 to vector<1x512xf32>
    %div3A_34 = arith.divf %div3A_33, %select_n3A_31 : vector<1x512xf32>
    %div3A_35 = arith.divf %broadcast_in_dim3A_22, %select_n3A_31 : vector<1x512xf32>
    %sub3A_36 = arith.subf %neg3A_15, %div3A_35 : vector<1x512xf32>
    %round3A = math.roundeven %sub3A_36 : vector<1x512xf32>
    %max3A = arith.maximumf %neg3A_15, %round3A : vector<1x512xf32>
    %min3A = arith.minimumf %sub3A_17, %max3A : vector<1x512xf32>
    %mul3A = vector.broadcast %div3A_34 : vector<1x512xf32> to vector<4096x512xf32>
    %mul3A_37 = arith.mulf %get3A_20, %mul3A : vector<4096x512xf32>
    %round3A_38 = math.roundeven %mul3A_37 : vector<4096x512xf32>
    %add3A = vector.broadcast %min3A : vector<1x512xf32> to vector<4096x512xf32>
    %add3A_39 = arith.addf %round3A_38, %add3A : vector<4096x512xf32>
    %jit3A_40 = arith.constant -1.280000e+02 : f32
    %jit3A_41 = arith.constant 1.270000e+02 : f32
    %max3A_42 = vector.broadcast %jit3A_40 : f32 to vector<4096x512xf32>
    %max3A_43 = arith.maximumf %max3A_42, %add3A_39 : vector<4096x512xf32>
    %min3A_44 = vector.broadcast %jit3A_41 : f32 to vector<4096x512xf32>
    %min3A_45 = arith.minimumf %min3A_44, %max3A_43 : vector<4096x512xf32>
    %sub3A_46 = vector.broadcast %min3A : vector<1x512xf32> to vector<4096x512xf32>
    %sub3A_47 = arith.subf %min3A_45, %sub3A_46 : vector<4096x512xf32>
    %mul3A_48 = vector.broadcast %select_n3A_31 : vector<1x512xf32> to vector<4096x512xf32>
    %mul3A_49 = arith.mulf %sub3A_47, %mul3A_48 : vector<4096x512xf32>
    %swap3A = arith.constant 0 : index
    %swap3A_50 = arith.constant 0 : index
    %swap3A_51 = vector.load %arg4[%swap3A, %swap3A_50] : memref<4096x512xf32, #tpu.memory_space<vmem>>, vector<4096x512xf32>
    tpu.vector_store %arg4[%swap3A, %swap3A_50], %mul3A_49 {strides = array<i32>} : memref<4096x512xf32, #tpu.memory_space<vmem>>, vector<4096x512xf32>,
    return
  }
  func.func @transform_0(%arg0: i32) -> i32 {
    %c0_i32 = arith.constant 0 : i32
    %c0_i32_0 = arith.constant 0 : i32
    return %c0_i32 : i32
  }
  func.func @transform_1(%arg0: i32) -> (i32, i32) {
    %c0_i32 = arith.constant 0 : i32
    %c0_i32_0 = arith.constant 0 : i32
    return %c0_i32, %arg0 : i32, i32
  }
  func.func @transform_2(%arg0: i32) -> (i32, i32) {
    %c0_i32 = arith.constant 0 : i32
    %c0_i32_0 = arith.constant 0 : i32
    return %c0_i32, %arg0 : i32, i32
  }
  func.func @transform_3(%arg0: i32) -> (i32, i32) {
    %c0_i32 = arith.constant 0 : i32
    %c0_i32_0 = arith.constant 0 : i32
    return %c0_i32, %arg0 : i32, i32
  }
}

</mosaic_0001>

<sc_bundles>
// kernel: kernel.4.cloned.1.call-start
scs
__scs_entry_jumppad:
0x0: {  	(pc) =	sbr.rel $0x88, $3  }
0x1: {  	(tag) =	ssettag $0x0;
	lr =	simm.s32 $0x1  }
0x2: {  	[smem:$0x3F9F] =	sst lr;
	_ =	strace $0xD0000000  }
0x3: {  	_ = 	snop  }
0x4: {  	_ = 	snop  }
0x5: {  	_ = 	snop  }
0x6: {  	_ = 	snop  }
0x7: {  	_ = 	snop  }
__scs_overlays_trampoline_lowered:
0x8: {  	[smem:$0x3FAE] =	sst s0  }
0x9: {  	[smem:$0x3FAF] =	sst s1  }
0xa: {  	[smem:$0x3FB0] =	sst s2  }
0xb: {  	[smem:$0x3FB1] =	sst s3  }
0xc: {  	[smem:$0x3FB2] =	sst s4  }
0xd: {  	[smem:$0x3FB3] =	sst s5  }
0xe: {  	[smem:$0x3FB4] =	sst s6  }
0xf: {  	[smem:$0x3FB5] =	sst s7  }
0x10: {  	[smem:$0x3FB6] =	sst s8  }
0x11: {  	[smem:$0x3FB7] =	sst s9;
	s0 =	simm.s32 @!p0 $0x0  }
0x12: {  	s1 =	sld [smem:$0x3F9D];
	s0 =	simm.s32 @p0 $0x1  }
0x13: {  	[smem:$0x3FB8] =	sst s0;
	s0 =	simm.s32 @!p1 $0x0  }
0x14: {  	s2 =	sld [smem:$0x3F9C];
	s0 =	simm.s32 @p1 $0x1  }
0x15: {  	[smem:$0x3FB9] =	sst s0;
	s0 =	simm.s32 @!p2 $0x0  }
0x16: {  	s3 =	sld [smem:$0x3FDB];
	s0 =	simm.s32 @p2 $0x1  }
0x17: {  	s4 =	simm.s32 $0x1BF5;
	[smem:$0x3FBB] =	sst s0  }
0x18: {  	s0 =	sld [smem:$0x3F9E];
	_ =	swait.ge [sflag:s4], $0x0  }
0x19: {  	s7 =	sld [smem:$0x3F9F]  }
0x1a: {  	s8 =	sadd.s32 $0xFFFFE003, lr  }
0x1b: {  	s9 =	sadd.s32 $0xFFFFFEF7, lr;
	s5 =	simm.s32 $0xFFFFFFFF;
	p2 =	slt.u32 s8, $0xFFFFF086  }
0x1c: {  	p1 =	slt.u32 s9, $0xF7A;
	s5 =	simm.s32 @!p2 $0x0  }
0x1d: {  	s5 =	simm.s32 @p1 $0x1;
	p0 =	seq.s32 s7, s2  }
0x1e: {  	s7 =	smul.u32 @!p0 $0xF7A, s2;
	p2 =	seq.s32 @!p0 s5, $0x0  }
0x1f: {  	s9 =	smul.u32 $0xF7A, s1;
	s8 =	simm.s32 @!p0 $0x1BF5;
	p2 =	por !p2, p0  }
0x20: {  	[sflag:s8] =	ssyncset.s32 @!p0 $0xFFFFF086;
	s6 =	sadd.s32 @!p0 s3, s7;
	s7 =	simm.s32 @!p0 $0x108  }
0x21: {  	s3 =	sadd.s32 s3, s9;
	s6 =	sadd.s32 @!p0 $0x88, s6;
	s7 =	simm.s32 @p2 $0x1082  }
0x22: {  	[simem:s7], [sflag:s8] =	dma.local @!p0 [hbm:s6], $0xF7A  }
0x23: {  	s9 =	sor.u32 $0xD0000000, s2;
	s6 =	simm.s32 $0x108;
	_ =	swait.ge @!p0 [sflag:s8], $0x0  }
0x24: {  	s3 =	sadd.s32 $0x88, s3;
	s6 =	simm.s32 @!p1 $0x1082;
	[sflag:s4] =	ssyncset.s32 $0xFFFFF086  }
0x25: {  	[simem:s6], [sflag:s4] =	dma.local [hbm:s3], $0xF7A  }
0x26: {  	[smem:$0x3F9F] =	sst s1;
	(tag) =	ssettag s2;
	_ =	strace s9  }
0x27: {  	s1 =	sld [smem:$0x3FAF]  }
0x28: {  	s2 =	sld [smem:$0x3FB0]  }
0x29: {  	s4 =	sld [smem:$0x3FB2]  }
0x2a: {  	p0 =	seq.s32 s5, $0x0;
	s5 =	sld [smem:$0x3FB3]  }
0x2b: {  	s6 =	sld [smem:$0x3FB4]  }
0x2c: {  	s7 =	sld [smem:$0x3FB5]  }
0x2d: {  	s3 =	simm.s32 $0x108;
	s8 =	sld [smem:$0x3FB6]  }
0x2e: {  	s3 =	simm.s32 @!p0 $0x1082;
	s9 =	sld [smem:$0x3FB7]  }
0x2f: {  	lr =	sadd.s32 s0, s3;
	s0 =	sld [smem:$0x3FAE]  }
0x30: {  	s3 =	sld [smem:$0x3FB1]  }
0x31: {  	[smem:$0x3FBA] =	sst s10  }
0x32: {  	s10 =	sld [smem:$0x3FB8];
	_ =	sdelay $0x3  }
0x33: {  	p0 =	seq.s32 s10, $0x1;
	s10 =	sld [smem:$0x3FBA];
	_ =	sdelay $0x3  }
0x34: {  	[smem:$0x3FBA] =	sst s10  }
0x35: {  	s10 =	sld [smem:$0x3FB9];
	_ =	sdelay $0x3  }
0x36: {  	p1 =	seq.s32 s10, $0x1;
	s10 =	sld [smem:$0x3FBA];
	_ =	sdelay $0x3  }
0x37: {  	[smem:$0x3FBA] =	sst s10  }
0x38: {  	s10 =	sld [smem:$0x3FBB]  }
0x39: {  	_ = 	snop;
	(pc) =	sbr.ind lr, $3  }
0x3a: {  	_ = 	snop  }
0x3b: {  	_ = 	snop  }
0x3c: {  	p2 =	seq.s32 s10, $0x1;
	s10 =	sld [smem:$0x3FBA]  }
0x3d: {  	_ =	shalt  }
0x3e: {  	_ =	shalt  }
0x3f: {  	_ =	shalt  }
0x40: {  	_ =	shalt  }
0x41: {  	_ =	shalt  }
0x42: {  	_ =	shalt  }
0x43: {  	_ =	shalt  }
0x44: {  	_ =	shalt  }
0x45: {  	_ =	shalt  }
0x46: {  	_ =	shalt  }
0x47: {  	_ =	shalt  }
0x48: {  	_ =	shalt  }
0x49: {  	_ =	shalt  }
0x4a: {  	_ =	shalt  }
0x4b: {  	_ =	shalt  }
0x4c: {  	_ =	shalt  }
0x4d: {  	_ =	shalt  }
0x4e: {  	_ =	shalt  }
0x4f: {  	_ =	shalt  }
0x50: {  	_ =	shalt  }
0x51: {  	_ =	shalt  }
0x52: {  	_ =	shalt  }
0x53: {  	_ =	shalt  }
0x54: {  	_ =	shalt  }
0x55: {  	_ =	shalt  }
0x56: {  	_ =	shalt  }
0x57: {  	_ =	shalt  }
0x58: {  	_ =	shalt  }
0x59: {  	_ =	shalt  }
0x5a: {  	_ =	shalt  }
0x5b: {  	_ =	shalt  }
0x5c: {  	_ =	shalt  }
0x5d: {  	_ =	shalt  }
0x5e: {  	_ =	shalt  }
0x5f: {  	_ =	shalt  }
0x60: {  	_ =	shalt  }
0x61: {  	_ =	shalt  }
0x62: {  	_ =	shalt  }
0x63: {  	_ =	shalt  }
0x64: {  	_ =	shalt  }
0x65: {  	_ =	shalt  }
0x66: {  	_ =	shalt  }
0x67: {  	_ =	shalt  }
0x68: {  	_ =	shalt  }
0x69: {  	_ =	shalt  }
0x6a: {  	_ =	shalt  }
0x6b: {  	_ =	shalt  }
0x6c: {  	_ =	shalt  }
0x6d: {  	_ =	shalt  }
0x6e: {  	_ =	shalt  }
0x6f: {  	_ =	shalt  }
0x70: {  	_ =	shalt  }
0x71: {  	_ =	shalt  }
0x72: {  	_ =	shalt  }
0x73: {  	_ =	shalt  }
0x74: {  	_ =	shalt  }
0x75: {  	_ =	shalt  }
0x76: {  	_ =	shalt  }
0x77: {  	_ =	shalt  }
0x78: {  	_ =	shalt  }
0x79: {  	_ =	shalt  }
0x7a: {  	_ =	shalt  }
0x7b: {  	_ =	shalt  }
0x7c: {  	_ =	shalt  }
0x7d: {  	_ =	shalt  }
0x7e: {  	_ =	shalt  }
0x7f: {  	_ =	shalt  }
0x80: {  	_ =	shalt  }
0x81: {  	_ =	shalt  }
0x82: {  	_ =	shalt  }
0x83: {  	_ =	shalt  }
0x84: {  	_ =	shalt  }
0x85: {  	_ =	shalt  }
0x86: {  	_ =	shalt  }
0x87: {  	_ =	shalt  }
.Lfunc_end0:
.L_simem_size_0:
called_computation_lowered:
.L_overlay_start_0:
0x88: {  	s2 =	sld [smem:$0x3FD9]  }
0x89: {  	s3 =	sld [smem:$0x3FFE];
	_ =	sdelay $0x1  }
0x8a: {  	s1 =	srdreg.scid  }
0x8b: {  	s0 =	sand.u32 $0x1, s1  }
0x8c: {  	s18 =	sshll.u32 s0, $0xA;
	s2 =	sadd.s32 s3, s2  }
0x8d: {  	s2 =	sadd.s32 s2, s18  }
0x8e: {  	[smem:$0x3FC6] =	sst s2  }
0x8f: {  	_ = 	snop  }
0x90: {  	s2 =	sld [smem:$0x3FC8]  }
0x91: {  	s19 =	sld [smem:$0x3FD0];
	(tm) =	ssettm $0x1  }
0x92: {  	s4 =	sld [smem:$0x3FFB];
	_ =	sdelay $0x3  }
0x93: {  	_ =	strace s4  }
0x94: {  	s4 =	sld [smem:$0x3FFC];
	_ =	sdelay $0x3  }
0x95: {  	_ =	strace s4  }
0x96: {  	s4 =	sld [smem:$0x3FFD];
	_ =	sdelay $0x3  }
0x97: {  	_ =	strace s4  }
0x98: {  	_ =	strace $0x8FFFFFFF  }
0x99: {  	s20 =	sld [smem:$0x3FDB];
	_ =	sdelay $0x1  }
0x9a: {  	s5 =	simm.s32 $_scs_section_size  }
0x9b: {  	s6 =	simm.s32 $_size__tile_overlayer_lowered;
	s7 =	simm.s32 $_tile_overlayer_lowered  }
0x9c: {  	s23 =	simm.s32 $0x1BFF;
	s22 =	sshll.u32 s7, $0x1;
	s4 =	sadd.s32 s5, s20  }
0x9d: {  	s8 =	simm.s32 $0x0;
	s21 =	sshll.u32 s6, $0x1;
	s6 =	sadd.s32 s22, s4  }
0x9e: {  	[timem:s8], [sflag:s23] =	dma.local [hbm:s6], s21  }
0x9f: {  	_ =	swait.ge [sflag:s23], s21  }
0xa0: {  	s5 =	ssub.s32 $0x0, s21;
	[sflag:s23] =	ssyncset.done $0x0  }
0xa1: {  	[sflag:s23] =	ssyncadd.s32 s5;
	_ =	sdelay $0x1  }
0xa2: {  	s24 =	simm.s32 $0x1B8B  }
0xa3: {  	_ =	swait.ge [sflag:s24], $0x1  }
0xa4: {  	[sflag:s24] =	ssyncset.done $0x0  }
0xa5: {  	s25 =	simm.s32 $0x1B8E;
	[sflag:s24] =	ssyncadd.s32 $0xFFFFFFFF  }
0xa6: {  	s26 =	simm.s32 $execute0_lowered;
	[smem:$0x3FD2] =	sst s25  }
0xa7: {  	s5 =	sshll.u32 s26, $0x1;
	_ =	strace $0x80000046;
	[dreg:$0x1] =	wrdreg $0xFFFFFFFF  }
0xa8: {  	s28 =	simm.s32 $_size_execute0_lowered;
	s4 =	sadd.s32 s4, s5;
	[dreg:$0x0] =	wrdreg $0x0  }
0xa9: {  	s5 =	sshll.u32 s28, $0x1;
	[dreg:$0x2] =	wrdreg s4  }
0xaa: {  	[dreg:$0x3] =	wrdreg s5  }
0xab: {  	[dreg:$0x4] =	wrdreg $0xC0  }
0xac: {  	_ =	task [dreg:s8], $0x5FFFF  }
0xad: {  	[dreg:$0x1] =	wrdreg $0xFFFFFFFF  }
0xae: {  	[dreg:$0x0] =	wrdreg $0x60  }
0xaf: {  	[dreg:$0x2] =	wrdreg s2  }
0xb0: {  	[dreg:$0x3] =	wrdreg s19  }
0xb1: {  	[dreg:$0x4] =	wrdreg $0x9  }
0xb2: {  	_ =	task.clear_ibuf [dreg:s8], $0x5FFFF;
	_ =	strace $0x90000046  }
0xb3: {  	s29 =	simm.s32 $0x9;
	_ =	strace $0x80000048  }
0xb4: {  	_ =	swait.ge [sflag:s29], $0x1  }
0xb5: {  	[sflag:s29] =	ssyncadd.s32 $0xFFFFFFFF  }
0xb6: {  	_ =	strace $0x90000048  }
0xb7: {  	_ =	sfence  }
0xb8: {  	s30 =	sld [smem:$0x0];
	_ =	sdelay $0x2  }
0xb9: {  	s31 =	sshll.u32 s1, $0xD;
	s1 =	sshrl.u32 s1, $0x2  }
0xba: {  	s3 =	sand.u32 $0x4000, s31;
	s1 =	sadd.s32 s1, s30  }
0xbb: {  	s0 =	sor.u32 s3, s0;
	s1 =	sshll.u32 s1, $0x11  }
0xbc: {  	s0 =	sor.u32 s1, s0  }
0xbd: {  	s0 =	sadd.s32 $0x8F2B, s0  }
0xbe: {  	[sflag:s0] =	ssyncadd.remote.s32 $0x1  }
0xbf: {  	_ =	sfence.sel $0xFFFF  }
0xc0: {  	[dreg:$0x0] =	wrdreg $0xFFFFFFFF;
	(pc) =	sbr.abs _section_cstart, $3  }
0xc1: {  	[dreg:$0x1] =	wrdreg $0xFFFFFFFF  }
0xc2: {  	_ =	task.clear_ibuf [dreg:s8], $0x2FFFF;
	_ =	strace $0x9FFFFFFF  }
0xc3: {  	(tm) =	ssettm $0x7FFFFFFF  }
tec
execute0_lowered:
.L_overlay_start_1:
0x0: {  	(tag) =	ssettag $0x1  }
0x1: {  	s0 =	srdreg.scid  }
0x2: {  	s1 =	stileid.u32;
	s0 =	sand.u32 $0x1, s0  }
0x3: {  	s1 =	sor.u32 s0, s1  }
0x4: {  	p0 =	sne.s32 s1, $0x0  }
.Ltmp0:
0x5: {  	_ = 	snop;
	(pc) =	sbr.rel @p0 .LBB2_37-.Ltmp0, $2  }
0x6: {  	_ =	sdelay $0x2  }
0x7: {  	_ =	strace $0x80000047  }
0x8: {  	s0 =	ssub.s32 $0x2, s0  }
0x9: {  	v0 =	vlaneseq.u32;
	s1 =	sshrl.u32 s0, $0x1  }
0xa: {  	v1 =	vimm.s32 $0x0;
	v2 =	vimm.s32 $0x1;
	s2 =	simm.s32 $0x1;
	vm0 =	vcmask $0x300;
	s0 =	ssub.s32 s0, s1  }
0xb: {  	vm1 =	vcmask $0x704;
	v4 =	vimm.s32 $0x80000000;
	s3 =	simm.s32 $0x0;
	v3 =	vor.u32 $0x80000000, v0;
	s1 =	simm.s32 $0x0;
	[dreg:$0x3] =	wrdreg s0  }
.LBB2_2:
0xc: {  	s0 =	rddreg [dreg:$0x0]  }
0xd: {  	[tilespmem:s1], [sflag:$0x1] =	stream.linear.gather [hbm4b:s0+s1], $0x1000, $0x38;
	[tilespmem:$0x2180] =	vst v63  }
0xe: {  	_ =	swait.ge [sflag:s2], $0x1000  }
0xf: {  	[sflag:s2] =	ssyncset.done $0x0  }
0x10: {  	s31 =	simm.s32 $0x40;
	[sflag:s2] =	ssyncadd.s32 $0xFFFFF000  }
0x11: {  	v5 =	vld [tilespmem:s31+$0xFFFFFFC0];
	_ =	sdelay $0x4  }
0x12: {  	v6 =	vshra.s32 v5, $0x1F  }
0x13: {  	v6 =	vand.u32 $0x7FFFFFFF, v6  }
0x14: {  	v5 =	vxor.u32 v6, v5  }
0x15: {  	s1 =	simm.s32 $0x1040;
	v5 =	vxor.u32 $0x80000000, v5  }
0x16: {  	[tilespmem:s1+$0xFFFFFFC0] =	vst v5  }
0x17: {  	v5 =	vld [tilespmem:s31+$0xFFFFFFD0];
	_ =	sdelay $0x4  }
0x18: {  	v6 =	vshra.s32 v5, $0x1F  }
0x19: {  	v6 =	vand.u32 $0x7FFFFFFF, v6  }
0x1a: {  	v5 =	vxor.u32 v6, v5  }
0x1b: {  	v5 =	vxor.u32 $0x80000000, v5  }
0x1c: {  	[tilespmem:s1+$0xFFFFFFD0] =	vst v5  }
0x1d: {  	v5 =	vld [tilespmem:s31+$0xFFFFFFE0];
	_ =	sdelay $0x4  }
0x1e: {  	v6 =	vshra.s32 v5, $0x1F  }
0x1f: {  	v6 =	vand.u32 $0x7FFFFFFF, v6  }
0x20: {  	v5 =	vxor.u32 v6, v5  }
0x21: {  	v5 =	vxor.u32 $0x80000000, v5  }
0x22: {  	[tilespmem:s1+$0xFFFFFFE0] =	vst v5  }
0x23: {  	v5 =	vld [tilespmem:s31+$0xFFFFFFF0];
	_ =	sdelay $0x4  }
0x24: {  	v6 =	vshra.s32 v5, $0x1F  }
0x25: {  	v6 =	vand.u32 $0x7FFFFFFF, v6  }
0x26: {  	v5 =	vxor.u32 v6, v5  }
0x27: {  	v5 =	vxor.u32 $0x80000000, v5  }
0x28: {  	[tilespmem:s1+$0xFFFFFFF0] =	vst v5  }
0x29: {  	v5 =	vld [tilespmem:s31+$0x0];
	_ =	sdelay $0x4  }
0x2a: {  	v6 =	vshra.s32 v5, $0x1F  }
0x2b: {  	v6 =	vand.u32 $0x7FFFFFFF, v6  }
0x2c: {  	v5 =	vxor.u32 v6, v5  }
0x2d: {  	v5 =	vxor.u32 $0x80000000, v5  }
0x2e: {  	[tilespmem:s1+$0x0] =	vst v5  }
0x2f: {  	v5 =	vld [tilespmem:s31+$0x10];
	_ =	sdelay $0x4  }
0x30: {  	v6 =	vshra.s32 v5, $0x1F  }
0x31: {  	v6 =	vand.u32 $0x7FFFFFFF, v6  }
0x32: {  	v5 =	vxor.u32 v6, v5  }
0x33: {  	v5 =	vxor.u32 $0x80000000, v5  }
0x34: {  	[tilespmem:s1+$0x10] =	vst v5  }
0x35: {  	v5 =	vld [tilespmem:s31+$0x20];
	_ =	sdelay $0x4  }
0x36: {  	v6 =	vshra.s32 v5, $0x1F  }
0x37: {  	v6 =	vand.u32 $0x7FFFFFFF, v6  }
0x38: {  	v5 =	vxor.u32 v6, v5  }
0x39: {  	v5 =	vxor.u32 $0x80000000, v5  }
0x3a: {  	[tilespmem:s1+$0x20] =	vst v5  }
0x3b: {  	v5 =	vld [tilespmem:s31+$0x30];
	_ =	sdelay $0x4  }
0x3c: {  	v6 =	vshra.s32 v5, $0x1F  }
0x3d: {  	v6 =	vand.u32 $0x7FFFFFFF, v6  }
0x3e: {  	v5 =	vxor.u32 v6, v5  }
0x3f: {  	v5 =	vxor.u32 $0x80000000, v5  }
0x40: {  	s7 =	simm.s32 $0xC0;
	s0 =	simm.s32 $0x0;
	[tilespmem:s1+$0x30] =	vst v5  }
.LBB2_3:
0x41: {  	v5 =	vld [tilespmem:s7+$0xFFFFFFC0];
	s0 =	sadd.s32 $0x8, s0  }
0x42: {  	p0 =	slt.u32 s0, $0xF8;
	_ =	sdelay $0x3  }
0x43: {  	v6 =	vshra.s32 v5, $0x1F  }
0x44: {  	v6 =	vand.u32 $0x7FFFFFFF, v6  }
0x45: {  	v5 =	vxor.u32 v6, v5  }
0x46: {  	s1 =	sadd.s32 $0x80, s1;
	v5 =	vxor.u32 $0x80000000, v5  }
0x47: {  	[tilespmem:s1+$0xFFFFFFC0] =	vst v5  }
0x48: {  	v5 =	vld [tilespmem:s7+$0xFFFFFFD0];
	_ =	sdelay $0x4  }
0x49: {  	v6 =	vshra.s32 v5, $0x1F  }
0x4a: {  	v6 =	vand.u32 $0x7FFFFFFF, v6  }
0x4b: {  	v5 =	vxor.u32 v6, v5  }
0x4c: {  	v5 =	vxor.u32 $0x80000000, v5  }
0x4d: {  	[tilespmem:s1+$0xFFFFFFD0] =	vst v5  }
0x4e: {  	v5 =	vld [tilespmem:s7+$0xFFFFFFE0];
	_ =	sdelay $0x4  }
0x4f: {  	v6 =	vshra.s32 v5, $0x1F  }
0x50: {  	v6 =	vand.u32 $0x7FFFFFFF, v6  }
0x51: {  	v5 =	vxor.u32 v6, v5  }
0x52: {  	v5 =	vxor.u32 $0x80000000, v5  }
0x53: {  	[tilespmem:s1+$0xFFFFFFE0] =	vst v5  }
0x54: {  	v5 =	vld [tilespmem:s7+$0xFFFFFFF0];
	_ =	sdelay $0x4  }
0x55: {  	v6 =	vshra.s32 v5, $0x1F  }
0x56: {  	v6 =	vand.u32 $0x7FFFFFFF, v6  }
0x57: {  	v5 =	vxor.u32 v6, v5  }
0x58: {  	v5 =	vxor.u32 $0x80000000, v5  }
0x59: {  	[tilespmem:s1+$0xFFFFFFF0] =	vst v5  }
0x5a: {  	v5 =	vld [tilespmem:s7+$0x0];
	_ =	sdelay $0x4  }
0x5b: {  	v6 =	vshra.s32 v5, $0x1F  }
0x5c: {  	v6 =	vand.u32 $0x7FFFFFFF, v6  }
0x5d: {  	v5 =	vxor.u32 v6, v5  }
0x5e: {  	v5 =	vxor.u32 $0x80000000, v5  }
0x5f: {  	[tilespmem:s1+$0x0] =	vst v5  }
0x60: {  	v5 =	vld [tilespmem:s7+$0x10];
	_ =	sdelay $0x4  }
0x61: {  	v6 =	vshra.s32 v5, $0x1F  }
0x62: {  	v6 =	vand.u32 $0x7FFFFFFF, v6  }
0x63: {  	v5 =	vxor.u32 v6, v5  }
0x64: {  	v5 =	vxor.u32 $0x80000000, v5  }
0x65: {  	[tilespmem:s1+$0x10] =	vst v5  }
0x66: {  	v5 =	vld [tilespmem:s7+$0x20];
	_ =	sdelay $0x4  }
0x67: {  	v6 =	vshra.s32 v5, $0x1F  }
0x68: {  	v6 =	vand.u32 $0x7FFFFFFF, v6  }
0x69: {  	v5 =	vxor.u32 v6, v5  }
0x6a: {  	v5 =	vxor.u32 $0x80000000, v5  }
0x6b: {  	[tilespmem:s1+$0x20] =	vst v5  }
0x6c: {  	v5 =	vld [tilespmem:s7+$0x30];
	_ =	sdelay $0x4  }
.Ltmp1:
0x6d: {  	v6 =	vshra.s32 v5, $0x1F;
	(pc) =	sbr.rel @p0 .LBB2_3-.Ltmp1, $4  }
0x6e: {  	v6 =	vand.u32 $0x7FFFFFFF, v6  }
0x6f: {  	v5 =	vxor.u32 v6, v5  }
0x70: {  	v5 =	vxor.u32 $0x80000000, v5  }
0x71: {  	s7 =	sadd.s32 $0x80, s7;
	[tilespmem:s1+$0x30] =	vst v5  }
0x72: {  	[tilespmem:$0x2000] =	vst v1  }
0x73: {  	[tilespmem:$0x2010] =	vst v1  }
0x74: {  	[tilespmem:$0x2020] =	vst v1  }
0x75: {  	[tilespmem:$0x2030] =	vst v1  }
0x76: {  	[tilespmem:$0x2040] =	vst v1  }
0x77: {  	[tilespmem:$0x2050] =	vst v1  }
0x78: {  	[tilespmem:$0x2060] =	vst v1  }
0x79: {  	[tilespmem:$0x2070] =	vst v1  }
0x7a: {  	[tilespmem:$0x2080] =	vst v1  }
0x7b: {  	[tilespmem:$0x2090] =	vst v1  }
0x7c: {  	[tilespmem:$0x20A0] =	vst v1  }
0x7d: {  	[tilespmem:$0x20B0] =	vst v1  }
0x7e: {  	[tilespmem:$0x20C0] =	vst v1  }
0x7f: {  	[tilespmem:$0x20D0] =	vst v1  }
0x80: {  	[tilespmem:$0x20E0] =	vst v1  }
0x81: {  	[dreg:$0x4] =	wrdreg s3;
	[tilespmem:$0x20F0] =	vst v1;
	s0 =	simm.s32 $0xFFFFFFF8;
	s1 =	simm.s32 $0x1040  }
.LBB2_5:
0x82: {  	v5 =	vld [tilespmem:s1+$0xFFFFFFC0];
	_ =	sdelay $0x4  }
0x83: {  	v5 =	vshrl.u32 v5, $0x18;
	_ =	sdelay $0x3  }
0x84: {  	s2 =	simm.s32 $0x2000  }
0x85: {  	[tilespmem:v5+s2+$0x0] =	vst.idx.add.s32.msk $0xffff, v2  }
0x86: {  	v5 =	vld [tilespmem:s1+$0xFFFFFFD0];
	_ =	sdelay $0x4  }
0x87: {  	v5 =	vshrl.u32 v5, $0x18;
	_ =	sdelay $0x4  }
0x88: {  	[tilespmem:v5+s2+$0x0] =	vst.idx.add.s32.msk $0xffff, v2  }
0x89: {  	v5 =	vld [tilespmem:s1+$0xFFFFFFE0];
	_ =	sdelay $0x4  }
0x8a: {  	v5 =	vshrl.u32 v5, $0x18;
	_ =	sdelay $0x4  }
0x8b: {  	[tilespmem:v5+s2+$0x0] =	vst.idx.add.s32.msk $0xffff, v2  }
0x8c: {  	v5 =	vld [tilespmem:s1+$0xFFFFFFF0];
	_ =	sdelay $0x4  }
0x8d: {  	v5 =	vshrl.u32 v5, $0x18;
	_ =	sdelay $0x4  }
0x8e: {  	[tilespmem:v5+s2+$0x0] =	vst.idx.add.s32.msk $0xffff, v2  }
0x8f: {  	v5 =	vld [tilespmem:s1+$0x0];
	_ =	sdelay $0x4  }
0x90: {  	v5 =	vshrl.u32 v5, $0x18;
	_ =	sdelay $0x4  }
0x91: {  	[tilespmem:v5+s2+$0x0] =	vst.idx.add.s32.msk $0xffff, v2  }
0x92: {  	v5 =	vld [tilespmem:s1+$0x10];
	_ =	sdelay $0x4  }
0x93: {  	v5 =	vshrl.u32 v5, $0x18;
	_ =	sdelay $0x4  }
0x94: {  	[tilespmem:v5+s2+$0x0] =	vst.idx.add.s32.msk $0xffff, v2  }
0x95: {  	v5 =	vld [tilespmem:s1+$0x20];
	_ =	sdelay $0x4  }
0x96: {  	v5 =	vshrl.u32 v5, $0x18;
	_ =	sdelay $0x4  }
0x97: {  	[tilespmem:v5+s2+$0x0] =	vst.idx.add.s32.msk $0xffff, v2  }
0x98: {  	v5 =	vld [tilespmem:s1+$0x30];
	_ =	sdelay $0x3  }
0x99: {  	s0 =	sadd.s32 $0x8, s0  }
0x9a: {  	p0 =	slt.u32 s0, $0xF8;
	v5 =	vshrl.u32 v5, $0x18  }
.Ltmp2:
0x9b: {  	_ = 	snop;
	(pc) =	sbr.rel @p0 .LBB2_5-.Ltmp2, $2  }
0x9c: {  	_ =	sdelay $0x2  }
0x9d: {  	s11 =	simm.s32 $0x0;
	s1 =	sadd.s32 $0x80, s1;
	[tilespmem:v5+s2+$0x0] =	vst.idx.add.s32.msk $0xffff, v2  }
0x9e: {  	v8 =	vld [tilespmem:s2+$0x0];
	_ =	sdelay $0x4  }
0x9f: {  	(xrf0) =	vadd.scan.msk.s32 $0xffff, v8;
	_ =	sdelay $0x5  }
0xa0: {  	s0 =	simm.s32 $0x2010;
	v5, _, _ =	vpop (xrf0)  }
0xa1: {  	v10 =	vld [tilespmem:s0+$0x0];
	(v2sf) =	vpush v5, $0xF;
	_ =	sdelay $0x4  }
0xa2: {  	(xrf0) =	vadd.scan.msk.s32 $0xffff, v10;
	_ =	sdelay $0x5  }
0xa3: {  	v6, _, _ =	vpop (xrf0)  }
0xa4: {  	(v2sf) =	vpush v6, $0xF  }
0xa5: {  	s14 =	simm.s32 $0x2020  }
0xa6: {  	v7 =	vld [tilespmem:s14+$0x0];
	v5 =	vadd.s32 s11, v5  }
0xa7: {  	vm2 =	vgt.s32 v5, $0x555;
	s15 =	spop (v2sf)  }
0xa8: {  	v5 =	vnsel vm2, $0x80000010, v3;
	s17 =	sadd.s32 $0x0, s15  }
0xa9: {  	(xrf0) =	vmin.scan.msk.u32 $0xffff, v5;
	v5 =	vadd.s32 s17, v6  }
0xaa: {  	vm2 =	vgt.s32 v5, $0x555  }
0xab: {  	(xrf0) =	vadd.scan.msk.s32 $0xffff, v7;
	v5 =	vnsel vm2, $0x80000010, v3  }
0xac: {  	(xrf0) =	vmin.scan.msk.u32 $0xffff, v5;
	_ =	sdelay $0x2  }
0xad: {  	s16 =	simm.s32 $0x2030  }
0xae: {  	v6 =	vld [tilespmem:s16+$0x0];
	v5, _, _ =	vpop (xrf0)  }
0xaf: {  	(v2sf) =	vpush v5, $0xF;
	v5, _, _ =	vpop (xrf0)  }
0xb0: {  	(v2sf) =	vpush v5, $0xF;
	v9, _, _ =	vpop (xrf0)  }
0xb1: {  	s18 =	spop (v2sf);
	(v2sf) =	vpush v9, $0xF;
	_ =	sdelay $0x1  }
0xb2: {  	(xrf0) =	vadd.scan.msk.s32 $0xffff, v6;
	_ =	sdelay $0x2  }
0xb3: {  	s18 =	sadd.s32 s17, s18  }
0xb4: {  	v5 =	vadd.s32 s18, v5  }
0xb5: {  	s19 =	simm.s32 $0x2040;
	vm2 =	vgt.s32 v5, $0x555  }
0xb6: {  	v5 =	vnsel vm2, $0x80000010, v3;
	v9 =	vld [tilespmem:s19+$0x0];
	v11, _, _ =	vpop (xrf0)  }
0xb7: {  	(xrf0) =	vmin.scan.msk.u32 $0xffff, v5;
	(v2sf) =	vpush v11, $0xF;
	_ =	sdelay $0x3  }
0xb8: {  	(xrf0) =	vadd.scan.msk.s32 $0xffff, v9;
	s23 =	spop (v2sf)  }
0xb9: {  	s1 =	sxor.u32 $0x80000000, s23;
	s24 =	spop (v2sf)  }
0xba: {  	v5, _, _ =	vpop (xrf0);
	v12 =	vmov s1;
	s19 =	sadd.s32 s18, s24;
	s25 =	spop (v2sf)  }
0xbb: {  	(v2sf) =	vpush v5, $0xF;
	vm2 =	vgt.s32 v12, v0;
	v11 =	vadd.s32 s19, v11;
	s26 =	sxor.u32 $0x80000000, s25  }
0xbc: {  	s3 =	simm.s32 $0x2050;
	v8 =	vnsel vm2, $0x0, v8;
	vm2 =	vgt.s32 v11, $0x555;
	v11 =	vmov s26  }
0xbd: {  	s22 =	simm.s32 $0x80000030;
	s21 =	simm.s32 $0x80000040;
	v5 =	vld [tilespmem:s3+$0x0];
	(xrf0) =	vadd.scan.msk.s32 $0xffff, v8;
	v8 =	vnsel vm2, $0x80000010, v3;
	vm2 =	vgt.s32 v11, v0  }
0xbe: {  	p0 =	por $0x1, $0x1;
	s20 =	simm.s32 $0x80000050;
	p1 =	sgt.s32 s17, $0x555;
	(xrf0) =	vmin.scan.msk.u32 $0xffff, v8;
	v8 =	vnsel vm2, $0x0, v10;
	v10, _, _ =	vpop (xrf0)  }
0xbf: {  	s10 =	simm.s32 $0x0;
	s12 =	simm.s32 $0x80000080;
	p0 =	por !p0, !p1;
	(v2sf) =	vpush v10, $0xF  }
0xc0: {  	s9 =	simm.s32 $0x0;
	s13 =	simm.s32 $0x800000A0;
	p0 =	por !p0, !p0  }
0xc1: {  	s2 =	simm.s32 $0x800000B0;
	s28 =	simm.s32 $0x0;
	s10 =	simm.s32 @p0 $0x1  }
0xc2: {  	s14 =	simm.s32 $0x80000090;
	p2 =	sgt.s32 s18, $0x555;
	p4 =	seq.s32 s10, $0x0;
	(xrf0) =	vadd.scan.msk.s32 $0xffff, v5  }
0xc3: {  	s15 =	simm.s32 $0x80000060;
	p1 =	por !p4, !p2;
	s29 =	spop (v2sf);
	(xrf0) =	vadd.scan.msk.s32 $0xffff, v8  }
0xc4: {  	s16 =	simm.s32 $0x80000070;
	p1 =	por !p1, !p1;
	s1 =	sadd.s32 s19, s29;
	v11, _, _ =	vpop (xrf0)  }
0xc5: {  	p0 =	por p0, p0;
	s10 =	simm.s32 @p1 $0x1;
	s0 =	sadd.s32 $0x80000000, s23;
	v10 =	vadd.s32 s1, v10;
	(v2sf) =	vpush v11, $0xF  }
0xc6: {  	p5 =	seq.s32 s10, $0x0;
	s9 =	smov.u32 @p0 s0;
	p3 =	sgt.s32 s19, $0x555  }
0xc7: {  	p0 =	por p0, p0;
	s0 =	simm.s32 $0x2060;
	p2 =	por !p5, !p3;
	v11, _, _ =	vpop (xrf0)  }
0xc8: {  	p3 =	por !p2, !p2;
	p2 =	por p1, p1;
	s3 =	sadd.s32 $0x80000010, s25;
	v8 =	vld [tilespmem:s0+$0x0];
	vm2 =	vgt.s32 v10, $0x555;
	(v2sf) =	vpush v11, $0xF;
	v10, _, _ =	vpop (xrf0)  }
0xc9: {  	p1 =	por p0, p0;
	s10 =	simm.s32 @p3 $0x1;
	s9 =	smov.u32 @p2 s3;
	(v2sf) =	vpush v10, $0xF;
	v63, _, _ =	vpop (xrf0)  }
0xca: {  	p4 =	seq.s32 s10, $0x0;
	p5 =	sgt.s32 s1, $0x555;
	s30 =	spop (v2sf);
	v11 =	vnsel vm2, $0x80000010, v3;
	(v2sf) =	vpush v63, $0xF  }
0xcb: {  	p0 =	por p2, p2;
	p3 =	por p3, p3;
	p6 =	por !p4, !p5;
	(xrf0) =	vmin.scan.msk.u32 $0xffff, v11  }
0xcc: {  	p2 =	por !p6, !p6;
	s31 =	sxor.u32 $0x80000000, s30;
	s4 =	sadd.s32 $0x80000020, s30  }
0xcd: {  	s23 =	smov.u32 s1;
	s10 =	simm.s32 @p2 $0x1;
	s9 =	smov.u32 @p3 s4;
	v11 =	vmov s31;
	(xrf0) =	vadd.scan.msk.s32 $0xffff, v8  }
.LBB2_7:
0xce: {  	p4 =	sne.s32 s2, $0x800000F0;
	s3 =	spop (v2sf);
	s4 =	smov.u32 s21  }
0xcf: {  	s21 =	smov.u32 s20;
	s20 =	smov.u32 s15;
	s15 =	smov.u32 s16  }
0xd0: {  	vm2 =	vgt.s32 v11, v0;
	p5 =	por p1, p1;
	p1 =	por p0, p0;
	p0 =	por p3, p3  }
0xd1: {  	s16 =	smov.u32 s12;
	s12 =	smov.u32 s14;
	s1 =	sadd.s32 s1, s3;
	v11, _, _ =	vpop (xrf0);
	v12 =	vnsel vm2, $0x0, v7;
	v7 =	vmov v6;
	v6 =	vmov v9  }
0xd2: {  	s0 =	sadd.s32 $0x10, s0;
	p3 =	seq.s32 s10, $0x0;
	v9 =	vmovc v5;
	v5 =	vmov v8;
	v13 =	vadd.s32 s1, v10;
	p6 =	sgt.s32 s1, $0x555;
	(v2sf) =	vpush v11, $0xF;
	(xrf0) =	vadd.scan.msk.s32 $0xffff, v12  }
0xd3: {  	s14 =	smov.u32 s13;
	s13 =	smov.u32 s2;
	v8 =	vld [tilespmem:s0+$0x0];
	vm2 =	vgt.s32 v13, $0x555;
	p6 =	por !p3, !p6  }
0xd4: {  	p3 =	por p2, p2;
	v10, _, _ =	vpop (xrf0);
	v11 =	vnsel vm2, $0x80000010, v3;
	s3 =	spop (v2sf);
	p2 =	por !p6, !p6  }
.Ltmp3:
0xd5: {  	(v2sf) =	vpush v10, $0xF;
	(xrf0) =	vmin.scan.msk.u32 $0xffff, v11;
	s10 =	simm.s32 @p2 $0x1;
	s3 =	sadd.s32 s28, s3;
	(pc) =	sbr.rel @p4 .LBB2_7-.Ltmp3, $4  }
0xd6: {  	s28 =	smov.u32 s17;
	s17 =	smov.u32 s18;
	s11 =	smov.u32 @p5 s3  }
0xd7: {  	s18 =	smov.u32 s19;
	s19 =	smov.u32 s23;
	s3 =	spop (v2sf)  }
0xd8: {  	s23 =	smov.u32 s1;
	(xrf0) =	vadd.scan.msk.s32 $0xffff, v8;
	s5 =	sxor.u32 $0x80000000, s3;
	s3 =	sadd.s32 s22, s3;
	v12, _, _ =	vpop (xrf0)  }
0xd9: {  	s2 =	sadd.s32 $0x10, s2;
	s22 =	smov.u32 s4;
	v11 =	vmov s5;
	s9 =	smov.u32 @p3 s3;
	(v2sf) =	vpush v12, $0xF  }
0xda: {  	_ =	sdelay $0x2  }
0xdb: {  	v12, _, _ =	vpop (xrf0)  }
0xdc: {  	(v2sf) =	vpush v12, $0xF;
	v40, _, _ =	vpop (xrf0)  }
0xdd: {  	(v2sf) =	vpush v40, $0xF;
	_ =	sdelay $0x3  }
0xde: {  	s2 =	spop (v2sf);
	s0 =	sadd.s32 $0x10, s0  }
0xdf: {  	s25 =	sadd.s32 s1, s2;
	v13 =	vld [tilespmem:s0+$0x0]  }
0xe0: {  	vm2 =	vgt.s32 v11, v0;
	v10 =	vadd.s32 s25, v10  }
0xe1: {  	v7 =	vnsel vm2, $0x0, v7;
	vm2 =	vgt.s32 v10, $0x555  }
0xe2: {  	(xrf0) =	vadd.scan.msk.s32 $0xffff, v7;
	v7 =	vnsel vm2, $0x80000010, v3  }
0xe3: {  	s4 =	spop (v2sf);
	(xrf0) =	vmin.scan.msk.u32 $0xffff, v7  }
0xe4: {  	(xrf0) =	vadd.scan.msk.s32 $0xffff, v13;
	s3 =	spop (v2sf)  }
0xe5: {  	s5 =	sxor.u32 $0x80000000, s3;
	s6 =	spop (v2sf)  }
0xe6: {  	s0 =	sadd.s32 $0x10, s0;
	v41 =	vmov s5;
	s24 =	sadd.s32 s25, s6  }
0xe7: {  	v7 =	vld [tilespmem:s0+$0x0];
	vm2 =	vgt.s32 v41, v0;
	v43 =	vadd.s32 s24, v40;
	s7 =	spop (v2sf)  }
0xe8: {  	v42, _, _ =	vpop (xrf0);
	v6 =	vnsel vm2, $0x0, v6;
	vm2 =	vgt.s32 v43, $0x555;
	[dreg:$0x8] =	wrdreg s7;
	s7 =	spop (v2sf)  }
0xe9: {  	s0 =	sadd.s32 $0x10, s0;
	(v2sf) =	vpush v42, $0xF;
	v44, _, _ =	vpop (xrf0);
	(xrf0) =	vadd.scan.msk.s32 $0xffff, v6;
	v46 =	vnsel vm2, $0x80000010, v3;
	s8 =	sxor.u32 $0x80000000, s7;
	s26 =	spop (v2sf)  }
0xea: {  	(v2sf) =	vpush v44, $0xF;
	v45, _, _ =	vpop (xrf0);
	v6 =	vld [tilespmem:s0+$0x0];
	(xrf0) =	vmin.scan.msk.u32 $0xffff, v46;
	v47 =	vmov s8;
	s26 =	sadd.s32 s24, s26  }
0xeb: {  	(v2sf) =	vpush v45, $0xF;
	vm2 =	vgt.s32 v47, v0;
	v10 =	vadd.s32 s26, v45  }
0xec: {  	(xrf0) =	vadd.scan.msk.s32 $0xffff, v7;
	v9 =	vnsel vm2, $0x0, v9;
	vm2 =	vgt.s32 v10, $0x555  }
0xed: {  	(xrf0) =	vadd.scan.msk.s32 $0xffff, v9;
	v48 =	vnsel vm2, $0x80000010, v3  }
0xee: {  	(xrf0) =	vmin.scan.msk.u32 $0xffff, v48  }
0xef: {  	v49, _, _ =	vpop (xrf0);
	(xrf0) =	vadd.scan.msk.s32 $0xffff, v6  }
0xf0: {  	(v2sf) =	vpush v49, $0xF;
	v50, _, _ =	vpop (xrf0)  }
0xf1: {  	(v2sf) =	vpush v50, $0xF  }
0xf2: {  	v51, _, _ =	vpop (xrf0)  }
0xf3: {  	(v2sf) =	vpush v51, $0xF;
	v52, _, _ =	vpop (xrf0)  }
0xf4: {  	(v2sf) =	vpush v52, $0xF;
	v53, _, _ =	vpop (xrf0)  }
0xf5: {  	(v2sf) =	vpush v53, $0xF;
	v54, _, _ =	vpop (xrf0)  }
0xf6: {  	(v2sf) =	vpush v54, $0xF;
	_ =	sdelay $0x1  }
0xf7: {  	[dreg:$0x10] =	wrdreg s4;
	s4 =	spop (v2sf)  }
0xf8: {  	s31 =	spop (v2sf)  }
0xf9: {  	s0 =	sadd.s32 $0x10, s0;
	s29 =	sxor.u32 $0x80000000, s31;
	s5 =	spop (v2sf)  }
0xfa: {  	v56 =	vld [tilespmem:s0+$0x0];
	v55 =	vmov s29;
	s29 =	sadd.s32 s26, s5  }
0xfb: {  	vm2 =	vgt.s32 v55, v0;
	v9 =	vadd.s32 s29, v51  }
0xfc: {  	v5 =	vnsel vm2, $0x0, v5;
	vm2 =	vgt.s32 v9, $0x555  }
0xfd: {  	(xrf0) =	vadd.scan.msk.s32 $0xffff, v5;
	v5 =	vnsel vm2, $0x80000010, v3  }
0xfe: {  	(xrf0) =	vmin.scan.msk.u32 $0xffff, v5;
	s8 =	spop (v2sf)  }
0xff: {  	(xrf0) =	vadd.scan.msk.s32 $0xffff, v56;
	s6 =	spop (v2sf)  }
0x100: {  	s2 =	sxor.u32 $0x80000000, s6  }
0x101: {  	s30 =	spop (v2sf);
	v5 =	vmov s2  }
0x102: {  	s5 =	spop (v2sf)  }
0x103: {  	v57, _, _ =	vpop (xrf0);
	s2 =	sadd.s32 s29, s30;
	s30 =	spop (v2sf)  }
0x104: {  	vm2 =	vgt.s32 v5, v0;
	v10 =	vadd.s32 s2, v54;
	v5, _, _ =	vpop (xrf0);
	s1 =	sxor.u32 $0x80000000, s30;
	s0 =	spop (v2sf)  }
0x105: {  	v8 =	vnsel vm2, $0x0, v8;
	vm2 =	vgt.s32 v10, $0x555;
	v59, _, _ =	vpop (xrf0);
	v58 =	vmov s1;
	s1 =	sadd.s32 s2, s0  }
0x106: {  	(xrf0) =	vadd.scan.msk.s32 $0xffff, v8;
	v60 =	vnsel vm2, $0x80000010, v3;
	vm2 =	vgt.s32 v58, v0;
	v61 =	vadd.s32 s1, v59  }
0x107: {  	(xrf0) =	vmin.scan.msk.u32 $0xffff, v60;
	v62 =	vnsel vm2, $0x0, v13;
	vm2 =	vgt.s32 v61, $0x555  }
0x108: {  	(xrf0) =	vadd.scan.msk.s32 $0xffff, v62;
	v63 =	vnsel vm2, $0x80000010, v3  }
0x109: {  	(xrf0) =	vmin.scan.msk.u32 $0xffff, v63  }
0x10a: {  	(v2sf) =	vpush v57, $0xF  }
0x10b: {  	(v2sf) =	vpush v5, $0xF  }
0x10c: {  	(v2sf) =	vpush v59, $0xF;
	v5, _, _ =	vpop (xrf0)  }
0x10d: {  	(v2sf) =	vpush v5, $0xF;
	v5, _, _ =	vpop (xrf0)  }
0x10e: {  	(v2sf) =	vpush v5, $0xF;
	v5, _, _ =	vpop (xrf0)  }
0x10f: {  	(v2sf) =	vpush v5, $0xF;
	v5, _, _ =	vpop (xrf0)  }
0x110: {  	(v2sf) =	vpush v5, $0xF;
	_ =	sdelay $0x1  }
0x111: {  	p1 =	por p1, p1;
	p4 =	seq.s32 s10, $0x0;
	p5 =	sgt.s32 s25, $0x555  }
0x112: {  	p0 =	por p0, p0;
	p3 =	por p3, p3;
	p4 =	por !p4, !p5  }
0x113: {  	p2 =	por p2, p2;
	p3 =	por p3, p3;
	p4 =	por !p4, !p4  }
0x114: {  	p0 =	por p0, p0;
	p3 =	por p3, p3;
	s10 =	simm.s32 @p4 $0x1  }
0x115: {  	p5 =	seq.s32 s10, $0x0;
	p6 =	sgt.s32 s24, $0x555;
	s0 =	rddreg [dreg:$0x10]  }
0x116: {  	s8 =	sadd.s32 s19, s8;
	s6 =	sadd.s32 s15, s6;
	s0 =	sadd.s32 s28, s0  }
0x117: {  	s11 =	smov.u32 @p1 s0;
	s0 =	sadd.s32 s22, s3;
	s3 =	rddreg [dreg:$0x8]  }
0x118: {  	s9 =	smov.u32 @p2 s0;
	s0 =	sadd.s32 s17, s3;
	s17 =	spop (v2sf)  }
0x119: {  	s5 =	sadd.s32 s23, s5;
	p1 =	por !p5, !p6;
	s22 =	spop (v2sf)  }
0x11a: {  	s11 =	smov.u32 @p0 s0;
	s0 =	sadd.s32 s21, s7;
	s21 =	spop (v2sf)  }
0x11b: {  	p1 =	por !p1, !p1;
	p0 =	por p4, p4;
	s7 =	spop (v2sf)  }
0x11c: {  	s9 =	smov.u32 @p0 s0;
	s0 =	sadd.s32 s18, s4;
	s3 =	spop (v2sf)  }
0x11d: {  	s11 =	smov.u32 @p3 s0;
	s4 =	sxor.u32 $0x80000000, s22;
	s0 =	spop (v2sf)  }
0x11e: {  	s18 =	sadd.s32 s20, s31;
	v5 =	vmov s4;
	s20 =	sxor.u32 $0x80000000, s3;
	s28 =	spop (v2sf)  }
0x11f: {  	p5 =	sgt.s32 s26, $0x555;
	s10 =	simm.s32 @p1 $0x1;
	vm2 =	vgt.s32 v5, v0;
	v5 =	vmov s20;
	s31 =	sxor.u32 $0x80000000, s28  }
0x120: {  	p6 =	por p2, p2;
	p1 =	por p1, p1;
	p4 =	seq.s32 s10, $0x0;
	v7 =	vnsel vm2, $0x0, v7;
	vm2 =	vgt.s32 v5, v0;
	v5 =	vmov s31  }
0x121: {  	p0 =	por p0, p0;
	p3 =	por !p4, !p5;
	s9 =	smov.u32 @p1 s18;
	(xrf0) =	vadd.scan.msk.s32 $0xffff, v7;
	v6 =	vnsel vm2, $0x0, v6;
	vm2 =	vgt.s32 v5, v0  }
0x122: {  	p4 =	por p6, p6;
	p6 =	sgt.s32 s29, $0x555;
	p2 =	por !p3, !p3;
	(xrf0) =	vadd.scan.msk.s32 $0xffff, v6;
	v5 =	vnsel vm2, $0x0, v56  }
0x123: {  	p1 =	por p1, p1;
	p3 =	por p4, p4;
	s10 =	simm.s32 @p2 $0x1;
	(xrf0) =	vadd.scan.msk.s32 $0xffff, v5  }
0x124: {  	p1 =	por p1, p1;
	s11 =	smov.u32 @p3 s8;
	p5 =	seq.s32 s10, $0x0  }
0x125: {  	p5 =	por !p5, !p6;
	p6 =	por p0, p0;
	p0 =	por p2, p2  }
0x126: {  	p3 =	por !p5, !p5;
	p2 =	por p6, p6;
	p6 =	sgt.s32 s2, $0x555  }
0x127: {  	s9 =	smov.u32 @p0 s6;
	p0 =	por p0, p0;
	s10 =	simm.s32 @p3 $0x1;
	v5, _, _ =	vpop (xrf0)  }
0x128: {  	s11 =	smov.u32 @p2 s5;
	s5 =	sadd.s32 s16, s30;
	p3 =	por p3, p3;
	(v2sf) =	vpush v5, $0xF;
	v5, _, _ =	vpop (xrf0)  }
0x129: {  	p5 =	seq.s32 s10, $0x0;
	s9 =	smov.u32 @p3 s5;
	p3 =	por p3, p3;
	(v2sf) =	vpush v5, $0xF;
	v5, _, _ =	vpop (xrf0)  }
0x12a: {  	s5 =	sadd.s32 s25, s17;
	s25 =	sadd.s32 s1, s21;
	p4 =	por !p5, !p6;
	(v2sf) =	vpush v5, $0xF  }
0x12b: {  	p5 =	sgt.s32 s1, $0x555;
	p6 =	por p1, p1;
	p2 =	por !p4, !p4  }
0x12c: {  	[tilespmem:$0x2000] =	vst v1;
	p1 =	por p0, p0;
	p3 =	por p3, p3;
	s10 =	simm.s32 @p2 $0x1  }
0x12d: {  	[tilespmem:$0x2010] =	vst v1;
	s11 =	smov.u32 @p6 s5;
	s5 =	sadd.s32 s12, s22;
	p4 =	seq.s32 s10, $0x0  }
0x12e: {  	[tilespmem:$0x2020] =	vst v1;
	p6 =	sgt.s32 s25, $0x555;
	p2 =	por p2, p2;
	p4 =	por !p4, !p5  }
0x12f: {  	[tilespmem:$0x2030] =	vst v1;
	p1 =	por p1, p1;
	s9 =	smov.u32 @p2 s5;
	p0 =	por !p4, !p4  }
0x130: {  	[tilespmem:$0x2040] =	vst v1;
	p2 =	por p2, p2;
	s5 =	sadd.s32 s24, s7;
	s10 =	simm.s32 @p0 $0x1  }
0x131: {  	[tilespmem:$0x2050] =	vst v1;
	s3 =	sadd.s32 s14, s3;
	s11 =	smov.u32 @p1 s5;
	p5 =	seq.s32 s10, $0x0  }
0x132: {  	[tilespmem:$0x2060] =	vst v1;
	p1 =	por p3, p3;
	p0 =	por p0, p0;
	p4 =	por !p5, !p6  }
0x133: {  	[tilespmem:$0x2070] =	vst v1;
	s9 =	smov.u32 @p0 s3;
	p0 =	por p0, p0;
	p4 =	por !p4, !p4  }
0x134: {  	[tilespmem:$0x2080] =	vst v1;
	p2 =	por p2, p2;
	p0 =	por p0, p0;
	p3 =	por p4, p4  }
0x135: {  	[tilespmem:$0x2090] =	vst v1;
	p0 =	por p0, p0;
	p5 =	por p3, p3;
	s0 =	sadd.s32 s26, s0  }
0x136: {  	[tilespmem:$0x20A0] =	vst v1;
	p6 =	por p5, p5;
	s3 =	sadd.s32 s13, s28;
	s11 =	smov.u32 @p1 s0  }
0x137: {  	[tilespmem:$0x20B0] =	vst v1;
	p1 =	por p2, p2;
	s9 =	smov.u32 @p3 s3;
	s28 =	spop (v2sf)  }
0x138: {  	[tilespmem:$0x20C0] =	vst v1;
	s31 =	sand.u32 $0xFF, s9;
	s0 =	sadd.s32 s29, s28;
	s29 =	spop (v2sf)  }
0x139: {  	[tilespmem:$0x20D0] =	vst v1;
	s11 =	smov.u32 @p1 s0;
	s0 =	sadd.s32 s2, s29;
	s30 =	spop (v2sf)  }
0x13a: {  	[tilespmem:$0x20E0] =	vst v1;
	s11 =	smov.u32 @p0 s0;
	p0 =	por p6, p6;
	s0 =	sadd.s32 s1, s30  }
0x13b: {  	[tilespmem:$0x20F0] =	vst v1;
	v5 =	vmov s31;
	s1 =	simm.s32 $0x1040;
	s11 =	smov.u32 @p0 s0;
	s0 =	simm.s32 $0xFFFFFFF8  }
.LBB2_9:
0x13c: {  	v6 =	vld [tilespmem:s1+$0xFFFFFFC0];
	_ =	sdelay $0x4  }
0x13d: {  	v7 =	vshrl.u32 v6, $0x18  }
0x13e: {  	v6 =	vshrl.u32 v6, $0x10;
	vm2 =	veq.s32 v7, v5  }
0x13f: {  	v6 =	vand.u32 $0xFF, v6;
	_ =	sdelay $0x3  }
0x140: {  	s2 =	simm.s32 $0x2000  }
0x141: {  	[tilespmem:v6+s2+$0x0] =	vst.idx.add.s32.msk vm2, v2  }
0x142: {  	v6 =	vld [tilespmem:s1+$0xFFFFFFD0];
	_ =	sdelay $0x4  }
0x143: {  	v7 =	vshrl.u32 v6, $0x18  }
0x144: {  	v6 =	vshrl.u32 v6, $0x10;
	vm2 =	veq.s32 v7, v5  }
0x145: {  	v6 =	vand.u32 $0xFF, v6;
	_ =	sdelay $0x4  }
0x146: {  	[tilespmem:v6+s2+$0x0] =	vst.idx.add.s32.msk vm2, v2  }
0x147: {  	v6 =	vld [tilespmem:s1+$0xFFFFFFE0];
	_ =	sdelay $0x4  }
0x148: {  	v7 =	vshrl.u32 v6, $0x18  }
0x149: {  	v6 =	vshrl.u32 v6, $0x10;
	vm2 =	veq.s32 v7, v5  }
0x14a: {  	v6 =	vand.u32 $0xFF, v6;
	_ =	sdelay $0x4  }
0x14b: {  	[tilespmem:v6+s2+$0x0] =	vst.idx.add.s32.msk vm2, v2  }
0x14c: {  	v6 =	vld [tilespmem:s1+$0xFFFFFFF0];
	_ =	sdelay $0x4  }
0x14d: {  	v7 =	vshrl.u32 v6, $0x18  }
0x14e: {  	v6 =	vshrl.u32 v6, $0x10;
	vm2 =	veq.s32 v7, v5  }
0x14f: {  	v6 =	vand.u32 $0xFF, v6;
	_ =	sdelay $0x4  }
0x150: {  	[tilespmem:v6+s2+$0x0] =	vst.idx.add.s32.msk vm2, v2  }
0x151: {  	v6 =	vld [tilespmem:s1+$0x0];
	_ =	sdelay $0x4  }
0x152: {  	v7 =	vshrl.u32 v6, $0x18  }
0x153: {  	v6 =	vshrl.u32 v6, $0x10;
	vm2 =	veq.s32 v7, v5  }
0x154: {  	v6 =	vand.u32 $0xFF, v6;
	_ =	sdelay $0x4  }
0x155: {  	[tilespmem:v6+s2+$0x0] =	vst.idx.add.s32.msk vm2, v2  }
0x156: {  	v6 =	vld [tilespmem:s1+$0x10];
	_ =	sdelay $0x4  }
0x157: {  	v7 =	vshrl.u32 v6, $0x18  }
0x158: {  	v6 =	vshrl.u32 v6, $0x10;
	vm2 =	veq.s32 v7, v5  }
0x159: {  	v6 =	vand.u32 $0xFF, v6;
	_ =	sdelay $0x4  }
0x15a: {  	[tilespmem:v6+s2+$0x0] =	vst.idx.add.s32.msk vm2, v2  }
0x15b: {  	v6 =	vld [tilespmem:s1+$0x20];
	_ =	sdelay $0x4  }
0x15c: {  	v7 =	vshrl.u32 v6, $0x18  }
0x15d: {  	v6 =	vshrl.u32 v6, $0x10;
	vm2 =	veq.s32 v7, v5  }
0x15e: {  	v6 =	vand.u32 $0xFF, v6;
	_ =	sdelay $0x4  }
0x15f: {  	[tilespmem:v6+s2+$0x0] =	vst.idx.add.s32.msk vm2, v2  }
0x160: {  	v6 =	vld [tilespmem:s1+$0x30];
	_ =	sdelay $0x4  }
0x161: {  	v7 =	vshrl.u32 v6, $0x18  }
0x162: {  	s0 =	sadd.s32 $0x8, s0;
	v6 =	vshrl.u32 v6, $0x10;
	vm2 =	veq.s32 v7, v5  }
0x163: {  	p0 =	slt.u32 s0, $0xF8;
	v6 =	vand.u32 $0xFF, v6  }
.Ltmp4:
0x164: {  	_ = 	snop;
	(pc) =	sbr.rel @p0 .LBB2_9-.Ltmp4, $2  }
0x165: {  	_ =	sdelay $0x2  }
0x166: {  	s10 =	simm.s32 $0x0;
	s1 =	sadd.s32 $0x80, s1;
	[tilespmem:v6+s2+$0x0] =	vst.idx.add.s32.msk vm2, v2  }
0x167: {  	v8 =	vld [tilespmem:s2+$0x0];
	_ =	sdelay $0x4  }
0x168: {  	(xrf0) =	vadd.scan.msk.s32 $0xffff, v8;
	_ =	sdelay $0x5  }
0x169: {  	s0 =	simm.s32 $0x2010;
	v5, _, _ =	vpop (xrf0)  }
0x16a: {  	v10 =	vld [tilespmem:s0+$0x0];
	(v2sf) =	vpush v5, $0xF;
	_ =	sdelay $0x4  }
0x16b: {  	(xrf0) =	vadd.scan.msk.s32 $0xffff, v10;
	_ =	sdelay $0x5  }
0x16c: {  	v6, _, _ =	vpop (xrf0)  }
0x16d: {  	(v2sf) =	vpush v6, $0xF  }
0x16e: {  	s8 =	simm.s32 $0x2020  }
0x16f: {  	v7 =	vld [tilespmem:s8+$0x0];
	v5 =	vadd.s32 s11, v5  }
0x170: {  	vm2 =	vgt.s32 v5, $0x555;
	s12 =	spop (v2sf)  }
0x171: {  	v5 =	vnsel vm2, $0x80000010, v3;
	s20 =	sadd.s32 s11, s12  }
0x172: {  	(xrf0) =	vmin.scan.msk.u32 $0xffff, v5;
	v5 =	vadd.s32 s20, v6  }
0x173: {  	vm2 =	vgt.s32 v5, $0x555  }
0x174: {  	(xrf0) =	vadd.scan.msk.s32 $0xffff, v7;
	v5 =	vnsel vm2, $0x80000010, v3  }
0x175: {  	(xrf0) =	vmin.scan.msk.u32 $0xffff, v5;
	_ =	sdelay $0x2  }
0x176: {  	s13 =	simm.s32 $0x2030  }
0x177: {  	v6 =	vld [tilespmem:s13+$0x0];
	v5, _, _ =	vpop (xrf0)  }
0x178: {  	(v2sf) =	vpush v5, $0xF;
	v5, _, _ =	vpop (xrf0)  }
0x179: {  	(v2sf) =	vpush v5, $0xF;
	v9, _, _ =	vpop (xrf0)  }
0x17a: {  	s14 =	spop (v2sf);
	(v2sf) =	vpush v9, $0xF;
	_ =	sdelay $0x1  }
0x17b: {  	(xrf0) =	vadd.scan.msk.s32 $0xffff, v6;
	_ =	sdelay $0x2  }
0x17c: {  	s19 =	sadd.s32 s20, s14  }
0x17d: {  	v5 =	vadd.s32 s19, v5  }
0x17e: {  	s15 =	simm.s32 $0x2040;
	vm2 =	vgt.s32 v5, $0x555  }
0x17f: {  	v5 =	vnsel vm2, $0x80000010, v3;
	v9 =	vld [tilespmem:s15+$0x0];
	v11, _, _ =	vpop (xrf0)  }
0x180: {  	(xrf0) =	vmin.scan.msk.u32 $0xffff, v5;
	(v2sf) =	vpush v11, $0xF;
	_ =	sdelay $0x3  }
0x181: {  	(xrf0) =	vadd.scan.msk.s32 $0xffff, v9;
	s16 =	spop (v2sf)  }
0x182: {  	s1 =	sxor.u32 $0x80000000, s16;
	s25 =	spop (v2sf)  }
0x183: {  	v5, _, _ =	vpop (xrf0);
	v12 =	vmov s1;
	s21 =	sadd.s32 s19, s25;
	s26 =	spop (v2sf)  }
0x184: {  	(v2sf) =	vpush v5, $0xF;
	vm2 =	vgt.s32 v12, v0;
	v11 =	vadd.s32 s21, v11;
	s28 =	sxor.u32 $0x80000000, s26  }
0x185: {  	s3 =	simm.s32 $0x2050;
	v8 =	vnsel vm2, $0x0, v8;
	vm2 =	vgt.s32 v11, $0x555;
	v11 =	vmov s28  }
0x186: {  	p0 =	por $0x1, $0x1;
	p1 =	sgt.s32 s20, $0x555;
	v5 =	vld [tilespmem:s3+$0x0];
	(xrf0) =	vadd.scan.msk.s32 $0xffff, v8;
	v8 =	vnsel vm2, $0x80000010, v3;
	vm2 =	vgt.s32 v11, v0  }
0x187: {  	s24 =	simm.s32 $0x80000030;
	p0 =	por !p0, !p1;
	(xrf0) =	vmin.scan.msk.u32 $0xffff, v8;
	v8 =	vnsel vm2, $0x0, v10;
	v10, _, _ =	vpop (xrf0)  }
0x188: {  	s23 =	simm.s32 $0x80000040;
	s13 =	simm.s32 $0x0;
	p0 =	por !p0, !p0;
	(v2sf) =	vpush v10, $0xF  }
0x189: {  	s22 =	simm.s32 $0x80000050;
	s18 =	simm.s32 $0x80000060;
	s13 =	simm.s32 @p0 $0x1  }
0x18a: {  	s17 =	simm.s32 $0x80000070;
	p2 =	sgt.s32 s19, $0x555;
	p4 =	seq.s32 s13, $0x0  }
0x18b: {  	s2 =	simm.s32 $0x800000B0;
	s12 =	simm.s32 $0x0;
	p1 =	por !p4, !p2;
	(xrf0) =	vadd.scan.msk.s32 $0xffff, v5  }
0x18c: {  	s14 =	simm.s32 $0x80000080;
	p1 =	por !p1, !p1;
	s29 =	spop (v2sf);
	(xrf0) =	vadd.scan.msk.s32 $0xffff, v8  }
0x18d: {  	p0 =	por p0, p0;
	s13 =	simm.s32 @p1 $0x1;
	s1 =	sadd.s32 s21, s29;
	v11, _, _ =	vpop (xrf0)  }
0x18e: {  	p6 =	por p0, p0;
	p5 =	seq.s32 s13, $0x0;
	s15 =	simm.s32 $0x800000A0;
	v10 =	vadd.s32 s1, v10;
	(v2sf) =	vpush v11, $0xF  }
0x18f: {  	s0 =	sadd.s32 $0x80000000, s16;
	s16 =	simm.s32 $0x80000090;
	p3 =	sgt.s32 s21, $0x555  }
0x190: {  	s12 =	smov.u32 @p0 s0;
	s0 =	simm.s32 $0x2060;
	p3 =	por !p5, !p3;
	v11, _, _ =	vpop (xrf0)  }
0x191: {  	p0 =	por p1, p1;
	p3 =	por !p3, !p3;
	s3 =	sadd.s32 $0x80000010, s26;
	v8 =	vld [tilespmem:s0+$0x0];
	vm2 =	vgt.s32 v10, $0x555;
	(v2sf) =	vpush v11, $0xF;
	v10, _, _ =	vpop (xrf0)  }
0x192: {  	p1 =	por p6, p6;
	s13 =	simm.s32 @p3 $0x1;
	s12 =	smov.u32 @p0 s3;
	(v2sf) =	vpush v10, $0xF;
	v63, _, _ =	vpop (xrf0)  }
0x193: {  	p4 =	seq.s32 s13, $0x0;
	p5 =	sgt.s32 s1, $0x555;
	s30 =	spop (v2sf);
	v11 =	vnsel vm2, $0x80000010, v3;
	(v2sf) =	vpush v63, $0xF  }
0x194: {  	p0 =	por p0, p0;
	p3 =	por p3, p3;
	p6 =	por !p4, !p5;
	(xrf0) =	vmin.scan.msk.u32 $0xffff, v11  }
0x195: {  	p2 =	por !p6, !p6;
	s31 =	sxor.u32 $0x80000000, s30;
	s4 =	sadd.s32 $0x80000020, s30  }
0x196: {  	s25 =	smov.u32 s1;
	s13 =	simm.s32 @p2 $0x1;
	s12 =	smov.u32 @p3 s4;
	v11 =	vmov s31;
	(xrf0) =	vadd.scan.msk.s32 $0xffff, v8  }
.LBB2_11:
0x197: {  	p4 =	sne.s32 s2, $0x800000F0;
	s3 =	spop (v2sf);
	s4 =	smov.u32 s23  }
0x198: {  	s23 =	smov.u32 s22;
	s22 =	smov.u32 s18;
	s18 =	smov.u32 s17  }
0x199: {  	vm2 =	vgt.s32 v11, v0;
	p5 =	por p1, p1;
	p1 =	por p0, p0;
	p0 =	por p3, p3  }
0x19a: {  	s17 =	smov.u32 s14;
	s14 =	smov.u32 s16;
	s1 =	sadd.s32 s1, s3;
	v11, _, _ =	vpop (xrf0);
	v12 =	vnsel vm2, $0x0, v7;
	v7 =	vmov v6;
	v6 =	vmov v9  }
0x19b: {  	s0 =	sadd.s32 $0x10, s0;
	p3 =	seq.s32 s13, $0x0;
	v9 =	vmovc v5;
	v5 =	vmov v8;
	v13 =	vadd.s32 s1, v10;
	p6 =	sgt.s32 s1, $0x555;
	(v2sf) =	vpush v11, $0xF;
	(xrf0) =	vadd.scan.msk.s32 $0xffff, v12  }
0x19c: {  	s16 =	smov.u32 s15;
	s15 =	smov.u32 s2;
	v8 =	vld [tilespmem:s0+$0x0];
	vm2 =	vgt.s32 v13, $0x555;
	p6 =	por !p3, !p6  }
0x19d: {  	p3 =	por p2, p2;
	v10, _, _ =	vpop (xrf0);
	v11 =	vnsel vm2, $0x80000010, v3;
	s3 =	spop (v2sf);
	p2 =	por !p6, !p6  }
.Ltmp5:
0x19e: {  	(v2sf) =	vpush v10, $0xF;
	(xrf0) =	vmin.scan.msk.u32 $0xffff, v11;
	s13 =	simm.s32 @p2 $0x1;
	s3 =	sadd.s32 s11, s3;
	(pc) =	sbr.rel @p4 .LBB2_11-.Ltmp5, $4  }
0x19f: {  	s11 =	smov.u32 s20;
	s20 =	smov.u32 s19;
	s10 =	smov.u32 @p5 s3  }
0x1a0: {  	s19 =	smov.u32 s21;
	s21 =	smov.u32 s25;
	s3 =	spop (v2sf)  }
0x1a1: {  	s25 =	smov.u32 s1;
	(xrf0) =	vadd.scan.msk.s32 $0xffff, v8;
	s5 =	sxor.u32 $0x80000000, s3;
	s3 =	sadd.s32 s24, s3;
	v12, _, _ =	vpop (xrf0)  }
0x1a2: {  	s2 =	sadd.s32 $0x10, s2;
	s24 =	smov.u32 s4;
	v11 =	vmov s5;
	s12 =	smov.u32 @p3 s3;
	(v2sf) =	vpush v12, $0xF  }
0x1a3: {  	_ =	sdelay $0x2  }
0x1a4: {  	v12, _, _ =	vpop (xrf0)  }
0x1a5: {  	(v2sf) =	vpush v12, $0xF;
	v40, _, _ =	vpop (xrf0)  }
0x1a6: {  	(v2sf) =	vpush v40, $0xF;
	_ =	sdelay $0x3  }
0x1a7: {  	s2 =	spop (v2sf);
	s0 =	sadd.s32 $0x10, s0  }
0x1a8: {  	s28 =	sadd.s32 s1, s2;
	v13 =	vld [tilespmem:s0+$0x0]  }
0x1a9: {  	vm2 =	vgt.s32 v11, v0;
	v10 =	vadd.s32 s28, v10  }
0x1aa: {  	v7 =	vnsel vm2, $0x0, v7;
	vm2 =	vgt.s32 v10, $0x555  }
0x1ab: {  	(xrf0) =	vadd.scan.msk.s32 $0xffff, v7;
	v7 =	vnsel vm2, $0x80000010, v3  }
0x1ac: {  	s7 =	spop (v2sf);
	(xrf0) =	vmin.scan.msk.u32 $0xffff, v7  }
0x1ad: {  	[dreg:$0x11] =	wrdreg s7;
	(xrf0) =	vadd.scan.msk.s32 $0xffff, v13;
	s7 =	spop (v2sf)  }
0x1ae: {  	s8 =	sxor.u32 $0x80000000, s7;
	s26 =	spop (v2sf)  }
0x1af: {  	s0 =	sadd.s32 $0x10, s0;
	v41 =	vmov s8;
	s26 =	sadd.s32 s28, s26  }
0x1b0: {  	v7 =	vld [tilespmem:s0+$0x0];
	vm2 =	vgt.s32 v41, v0;
	v43 =	vadd.s32 s26, v40;
	s29 =	spop (v2sf)  }
0x1b1: {  	v42, _, _ =	vpop (xrf0);
	v6 =	vnsel vm2, $0x0, v6;
	vm2 =	vgt.s32 v43, $0x555;
	s5 =	spop (v2sf)  }
0x1b2: {  	s4 =	sadd.s32 $0x10, s0;
	(v2sf) =	vpush v42, $0xF;
	v44, _, _ =	vpop (xrf0);
	(xrf0) =	vadd.scan.msk.s32 $0xffff, v6;
	v46 =	vnsel vm2, $0x80000010, v3;
	s30 =	sxor.u32 $0x80000000, s5;
	s31 =	spop (v2sf)  }
0x1b3: {  	(v2sf) =	vpush v44, $0xF;
	v45, _, _ =	vpop (xrf0);
	v6 =	vld [tilespmem:s4+$0x0];
	[dreg:$0xa] =	wrdreg s29;
	(xrf0) =	vmin.scan.msk.u32 $0xffff, v46;
	v47 =	vmov s30;
	s29 =	sadd.s32 s26, s31  }
0x1b4: {  	(v2sf) =	vpush v45, $0xF;
	vm2 =	vgt.s32 v47, v0;
	v10 =	vadd.s32 s29, v45  }
0x1b5: {  	(xrf0) =	vadd.scan.msk.s32 $0xffff, v7;
	v9 =	vnsel vm2, $0x0, v9;
	vm2 =	vgt.s32 v10, $0x555  }
0x1b6: {  	(xrf0) =	vadd.scan.msk.s32 $0xffff, v9;
	v48 =	vnsel vm2, $0x80000010, v3  }
0x1b7: {  	(xrf0) =	vmin.scan.msk.u32 $0xffff, v48  }
0x1b8: {  	v49, _, _ =	vpop (xrf0);
	(xrf0) =	vadd.scan.msk.s32 $0xffff, v6  }
0x1b9: {  	(v2sf) =	vpush v49, $0xF;
	v50, _, _ =	vpop (xrf0)  }
0x1ba: {  	(v2sf) =	vpush v50, $0xF  }
0x1bb: {  	v51, _, _ =	vpop (xrf0)  }
0x1bc: {  	(v2sf) =	vpush v51, $0xF;
	v52, _, _ =	vpop (xrf0)  }
0x1bd: {  	(v2sf) =	vpush v52, $0xF;
	v53, _, _ =	vpop (xrf0)  }
0x1be: {  	(v2sf) =	vpush v53, $0xF;
	v54, _, _ =	vpop (xrf0)  }
0x1bf: {  	(v2sf) =	vpush v54, $0xF;
	_ =	sdelay $0x1  }
0x1c0: {  	s6 =	spop (v2sf)  }
0x1c1: {  	s3 =	spop (v2sf)  }
0x1c2: {  	s0 =	sadd.s32 $0x10, s4;
	s4 =	sxor.u32 $0x80000000, s3;
	s8 =	spop (v2sf)  }
0x1c3: {  	v56 =	vld [tilespmem:s0+$0x0];
	v55 =	vmov s4;
	s2 =	sadd.s32 s29, s8  }
0x1c4: {  	vm2 =	vgt.s32 v55, v0;
	v9 =	vadd.s32 s2, v51  }
0x1c5: {  	v5 =	vnsel vm2, $0x0, v5;
	vm2 =	vgt.s32 v9, $0x555  }
0x1c6: {  	(xrf0) =	vadd.scan.msk.s32 $0xffff, v5;
	v5 =	vnsel vm2, $0x80000010, v3  }
0x1c7: {  	(xrf0) =	vmin.scan.msk.u32 $0xffff, v5;
	s8 =	spop (v2sf)  }
0x1c8: {  	(xrf0) =	vadd.scan.msk.s32 $0xffff, v56;
	s31 =	spop (v2sf)  }
0x1c9: {  	s4 =	sxor.u32 $0x80000000, s31  }
0x1ca: {  	s1 =	spop (v2sf);
	v5 =	vmov s4  }
0x1cb: {  	s30 =	spop (v2sf)  }
0x1cc: {  	v57, _, _ =	vpop (xrf0);
	[dreg:$0x16] =	wrdreg s30;
	s30 =	sadd.s32 s2, s1;
	s4 =	spop (v2sf)  }
0x1cd: {  	vm2 =	vgt.s32 v5, v0;
	v5, _, _ =	vpop (xrf0);
	v10 =	vadd.s32 s30, v54;
	s1 =	sxor.u32 $0x80000000, s4;
	s0 =	spop (v2sf)  }
0x1ce: {  	v8 =	vnsel vm2, $0x0, v8;
	v59, _, _ =	vpop (xrf0);
	vm2 =	vgt.s32 v10, $0x555;
	v58 =	vmov s1;
	s1 =	sadd.s32 s30, s0  }
0x1cf: {  	(xrf0) =	vadd.scan.msk.s32 $0xffff, v8;
	v60 =	vnsel vm2, $0x80000010, v3;
	vm2 =	vgt.s32 v58, v0;
	v61 =	vadd.s32 s1, v59  }
0x1d0: {  	(xrf0) =	vmin.scan.msk.u32 $0xffff, v60;
	v62 =	vnsel vm2, $0x0, v13;
	vm2 =	vgt.s32 v61, $0x555  }
0x1d1: {  	(xrf0) =	vadd.scan.msk.s32 $0xffff, v62;
	v63 =	vnsel vm2, $0x80000010, v3  }
0x1d2: {  	(xrf0) =	vmin.scan.msk.u32 $0xffff, v63  }
0x1d3: {  	(v2sf) =	vpush v57, $0xF  }
0x1d4: {  	(v2sf) =	vpush v5, $0xF  }
0x1d5: {  	(v2sf) =	vpush v59, $0xF;
	v5, _, _ =	vpop (xrf0)  }
0x1d6: {  	(v2sf) =	vpush v5, $0xF;
	v5, _, _ =	vpop (xrf0)  }
0x1d7: {  	(v2sf) =	vpush v5, $0xF;
	v5, _, _ =	vpop (xrf0)  }
0x1d8: {  	(v2sf) =	vpush v5, $0xF;
	v5, _, _ =	vpop (xrf0)  }
0x1d9: {  	p1 =	por p1, p1;
	p6 =	seq.s32 s13, $0x0;
	(v2sf) =	vpush v5, $0xF  }
0x1da: {  	p2 =	por p2, p2;
	p0 =	por p0, p0;
	p3 =	por p3, p3  }
0x1db: {  	p0 =	por p0, p0;
	p3 =	por p3, p3;
	p4 =	sgt.s32 s28, $0x555  }
0x1dc: {  	p3 =	por p3, p3;
	s3 =	sadd.s32 s22, s3;
	s0 =	rddreg [dreg:$0x11]  }
0x1dd: {  	s8 =	sadd.s32 s21, s8;
	s4 =	sadd.s32 s17, s4;
	s0 =	sadd.s32 s11, s0  }
0x1de: {  	s11 =	rddreg [dreg:$0xa];
	s10 =	smov.u32 @p1 s0;
	s0 =	sadd.s32 s24, s7  }
0x1df: {  	p1 =	por !p6, !p4;
	s12 =	smov.u32 @p2 s0;
	s0 =	sadd.s32 s20, s11  }
0x1e0: {  	p6 =	sgt.s32 s26, $0x555;
	p1 =	por !p1, !p1;
	s10 =	smov.u32 @p0 s0  }
0x1e1: {  	s13 =	simm.s32 @p1 $0x1;
	s0 =	sadd.s32 s23, s5;
	p1 =	por p1, p1  }
0x1e2: {  	s20 =	spop (v2sf);
	p5 =	seq.s32 s13, $0x0;
	s12 =	smov.u32 @p1 s0  }
0x1e3: {  	s0 =	sadd.s32 s19, s6;
	s6 =	sadd.s32 s18, s31;
	s23 =	spop (v2sf)  }
0x1e4: {  	p1 =	por p1, p1;
	p0 =	por !p5, !p6;
	s5 =	spop (v2sf)  }
0x1e5: {  	s10 =	smov.u32 @p3 s0;
	s19 =	sxor.u32 $0x80000000, s23;
	s7 =	spop (v2sf)  }
0x1e6: {  	p5 =	sgt.s32 s29, $0x555;
	p0 =	por !p0, !p0;
	v5 =	vmov s19;
	s11 =	spop (v2sf)  }
0x1e7: {  	s13 =	simm.s32 @p0 $0x1;
	vm2 =	vgt.s32 v5, v0;
	s24 =	sxor.u32 $0x80000000, s11;
	s0 =	spop (v2sf)  }
0x1e8: {  	p6 =	por p2, p2;
	p4 =	seq.s32 s13, $0x0;
	v5 =	vnsel vm2, $0x0, v7;
	v7 =	vmov s24;
	s19 =	spop (v2sf)  }
0x1e9: {  	p0 =	por p0, p0;
	p3 =	por !p4, !p5;
	vm2 =	vgt.s32 v7, v0;
	s22 =	sxor.u32 $0x80000000, s19  }
0x1ea: {  	s12 =	smov.u32 @p0 s3;
	p0 =	por p0, p0;
	p2 =	por !p3, !p3;
	(xrf0) =	vadd.scan.msk.s32 $0xffff, v5;
	v6 =	vnsel vm2, $0x0, v6;
	v5 =	vmov s22  }
0x1eb: {  	p5 =	por p6, p6;
	p0 =	por p0, p0;
	s13 =	simm.s32 @p2 $0x1;
	(xrf0) =	vadd.scan.msk.s32 $0xffff, v6;
	vm2 =	vgt.s32 v5, v0  }
0x1ec: {  	p3 =	por p5, p5;
	p5 =	sgt.s32 s2, $0x555;
	p6 =	seq.s32 s13, $0x0;
	v5 =	vnsel vm2, $0x0, v56  }
0x1ed: {  	s5 =	sadd.s32 s1, s5;
	s10 =	smov.u32 @p3 s8;
	p5 =	por !p6, !p5;
	(xrf0) =	vadd.scan.msk.s32 $0xffff, v5  }
0x1ee: {  	p6 =	por p1, p1;
	p1 =	por p2, p2;
	p3 =	por !p5, !p5  }
0x1ef: {  	p2 =	por p6, p6;
	p6 =	sgt.s32 s30, $0x555;
	s13 =	simm.s32 @p3 $0x1  }
0x1f0: {  	s12 =	smov.u32 @p1 s6;
	p5 =	seq.s32 s13, $0x0;
	s24 =	rddreg [dreg:$0x16];
	v5, _, _ =	vpop (xrf0)  }
0x1f1: {  	p1 =	por p1, p1;
	p4 =	por !p5, !p6;
	s8 =	sadd.s32 s25, s24;
	(v2sf) =	vpush v5, $0xF;
	v5, _, _ =	vpop (xrf0)  }
0x1f2: {  	p5 =	sgt.s32 s1, $0x555;
	p6 =	por p0, p0;
	s10 =	smov.u32 @p2 s8;
	(v2sf) =	vpush v5, $0xF  }
0x1f3: {  	p2 =	por !p4, !p4;
	p4 =	por p3, p3;
	s0 =	sadd.s32 s29, s0;
	v5, _, _ =	vpop (xrf0)  }
0x1f4: {  	s12 =	smov.u32 @p4 s4;
	s13 =	simm.s32 @p2 $0x1;
	p4 =	por p4, p4;
	(v2sf) =	vpush v5, $0xF  }
0x1f5: {  	s4 =	sadd.s32 s28, s20;
	s28 =	sshll.u32 s9, $0x18;
	p3 =	seq.s32 s13, $0x0  }
0x1f6: {  	[tilespmem:$0x2000] =	vst v1;
	s10 =	smov.u32 @p6 s4;
	s4 =	sadd.s32 s14, s23;
	p6 =	sgt.s32 s5, $0x555  }
0x1f7: {  	[tilespmem:$0x2010] =	vst v1;
	p5 =	por !p3, !p5;
	p3 =	por p1, p1;
	p1 =	por p2, p2  }
0x1f8: {  	[tilespmem:$0x2020] =	vst v1;
	p4 =	por p4, p4;
	p0 =	por !p5, !p5;
	s12 =	smov.u32 @p1 s4  }
0x1f9: {  	[tilespmem:$0x2030] =	vst v1;
	p3 =	por p3, p3;
	p1 =	por p1, p1;
	s4 =	sadd.s32 s26, s7  }
0x1fa: {  	[tilespmem:$0x2040] =	vst v1;
	s13 =	simm.s32 @p0 $0x1;
	p0 =	por p0, p0;
	s10 =	smov.u32 @p3 s4  }
0x1fb: {  	[tilespmem:$0x2050] =	vst v1;
	s4 =	sadd.s32 s16, s11;
	p3 =	por p4, p4;
	p5 =	seq.s32 s13, $0x0  }
0x1fc: {  	[tilespmem:$0x2060] =	vst v1;
	p1 =	por p1, p1;
	s12 =	smov.u32 @p0 s4;
	p2 =	por !p5, !p6  }
0x1fd: {  	[tilespmem:$0x2070] =	vst v1;
	p0 =	por p0, p0;
	s10 =	smov.u32 @p3 s0;
	p2 =	por !p2, !p2  }
0x1fe: {  	[tilespmem:$0x2080] =	vst v1;
	s0 =	sadd.s32 s15, s19;
	p1 =	por p1, p1;
	p2 =	por p2, p2  }
0x1ff: {  	[tilespmem:$0x2090] =	vst v1;
	p0 =	por p0, p0;
	s12 =	smov.u32 @p2 s0;
	p2 =	por p2, p2  }
0x200: {  	[tilespmem:$0x20A0] =	vst v1;
	p0 =	por p0, p0;
	p6 =	por p2, p2;
	s25 =	spop (v2sf)  }
0x201: {  	[tilespmem:$0x20B0] =	vst v1;
	s29 =	sshll.u32 s12, $0x10;
	s0 =	sadd.s32 s2, s25;
	s26 =	spop (v2sf)  }
0x202: {  	[tilespmem:$0x20C0] =	vst v1;
	s2 =	sor.u32 s28, s29;
	s10 =	smov.u32 @p1 s0;
	s0 =	sadd.s32 s30, s26  }
0x203: {  	[tilespmem:$0x20D0] =	vst v1;
	[dreg:$0x6] =	wrdreg s2;
	s31 =	sshrl.u32 s2, $0x10;
	s30 =	spop (v2sf)  }
0x204: {  	[tilespmem:$0x20E0] =	vst v1;
	s10 =	smov.u32 @p0 s0;
	p0 =	por p6, p6;
	s0 =	sadd.s32 s1, s30  }
0x205: {  	[tilespmem:$0x20F0] =	vst v1;
	v5 =	vmov s31;
	s1 =	simm.s32 $0x1040;
	s10 =	smov.u32 @p0 s0;
	s0 =	simm.s32 $0xFFFFFFF8  }
.LBB2_13:
0x206: {  	v6 =	vld [tilespmem:s1+$0xFFFFFFC0];
	_ =	sdelay $0x4  }
0x207: {  	v7 =	vshrl.u32 v6, $0x10  }
0x208: {  	v6 =	vshrl.u32 v6, $0x8;
	vm2 =	veq.s32 v7, v5  }
0x209: {  	v6 =	vand.u32 $0xFF, v6;
	_ =	sdelay $0x3  }
0x20a: {  	s2 =	simm.s32 $0x2000  }
0x20b: {  	[tilespmem:v6+s2+$0x0] =	vst.idx.add.s32.msk vm2, v2  }
0x20c: {  	v6 =	vld [tilespmem:s1+$0xFFFFFFD0];
	_ =	sdelay $0x4  }
0x20d: {  	v7 =	vshrl.u32 v6, $0x10  }
0x20e: {  	v6 =	vshrl.u32 v6, $0x8;
	vm2 =	veq.s32 v7, v5  }
0x20f: {  	v6 =	vand.u32 $0xFF, v6;
	_ =	sdelay $0x4  }
0x210: {  	[tilespmem:v6+s2+$0x0] =	vst.idx.add.s32.msk vm2, v2  }
0x211: {  	v6 =	vld [tilespmem:s1+$0xFFFFFFE0];
	_ =	sdelay $0x4  }
0x212: {  	v7 =	vshrl.u32 v6, $0x10  }
0x213: {  	v6 =	vshrl.u32 v6, $0x8;
	vm2 =	veq.s32 v7, v5  }
0x214: {  	v6 =	vand.u32 $0xFF, v6;
	_ =	sdelay $0x4  }
0x215: {  	[tilespmem:v6+s2+$0x0] =	vst.idx.add.s32.msk vm2, v2  }
0x216: {  	v6 =	vld [tilespmem:s1+$0xFFFFFFF0];
	_ =	sdelay $0x4  }
0x217: {  	v7 =	vshrl.u32 v6, $0x10  }
0x218: {  	v6 =	vshrl.u32 v6, $0x8;
	vm2 =	veq.s32 v7, v5  }
0x219: {  	v6 =	vand.u32 $0xFF, v6;
	_ =	sdelay $0x4  }
0x21a: {  	[tilespmem:v6+s2+$0x0] =	vst.idx.add.s32.msk vm2, v2  }
0x21b: {  	v6 =	vld [tilespmem:s1+$0x0];
	_ =	sdelay $0x4  }
0x21c: {  	v7 =	vshrl.u32 v6, $0x10  }
0x21d: {  	v6 =	vshrl.u32 v6, $0x8;
	vm2 =	veq.s32 v7, v5  }
0x21e: {  	v6 =	vand.u32 $0xFF, v6;
	_ =	sdelay $0x4  }
0x21f: {  	[tilespmem:v6+s2+$0x0] =	vst.idx.add.s32.msk vm2, v2  }
0x220: {  	v6 =	vld [tilespmem:s1+$0x10];
	_ =	sdelay $0x4  }
0x221: {  	v7 =	vshrl.u32 v6, $0x10  }
0x222: {  	v6 =	vshrl.u32 v6, $0x8;
	vm2 =	veq.s32 v7, v5  }
0x223: {  	v6 =	vand.u32 $0xFF, v6;
	_ =	sdelay $0x4  }
0x224: {  	[tilespmem:v6+s2+$0x0] =	vst.idx.add.s32.msk vm2, v2  }
0x225: {  	v6 =	vld [tilespmem:s1+$0x20];
	_ =	sdelay $0x4  }
0x226: {  	v7 =	vshrl.u32 v6, $0x10  }
0x227: {  	v6 =	vshrl.u32 v6, $0x8;
	vm2 =	veq.s32 v7, v5  }
0x228: {  	v6 =	vand.u32 $0xFF, v6;
	_ =	sdelay $0x4  }
0x229: {  	[tilespmem:v6+s2+$0x0] =	vst.idx.add.s32.msk vm2, v2  }
0x22a: {  	v6 =	vld [tilespmem:s1+$0x30];
	_ =	sdelay $0x4  }
0x22b: {  	v7 =	vshrl.u32 v6, $0x10  }
0x22c: {  	s0 =	sadd.s32 $0x8, s0;
	v6 =	vshrl.u32 v6, $0x8;
	vm2 =	veq.s32 v7, v5  }
0x22d: {  	p0 =	slt.u32 s0, $0xF8;
	v6 =	vand.u32 $0xFF, v6  }
.Ltmp6:
0x22e: {  	_ = 	snop;
	(pc) =	sbr.rel @p0 .LBB2_13-.Ltmp6, $2  }
0x22f: {  	_ =	sdelay $0x2  }
0x230: {  	s11 =	simm.s32 $0x0;
	s1 =	sadd.s32 $0x80, s1;
	[tilespmem:v6+s2+$0x0] =	vst.idx.add.s32.msk vm2, v2  }
0x231: {  	v8 =	vld [tilespmem:s2+$0x0];
	_ =	sdelay $0x4  }
0x232: {  	(xrf0) =	vadd.scan.msk.s32 $0xffff, v8;
	_ =	sdelay $0x5  }
0x233: {  	s0 =	simm.s32 $0x2010;
	v5, _, _ =	vpop (xrf0)  }
0x234: {  	v10 =	vld [tilespmem:s0+$0x0];
	(v2sf) =	vpush v5, $0xF;
	_ =	sdelay $0x4  }
0x235: {  	(xrf0) =	vadd.scan.msk.s32 $0xffff, v10;
	_ =	sdelay $0x5  }
0x236: {  	v6, _, _ =	vpop (xrf0)  }
0x237: {  	(v2sf) =	vpush v6, $0xF  }
0x238: {  	s9 =	simm.s32 $0x2020  }
0x239: {  	v7 =	vld [tilespmem:s9+$0x0];
	v5 =	vadd.s32 s10, v5  }
0x23a: {  	vm2 =	vgt.s32 v5, $0x555;
	s12 =	spop (v2sf)  }
0x23b: {  	v5 =	vnsel vm2, $0x80000010, v3;
	s19 =	sadd.s32 s10, s12  }
0x23c: {  	(xrf0) =	vmin.scan.msk.u32 $0xffff, v5;
	v5 =	vadd.s32 s19, v6  }
0x23d: {  	vm2 =	vgt.s32 v5, $0x555  }
0x23e: {  	(xrf0) =	vadd.scan.msk.s32 $0xffff, v7;
	v5 =	vnsel vm2, $0x80000010, v3  }
0x23f: {  	(xrf0) =	vmin.scan.msk.u32 $0xffff, v5;
	_ =	sdelay $0x2  }
0x240: {  	s13 =	simm.s32 $0x2030  }
0x241: {  	v6 =	vld [tilespmem:s13+$0x0];
	v5, _, _ =	vpop (xrf0)  }
0x242: {  	(v2sf) =	vpush v5, $0xF;
	v5, _, _ =	vpop (xrf0)  }
0x243: {  	(v2sf) =	vpush v5, $0xF;
	v9, _, _ =	vpop (xrf0)  }
0x244: {  	s14 =	spop (v2sf);
	(v2sf) =	vpush v9, $0xF;
	_ =	sdelay $0x1  }
0x245: {  	(xrf0) =	vadd.scan.msk.s32 $0xffff, v6;
	_ =	sdelay $0x2  }
0x246: {  	s20 =	sadd.s32 s19, s14  }
0x247: {  	v5 =	vadd.s32 s20, v5  }
0x248: {  	s15 =	simm.s32 $0x2040;
	vm2 =	vgt.s32 v5, $0x555  }
0x249: {  	v5 =	vnsel vm2, $0x80000010, v3;
	v9 =	vld [tilespmem:s15+$0x0];
	v11, _, _ =	vpop (xrf0)  }
0x24a: {  	(xrf0) =	vmin.scan.msk.u32 $0xffff, v5;
	(v2sf) =	vpush v11, $0xF;
	_ =	sdelay $0x3  }
0x24b: {  	(xrf0) =	vadd.scan.msk.s32 $0xffff, v9;
	s16 =	spop (v2sf)  }
0x24c: {  	s1 =	sxor.u32 $0x80000000, s16;
	s25 =	spop (v2sf)  }
0x24d: {  	v5, _, _ =	vpop (xrf0);
	v12 =	vmov s1;
	s21 =	sadd.s32 s20, s25;
	s26 =	spop (v2sf)  }
0x24e: {  	(v2sf) =	vpush v5, $0xF;
	vm2 =	vgt.s32 v12, v0;
	v11 =	vadd.s32 s21, v11;
	s28 =	sxor.u32 $0x80000000, s26  }
0x24f: {  	s3 =	simm.s32 $0x2050;
	v8 =	vnsel vm2, $0x0, v8;
	vm2 =	vgt.s32 v11, $0x555;
	v11 =	vmov s28  }
0x250: {  	p0 =	por $0x1, $0x1;
	p1 =	sgt.s32 s19, $0x555;
	v5 =	vld [tilespmem:s3+$0x0];
	(xrf0) =	vadd.scan.msk.s32 $0xffff, v8;
	v8 =	vnsel vm2, $0x80000010, v3;
	vm2 =	vgt.s32 v11, v0  }
0x251: {  	s24 =	simm.s32 $0x80000030;
	p0 =	por !p0, !p1;
	(xrf0) =	vmin.scan.msk.u32 $0xffff, v8;
	v8 =	vnsel vm2, $0x0, v10;
	v10, _, _ =	vpop (xrf0)  }
0x252: {  	s23 =	simm.s32 $0x80000040;
	s13 =	simm.s32 $0x0;
	p0 =	por !p0, !p0;
	(v2sf) =	vpush v10, $0xF  }
0x253: {  	s22 =	simm.s32 $0x80000050;
	s18 =	simm.s32 $0x80000060;
	s13 =	simm.s32 @p0 $0x1  }
0x254: {  	s17 =	simm.s32 $0x80000070;
	p2 =	sgt.s32 s20, $0x555;
	p4 =	seq.s32 s13, $0x0  }
0x255: {  	s2 =	simm.s32 $0x800000B0;
	s12 =	simm.s32 $0x0;
	p1 =	por !p4, !p2;
	(xrf0) =	vadd.scan.msk.s32 $0xffff, v5  }
0x256: {  	s14 =	simm.s32 $0x80000080;
	p1 =	por !p1, !p1;
	s29 =	spop (v2sf);
	(xrf0) =	vadd.scan.msk.s32 $0xffff, v8  }
0x257: {  	p0 =	por p0, p0;
	s13 =	simm.s32 @p1 $0x1;
	s1 =	sadd.s32 s21, s29;
	v11, _, _ =	vpop (xrf0)  }
0x258: {  	p6 =	por p0, p0;
	p5 =	seq.s32 s13, $0x0;
	s15 =	simm.s32 $0x800000A0;
	v10 =	vadd.s32 s1, v10;
	(v2sf) =	vpush v11, $0xF  }
0x259: {  	s0 =	sadd.s32 $0x80000000, s16;
	s16 =	simm.s32 $0x80000090;
	p3 =	sgt.s32 s21, $0x555  }
0x25a: {  	s12 =	smov.u32 @p0 s0;
	s0 =	simm.s32 $0x2060;
	p3 =	por !p5, !p3;
	v11, _, _ =	vpop (xrf0)  }
0x25b: {  	p0 =	por p1, p1;
	p3 =	por !p3, !p3;
	s3 =	sadd.s32 $0x80000010, s26;
	v8 =	vld [tilespmem:s0+$0x0];
	vm2 =	vgt.s32 v10, $0x555;
	(v2sf) =	vpush v11, $0xF;
	v10, _, _ =	vpop (xrf0)  }
0x25c: {  	p1 =	por p6, p6;
	s13 =	simm.s32 @p3 $0x1;
	s12 =	smov.u32 @p0 s3;
	(v2sf) =	vpush v10, $0xF;
	v63, _, _ =	vpop (xrf0)  }
0x25d: {  	p4 =	seq.s32 s13, $0x0;
	p5 =	sgt.s32 s1, $0x555;
	s30 =	spop (v2sf);
	v11 =	vnsel vm2, $0x80000010, v3;
	(v2sf) =	vpush v63, $0xF  }
0x25e: {  	p0 =	por p0, p0;
	p3 =	por p3, p3;
	p6 =	por !p4, !p5;
	(xrf0) =	vmin.scan.msk.u32 $0xffff, v11  }
0x25f: {  	p2 =	por !p6, !p6;
	s31 =	sxor.u32 $0x80000000, s30;
	s4 =	sadd.s32 $0x80000020, s30  }
0x260: {  	s25 =	smov.u32 s1;
	s13 =	simm.s32 @p2 $0x1;
	s12 =	smov.u32 @p3 s4;
	v11 =	vmov s31;
	(xrf0) =	vadd.scan.msk.s32 $0xffff, v8  }
.LBB2_15:
0x261: {  	p4 =	sne.s32 s2, $0x800000F0;
	s3 =	spop (v2sf);
	s4 =	smov.u32 s23  }
0x262: {  	s23 =	smov.u32 s22;
	s22 =	smov.u32 s18;
	s18 =	smov.u32 s17  }
0x263: {  	vm2 =	vgt.s32 v11, v0;
	p5 =	por p1, p1;
	p1 =	por p0, p0;
	p0 =	por p3, p3  }
0x264: {  	s17 =	smov.u32 s14;
	s14 =	smov.u32 s16;
	s1 =	sadd.s32 s1, s3;
	v11, _, _ =	vpop (xrf0);
	v12 =	vnsel vm2, $0x0, v7;
	v7 =	vmov v6;
	v6 =	vmov v9  }
0x265: {  	s0 =	sadd.s32 $0x10, s0;
	p3 =	seq.s32 s13, $0x0;
	v9 =	vmovc v5;
	v5 =	vmov v8;
	v13 =	vadd.s32 s1, v10;
	p6 =	sgt.s32 s1, $0x555;
	(v2sf) =	vpush v11, $0xF;
	(xrf0) =	vadd.scan.msk.s32 $0xffff, v12  }
0x266: {  	s16 =	smov.u32 s15;
	s15 =	smov.u32 s2;
	v8 =	vld [tilespmem:s0+$0x0];
	vm2 =	vgt.s32 v13, $0x555;
	p6 =	por !p3, !p6  }
0x267: {  	p3 =	por p2, p2;
	v10, _, _ =	vpop (xrf0);
	v11 =	vnsel vm2, $0x80000010, v3;
	s3 =	spop (v2sf);
	p2 =	por !p6, !p6  }
.Ltmp7:
0x268: {  	(v2sf) =	vpush v10, $0xF;
	(xrf0) =	vmin.scan.msk.u32 $0xffff, v11;
	s13 =	simm.s32 @p2 $0x1;
	s3 =	sadd.s32 s10, s3;
	(pc) =	sbr.rel @p4 .LBB2_15-.Ltmp7, $4  }
0x269: {  	s10 =	smov.u32 s19;
	s19 =	smov.u32 s20;
	s11 =	smov.u32 @p5 s3  }
0x26a: {  	s20 =	smov.u32 s21;
	s21 =	smov.u32 s25;
	s3 =	spop (v2sf)  }
0x26b: {  	s25 =	smov.u32 s1;
	(xrf0) =	vadd.scan.msk.s32 $0xffff, v8;
	s5 =	sxor.u32 $0x80000000, s3;
	s3 =	sadd.s32 s24, s3;
	v12, _, _ =	vpop (xrf0)  }
0x26c: {  	s2 =	sadd.s32 $0x10, s2;
	s24 =	smov.u32 s4;
	v11 =	vmov s5;
	s12 =	smov.u32 @p3 s3;
	(v2sf) =	vpush v12, $0xF  }
0x26d: {  	_ =	sdelay $0x2  }
0x26e: {  	v12, _, _ =	vpop (xrf0)  }
0x26f: {  	(v2sf) =	vpush v12, $0xF;
	v40, _, _ =	vpop (xrf0)  }
0x270: {  	(v2sf) =	vpush v40, $0xF;
	_ =	sdelay $0x3  }
0x271: {  	s2 =	spop (v2sf);
	s0 =	sadd.s32 $0x10, s0  }
0x272: {  	s28 =	sadd.s32 s1, s2;
	v13 =	vld [tilespmem:s0+$0x0]  }
0x273: {  	vm2 =	vgt.s32 v11, v0;
	v10 =	vadd.s32 s28, v10  }
0x274: {  	v7 =	vnsel vm2, $0x0, v7;
	vm2 =	vgt.s32 v10, $0x555  }
0x275: {  	(xrf0) =	vadd.scan.msk.s32 $0xffff, v7;
	v7 =	vnsel vm2, $0x80000010, v3  }
0x276: {  	s4 =	spop (v2sf);
	(xrf0) =	vmin.scan.msk.u32 $0xffff, v7  }
0x277: {  	(xrf0) =	vadd.scan.msk.s32 $0xffff, v13;
	s31 =	spop (v2sf)  }
0x278: {  	s2 =	sxor.u32 $0x80000000, s31;
	s3 =	spop (v2sf)  }
0x279: {  	s0 =	sadd.s32 $0x10, s0;
	v41 =	vmov s2;
	s26 =	sadd.s32 s28, s3  }
0x27a: {  	v7 =	vld [tilespmem:s0+$0x0];
	vm2 =	vgt.s32 v41, v0;
	v43 =	vadd.s32 s26, v40;
	s5 =	spop (v2sf)  }
0x27b: {  	v42, _, _ =	vpop (xrf0);
	v6 =	vnsel vm2, $0x0, v6;
	vm2 =	vgt.s32 v43, $0x555;
	s3 =	spop (v2sf)  }
0x27c: {  	s0 =	sadd.s32 $0x10, s0;
	(v2sf) =	vpush v42, $0xF;
	v44, _, _ =	vpop (xrf0);
	(xrf0) =	vadd.scan.msk.s32 $0xffff, v6;
	v46 =	vnsel vm2, $0x80000010, v3;
	s6 =	sxor.u32 $0x80000000, s3;
	s7 =	spop (v2sf)  }
0x27d: {  	(v2sf) =	vpush v44, $0xF;
	v45, _, _ =	vpop (xrf0);
	v6 =	vld [tilespmem:s0+$0x0];
	(xrf0) =	vmin.scan.msk.u32 $0xffff, v46;
	v47 =	vmov s6;
	s29 =	sadd.s32 s26, s7  }
0x27e: {  	(v2sf) =	vpush v45, $0xF;
	vm2 =	vgt.s32 v47, v0;
	v10 =	vadd.s32 s29, v45  }
0x27f: {  	(xrf0) =	vadd.scan.msk.s32 $0xffff, v7;
	v9 =	vnsel vm2, $0x0, v9;
	vm2 =	vgt.s32 v10, $0x555  }
0x280: {  	(xrf0) =	vadd.scan.msk.s32 $0xffff, v9;
	v48 =	vnsel vm2, $0x80000010, v3  }
0x281: {  	(xrf0) =	vmin.scan.msk.u32 $0xffff, v48  }
0x282: {  	v49, _, _ =	vpop (xrf0);
	(xrf0) =	vadd.scan.msk.s32 $0xffff, v6  }
0x283: {  	(v2sf) =	vpush v49, $0xF;
	v50, _, _ =	vpop (xrf0)  }
0x284: {  	(v2sf) =	vpush v50, $0xF  }
0x285: {  	v51, _, _ =	vpop (xrf0)  }
0x286: {  	(v2sf) =	vpush v51, $0xF;
	v52, _, _ =	vpop (xrf0)  }
0x287: {  	(v2sf) =	vpush v52, $0xF;
	v53, _, _ =	vpop (xrf0)  }
0x288: {  	(v2sf) =	vpush v53, $0xF;
	v54, _, _ =	vpop (xrf0)  }
0x289: {  	(v2sf) =	vpush v54, $0xF;
	_ =	sdelay $0x1  }
0x28a: {  	s7 =	spop (v2sf)  }
0x28b: {  	s9 =	spop (v2sf)  }
0x28c: {  	s0 =	sadd.s32 $0x10, s0;
	s8 =	sxor.u32 $0x80000000, s9;
	s30 =	spop (v2sf)  }
0x28d: {  	v56 =	vld [tilespmem:s0+$0x0];
	v55 =	vmov s8;
	s30 =	sadd.s32 s29, s30  }
0x28e: {  	vm2 =	vgt.s32 v55, v0;
	v9 =	vadd.s32 s30, v51  }
0x28f: {  	v5 =	vnsel vm2, $0x0, v5;
	vm2 =	vgt.s32 v9, $0x555  }
0x290: {  	(xrf0) =	vadd.scan.msk.s32 $0xffff, v5;
	v5 =	vnsel vm2, $0x80000010, v3  }
0x291: {  	(xrf0) =	vmin.scan.msk.u32 $0xffff, v5;
	s8 =	spop (v2sf)  }
0x292: {  	(xrf0) =	vadd.scan.msk.s32 $0xffff, v56;
	s6 =	spop (v2sf)  }
0x293: {  	s1 =	sxor.u32 $0x80000000, s6  }
0x294: {  	s0 =	spop (v2sf);
	v5 =	vmov s1  }
0x295: {  	[dreg:$0xc] =	wrdreg s5;
	s5 =	spop (v2sf)  }
0x296: {  	v57, _, _ =	vpop (xrf0);
	s2 =	sadd.s32 s30, s0;
	[dreg:$0xb] =	wrdreg s5;
	s5 =	spop (v2sf)  }
0x297: {  	vm2 =	vgt.s32 v5, v0;
	v10 =	vadd.s32 s2, v54;
	v5, _, _ =	vpop (xrf0);
	s0 =	sxor.u32 $0x80000000, s5;
	s1 =	spop (v2sf)  }
0x298: {  	v8 =	vnsel vm2, $0x0, v8;
	vm2 =	vgt.s32 v10, $0x555;
	v59, _, _ =	vpop (xrf0);
	v58 =	vmov s0;
	s0 =	sadd.s32 s2, s1  }
0x299: {  	(xrf0) =	vadd.scan.msk.s32 $0xffff, v8;
	v60 =	vnsel vm2, $0x80000010, v3;
	vm2 =	vgt.s32 v58, v0;
	v61 =	vadd.s32 s0, v59  }
0x29a: {  	(xrf0) =	vmin.scan.msk.u32 $0xffff, v60;
	v62 =	vnsel vm2, $0x0, v13;
	vm2 =	vgt.s32 v61, $0x555  }
0x29b: {  	(xrf0) =	vadd.scan.msk.s32 $0xffff, v62;
	v63 =	vnsel vm2, $0x80000010, v3  }
0x29c: {  	(xrf0) =	vmin.scan.msk.u32 $0xffff, v63  }
0x29d: {  	(v2sf) =	vpush v57, $0xF  }
0x29e: {  	(v2sf) =	vpush v5, $0xF  }
0x29f: {  	(v2sf) =	vpush v59, $0xF;
	v5, _, _ =	vpop (xrf0)  }
0x2a0: {  	(v2sf) =	vpush v5, $0xF;
	v5, _, _ =	vpop (xrf0)  }
0x2a1: {  	(v2sf) =	vpush v5, $0xF;
	v5, _, _ =	vpop (xrf0)  }
0x2a2: {  	(v2sf) =	vpush v5, $0xF;
	v5, _, _ =	vpop (xrf0)  }
0x2a3: {  	p1 =	por p1, p1;
	(v2sf) =	vpush v5, $0xF  }
0x2a4: {  	p4 =	seq.s32 s13, $0x0;
	p0 =	por p0, p0;
	p3 =	por p3, p3  }
0x2a5: {  	p0 =	por p0, p0;
	p3 =	por p3, p3;
	p5 =	sgt.s32 s28, $0x555  }
0x2a6: {  	p3 =	por p3, p3;
	p4 =	por !p4, !p5;
	p6 =	sgt.s32 s26, $0x555  }
0x2a7: {  	s8 =	sadd.s32 s21, s8;
	s1 =	sadd.s32 s10, s4;
	s10 =	rddreg [dreg:$0xc]  }
0x2a8: {  	s11 =	smov.u32 @p1 s1;
	s1 =	sadd.s32 s24, s31;
	p1 =	por p2, p2  }
0x2a9: {  	p2 =	por !p4, !p4;
	s12 =	smov.u32 @p1 s1;
	s1 =	sadd.s32 s19, s10  }
0x2aa: {  	s6 =	sadd.s32 s18, s6;
	s13 =	simm.s32 @p2 $0x1;
	s11 =	smov.u32 @p0 s1  }
0x2ab: {  	p0 =	por p2, p2;
	s1 =	sadd.s32 s23, s3;
	p2 =	por p1, p1  }
0x2ac: {  	p5 =	seq.s32 s13, $0x0;
	s3 =	sadd.s32 s22, s9;
	s19 =	spop (v2sf)  }
0x2ad: {  	s12 =	smov.u32 @p0 s1;
	s1 =	sadd.s32 s20, s7;
	s4 =	spop (v2sf)  }
0x2ae: {  	p1 =	por !p5, !p6;
	s11 =	smov.u32 @p3 s1;
	s1 =	spop (v2sf)  }
0x2af: {  	p6 =	sgt.s32 s29, $0x555;
	p1 =	por !p1, !p1;
	s10 =	spop (v2sf)  }
0x2b0: {  	s13 =	simm.s32 @p1 $0x1;
	s23 =	sxor.u32 $0x80000000, s4;
	s9 =	spop (v2sf)  }
0x2b1: {  	p5 =	seq.s32 s13, $0x0;
	v5 =	vmov s23;
	s24 =	sxor.u32 $0x80000000, s9;
	s31 =	spop (v2sf)  }
0x2b2: {  	s5 =	sadd.s32 s17, s5;
	p3 =	por !p5, !p6;
	vm2 =	vgt.s32 v5, v0;
	v5 =	vmov s24;
	s22 =	spop (v2sf)  }
0x2b3: {  	p2 =	por p2, p2;
	p3 =	por !p3, !p3;
	v7 =	vnsel vm2, $0x0, v7;
	vm2 =	vgt.s32 v5, v0;
	s23 =	sxor.u32 $0x80000000, s22  }
0x2b4: {  	p2 =	por p2, p2;
	p1 =	por p1, p1;
	s13 =	simm.s32 @p3 $0x1;
	(xrf0) =	vadd.scan.msk.s32 $0xffff, v7;
	v6 =	vnsel vm2, $0x0, v6;
	v5 =	vmov s23  }
0x2b5: {  	s11 =	smov.u32 @p2 s8;
	p5 =	sgt.s32 s30, $0x555;
	p4 =	seq.s32 s13, $0x0;
	(xrf0) =	vadd.scan.msk.s32 $0xffff, v6;
	vm2 =	vgt.s32 v5, v0  }
0x2b6: {  	s12 =	smov.u32 @p1 s3;
	p1 =	por p1, p1;
	p2 =	por !p4, !p5;
	v5 =	vnsel vm2, $0x0, v56  }
0x2b7: {  	p6 =	por p0, p0;
	p1 =	por p1, p1;
	p2 =	por !p2, !p2;
	(xrf0) =	vadd.scan.msk.s32 $0xffff, v5  }
0x2b8: {  	p0 =	por p3, p3;
	s4 =	sadd.s32 s14, s4;
	s13 =	simm.s32 @p2 $0x1  }
0x2b9: {  	p4 =	por p6, p6;
	p6 =	sgt.s32 s2, $0x555;
	p5 =	seq.s32 s13, $0x0  }
0x2ba: {  	s12 =	smov.u32 @p0 s6;
	p3 =	por p4, p4;
	p4 =	por !p5, !p6;
	v5, _, _ =	vpop (xrf0)  }
0x2bb: {  	s1 =	sadd.s32 s0, s1;
	p4 =	por !p4, !p4;
	s24 =	rddreg [dreg:$0xb];
	(v2sf) =	vpush v5, $0xF;
	v5, _, _ =	vpop (xrf0)  }
0x2bc: {  	p5 =	por p1, p1;
	s13 =	simm.s32 @p4 $0x1;
	s6 =	sadd.s32 s25, s24;
	(v2sf) =	vpush v5, $0xF  }
0x2bd: {  	p6 =	seq.s32 s13, $0x0;
	s11 =	smov.u32 @p3 s6;
	p3 =	por p2, p2;
	v5, _, _ =	vpop (xrf0)  }
0x2be: {  	p2 =	por p0, p0;
	p0 =	sgt.s32 s0, $0x555;
	s12 =	smov.u32 @p3 s5;
	(v2sf) =	vpush v5, $0xF  }
0x2bf: {  	p2 =	por p2, p2;
	p1 =	por p3, p3;
	p0 =	por !p6, !p0  }
0x2c0: {  	[tilespmem:$0x2000] =	vst v1;
	p3 =	por p4, p4;
	s5 =	sadd.s32 s28, s19;
	p6 =	sgt.s32 s1, $0x555  }
0x2c1: {  	[tilespmem:$0x2010] =	vst v1;
	s1 =	sadd.s32 s26, s10;
	p0 =	por !p0, !p0;
	s11 =	smov.u32 @p5 s5  }
0x2c2: {  	[tilespmem:$0x2020] =	vst v1;
	s12 =	smov.u32 @p3 s4;
	p2 =	por p2, p2;
	p1 =	por p1, p1  }
0x2c3: {  	[tilespmem:$0x2030] =	vst v1;
	p3 =	por p3, p3;
	s4 =	sadd.s32 s16, s9;
	s13 =	simm.s32 @p0 $0x1  }
0x2c4: {  	[tilespmem:$0x2040] =	vst v1;
	p0 =	por p0, p0;
	s11 =	smov.u32 @p2 s1;
	p1 =	por p1, p1  }
0x2c5: {  	[tilespmem:$0x2050] =	vst v1;
	p5 =	seq.s32 s13, $0x0;
	s12 =	smov.u32 @p0 s4;
	p0 =	por p0, p0  }
0x2c6: {  	[tilespmem:$0x2060] =	vst v1;
	p4 =	por !p5, !p6;
	p6 =	por p3, p3;
	p0 =	por p0, p0  }
0x2c7: {  	[tilespmem:$0x2070] =	vst v1;
	p4 =	por !p4, !p4;
	s1 =	sadd.s32 s29, s31;
	p0 =	por p0, p0  }
0x2c8: {  	[tilespmem:$0x2080] =	vst v1;
	p3 =	por p4, p4;
	s11 =	smov.u32 @p1 s1;
	s1 =	sadd.s32 s15, s22  }
0x2c9: {  	[tilespmem:$0x2090] =	vst v1;
	p1 =	por p6, p6;
	s12 =	smov.u32 @p3 s1;
	p5 =	por p3, p3  }
0x2ca: {  	[tilespmem:$0x20A0] =	vst v1;
	p6 =	por p5, p5;
	s28 =	sshll.u32 s12, $0x8;
	s25 =	spop (v2sf)  }
0x2cb: {  	[tilespmem:$0x20B0] =	vst v1;
	s1 =	sadd.s32 s30, s25;
	s26 =	spop (v2sf);
	s30 =	rddreg [dreg:$0x6]  }
0x2cc: {  	[tilespmem:$0x20C0] =	vst v1;
	s11 =	smov.u32 @p1 s1;
	s1 =	sadd.s32 s2, s26;
	s2 =	sor.u32 s30, s28  }
0x2cd: {  	[tilespmem:$0x20D0] =	vst v1;
	s11 =	smov.u32 @p0 s1;
	p0 =	por p6, p6;
	s29 =	spop (v2sf)  }
0x2ce: {  	[tilespmem:$0x20E0] =	vst v1;
	[dreg:$0x5] =	wrdreg s2;
	s31 =	sshrl.u32 s2, $0x8;
	s0 =	sadd.s32 s0, s29  }
0x2cf: {  	[tilespmem:$0x20F0] =	vst v1;
	s2 =	simm.s32 $0x1040;
	v5 =	vmov s31;
	s11 =	smov.u32 @p0 s0;
	s0 =	simm.s32 $0xFFFFFFF8  }
.LBB2_17:
0x2d0: {  	v6 =	vld [tilespmem:s2+$0xFFFFFFC0];
	_ =	sdelay $0x4  }
0x2d1: {  	v7 =	vshrl.u32 v6, $0x8  }
0x2d2: {  	vm2 =	veq.s32 v7, v5  }
0x2d3: {  	v6 =	vand.u32 $0xFF, v6;
	_ =	sdelay $0x3  }
0x2d4: {  	s3 =	simm.s32 $0x2000  }
0x2d5: {  	[tilespmem:v6+s3+$0x0] =	vst.idx.add.s32.msk vm2, v2  }
0x2d6: {  	v6 =	vld [tilespmem:s2+$0xFFFFFFD0];
	_ =	sdelay $0x4  }
0x2d7: {  	v7 =	vshrl.u32 v6, $0x8  }
0x2d8: {  	vm2 =	veq.s32 v7, v5  }
0x2d9: {  	v6 =	vand.u32 $0xFF, v6;
	_ =	sdelay $0x4  }
0x2da: {  	[tilespmem:v6+s3+$0x0] =	vst.idx.add.s32.msk vm2, v2  }
0x2db: {  	v6 =	vld [tilespmem:s2+$0xFFFFFFE0];
	_ =	sdelay $0x4  }
0x2dc: {  	v7 =	vshrl.u32 v6, $0x8  }
0x2dd: {  	vm2 =	veq.s32 v7, v5  }
0x2de: {  	v6 =	vand.u32 $0xFF, v6;
	_ =	sdelay $0x4  }
0x2df: {  	[tilespmem:v6+s3+$0x0] =	vst.idx.add.s32.msk vm2, v2  }
0x2e0: {  	v6 =	vld [tilespmem:s2+$0xFFFFFFF0];
	_ =	sdelay $0x4  }
0x2e1: {  	v7 =	vshrl.u32 v6, $0x8  }
0x2e2: {  	vm2 =	veq.s32 v7, v5  }
0x2e3: {  	v6 =	vand.u32 $0xFF, v6;
	_ =	sdelay $0x4  }
0x2e4: {  	[tilespmem:v6+s3+$0x0] =	vst.idx.add.s32.msk vm2, v2  }
0x2e5: {  	v6 =	vld [tilespmem:s2+$0x0];
	_ =	sdelay $0x4  }
0x2e6: {  	v7 =	vshrl.u32 v6, $0x8  }
0x2e7: {  	vm2 =	veq.s32 v7, v5  }
0x2e8: {  	v6 =	vand.u32 $0xFF, v6;
	_ =	sdelay $0x4  }
0x2e9: {  	[tilespmem:v6+s3+$0x0] =	vst.idx.add.s32.msk vm2, v2  }
0x2ea: {  	v6 =	vld [tilespmem:s2+$0x10];
	_ =	sdelay $0x4  }
0x2eb: {  	v7 =	vshrl.u32 v6, $0x8  }
0x2ec: {  	vm2 =	veq.s32 v7, v5  }
0x2ed: {  	v6 =	vand.u32 $0xFF, v6;
	_ =	sdelay $0x4  }
0x2ee: {  	[tilespmem:v6+s3+$0x0] =	vst.idx.add.s32.msk vm2, v2  }
0x2ef: {  	v6 =	vld [tilespmem:s2+$0x20];
	_ =	sdelay $0x4  }
0x2f0: {  	v7 =	vshrl.u32 v6, $0x8  }
0x2f1: {  	vm2 =	veq.s32 v7, v5  }
0x2f2: {  	v6 =	vand.u32 $0xFF, v6;
	_ =	sdelay $0x4  }
0x2f3: {  	[tilespmem:v6+s3+$0x0] =	vst.idx.add.s32.msk vm2, v2  }
0x2f4: {  	v6 =	vld [tilespmem:s2+$0x30];
	_ =	sdelay $0x4  }
0x2f5: {  	v7 =	vshrl.u32 v6, $0x8  }
0x2f6: {  	s0 =	sadd.s32 $0x8, s0;
	vm2 =	veq.s32 v7, v5  }
0x2f7: {  	p0 =	slt.u32 s0, $0xF8;
	v6 =	vand.u32 $0xFF, v6  }
.Ltmp8:
0x2f8: {  	_ = 	snop;
	(pc) =	sbr.rel @p0 .LBB2_17-.Ltmp8, $2  }
0x2f9: {  	_ =	sdelay $0x2  }
0x2fa: {  	s10 =	simm.s32 $0x0;
	s1 =	simm.s32 $0x80000000;
	s2 =	sadd.s32 $0x80, s2;
	[tilespmem:v6+s3+$0x0] =	vst.idx.add.s32.msk vm2, v2  }
0x2fb: {  	v5 =	vld [tilespmem:s3+$0x0];
	_ =	sdelay $0x4  }
0x2fc: {  	(xrf0) =	vadd.scan.msk.s32 $0xffff, v5;
	_ =	sdelay $0x1  }
0x2fd: {  	s0 =	simm.s32 $0x2010  }
0x2fe: {  	v5 =	vld [tilespmem:s0+$0x0];
	_ =	sdelay $0x2  }
0x2ff: {  	v6, _, _ =	vpop (xrf0)  }
0x300: {  	s24 =	simm.s32 $0x2020;
	(v2sf) =	vpush v6, $0xF  }
0x301: {  	(xrf0) =	vadd.scan.msk.s32 $0xffff, v5;
	v5 =	vld [tilespmem:s24+$0x0];
	_ =	sdelay $0x4  }
0x302: {  	(xrf0) =	vadd.scan.msk.s32 $0xffff, v5;
	_ =	sdelay $0x3  }
0x303: {  	v5, _, _ =	vpop (xrf0)  }
0x304: {  	(v2sf) =	vpush v5, $0xF  }
0x305: {  	v7, _, _ =	vpop (xrf0)  }
0x306: {  	s25 =	simm.s32 $0x2030;
	(v2sf) =	vpush v7, $0xF  }
0x307: {  	v8 =	vld [tilespmem:s25+$0x0]  }
0x308: {  	s26 =	simm.s32 $0x2040;
	v6 =	vadd.s32 s11, v6;
	s2 =	spop (v2sf)  }
0x309: {  	vm2 =	vgt.s32 v6, $0x555;
	v6 =	vld [tilespmem:s26+$0x0];
	s28 =	sadd.s32 s11, s2  }
0x30a: {  	v9 =	vnsel vm2, $0x80000010, v3;
	v5 =	vadd.s32 s28, v5  }
0x30b: {  	(xrf0) =	vmin.scan.msk.u32 $0xffff, v9;
	vm2 =	vgt.s32 v5, $0x555  }
0x30c: {  	(xrf0) =	vadd.scan.msk.s32 $0xffff, v8;
	v5 =	vnsel vm2, $0x80000010, v3  }
0x30d: {  	(xrf0) =	vmin.scan.msk.u32 $0xffff, v5  }
0x30e: {  	(xrf0) =	vadd.scan.msk.s32 $0xffff, v6;
	_ =	sdelay $0x2  }
0x30f: {  	v6, _, _ =	vpop (xrf0)  }
0x310: {  	v5, _, _ =	vpop (xrf0);
	(v2sf) =	vpush v6, $0xF  }
0x311: {  	s16 =	simm.s32 $0x80000010;
	s30 =	spop (v2sf);
	(v2sf) =	vpush v5, $0xF;
	v63, _, _ =	vpop (xrf0)  }
0x312: {  	s7 =	simm.s32 $0x80000020;
	p0 =	por $0x1, $0x1;
	p1 =	sgt.s32 s28, $0x555;
	v6, _, _ =	vpop (xrf0);
	(v2sf) =	vpush v63, $0xF  }
0x313: {  	s29 =	simm.s32 $0x2050;
	p0 =	por !p0, !p1;
	s5 =	spop (v2sf);
	(v2sf) =	vpush v6, $0xF  }
0x314: {  	s13 =	simm.s32 $0x0;
	v8 =	vld [tilespmem:s29+$0x0];
	p0 =	por !p0, !p0;
	s31 =	sadd.s32 s28, s30  }
0x315: {  	s15 =	simm.s32 $0x80000030;
	s14 =	simm.s32 $0x80000050;
	s13 =	simm.s32 @p0 $0x1;
	v7 =	vadd.s32 s31, v7  }
0x316: {  	s12 =	simm.s32 $0x80000070;
	p6 =	seq.s32 s13, $0x0;
	p2 =	sgt.s32 s31, $0x555;
	vm2 =	vgt.s32 v7, $0x555  }
0x317: {  	s3 =	simm.s32 $0x2060;
	s4 =	simm.s32 $0x80000080;
	p1 =	por !p6, !p2;
	v7 =	vnsel vm2, $0x80000010, v3  }
0x318: {  	s0 =	simm.s32 $0x80000040;
	s11 =	simm.s32 $0x80000060;
	p1 =	por !p1, !p1;
	(xrf0) =	vmin.scan.msk.u32 $0xffff, v7  }
0x319: {  	p0 =	por p0, p0;
	s13 =	simm.s32 @p1 $0x1;
	v7 =	vld [tilespmem:s3+$0x0];
	(xrf0) =	vadd.scan.msk.s32 $0xffff, v8;
	s2 =	sadd.s32 s31, s5  }
.LBB2_19:
0x31a: {  	p2 =	sne.s32 s4, $0x800000F0;
	p4 =	seq.s32 s13, $0x0  }
0x31b: {  	p5 =	sgt.s32 s2, $0x555;
	s5 =	smov.u32 s1;
	s1 =	smov.u32 s16  }
0x31c: {  	v8 =	vadd.s32 s2, v5;
	v5 =	vmov v6;
	s16 =	smov.u32 s7;
	p3 =	por p0, p0;
	p0 =	por p1, p1  }
0x31d: {  	s7 =	smov.u32 s15;
	s15 =	smov.u32 s0;
	vm2 =	vgt.s32 v8, $0x555;
	p1 =	por !p4, !p5  }
.Ltmp9:
0x31e: {  	s0 =	smov.u32 s14;
	v8 =	vnsel vm2, $0x80000010, v3;
	p1 =	por !p1, !p1;
	v9, _, _ =	vpop (xrf0);
	(pc) =	sbr.rel @p2 .LBB2_19-.Ltmp9, $4  }
0x31f: {  	s14 =	smov.u32 s11;
	s11 =	smov.u32 s12;
	v6, _, _ =	vpop (xrf0);
	(xrf0) =	vmin.scan.msk.u32 $0xffff, v8;
	s13 =	simm.s32 @p1 $0x1;
	(v2sf) =	vpush v9, $0xF  }
0x320: {  	s12 =	smov.u32 s4;
	(xrf0) =	vadd.scan.msk.s32 $0xffff, v7;
	(v2sf) =	vpush v6, $0xF;
	s6 =	spop (v2sf)  }
0x321: {  	s3 =	sadd.s32 $0x10, s3;
	s8 =	spop (v2sf);
	s5 =	sadd.s32 s5, s6  }
0x322: {  	s4 =	sadd.s32 $0x10, s4;
	v7 =	vld [tilespmem:s3+$0x0];
	s2 =	sadd.s32 s2, s8;
	s10 =	smov.u32 @p3 s5  }
0x323: {  	v5 =	vadd.s32 s2, v5  }
0x324: {  	vm2 =	vgt.s32 v5, $0x555  }
0x325: {  	v5 =	vnsel vm2, $0x80000010, v3  }
0x326: {  	(xrf0) =	vmin.scan.msk.u32 $0xffff, v5  }
0x327: {  	(xrf0) =	vadd.scan.msk.s32 $0xffff, v7;
	_ =	sdelay $0x2  }
0x328: {  	v5, _, _ =	vpop (xrf0)  }
0x329: {  	v7, _, _ =	vpop (xrf0);
	(v2sf) =	vpush v5, $0xF  }
0x32a: {  	(v2sf) =	vpush v7, $0xF;
	v5, _, _ =	vpop (xrf0)  }
0x32b: {  	v8, _, _ =	vpop (xrf0);
	(v2sf) =	vpush v5, $0xF  }
0x32c: {  	(v2sf) =	vpush v8, $0xF;
	_ =	sdelay $0x2  }
0x32d: {  	s5 =	spop (v2sf)  }
0x32e: {  	s3 =	sadd.s32 $0x10, s3;
	s4 =	spop (v2sf)  }
0x32f: {  	s6 =	sadd.s32 s2, s4;
	v5 =	vld [tilespmem:s3+$0x0]  }
0x330: {  	v6 =	vadd.s32 s6, v6  }
0x331: {  	vm2 =	vgt.s32 v6, $0x555  }
0x332: {  	v6 =	vnsel vm2, $0x80000010, v3  }
0x333: {  	(xrf0) =	vmin.scan.msk.u32 $0xffff, v6;
	s8 =	spop (v2sf)  }
0x334: {  	s21 =	spop (v2sf);
	(xrf0) =	vadd.scan.msk.s32 $0xffff, v5  }
0x335: {  	s17 =	sadd.s32 s6, s21  }
0x336: {  	v5 =	vadd.s32 s17, v7;
	s9 =	spop (v2sf)  }
0x337: {  	s22 =	spop (v2sf)  }
0x338: {  	s23 =	spop (v2sf)  }
0x339: {  	vm2 =	vgt.s32 v5, $0x555;
	v5, _, _ =	vpop (xrf0);
	s18 =	sadd.s32 s17, s22;
	s24 =	spop (v2sf)  }
0x33a: {  	v6 =	vnsel vm2, $0x80000010, v3;
	v7, _, _ =	vpop (xrf0);
	v8 =	vadd.s32 s18, v8;
	s3 =	sadd.s32 s18, s24  }
0x33b: {  	(xrf0) =	vmin.scan.msk.u32 $0xffff, v6;
	vm2 =	vgt.s32 v8, $0x555;
	v6 =	vadd.s32 s3, v7  }
0x33c: {  	p2 =	sgt.s32 s2, $0x555;
	p3 =	seq.s32 s13, $0x0;
	v8 =	vnsel vm2, $0x80000010, v3;
	vm2 =	vgt.s32 v6, $0x555  }
0x33d: {  	p2 =	por !p3, !p2;
	(xrf0) =	vmin.scan.msk.u32 $0xffff, v8;
	v6 =	vnsel vm2, $0x80000010, v3  }
0x33e: {  	p2 =	por !p2, !p2;
	(xrf0) =	vmin.scan.msk.u32 $0xffff, v6  }
0x33f: {  	s13 =	simm.s32 @p2 $0x1;
	(v2sf) =	vpush v5, $0xF  }
0x340: {  	p5 =	sgt.s32 s6, $0x555;
	p4 =	seq.s32 s13, $0x0;
	(v2sf) =	vpush v7, $0xF  }
0x341: {  	p3 =	por !p4, !p5;
	v5, _, _ =	vpop (xrf0)  }
0x342: {  	p3 =	por !p3, !p3;
	(v2sf) =	vpush v5, $0xF  }
0x343: {  	p1 =	por p1, p1;
	s13 =	simm.s32 @p3 $0x1;
	v5, _, _ =	vpop (xrf0)  }
0x344: {  	s1 =	sadd.s32 s1, s5;
	p5 =	seq.s32 s13, $0x0;
	p6 =	sgt.s32 s17, $0x555;
	(v2sf) =	vpush v5, $0xF;
	v5, _, _ =	vpop (xrf0)  }
0x345: {  	p1 =	por p1, p1;
	p2 =	por p2, p2;
	p4 =	por !p5, !p6;
	(v2sf) =	vpush v5, $0xF  }
0x346: {  	p2 =	por p2, p2;
	p5 =	por p0, p0;
	p0 =	por !p4, !p4  }
0x347: {  	p3 =	por p3, p3;
	[tilespmem:$0x2000] =	vst v1;
	s10 =	smov.u32 @p5 s1;
	s13 =	simm.s32 @p0 $0x1  }
0x348: {  	[tilespmem:$0x2010] =	vst v1;
	s1 =	sadd.s32 s16, s8;
	p5 =	seq.s32 s13, $0x0;
	p6 =	sgt.s32 s18, $0x555  }
0x349: {  	[tilespmem:$0x2020] =	vst v1;
	s10 =	smov.u32 @p1 s1;
	s1 =	sadd.s32 s7, s9;
	p4 =	por !p5, !p6  }
0x34a: {  	[tilespmem:$0x2030] =	vst v1;
	p0 =	por p0, p0;
	s10 =	smov.u32 @p2 s1;
	p1 =	por !p4, !p4  }
0x34b: {  	[tilespmem:$0x2040] =	vst v1;
	p2 =	por p3, p3;
	s1 =	sadd.s32 s15, s23;
	s13 =	simm.s32 @p1 $0x1  }
0x34c: {  	[tilespmem:$0x2050] =	vst v1;
	p4 =	por p0, p0;
	p5 =	seq.s32 s13, $0x0;
	p6 =	sgt.s32 s3, $0x555  }
0x34d: {  	[tilespmem:$0x2060] =	vst v1;
	s10 =	smov.u32 @p2 s1;
	p1 =	por p1, p1;
	p3 =	por !p5, !p6  }
0x34e: {  	[tilespmem:$0x2070] =	vst v1;
	p1 =	por p1, p1;
	p0 =	por !p3, !p3;
	s25 =	spop (v2sf)  }
0x34f: {  	[tilespmem:$0x2080] =	vst v1;
	s13 =	simm.s32 @p0 $0x1;
	s0 =	sadd.s32 s0, s25;
	s26 =	spop (v2sf)  }
0x350: {  	[tilespmem:$0x2090] =	vst v1;
	p0 =	por p0, p0;
	s10 =	smov.u32 @p4 s0;
	s28 =	sadd.s32 s3, s26  }
0x351: {  	[tilespmem:$0x20A0] =	vst v1;
	p4 =	seq.s32 s13, $0x0;
	p5 =	sgt.s32 s28, $0x555;
	s29 =	spop (v2sf)  }
0x352: {  	[tilespmem:$0x20B0] =	vst v1;
	p0 =	por p0, p0;
	p2 =	por !p4, !p5;
	s0 =	sadd.s32 s14, s29  }
0x353: {  	[tilespmem:$0x20C0] =	vst v1;
	p2 =	por !p2, !p2;
	s10 =	smov.u32 @p1 s0;
	s30 =	spop (v2sf)  }
0x354: {  	[tilespmem:$0x20D0] =	vst v1;
	p6 =	por p2, p2;
	s0 =	sadd.s32 s11, s30;
	s31 =	spop (v2sf)  }
0x355: {  	[tilespmem:$0x20E0] =	vst v1;
	s10 =	smov.u32 @p0 s0;
	p0 =	por p6, p6;
	s0 =	sadd.s32 s12, s31  }
0x356: {  	[tilespmem:$0x20F0] =	vst v1;
	s1 =	simm.s32 $0x1040;
	s10 =	smov.u32 @p0 s0;
	s0 =	simm.s32 $0xFFFFFFF8  }
.LBB2_21:
0x357: {  	v5 =	vld [tilespmem:s1+$0xFFFFFFC0];
	_ =	sdelay $0x4  }
0x358: {  	v5 =	vshrl.u32 v5, $0x18;
	_ =	sdelay $0x3  }
0x359: {  	s2 =	simm.s32 $0x2000  }
0x35a: {  	[tilespmem:v5+s2+$0x0] =	vst.idx.add.s32.msk $0xffff, v2  }
0x35b: {  	v5 =	vld [tilespmem:s1+$0xFFFFFFD0];
	_ =	sdelay $0x4  }
0x35c: {  	v5 =	vshrl.u32 v5, $0x18;
	_ =	sdelay $0x4  }
0x35d: {  	[tilespmem:v5+s2+$0x0] =	vst.idx.add.s32.msk $0xffff, v2  }
0x35e: {  	v5 =	vld [tilespmem:s1+$0xFFFFFFE0];
	_ =	sdelay $0x4  }
0x35f: {  	v5 =	vshrl.u32 v5, $0x18;
	_ =	sdelay $0x4  }
0x360: {  	[tilespmem:v5+s2+$0x0] =	vst.idx.add.s32.msk $0xffff, v2  }
0x361: {  	v5 =	vld [tilespmem:s1+$0xFFFFFFF0];
	_ =	sdelay $0x4  }
0x362: {  	v5 =	vshrl.u32 v5, $0x18;
	_ =	sdelay $0x4  }
0x363: {  	[tilespmem:v5+s2+$0x0] =	vst.idx.add.s32.msk $0xffff, v2  }
0x364: {  	v5 =	vld [tilespmem:s1+$0x0];
	_ =	sdelay $0x4  }
0x365: {  	v5 =	vshrl.u32 v5, $0x18;
	_ =	sdelay $0x4  }
0x366: {  	[tilespmem:v5+s2+$0x0] =	vst.idx.add.s32.msk $0xffff, v2  }
0x367: {  	v5 =	vld [tilespmem:s1+$0x10];
	_ =	sdelay $0x4  }
0x368: {  	v5 =	vshrl.u32 v5, $0x18;
	_ =	sdelay $0x4  }
0x369: {  	[tilespmem:v5+s2+$0x0] =	vst.idx.add.s32.msk $0xffff, v2  }
0x36a: {  	v5 =	vld [tilespmem:s1+$0x20];
	_ =	sdelay $0x4  }
0x36b: {  	v5 =	vshrl.u32 v5, $0x18;
	_ =	sdelay $0x4  }
0x36c: {  	[tilespmem:v5+s2+$0x0] =	vst.idx.add.s32.msk $0xffff, v2  }
0x36d: {  	v5 =	vld [tilespmem:s1+$0x30];
	_ =	sdelay $0x3  }
0x36e: {  	s0 =	sadd.s32 $0x8, s0  }
0x36f: {  	p0 =	slt.u32 s0, $0xF8;
	v5 =	vshrl.u32 v5, $0x18  }
.Ltmp10:
0x370: {  	_ = 	snop;
	(pc) =	sbr.rel @p0 .LBB2_21-.Ltmp10, $2  }
0x371: {  	_ =	sdelay $0x2  }
0x372: {  	s13 =	simm.s32 $0x0;
	s1 =	sadd.s32 $0x80, s1;
	[tilespmem:v5+s2+$0x0] =	vst.idx.add.s32.msk $0xffff, v2  }
0x373: {  	v8 =	vld [tilespmem:s2+$0x0];
	_ =	sdelay $0x4  }
0x374: {  	(xrf0) =	vadd.scan.msk.s32 $0xffff, v8;
	_ =	sdelay $0x5  }
0x375: {  	s0 =	simm.s32 $0x2010;
	v5, _, _ =	vpop (xrf0)  }
0x376: {  	v10 =	vld [tilespmem:s0+$0x0];
	(v2sf) =	vpush v5, $0xF;
	_ =	sdelay $0x4  }
0x377: {  	(xrf0) =	vadd.scan.msk.s32 $0xffff, v10;
	_ =	sdelay $0x5  }
0x378: {  	v6, _, _ =	vpop (xrf0)  }
0x379: {  	(v2sf) =	vpush v6, $0xF  }
0x37a: {  	s9 =	simm.s32 $0x2020  }
0x37b: {  	v7 =	vld [tilespmem:s9+$0x0];
	v5 =	vadd.s32 s13, v5  }
0x37c: {  	vm2 =	vgt.s32 v5, $0xAAA;
	s11 =	spop (v2sf)  }
0x37d: {  	v5 =	vnsel vm2, $0x80000010, v3;
	s19 =	sadd.s32 $0x0, s11  }
0x37e: {  	(xrf0) =	vmin.scan.msk.u32 $0xffff, v5;
	v5 =	vadd.s32 s19, v6  }
0x37f: {  	vm2 =	vgt.s32 v5, $0xAAA  }
0x380: {  	(xrf0) =	vadd.scan.msk.s32 $0xffff, v7;
	v5 =	vnsel vm2, $0x80000010, v3  }
0x381: {  	(xrf0) =	vmin.scan.msk.u32 $0xffff, v5;
	_ =	sdelay $0x2  }
0x382: {  	s12 =	simm.s32 $0x2030  }
0x383: {  	v6 =	vld [tilespmem:s12+$0x0];
	v5, _, _ =	vpop (xrf0)  }
0x384: {  	(v2sf) =	vpush v5, $0xF;
	v5, _, _ =	vpop (xrf0)  }
0x385: {  	(v2sf) =	vpush v5, $0xF;
	v9, _, _ =	vpop (xrf0)  }
0x386: {  	s14 =	spop (v2sf);
	(v2sf) =	vpush v9, $0xF;
	_ =	sdelay $0x1  }
0x387: {  	(xrf0) =	vadd.scan.msk.s32 $0xffff, v6;
	_ =	sdelay $0x2  }
0x388: {  	s20 =	sadd.s32 s19, s14  }
0x389: {  	v5 =	vadd.s32 s20, v5  }
0x38a: {  	s15 =	simm.s32 $0x2040;
	vm2 =	vgt.s32 v5, $0xAAA  }
0x38b: {  	v5 =	vnsel vm2, $0x80000010, v3;
	v9 =	vld [tilespmem:s15+$0x0];
	v11, _, _ =	vpop (xrf0)  }
0x38c: {  	(xrf0) =	vmin.scan.msk.u32 $0xffff, v5;
	(v2sf) =	vpush v11, $0xF;
	_ =	sdelay $0x3  }
0x38d: {  	(xrf0) =	vadd.scan.msk.s32 $0xffff, v9;
	s16 =	spop (v2sf)  }
0x38e: {  	s1 =	sxor.u32 $0x80000000, s16;
	s21 =	spop (v2sf)  }
0x38f: {  	v5, _, _ =	vpop (xrf0);
	v12 =	vmov s1;
	s21 =	sadd.s32 s20, s21;
	s25 =	spop (v2sf)  }
0x390: {  	(v2sf) =	vpush v5, $0xF;
	vm2 =	vgt.s32 v12, v0;
	v11 =	vadd.s32 s21, v11;
	s26 =	sxor.u32 $0x80000000, s25  }
0x391: {  	s3 =	simm.s32 $0x2050;
	v8 =	vnsel vm2, $0x0, v8;
	vm2 =	vgt.s32 v11, $0xAAA;
	v11 =	vmov s26  }
0x392: {  	p0 =	por $0x1, $0x1;
	p1 =	sgt.s32 s19, $0xAAA;
	v5 =	vld [tilespmem:s3+$0x0];
	(xrf0) =	vadd.scan.msk.s32 $0xffff, v8;
	v8 =	vnsel vm2, $0x80000010, v3;
	vm2 =	vgt.s32 v11, v0  }
0x393: {  	s24 =	simm.s32 $0x80000030;
	s23 =	simm.s32 $0x80000040;
	p0 =	por !p0, !p1;
	(xrf0) =	vmin.scan.msk.u32 $0xffff, v8;
	v8 =	vnsel vm2, $0x0, v10;
	v10, _, _ =	vpop (xrf0)  }
0x394: {  	s22 =	simm.s32 $0x80000050;
	s12 =	simm.s32 $0x0;
	p0 =	por !p0, !p0;
	(v2sf) =	vpush v10, $0xF  }
0x395: {  	s17 =	simm.s32 $0x80000060;
	s18 =	simm.s32 $0x80000070;
	s12 =	simm.s32 @p0 $0x1  }
0x396: {  	s2 =	simm.s32 $0x800000B0;
	p2 =	sgt.s32 s20, $0xAAA;
	p4 =	seq.s32 s12, $0x0  }
0x397: {  	s30 =	simm.s32 $0x0;
	s11 =	simm.s32 $0x0;
	p1 =	por !p4, !p2;
	(xrf0) =	vadd.scan.msk.s32 $0xffff, v5  }
0x398: {  	s14 =	simm.s32 $0x80000080;
	p1 =	por !p1, !p1;
	s28 =	spop (v2sf);
	(xrf0) =	vadd.scan.msk.s32 $0xffff, v8  }
0x399: {  	p0 =	por p0, p0;
	s12 =	simm.s32 @p1 $0x1;
	s1 =	sadd.s32 s21, s28;
	v11, _, _ =	vpop (xrf0)  }
0x39a: {  	p5 =	seq.s32 s12, $0x0;
	s15 =	simm.s32 $0x800000A0;
	s0 =	sadd.s32 $0x80000000, s16;
	v10 =	vadd.s32 s1, v10;
	(v2sf) =	vpush v11, $0xF  }
0x39b: {  	s16 =	simm.s32 $0x80000090;
	s11 =	smov.u32 @p0 s0;
	p3 =	sgt.s32 s21, $0xAAA  }
0x39c: {  	p0 =	por p0, p0;
	s0 =	simm.s32 $0x2060;
	p2 =	por !p5, !p3;
	v11, _, _ =	vpop (xrf0)  }
0x39d: {  	p3 =	por !p2, !p2;
	p2 =	por p1, p1;
	s3 =	sadd.s32 $0x80000010, s25;
	v8 =	vld [tilespmem:s0+$0x0];
	vm2 =	vgt.s32 v10, $0xAAA;
	(v2sf) =	vpush v11, $0xF;
	v10, _, _ =	vpop (xrf0)  }
0x39e: {  	p1 =	por p0, p0;
	s12 =	simm.s32 @p3 $0x1;
	s11 =	smov.u32 @p2 s3;
	(v2sf) =	vpush v10, $0xF;
	v63, _, _ =	vpop (xrf0)  }
0x39f: {  	p4 =	seq.s32 s12, $0x0;
	p5 =	sgt.s32 s1, $0xAAA;
	s29 =	spop (v2sf);
	v11 =	vnsel vm2, $0x80000010, v3;
	(v2sf) =	vpush v63, $0xF  }
0x3a0: {  	p0 =	por p2, p2;
	p3 =	por p3, p3;
	p6 =	por !p4, !p5;
	(xrf0) =	vmin.scan.msk.u32 $0xffff, v11  }
0x3a1: {  	p2 =	por !p6, !p6;
	s31 =	sxor.u32 $0x80000000, s29;
	s4 =	sadd.s32 $0x80000020, s29  }
0x3a2: {  	s25 =	smov.u32 s1;
	s12 =	simm.s32 @p2 $0x1;
	s11 =	smov.u32 @p3 s4;
	v11 =	vmov s31;
	(xrf0) =	vadd.scan.msk.s32 $0xffff, v8  }
.LBB2_23:
0x3a3: {  	p4 =	sne.s32 s2, $0x800000F0;
	s3 =	spop (v2sf);
	s4 =	smov.u32 s23  }
0x3a4: {  	s23 =	smov.u32 s22;
	s22 =	smov.u32 s17;
	s17 =	smov.u32 s18  }
0x3a5: {  	vm2 =	vgt.s32 v11, v0;
	p5 =	por p1, p1;
	p1 =	por p0, p0;
	p0 =	por p3, p3  }
0x3a6: {  	s18 =	smov.u32 s14;
	s14 =	smov.u32 s16;
	s1 =	sadd.s32 s1, s3;
	v11, _, _ =	vpop (xrf0);
	v12 =	vnsel vm2, $0x0, v7;
	v7 =	vmov v6;
	v6 =	vmov v9  }
0x3a7: {  	s0 =	sadd.s32 $0x10, s0;
	p3 =	seq.s32 s12, $0x0;
	v9 =	vmovc v5;
	v5 =	vmov v8;
	v13 =	vadd.s32 s1, v10;
	p6 =	sgt.s32 s1, $0xAAA;
	(v2sf) =	vpush v11, $0xF;
	(xrf0) =	vadd.scan.msk.s32 $0xffff, v12  }
0x3a8: {  	s16 =	smov.u32 s15;
	s15 =	smov.u32 s2;
	v8 =	vld [tilespmem:s0+$0x0];
	vm2 =	vgt.s32 v13, $0xAAA;
	p6 =	por !p3, !p6  }
0x3a9: {  	p3 =	por p2, p2;
	v10, _, _ =	vpop (xrf0);
	v11 =	vnsel vm2, $0x80000010, v3;
	s3 =	spop (v2sf);
	p2 =	por !p6, !p6  }
.Ltmp11:
0x3aa: {  	(v2sf) =	vpush v10, $0xF;
	(xrf0) =	vmin.scan.msk.u32 $0xffff, v11;
	s12 =	simm.s32 @p2 $0x1;
	s3 =	sadd.s32 s30, s3;
	(pc) =	sbr.rel @p4 .LBB2_23-.Ltmp11, $4  }
0x3ab: {  	s30 =	smov.u32 s19;
	s19 =	smov.u32 s20;
	s13 =	smov.u32 @p5 s3  }
0x3ac: {  	s20 =	smov.u32 s21;
	s21 =	smov.u32 s25;
	s3 =	spop (v2sf)  }
0x3ad: {  	s25 =	smov.u32 s1;
	(xrf0) =	vadd.scan.msk.s32 $0xffff, v8;
	s5 =	sxor.u32 $0x80000000, s3;
	s3 =	sadd.s32 s24, s3;
	v12, _, _ =	vpop (xrf0)  }
0x3ae: {  	s2 =	sadd.s32 $0x10, s2;
	s24 =	smov.u32 s4;
	v11 =	vmov s5;
	s11 =	smov.u32 @p3 s3;
	(v2sf) =	vpush v12, $0xF  }
0x3af: {  	_ =	sdelay $0x2  }
0x3b0: {  	v12, _, _ =	vpop (xrf0)  }
0x3b1: {  	(v2sf) =	vpush v12, $0xF;
	v40, _, _ =	vpop (xrf0)  }
0x3b2: {  	(v2sf) =	vpush v40, $0xF;
	_ =	sdelay $0x3  }
0x3b3: {  	s2 =	spop (v2sf);
	s0 =	sadd.s32 $0x10, s0  }
0x3b4: {  	s28 =	sadd.s32 s1, s2;
	v13 =	vld [tilespmem:s0+$0x0]  }
0x3b5: {  	vm2 =	vgt.s32 v11, v0;
	v10 =	vadd.s32 s28, v10  }
0x3b6: {  	v7 =	vnsel vm2, $0x0, v7;
	vm2 =	vgt.s32 v10, $0xAAA  }
0x3b7: {  	(xrf0) =	vadd.scan.msk.s32 $0xffff, v7;
	v7 =	vnsel vm2, $0x80000010, v3  }
0x3b8: {  	s5 =	spop (v2sf);
	(xrf0) =	vmin.scan.msk.u32 $0xffff, v7  }
0x3b9: {  	[dreg:$0x12] =	wrdreg s5;
	(xrf0) =	vadd.scan.msk.s32 $0xffff, v13;
	s5 =	spop (v2sf)  }
0x3ba: {  	s6 =	sxor.u32 $0x80000000, s5;
	s7 =	spop (v2sf)  }
0x3bb: {  	s0 =	sadd.s32 $0x10, s0;
	v41 =	vmov s6;
	s26 =	sadd.s32 s28, s7  }
0x3bc: {  	v7 =	vld [tilespmem:s0+$0x0];
	vm2 =	vgt.s32 v41, v0;
	v43 =	vadd.s32 s26, v40;
	s8 =	spop (v2sf)  }
0x3bd: {  	v42, _, _ =	vpop (xrf0);
	v6 =	vnsel vm2, $0x0, v6;
	vm2 =	vgt.s32 v43, $0xAAA;
	s7 =	spop (v2sf)  }
0x3be: {  	s3 =	sadd.s32 $0x10, s0;
	(v2sf) =	vpush v42, $0xF;
	v44, _, _ =	vpop (xrf0);
	(xrf0) =	vadd.scan.msk.s32 $0xffff, v6;
	v46 =	vnsel vm2, $0x80000010, v3;
	s9 =	sxor.u32 $0x80000000, s7;
	s29 =	spop (v2sf)  }
0x3bf: {  	(v2sf) =	vpush v44, $0xF;
	v45, _, _ =	vpop (xrf0);
	v6 =	vld [tilespmem:s3+$0x0];
	(xrf0) =	vmin.scan.msk.u32 $0xffff, v46;
	v47 =	vmov s9;
	s29 =	sadd.s32 s26, s29  }
0x3c0: {  	(v2sf) =	vpush v45, $0xF;
	vm2 =	vgt.s32 v47, v0;
	v10 =	vadd.s32 s29, v45  }
0x3c1: {  	(xrf0) =	vadd.scan.msk.s32 $0xffff, v7;
	v9 =	vnsel vm2, $0x0, v9;
	vm2 =	vgt.s32 v10, $0xAAA  }
0x3c2: {  	(xrf0) =	vadd.scan.msk.s32 $0xffff, v9;
	v48 =	vnsel vm2, $0x80000010, v3  }
0x3c3: {  	(xrf0) =	vmin.scan.msk.u32 $0xffff, v48  }
0x3c4: {  	v49, _, _ =	vpop (xrf0);
	(xrf0) =	vadd.scan.msk.s32 $0xffff, v6  }
0x3c5: {  	(v2sf) =	vpush v49, $0xF;
	v50, _, _ =	vpop (xrf0)  }
0x3c6: {  	(v2sf) =	vpush v50, $0xF  }
0x3c7: {  	v51, _, _ =	vpop (xrf0)  }
0x3c8: {  	(v2sf) =	vpush v51, $0xF;
	v52, _, _ =	vpop (xrf0)  }
0x3c9: {  	(v2sf) =	vpush v52, $0xF;
	v53, _, _ =	vpop (xrf0)  }
0x3ca: {  	(v2sf) =	vpush v53, $0xF;
	v54, _, _ =	vpop (xrf0)  }
0x3cb: {  	(v2sf) =	vpush v54, $0xF;
	_ =	sdelay $0x1  }
0x3cc: {  	s6 =	spop (v2sf)  }
0x3cd: {  	s4 =	spop (v2sf)  }
0x3ce: {  	s3 =	sadd.s32 $0x10, s3;
	s31 =	sxor.u32 $0x80000000, s4;
	s0 =	spop (v2sf)  }
0x3cf: {  	v56 =	vld [tilespmem:s3+$0x0];
	v55 =	vmov s31;
	s31 =	sadd.s32 s29, s0  }
0x3d0: {  	vm2 =	vgt.s32 v55, v0;
	v9 =	vadd.s32 s31, v51  }
0x3d1: {  	v5 =	vnsel vm2, $0x0, v5;
	vm2 =	vgt.s32 v9, $0xAAA  }
0x3d2: {  	(xrf0) =	vadd.scan.msk.s32 $0xffff, v5;
	v5 =	vnsel vm2, $0x80000010, v3  }
0x3d3: {  	[dreg:$0x9] =	wrdreg s8;
	(xrf0) =	vmin.scan.msk.u32 $0xffff, v5;
	s8 =	spop (v2sf)  }
0x3d4: {  	(xrf0) =	vadd.scan.msk.s32 $0xffff, v56;
	s9 =	spop (v2sf)  }
0x3d5: {  	s2 =	sxor.u32 $0x80000000, s9  }
0x3d6: {  	s1 =	spop (v2sf);
	v5 =	vmov s2  }
0x3d7: {  	s3 =	spop (v2sf)  }
0x3d8: {  	v57, _, _ =	vpop (xrf0);
	s2 =	sadd.s32 s31, s1;
	[dreg:$0x15] =	wrdreg s3;
	s3 =	spop (v2sf)  }
0x3d9: {  	vm2 =	vgt.s32 v5, v0;
	v10 =	vadd.s32 s2, v54;
	v5, _, _ =	vpop (xrf0);
	s1 =	sxor.u32 $0x80000000, s3;
	s0 =	spop (v2sf)  }
0x3da: {  	v8 =	vnsel vm2, $0x0, v8;
	vm2 =	vgt.s32 v10, $0xAAA;
	v59, _, _ =	vpop (xrf0);
	v58 =	vmov s1;
	s1 =	sadd.s32 s2, s0  }
0x3db: {  	(xrf0) =	vadd.scan.msk.s32 $0xffff, v8;
	v60 =	vnsel vm2, $0x80000010, v3;
	vm2 =	vgt.s32 v58, v0;
	v61 =	vadd.s32 s1, v59  }
0x3dc: {  	(xrf0) =	vmin.scan.msk.u32 $0xffff, v60;
	v62 =	vnsel vm2, $0x0, v13;
	vm2 =	vgt.s32 v61, $0xAAA  }
0x3dd: {  	(xrf0) =	vadd.scan.msk.s32 $0xffff, v62;
	v63 =	vnsel vm2, $0x80000010, v3  }
0x3de: {  	(xrf0) =	vmin.scan.msk.u32 $0xffff, v63  }
0x3df: {  	(v2sf) =	vpush v57, $0xF  }
0x3e0: {  	(v2sf) =	vpush v5, $0xF  }
0x3e1: {  	(v2sf) =	vpush v59, $0xF;
	v5, _, _ =	vpop (xrf0)  }
0x3e2: {  	(v2sf) =	vpush v5, $0xF;
	v5, _, _ =	vpop (xrf0)  }
0x3e3: {  	(v2sf) =	vpush v5, $0xF;
	v5, _, _ =	vpop (xrf0)  }
0x3e4: {  	(v2sf) =	vpush v5, $0xF;
	v5, _, _ =	vpop (xrf0)  }
0x3e5: {  	(v2sf) =	vpush v5, $0xF  }
0x3e6: {  	p1 =	por p1, p1  }
0x3e7: {  	p4 =	seq.s32 s12, $0x0;
	p0 =	por p0, p0;
	p5 =	sgt.s32 s28, $0xAAA  }
0x3e8: {  	p2 =	por p2, p2;
	p3 =	por p3, p3;
	p4 =	por !p4, !p5  }
0x3e9: {  	p0 =	por p0, p0;
	p3 =	por p3, p3;
	p4 =	por !p4, !p4  }
0x3ea: {  	p3 =	por p3, p3;
	s12 =	simm.s32 @p4 $0x1;
	s0 =	rddreg [dreg:$0x12]  }
0x3eb: {  	p5 =	seq.s32 s12, $0x0;
	p6 =	sgt.s32 s26, $0xAAA;
	s0 =	sadd.s32 s30, s0  }
0x3ec: {  	s4 =	sadd.s32 s22, s4;
	s3 =	sadd.s32 s18, s3;
	s13 =	smov.u32 @p1 s0  }
0x3ed: {  	s0 =	sadd.s32 s24, s5;
	s5 =	rddreg [dreg:$0x9];
	p1 =	por !p5, !p6  }
0x3ee: {  	s11 =	smov.u32 @p2 s0;
	s0 =	sadd.s32 s19, s5;
	s19 =	spop (v2sf)  }
0x3ef: {  	p5 =	sgt.s32 s29, $0xAAA;
	p6 =	por p2, p2;
	s24 =	spop (v2sf)  }
0x3f0: {  	s13 =	smov.u32 @p0 s0;
	s0 =	sadd.s32 s23, s7;
	s23 =	spop (v2sf)  }
0x3f1: {  	p1 =	por !p1, !p1;
	p0 =	por p4, p4;
	s7 =	spop (v2sf)  }
0x3f2: {  	s11 =	smov.u32 @p0 s0;
	s0 =	sadd.s32 s20, s6;
	s20 =	spop (v2sf)  }
0x3f3: {  	s13 =	smov.u32 @p3 s0;
	s6 =	sxor.u32 $0x80000000, s24;
	s0 =	spop (v2sf)  }
0x3f4: {  	s12 =	simm.s32 @p1 $0x1;
	v5 =	vmov s6;
	s22 =	sxor.u32 $0x80000000, s20;
	s5 =	spop (v2sf)  }
0x3f5: {  	p1 =	por p1, p1;
	p4 =	seq.s32 s12, $0x0;
	vm2 =	vgt.s32 v5, v0;
	v5 =	vmov s22;
	s30 =	sxor.u32 $0x80000000, s5  }
0x3f6: {  	p0 =	por p0, p0;
	p3 =	por !p4, !p5;
	s11 =	smov.u32 @p1 s4;
	v7 =	vnsel vm2, $0x0, v7;
	vm2 =	vgt.s32 v5, v0;
	v5 =	vmov s30  }
0x3f7: {  	s4 =	sadd.s32 s21, s8;
	p4 =	por p6, p6;
	p2 =	por !p3, !p3;
	(xrf0) =	vadd.scan.msk.s32 $0xffff, v7;
	v6 =	vnsel vm2, $0x0, v6;
	vm2 =	vgt.s32 v5, v0  }
0x3f8: {  	p6 =	sgt.s32 s31, $0xAAA;
	p1 =	por p1, p1;
	s12 =	simm.s32 @p2 $0x1;
	(xrf0) =	vadd.scan.msk.s32 $0xffff, v6;
	v5 =	vnsel vm2, $0x0, v56  }
0x3f9: {  	p3 =	por p4, p4;
	p1 =	por p1, p1;
	p5 =	seq.s32 s12, $0x0;
	(xrf0) =	vadd.scan.msk.s32 $0xffff, v5  }
0x3fa: {  	s13 =	smov.u32 @p3 s4;
	s4 =	sadd.s32 s17, s9;
	p5 =	por !p5, !p6  }
0x3fb: {  	p6 =	por p0, p0;
	p0 =	por p2, p2;
	p3 =	por !p5, !p5  }
0x3fc: {  	p2 =	por p6, p6;
	p6 =	sgt.s32 s2, $0xAAA;
	s11 =	smov.u32 @p0 s4  }
0x3fd: {  	p0 =	por p0, p0;
	s12 =	simm.s32 @p3 $0x1;
	p3 =	por p3, p3;
	v5, _, _ =	vpop (xrf0)  }
0x3fe: {  	p5 =	seq.s32 s12, $0x0;
	s11 =	smov.u32 @p3 s3;
	p3 =	por p3, p3;
	(v2sf) =	vpush v5, $0xF;
	v5, _, _ =	vpop (xrf0)  }
0x3ff: {  	s3 =	sadd.s32 s28, s19;
	p4 =	por !p5, !p6;
	p5 =	sgt.s32 s1, $0xAAA;
	(v2sf) =	vpush v5, $0xF;
	v5, _, _ =	vpop (xrf0)  }
0x400: {  	p6 =	por p1, p1;
	p1 =	por p0, p0;
	s22 =	rddreg [dreg:$0x15];
	(v2sf) =	vpush v5, $0xF  }
0x401: {  	p3 =	por p3, p3;
	p1 =	por p1, p1;
	s6 =	sadd.s32 s25, s22  }
0x402: {  	[tilespmem:$0x2000] =	vst v1;
	s25 =	sadd.s32 s1, s23;
	s13 =	smov.u32 @p2 s6;
	p2 =	por !p4, !p4  }
0x403: {  	[tilespmem:$0x2010] =	vst v1;
	s12 =	simm.s32 @p2 $0x1;
	p2 =	por p2, p2;
	s13 =	smov.u32 @p6 s3  }
0x404: {  	[tilespmem:$0x2020] =	vst v1;
	s3 =	sadd.s32 s14, s24;
	p6 =	sgt.s32 s25, $0xAAA;
	p4 =	seq.s32 s12, $0x0  }
0x405: {  	[tilespmem:$0x2030] =	vst v1;
	s11 =	smov.u32 @p2 s3;
	s3 =	sadd.s32 s26, s7;
	p4 =	por !p4, !p5  }
0x406: {  	[tilespmem:$0x2040] =	vst v1;
	p2 =	por p2, p2;
	s13 =	smov.u32 @p1 s3;
	p0 =	por !p4, !p4  }
0x407: {  	[tilespmem:$0x2050] =	vst v1;
	s3 =	sadd.s32 s16, s20;
	p1 =	por p3, p3;
	s12 =	simm.s32 @p0 $0x1  }
0x408: {  	[tilespmem:$0x2060] =	vst v1;
	p2 =	por p2, p2;
	p0 =	por p0, p0;
	p5 =	seq.s32 s12, $0x0  }
0x409: {  	[tilespmem:$0x2070] =	vst v1;
	s11 =	smov.u32 @p0 s3;
	s0 =	sadd.s32 s29, s0;
	p4 =	por !p5, !p6  }
0x40a: {  	[tilespmem:$0x2080] =	vst v1;
	p0 =	por p0, p0;
	s3 =	sadd.s32 s15, s5;
	p4 =	por !p4, !p4  }
0x40b: {  	[tilespmem:$0x2090] =	vst v1;
	s13 =	smov.u32 @p1 s0;
	p0 =	por p0, p0;
	p3 =	por p4, p4  }
0x40c: {  	[tilespmem:$0x20A0] =	vst v1;
	p1 =	por p2, p2;
	p0 =	por p0, p0;
	p5 =	por p3, p3  }
0x40d: {  	[tilespmem:$0x20B0] =	vst v1;
	s11 =	smov.u32 @p3 s3;
	p6 =	por p5, p5;
	s28 =	spop (v2sf)  }
0x40e: {  	[tilespmem:$0x20C0] =	vst v1;
	s0 =	sadd.s32 s31, s28;
	s29 =	spop (v2sf);
	s31 =	sand.u32 $0xFF, s11  }
0x40f: {  	[tilespmem:$0x20D0] =	vst v1;
	s13 =	smov.u32 @p1 s0;
	s0 =	sadd.s32 s2, s29;
	s30 =	spop (v2sf)  }
0x410: {  	[tilespmem:$0x20E0] =	vst v1;
	s13 =	smov.u32 @p0 s0;
	p0 =	por p6, p6;
	s0 =	sadd.s32 s1, s30  }
0x411: {  	[tilespmem:$0x20F0] =	vst v1;
	v5 =	vmov s31;
	s1 =	simm.s32 $0x1040;
	s13 =	smov.u32 @p0 s0;
	s0 =	simm.s32 $0xFFFFFFF8  }
.LBB2_25:
0x412: {  	v6 =	vld [tilespmem:s1+$0xFFFFFFC0];
	_ =	sdelay $0x4  }
0x413: {  	v7 =	vshrl.u32 v6, $0x18  }
0x414: {  	v6 =	vshrl.u32 v6, $0x10;
	vm2 =	veq.s32 v7, v5  }
0x415: {  	v6 =	vand.u32 $0xFF, v6;
	_ =	sdelay $0x3  }
0x416: {  	s2 =	simm.s32 $0x2000  }
0x417: {  	[tilespmem:v6+s2+$0x0] =	vst.idx.add.s32.msk vm2, v2  }
0x418: {  	v6 =	vld [tilespmem:s1+$0xFFFFFFD0];
	_ =	sdelay $0x4  }
0x419: {  	v7 =	vshrl.u32 v6, $0x18  }
0x41a: {  	v6 =	vshrl.u32 v6, $0x10;
	vm2 =	veq.s32 v7, v5  }
0x41b: {  	v6 =	vand.u32 $0xFF, v6;
	_ =	sdelay $0x4  }
0x41c: {  	[tilespmem:v6+s2+$0x0] =	vst.idx.add.s32.msk vm2, v2  }
0x41d: {  	v6 =	vld [tilespmem:s1+$0xFFFFFFE0];
	_ =	sdelay $0x4  }
0x41e: {  	v7 =	vshrl.u32 v6, $0x18  }
0x41f: {  	v6 =	vshrl.u32 v6, $0x10;
	vm2 =	veq.s32 v7, v5  }
0x420: {  	v6 =	vand.u32 $0xFF, v6;
	_ =	sdelay $0x4  }
0x421: {  	[tilespmem:v6+s2+$0x0] =	vst.idx.add.s32.msk vm2, v2  }
0x422: {  	v6 =	vld [tilespmem:s1+$0xFFFFFFF0];
	_ =	sdelay $0x4  }
0x423: {  	v7 =	vshrl.u32 v6, $0x18  }
0x424: {  	v6 =	vshrl.u32 v6, $0x10;
	vm2 =	veq.s32 v7, v5  }
0x425: {  	v6 =	vand.u32 $0xFF, v6;
	_ =	sdelay $0x4  }
0x426: {  	[tilespmem:v6+s2+$0x0] =	vst.idx.add.s32.msk vm2, v2  }
0x427: {  	v6 =	vld [tilespmem:s1+$0x0];
	_ =	sdelay $0x4  }
0x428: {  	v7 =	vshrl.u32 v6, $0x18  }
0x429: {  	v6 =	vshrl.u32 v6, $0x10;
	vm2 =	veq.s32 v7, v5  }
0x42a: {  	v6 =	vand.u32 $0xFF, v6;
	_ =	sdelay $0x4  }
0x42b: {  	[tilespmem:v6+s2+$0x0] =	vst.idx.add.s32.msk vm2, v2  }
0x42c: {  	v6 =	vld [tilespmem:s1+$0x10];
	_ =	sdelay $0x4  }
0x42d: {  	v7 =	vshrl.u32 v6, $0x18  }
0x42e: {  	v6 =	vshrl.u32 v6, $0x10;
	vm2 =	veq.s32 v7, v5  }
0x42f: {  	v6 =	vand.u32 $0xFF, v6;
	_ =	sdelay $0x4  }
0x430: {  	[tilespmem:v6+s2+$0x0] =	vst.idx.add.s32.msk vm2, v2  }
0x431: {  	v6 =	vld [tilespmem:s1+$0x20];
	_ =	sdelay $0x4  }
0x432: {  	v7 =	vshrl.u32 v6, $0x18  }
0x433: {  	v6 =	vshrl.u32 v6, $0x10;
	vm2 =	veq.s32 v7, v5  }
0x434: {  	v6 =	vand.u32 $0xFF, v6;
	_ =	sdelay $0x4  }
0x435: {  	[tilespmem:v6+s2+$0x0] =	vst.idx.add.s32.msk vm2, v2  }
0x436: {  	v6 =	vld [tilespmem:s1+$0x30];
	_ =	sdelay $0x4  }
0x437: {  	v7 =	vshrl.u32 v6, $0x18  }
0x438: {  	s0 =	sadd.s32 $0x8, s0;
	v6 =	vshrl.u32 v6, $0x10;
	vm2 =	veq.s32 v7, v5  }
0x439: {  	p0 =	slt.u32 s0, $0xF8;
	v6 =	vand.u32 $0xFF, v6  }
.Ltmp12:
0x43a: {  	_ = 	snop;
	(pc) =	sbr.rel @p0 .LBB2_25-.Ltmp12, $2  }
0x43b: {  	_ =	sdelay $0x2  }
0x43c: {  	s12 =	simm.s32 $0x0;
	s1 =	sadd.s32 $0x80, s1;
	[tilespmem:v6+s2+$0x0] =	vst.idx.add.s32.msk vm2, v2  }
0x43d: {  	v8 =	vld [tilespmem:s2+$0x0];
	_ =	sdelay $0x4  }
0x43e: {  	(xrf0) =	vadd.scan.msk.s32 $0xffff, v8;
	_ =	sdelay $0x5  }
0x43f: {  	s0 =	simm.s32 $0x2010;
	v5, _, _ =	vpop (xrf0)  }
0x440: {  	v10 =	vld [tilespmem:s0+$0x0];
	(v2sf) =	vpush v5, $0xF;
	_ =	sdelay $0x4  }
0x441: {  	(xrf0) =	vadd.scan.msk.s32 $0xffff, v10;
	_ =	sdelay $0x5  }
0x442: {  	v6, _, _ =	vpop (xrf0)  }
0x443: {  	(v2sf) =	vpush v6, $0xF  }
0x444: {  	s5 =	simm.s32 $0x2020  }
0x445: {  	v7 =	vld [tilespmem:s5+$0x0];
	v5 =	vadd.s32 s13, v5  }
0x446: {  	vm2 =	vgt.s32 v5, $0xAAA;
	s6 =	spop (v2sf)  }
0x447: {  	v5 =	vnsel vm2, $0x80000010, v3;
	s22 =	sadd.s32 s13, s6  }
0x448: {  	(xrf0) =	vmin.scan.msk.u32 $0xffff, v5;
	v5 =	vadd.s32 s22, v6  }
0x449: {  	vm2 =	vgt.s32 v5, $0xAAA  }
0x44a: {  	(xrf0) =	vadd.scan.msk.s32 $0xffff, v7;
	v5 =	vnsel vm2, $0x80000010, v3  }
0x44b: {  	(xrf0) =	vmin.scan.msk.u32 $0xffff, v5;
	_ =	sdelay $0x2  }
0x44c: {  	s7 =	simm.s32 $0x2030  }
0x44d: {  	v6 =	vld [tilespmem:s7+$0x0];
	v5, _, _ =	vpop (xrf0)  }
0x44e: {  	(v2sf) =	vpush v5, $0xF;
	v5, _, _ =	vpop (xrf0)  }
0x44f: {  	(v2sf) =	vpush v5, $0xF;
	v9, _, _ =	vpop (xrf0)  }
0x450: {  	s8 =	spop (v2sf);
	(v2sf) =	vpush v9, $0xF;
	_ =	sdelay $0x1  }
0x451: {  	(xrf0) =	vadd.scan.msk.s32 $0xffff, v6;
	_ =	sdelay $0x2  }
0x452: {  	s21 =	sadd.s32 s22, s8  }
0x453: {  	v5 =	vadd.s32 s21, v5  }
0x454: {  	s9 =	simm.s32 $0x2040;
	vm2 =	vgt.s32 v5, $0xAAA  }
0x455: {  	v5 =	vnsel vm2, $0x80000010, v3;
	v9 =	vld [tilespmem:s9+$0x0];
	v11, _, _ =	vpop (xrf0)  }
0x456: {  	(xrf0) =	vmin.scan.msk.u32 $0xffff, v5;
	(v2sf) =	vpush v11, $0xF;
	_ =	sdelay $0x3  }
0x457: {  	(xrf0) =	vadd.scan.msk.s32 $0xffff, v9;
	s14 =	spop (v2sf)  }
0x458: {  	s1 =	sxor.u32 $0x80000000, s14;
	s16 =	spop (v2sf)  }
0x459: {  	v5, _, _ =	vpop (xrf0);
	v12 =	vmov s1;
	s23 =	sadd.s32 s21, s16;
	s17 =	spop (v2sf)  }
0x45a: {  	(v2sf) =	vpush v5, $0xF;
	vm2 =	vgt.s32 v12, v0;
	v11 =	vadd.s32 s23, v11;
	s18 =	sxor.u32 $0x80000000, s17  }
0x45b: {  	p0 =	por $0x1, $0x1;
	s3 =	simm.s32 $0x2050;
	p1 =	sgt.s32 s22, $0xAAA;
	v8 =	vnsel vm2, $0x0, v8;
	vm2 =	vgt.s32 v11, $0xAAA;
	v11 =	vmov s18  }
0x45c: {  	p0 =	por !p0, !p1;
	v5 =	vld [tilespmem:s3+$0x0];
	(xrf0) =	vadd.scan.msk.s32 $0xffff, v8;
	v8 =	vnsel vm2, $0x80000010, v3;
	vm2 =	vgt.s32 v11, v0  }
0x45d: {  	s15 =	simm.s32 $0x0;
	p0 =	por !p0, !p0;
	(xrf0) =	vmin.scan.msk.u32 $0xffff, v8;
	v8 =	vnsel vm2, $0x0, v10;
	v10, _, _ =	vpop (xrf0)  }
0x45e: {  	s26 =	simm.s32 $0x80000030;
	s15 =	simm.s32 @p0 $0x1;
	(v2sf) =	vpush v10, $0xF  }
0x45f: {  	s25 =	simm.s32 $0x80000040;
	p2 =	sgt.s32 s21, $0xAAA;
	p4 =	seq.s32 s15, $0x0  }
0x460: {  	s24 =	simm.s32 $0x80000050;
	s20 =	simm.s32 $0x80000060;
	p1 =	por !p4, !p2  }
0x461: {  	s19 =	simm.s32 $0x80000070;
	s2 =	simm.s32 $0x800000B0;
	p1 =	por !p1, !p1;
	(xrf0) =	vadd.scan.msk.s32 $0xffff, v5  }
0x462: {  	p0 =	por p0, p0;
	s15 =	simm.s32 @p1 $0x1;
	s29 =	spop (v2sf);
	(xrf0) =	vadd.scan.msk.s32 $0xffff, v8  }
0x463: {  	p6 =	por p0, p0;
	p5 =	seq.s32 s15, $0x0;
	s1 =	sadd.s32 s23, s29;
	v11, _, _ =	vpop (xrf0)  }
0x464: {  	s0 =	sadd.s32 $0x80000000, s14;
	s14 =	simm.s32 $0x0;
	s16 =	simm.s32 $0x80000080;
	v10 =	vadd.s32 s1, v10;
	(v2sf) =	vpush v11, $0xF  }
0x465: {  	s14 =	smov.u32 @p0 s0;
	p0 =	por p1, p1;
	p3 =	sgt.s32 s23, $0xAAA  }
0x466: {  	s0 =	simm.s32 $0x2060;
	p1 =	por p6, p6;
	p3 =	por !p5, !p3;
	v11, _, _ =	vpop (xrf0)  }
0x467: {  	p3 =	por !p3, !p3;
	s3 =	sadd.s32 $0x80000010, s17;
	s17 =	simm.s32 $0x800000A0;
	v8 =	vld [tilespmem:s0+$0x0];
	vm2 =	vgt.s32 v10, $0xAAA;
	(v2sf) =	vpush v11, $0xF;
	v10, _, _ =	vpop (xrf0)  }
0x468: {  	s18 =	simm.s32 $0x80000090;
	s15 =	simm.s32 @p3 $0x1;
	s14 =	smov.u32 @p0 s3;
	(v2sf) =	vpush v10, $0xF;
	v63, _, _ =	vpop (xrf0)  }
0x469: {  	p4 =	seq.s32 s15, $0x0;
	p5 =	sgt.s32 s1, $0xAAA;
	s30 =	spop (v2sf);
	v11 =	vnsel vm2, $0x80000010, v3;
	(v2sf) =	vpush v63, $0xF  }
0x46a: {  	p0 =	por p0, p0;
	p3 =	por p3, p3;
	p6 =	por !p4, !p5;
	(xrf0) =	vmin.scan.msk.u32 $0xffff, v11  }
0x46b: {  	p2 =	por !p6, !p6;
	s31 =	sxor.u32 $0x80000000, s30;
	s4 =	sadd.s32 $0x80000020, s30  }
0x46c: {  	s28 =	smov.u32 s1;
	s15 =	simm.s32 @p2 $0x1;
	s14 =	smov.u32 @p3 s4;
	v11 =	vmov s31;
	(xrf0) =	vadd.scan.msk.s32 $0xffff, v8  }
.LBB2_27:
0x46d: {  	p4 =	sne.s32 s2, $0x800000F0;
	s3 =	spop (v2sf);
	s4 =	smov.u32 s25  }
0x46e: {  	s25 =	smov.u32 s24;
	s24 =	smov.u32 s20;
	s20 =	smov.u32 s19  }
0x46f: {  	vm2 =	vgt.s32 v11, v0;
	p5 =	por p1, p1;
	p1 =	por p0, p0;
	p0 =	por p3, p3  }
0x470: {  	s19 =	smov.u32 s16;
	s16 =	smov.u32 s18;
	s1 =	sadd.s32 s1, s3;
	v11, _, _ =	vpop (xrf0);
	v12 =	vnsel vm2, $0x0, v7;
	v7 =	vmov v6;
	v6 =	vmov v9  }
0x471: {  	s0 =	sadd.s32 $0x10, s0;
	p3 =	seq.s32 s15, $0x0;
	v9 =	vmovc v5;
	v5 =	vmov v8;
	v13 =	vadd.s32 s1, v10;
	p6 =	sgt.s32 s1, $0xAAA;
	(v2sf) =	vpush v11, $0xF;
	(xrf0) =	vadd.scan.msk.s32 $0xffff, v12  }
0x472: {  	s18 =	smov.u32 s17;
	s17 =	smov.u32 s2;
	v8 =	vld [tilespmem:s0+$0x0];
	vm2 =	vgt.s32 v13, $0xAAA;
	p6 =	por !p3, !p6  }
0x473: {  	p3 =	por p2, p2;
	v10, _, _ =	vpop (xrf0);
	v11 =	vnsel vm2, $0x80000010, v3;
	s3 =	spop (v2sf);
	p2 =	por !p6, !p6  }
.Ltmp13:
0x474: {  	(v2sf) =	vpush v10, $0xF;
	(xrf0) =	vmin.scan.msk.u32 $0xffff, v11;
	s15 =	simm.s32 @p2 $0x1;
	s3 =	sadd.s32 s13, s3;
	(pc) =	sbr.rel @p4 .LBB2_27-.Ltmp13, $4  }
0x475: {  	s13 =	smov.u32 s22;
	s22 =	smov.u32 s21;
	s12 =	smov.u32 @p5 s3  }
0x476: {  	s21 =	smov.u32 s23;
	s23 =	smov.u32 s28;
	s3 =	spop (v2sf)  }
0x477: {  	s28 =	smov.u32 s1;
	(xrf0) =	vadd.scan.msk.s32 $0xffff, v8;
	s5 =	sxor.u32 $0x80000000, s3;
	s3 =	sadd.s32 s26, s3;
	v12, _, _ =	vpop (xrf0)  }
0x478: {  	s2 =	sadd.s32 $0x10, s2;
	s26 =	smov.u32 s4;
	v11 =	vmov s5;
	s14 =	smov.u32 @p3 s3;
	(v2sf) =	vpush v12, $0xF  }
0x479: {  	_ =	sdelay $0x2  }
0x47a: {  	v12, _, _ =	vpop (xrf0)  }
0x47b: {  	(v2sf) =	vpush v12, $0xF;
	v40, _, _ =	vpop (xrf0)  }
0x47c: {  	(v2sf) =	vpush v40, $0xF;
	_ =	sdelay $0x3  }
0x47d: {  	s2 =	spop (v2sf);
	s0 =	sadd.s32 $0x10, s0  }
0x47e: {  	s30 =	sadd.s32 s1, s2;
	v13 =	vld [tilespmem:s0+$0x0]  }
0x47f: {  	vm2 =	vgt.s32 v11, v0;
	v10 =	vadd.s32 s30, v10  }
0x480: {  	v7 =	vnsel vm2, $0x0, v7;
	vm2 =	vgt.s32 v10, $0xAAA  }
0x481: {  	(xrf0) =	vadd.scan.msk.s32 $0xffff, v7;
	v7 =	vnsel vm2, $0x80000010, v3  }
0x482: {  	s8 =	spop (v2sf);
	(xrf0) =	vmin.scan.msk.u32 $0xffff, v7  }
0x483: {  	(xrf0) =	vadd.scan.msk.s32 $0xffff, v13;
	s4 =	spop (v2sf)  }
0x484: {  	s9 =	sxor.u32 $0x80000000, s4;
	s29 =	spop (v2sf)  }
0x485: {  	s0 =	sadd.s32 $0x10, s0;
	v41 =	vmov s9;
	s29 =	sadd.s32 s30, s29  }
0x486: {  	v7 =	vld [tilespmem:s0+$0x0];
	vm2 =	vgt.s32 v41, v0;
	v43 =	vadd.s32 s29, v40;
	s31 =	spop (v2sf)  }
0x487: {  	v42, _, _ =	vpop (xrf0);
	v6 =	vnsel vm2, $0x0, v6;
	vm2 =	vgt.s32 v43, $0xAAA;
	s6 =	spop (v2sf)  }
0x488: {  	s5 =	sadd.s32 $0x10, s0;
	(v2sf) =	vpush v42, $0xF;
	v44, _, _ =	vpop (xrf0);
	(xrf0) =	vadd.scan.msk.s32 $0xffff, v6;
	v46 =	vnsel vm2, $0x80000010, v3;
	s2 =	sxor.u32 $0x80000000, s6;
	s3 =	spop (v2sf)  }
0x489: {  	(v2sf) =	vpush v44, $0xF;
	v45, _, _ =	vpop (xrf0);
	v6 =	vld [tilespmem:s5+$0x0];
	[dreg:$0xd] =	wrdreg s31;
	(xrf0) =	vmin.scan.msk.u32 $0xffff, v46;
	v47 =	vmov s2;
	s31 =	sadd.s32 s29, s3  }
0x48a: {  	(v2sf) =	vpush v45, $0xF;
	vm2 =	vgt.s32 v47, v0;
	v10 =	vadd.s32 s31, v45  }
0x48b: {  	(xrf0) =	vadd.scan.msk.s32 $0xffff, v7;
	v9 =	vnsel vm2, $0x0, v9;
	vm2 =	vgt.s32 v10, $0xAAA  }
0x48c: {  	(xrf0) =	vadd.scan.msk.s32 $0xffff, v9;
	v48 =	vnsel vm2, $0x80000010, v3  }
0x48d: {  	(xrf0) =	vmin.scan.msk.u32 $0xffff, v48  }
0x48e: {  	v49, _, _ =	vpop (xrf0);
	(xrf0) =	vadd.scan.msk.s32 $0xffff, v6  }
0x48f: {  	(v2sf) =	vpush v49, $0xF;
	v50, _, _ =	vpop (xrf0)  }
0x490: {  	(v2sf) =	vpush v50, $0xF  }
0x491: {  	v51, _, _ =	vpop (xrf0)  }
0x492: {  	(v2sf) =	vpush v51, $0xF;
	v52, _, _ =	vpop (xrf0)  }
0x493: {  	(v2sf) =	vpush v52, $0xF;
	v53, _, _ =	vpop (xrf0)  }
0x494: {  	(v2sf) =	vpush v53, $0xF;
	v54, _, _ =	vpop (xrf0)  }
0x495: {  	(v2sf) =	vpush v54, $0xF;
	_ =	sdelay $0x1  }
0x496: {  	s9 =	spop (v2sf)  }
0x497: {  	[dreg:$0x13] =	wrdreg s8;
	s3 =	spop (v2sf)  }
0x498: {  	s7 =	sadd.s32 $0x10, s5;
	s8 =	sxor.u32 $0x80000000, s3;
	s0 =	spop (v2sf)  }
0x499: {  	v56 =	vld [tilespmem:s7+$0x0];
	v55 =	vmov s8;
	s2 =	sadd.s32 s31, s0  }
0x49a: {  	vm2 =	vgt.s32 v55, v0;
	v9 =	vadd.s32 s2, v51  }
0x49b: {  	v5 =	vnsel vm2, $0x0, v5;
	vm2 =	vgt.s32 v9, $0xAAA  }
0x49c: {  	(xrf0) =	vadd.scan.msk.s32 $0xffff, v5;
	v5 =	vnsel vm2, $0x80000010, v3  }
0x49d: {  	(xrf0) =	vmin.scan.msk.u32 $0xffff, v5;
	s5 =	spop (v2sf)  }
0x49e: {  	(xrf0) =	vadd.scan.msk.s32 $0xffff, v56;
	s8 =	spop (v2sf)  }
0x49f: {  	[dreg:$0x18] =	wrdreg s5;
	s5 =	sxor.u32 $0x80000000, s8  }
0x4a0: {  	s1 =	spop (v2sf);
	v5 =	vmov s5  }
0x4a1: {  	s7 =	spop (v2sf)  }
0x4a2: {  	v57, _, _ =	vpop (xrf0);
	s1 =	sadd.s32 s2, s1;
	s5 =	spop (v2sf)  }
0x4a3: {  	vm2 =	vgt.s32 v5, v0;
	v10 =	vadd.s32 s1, v54;
	v5, _, _ =	vpop (xrf0);
	[dreg:$0x17] =	wrdreg s7;
	s7 =	sxor.u32 $0x80000000, s5;
	s0 =	spop (v2sf)  }
0x4a4: {  	v8 =	vnsel vm2, $0x0, v8;
	vm2 =	vgt.s32 v10, $0xAAA;
	v59, _, _ =	vpop (xrf0);
	v58 =	vmov s7;
	s7 =	sadd.s32 s1, s0  }
0x4a5: {  	(xrf0) =	vadd.scan.msk.s32 $0xffff, v8;
	v60 =	vnsel vm2, $0x80000010, v3;
	vm2 =	vgt.s32 v58, v0;
	v61 =	vadd.s32 s7, v59  }
0x4a6: {  	(xrf0) =	vmin.scan.msk.u32 $0xffff, v60;
	v62 =	vnsel vm2, $0x0, v13;
	vm2 =	vgt.s32 v61, $0xAAA  }
0x4a7: {  	(xrf0) =	vadd.scan.msk.s32 $0xffff, v62;
	v63 =	vnsel vm2, $0x80000010, v3  }
0x4a8: {  	(xrf0) =	vmin.scan.msk.u32 $0xffff, v63  }
0x4a9: {  	(v2sf) =	vpush v57, $0xF  }
0x4aa: {  	(v2sf) =	vpush v5, $0xF  }
0x4ab: {  	(v2sf) =	vpush v59, $0xF;
	v5, _, _ =	vpop (xrf0)  }
0x4ac: {  	(v2sf) =	vpush v5, $0xF;
	v5, _, _ =	vpop (xrf0)  }
0x4ad: {  	(v2sf) =	vpush v5, $0xF;
	v5, _, _ =	vpop (xrf0)  }
0x4ae: {  	(v2sf) =	vpush v5, $0xF;
	v5, _, _ =	vpop (xrf0)  }
0x4af: {  	p1 =	por p1, p1;
	p6 =	seq.s32 s15, $0x0;
	p3 =	por p3, p3;
	(v2sf) =	vpush v5, $0xF  }
0x4b0: {  	p2 =	por p2, p2;
	p0 =	por p0, p0;
	p3 =	por p3, p3  }
0x4b1: {  	p0 =	por p0, p0;
	p4 =	sgt.s32 s30, $0xAAA;
	p3 =	por p3, p3  }
0x4b2: {  	s3 =	sadd.s32 s24, s3;
	s8 =	sadd.s32 s20, s8;
	s0 =	rddreg [dreg:$0x13]  }
0x4b3: {  	s5 =	sadd.s32 s19, s5;
	s0 =	sadd.s32 s13, s0;
	s13 =	rddreg [dreg:$0xd]  }
0x4b4: {  	s12 =	smov.u32 @p1 s0;
	s0 =	sadd.s32 s26, s4;
	p1 =	por !p6, !p4  }
0x4b5: {  	p6 =	sgt.s32 s29, $0xAAA;
	s26 =	rddreg [dreg:$0x18];
	s14 =	smov.u32 @p2 s0  }
0x4b6: {  	s0 =	sadd.s32 s22, s13;
	p1 =	por !p1, !p1;
	s23 =	sadd.s32 s23, s26  }
0x4b7: {  	s12 =	smov.u32 @p0 s0;
	s15 =	simm.s32 @p1 $0x1;
	s0 =	sadd.s32 s25, s6  }
0x4b8: {  	p1 =	por p1, p1;
	s4 =	spop (v2sf);
	p5 =	seq.s32 s15, $0x0  }
0x4b9: {  	s14 =	smov.u32 @p1 s0;
	s0 =	sadd.s32 s21, s9;
	s22 =	spop (v2sf)  }
0x4ba: {  	p0 =	por !p5, !p6;
	s12 =	smov.u32 @p3 s0;
	s6 =	spop (v2sf)  }
0x4bb: {  	p0 =	por !p0, !p0;
	s21 =	sxor.u32 $0x80000000, s22;
	s13 =	spop (v2sf)  }
0x4bc: {  	p5 =	sgt.s32 s31, $0xAAA;
	s15 =	simm.s32 @p0 $0x1;
	v5 =	vmov s21;
	s21 =	spop (v2sf)  }
0x4bd: {  	p0 =	por p0, p0;
	vm2 =	vgt.s32 v5, v0;
	s24 =	sxor.u32 $0x80000000, s21;
	s0 =	spop (v2sf)  }
0x4be: {  	p4 =	seq.s32 s15, $0x0;
	s14 =	smov.u32 @p0 s3;
	v5 =	vnsel vm2, $0x0, v7;
	v7 =	vmov s24;
	s3 =	spop (v2sf)  }
0x4bf: {  	p1 =	por p1, p1;
	p3 =	por !p4, !p5;
	vm2 =	vgt.s32 v7, v0;
	s25 =	sxor.u32 $0x80000000, s3  }
0x4c0: {  	p6 =	por p2, p2;
	s4 =	sadd.s32 s30, s4;
	p2 =	por !p3, !p3;
	(xrf0) =	vadd.scan.msk.s32 $0xffff, v5;
	v6 =	vnsel vm2, $0x0, v6;
	v5 =	vmov s25  }
0x4c1: {  	p0 =	por p0, p0;
	p5 =	por p6, p6;
	s15 =	simm.s32 @p2 $0x1;
	(xrf0) =	vadd.scan.msk.s32 $0xffff, v6;
	vm2 =	vgt.s32 v5, v0  }
0x4c2: {  	p3 =	por p5, p5;
	p5 =	sgt.s32 s2, $0xAAA;
	p6 =	seq.s32 s15, $0x0;
	v5 =	vnsel vm2, $0x0, v56  }
0x4c3: {  	p0 =	por p0, p0;
	s12 =	smov.u32 @p3 s23;
	p5 =	por !p6, !p5;
	(xrf0) =	vadd.scan.msk.s32 $0xffff, v5  }
0x4c4: {  	p6 =	por p1, p1;
	p1 =	por p2, p2;
	p3 =	por !p5, !p5  }
0x4c5: {  	p2 =	por p6, p6;
	p6 =	sgt.s32 s1, $0xAAA;
	s15 =	simm.s32 @p3 $0x1  }
0x4c6: {  	s14 =	smov.u32 @p1 s8;
	p5 =	seq.s32 s15, $0x0;
	s24 =	rddreg [dreg:$0x17];
	v5, _, _ =	vpop (xrf0)  }
0x4c7: {  	p1 =	por p1, p1;
	p4 =	por !p5, !p6;
	s9 =	sadd.s32 s28, s24;
	(v2sf) =	vpush v5, $0xF;
	v5, _, _ =	vpop (xrf0)  }
0x4c8: {  	s12 =	smov.u32 @p2 s9;
	p2 =	por !p4, !p4;
	p4 =	por p3, p3;
	(v2sf) =	vpush v5, $0xF  }
0x4c9: {  	p5 =	sgt.s32 s7, $0xAAA;
	p6 =	por p0, p0;
	s14 =	smov.u32 @p4 s5;
	v5, _, _ =	vpop (xrf0)  }
0x4ca: {  	s15 =	simm.s32 @p2 $0x1;
	p4 =	por p4, p4;
	s12 =	smov.u32 @p6 s4;
	(v2sf) =	vpush v5, $0xF  }
0x4cb: {  	s4 =	sadd.s32 s16, s22;
	p3 =	seq.s32 s15, $0x0;
	p4 =	por p4, p4  }
0x4cc: {  	[tilespmem:$0x2000] =	vst v1;
	p5 =	por !p3, !p5;
	p3 =	por p1, p1;
	p1 =	por p2, p2  }
0x4cd: {  	[tilespmem:$0x2010] =	vst v1;
	p0 =	por !p5, !p5;
	s14 =	smov.u32 @p1 s4;
	p3 =	por p3, p3  }
0x4ce: {  	[tilespmem:$0x2020] =	vst v1;
	p1 =	por p1, p1;
	s4 =	sadd.s32 s29, s13;
	s29 =	sshll.u32 s11, $0x18  }
0x4cf: {  	[tilespmem:$0x2030] =	vst v1;
	s15 =	simm.s32 @p0 $0x1;
	p0 =	por p0, p0;
	s12 =	smov.u32 @p3 s4  }
0x4d0: {  	[tilespmem:$0x2040] =	vst v1;
	s4 =	sadd.s32 s18, s21;
	p3 =	por p4, p4;
	s25 =	sadd.s32 s7, s6  }
0x4d1: {  	[tilespmem:$0x2050] =	vst v1;
	p1 =	por p1, p1;
	p5 =	seq.s32 s15, $0x0;
	p6 =	sgt.s32 s25, $0xAAA  }
0x4d2: {  	[tilespmem:$0x2060] =	vst v1;
	s14 =	smov.u32 @p0 s4;
	p0 =	por p0, p0;
	p2 =	por !p5, !p6  }
0x4d3: {  	[tilespmem:$0x2070] =	vst v1;
	s0 =	sadd.s32 s31, s0;
	p1 =	por p1, p1;
	p2 =	por !p2, !p2  }
0x4d4: {  	[tilespmem:$0x2080] =	vst v1;
	s12 =	smov.u32 @p3 s0;
	s0 =	sadd.s32 s17, s3;
	p2 =	por p2, p2  }
0x4d5: {  	[tilespmem:$0x2090] =	vst v1;
	p0 =	por p0, p0;
	s14 =	smov.u32 @p2 s0;
	p2 =	por p2, p2  }
0x4d6: {  	[tilespmem:$0x20A0] =	vst v1;
	p0 =	por p0, p0;
	p6 =	por p2, p2;
	s26 =	spop (v2sf)  }
0x4d7: {  	[tilespmem:$0x20B0] =	vst v1;
	s30 =	sshll.u32 s14, $0x10;
	s0 =	sadd.s32 s2, s26;
	s28 =	spop (v2sf)  }
0x4d8: {  	[tilespmem:$0x20C0] =	vst v1;
	s12 =	smov.u32 @p1 s0;
	s0 =	sadd.s32 s1, s28;
	s1 =	sor.u32 s29, s30  }
0x4d9: {  	[tilespmem:$0x20D0] =	vst v1;
	s12 =	smov.u32 @p0 s0;
	p0 =	por p6, p6;
	s31 =	spop (v2sf)  }
0x4da: {  	[tilespmem:$0x20E0] =	vst v1;
	[dreg:$0x7] =	wrdreg s1;
	s1 =	sshrl.u32 s1, $0x10;
	s0 =	sadd.s32 s7, s31  }
0x4db: {  	[tilespmem:$0x20F0] =	vst v1;
	v5 =	vmov s1;
	s1 =	simm.s32 $0x1040;
	s12 =	smov.u32 @p0 s0;
	s0 =	simm.s32 $0xFFFFFFF8  }
.LBB2_29:
0x4dc: {  	v6 =	vld [tilespmem:s1+$0xFFFFFFC0];
	_ =	sdelay $0x4  }
0x4dd: {  	v7 =	vshrl.u32 v6, $0x10  }
0x4de: {  	v6 =	vshrl.u32 v6, $0x8;
	vm2 =	veq.s32 v7, v5  }
0x4df: {  	v6 =	vand.u32 $0xFF, v6;
	_ =	sdelay $0x3  }
0x4e0: {  	s2 =	simm.s32 $0x2000  }
0x4e1: {  	[tilespmem:v6+s2+$0x0] =	vst.idx.add.s32.msk vm2, v2  }
0x4e2: {  	v6 =	vld [tilespmem:s1+$0xFFFFFFD0];
	_ =	sdelay $0x4  }
0x4e3: {  	v7 =	vshrl.u32 v6, $0x10  }
0x4e4: {  	v6 =	vshrl.u32 v6, $0x8;
	vm2 =	veq.s32 v7, v5  }
0x4e5: {  	v6 =	vand.u32 $0xFF, v6;
	_ =	sdelay $0x4  }
0x4e6: {  	[tilespmem:v6+s2+$0x0] =	vst.idx.add.s32.msk vm2, v2  }
0x4e7: {  	v6 =	vld [tilespmem:s1+$0xFFFFFFE0];
	_ =	sdelay $0x4  }
0x4e8: {  	v7 =	vshrl.u32 v6, $0x10  }
0x4e9: {  	v6 =	vshrl.u32 v6, $0x8;
	vm2 =	veq.s32 v7, v5  }
0x4ea: {  	v6 =	vand.u32 $0xFF, v6;
	_ =	sdelay $0x4  }
0x4eb: {  	[tilespmem:v6+s2+$0x0] =	vst.idx.add.s32.msk vm2, v2  }
0x4ec: {  	v6 =	vld [tilespmem:s1+$0xFFFFFFF0];
	_ =	sdelay $0x4  }
0x4ed: {  	v7 =	vshrl.u32 v6, $0x10  }
0x4ee: {  	v6 =	vshrl.u32 v6, $0x8;
	vm2 =	veq.s32 v7, v5  }
0x4ef: {  	v6 =	vand.u32 $0xFF, v6;
	_ =	sdelay $0x4  }
0x4f0: {  	[tilespmem:v6+s2+$0x0] =	vst.idx.add.s32.msk vm2, v2  }
0x4f1: {  	v6 =	vld [tilespmem:s1+$0x0];
	_ =	sdelay $0x4  }
0x4f2: {  	v7 =	vshrl.u32 v6, $0x10  }
0x4f3: {  	v6 =	vshrl.u32 v6, $0x8;
	vm2 =	veq.s32 v7, v5  }
0x4f4: {  	v6 =	vand.u32 $0xFF, v6;
	_ =	sdelay $0x4  }
0x4f5: {  	[tilespmem:v6+s2+$0x0] =	vst.idx.add.s32.msk vm2, v2  }
0x4f6: {  	v6 =	vld [tilespmem:s1+$0x10];
	_ =	sdelay $0x4  }
0x4f7: {  	v7 =	vshrl.u32 v6, $0x10  }
0x4f8: {  	v6 =	vshrl.u32 v6, $0x8;
	vm2 =	veq.s32 v7, v5  }
0x4f9: {  	v6 =	vand.u32 $0xFF, v6;
	_ =	sdelay $0x4  }
0x4fa: {  	[tilespmem:v6+s2+$0x0] =	vst.idx.add.s32.msk vm2, v2  }
0x4fb: {  	v6 =	vld [tilespmem:s1+$0x20];
	_ =	sdelay $0x4  }
0x4fc: {  	v7 =	vshrl.u32 v6, $0x10  }
0x4fd: {  	v6 =	vshrl.u32 v6, $0x8;
	vm2 =	veq.s32 v7, v5  }
0x4fe: {  	v6 =	vand.u32 $0xFF, v6;
	_ =	sdelay $0x4  }
0x4ff: {  	[tilespmem:v6+s2+$0x0] =	vst.idx.add.s32.msk vm2, v2  }
0x500: {  	v6 =	vld [tilespmem:s1+$0x30];
	_ =	sdelay $0x4  }
0x501: {  	v7 =	vshrl.u32 v6, $0x10  }
0x502: {  	s0 =	sadd.s32 $0x8, s0;
	v6 =	vshrl.u32 v6, $0x8;
	vm2 =	veq.s32 v7, v5  }
0x503: {  	p0 =	slt.u32 s0, $0xF8;
	v6 =	vand.u32 $0xFF, v6  }
.Ltmp14:
0x504: {  	_ = 	snop;
	(pc) =	sbr.rel @p0 .LBB2_29-.Ltmp14, $2  }
0x505: {  	_ =	sdelay $0x2  }
0x506: {  	s11 =	simm.s32 $0x0;
	s1 =	sadd.s32 $0x80, s1;
	[tilespmem:v6+s2+$0x0] =	vst.idx.add.s32.msk vm2, v2  }
0x507: {  	v8 =	vld [tilespmem:s2+$0x0];
	_ =	sdelay $0x4  }
0x508: {  	(xrf0) =	vadd.scan.msk.s32 $0xffff, v8;
	_ =	sdelay $0x5  }
0x509: {  	s0 =	simm.s32 $0x2010;
	v5, _, _ =	vpop (xrf0)  }
0x50a: {  	v10 =	vld [tilespmem:s0+$0x0];
	(v2sf) =	vpush v5, $0xF;
	_ =	sdelay $0x4  }
0x50b: {  	(xrf0) =	vadd.scan.msk.s32 $0xffff, v10;
	_ =	sdelay $0x5  }
0x50c: {  	v6, _, _ =	vpop (xrf0)  }
0x50d: {  	(v2sf) =	vpush v6, $0xF  }
0x50e: {  	s6 =	simm.s32 $0x2020  }
0x50f: {  	v7 =	vld [tilespmem:s6+$0x0];
	v5 =	vadd.s32 s12, v5  }
0x510: {  	vm2 =	vgt.s32 v5, $0xAAA;
	s7 =	spop (v2sf)  }
0x511: {  	v5 =	vnsel vm2, $0x80000010, v3;
	s21 =	sadd.s32 s12, s7  }
0x512: {  	(xrf0) =	vmin.scan.msk.u32 $0xffff, v5;
	v5 =	vadd.s32 s21, v6  }
0x513: {  	vm2 =	vgt.s32 v5, $0xAAA  }
0x514: {  	(xrf0) =	vadd.scan.msk.s32 $0xffff, v7;
	v5 =	vnsel vm2, $0x80000010, v3  }
0x515: {  	(xrf0) =	vmin.scan.msk.u32 $0xffff, v5;
	_ =	sdelay $0x2  }
0x516: {  	s8 =	simm.s32 $0x2030  }
0x517: {  	v6 =	vld [tilespmem:s8+$0x0];
	v5, _, _ =	vpop (xrf0)  }
0x518: {  	(v2sf) =	vpush v5, $0xF;
	v5, _, _ =	vpop (xrf0)  }
0x519: {  	(v2sf) =	vpush v5, $0xF;
	v9, _, _ =	vpop (xrf0)  }
0x51a: {  	s9 =	spop (v2sf);
	(v2sf) =	vpush v9, $0xF;
	_ =	sdelay $0x1  }
0x51b: {  	(xrf0) =	vadd.scan.msk.s32 $0xffff, v6;
	_ =	sdelay $0x2  }
0x51c: {  	s22 =	sadd.s32 s21, s9  }
0x51d: {  	v5 =	vadd.s32 s22, v5  }
0x51e: {  	s13 =	simm.s32 $0x2040;
	vm2 =	vgt.s32 v5, $0xAAA  }
0x51f: {  	v5 =	vnsel vm2, $0x80000010, v3;
	v9 =	vld [tilespmem:s13+$0x0];
	v11, _, _ =	vpop (xrf0)  }
0x520: {  	(xrf0) =	vmin.scan.msk.u32 $0xffff, v5;
	(v2sf) =	vpush v11, $0xF;
	_ =	sdelay $0x3  }
0x521: {  	(xrf0) =	vadd.scan.msk.s32 $0xffff, v9;
	s14 =	spop (v2sf)  }
0x522: {  	s1 =	sxor.u32 $0x80000000, s14;
	s16 =	spop (v2sf)  }
0x523: {  	v5, _, _ =	vpop (xrf0);
	v12 =	vmov s1;
	s23 =	sadd.s32 s22, s16;
	s17 =	spop (v2sf)  }
0x524: {  	(v2sf) =	vpush v5, $0xF;
	vm2 =	vgt.s32 v12, v0;
	v11 =	vadd.s32 s23, v11;
	s18 =	sxor.u32 $0x80000000, s17  }
0x525: {  	p0 =	por $0x1, $0x1;
	s3 =	simm.s32 $0x2050;
	p1 =	sgt.s32 s21, $0xAAA;
	v8 =	vnsel vm2, $0x0, v8;
	vm2 =	vgt.s32 v11, $0xAAA;
	v11 =	vmov s18  }
0x526: {  	p0 =	por !p0, !p1;
	v5 =	vld [tilespmem:s3+$0x0];
	(xrf0) =	vadd.scan.msk.s32 $0xffff, v8;
	v8 =	vnsel vm2, $0x80000010, v3;
	vm2 =	vgt.s32 v11, v0  }
0x527: {  	s15 =	simm.s32 $0x0;
	p0 =	por !p0, !p0;
	(xrf0) =	vmin.scan.msk.u32 $0xffff, v8;
	v8 =	vnsel vm2, $0x0, v10;
	v10, _, _ =	vpop (xrf0)  }
0x528: {  	s26 =	simm.s32 $0x80000030;
	s15 =	simm.s32 @p0 $0x1;
	(v2sf) =	vpush v10, $0xF  }
0x529: {  	s25 =	simm.s32 $0x80000040;
	p2 =	sgt.s32 s22, $0xAAA;
	p4 =	seq.s32 s15, $0x0  }
0x52a: {  	s24 =	simm.s32 $0x80000050;
	s20 =	simm.s32 $0x80000060;
	p1 =	por !p4, !p2  }
0x52b: {  	s19 =	simm.s32 $0x80000070;
	s2 =	simm.s32 $0x800000B0;
	p1 =	por !p1, !p1;
	(xrf0) =	vadd.scan.msk.s32 $0xffff, v5  }
0x52c: {  	p0 =	por p0, p0;
	s15 =	simm.s32 @p1 $0x1;
	s29 =	spop (v2sf);
	(xrf0) =	vadd.scan.msk.s32 $0xffff, v8  }
0x52d: {  	p6 =	por p0, p0;
	p5 =	seq.s32 s15, $0x0;
	s1 =	sadd.s32 s23, s29;
	v11, _, _ =	vpop (xrf0)  }
0x52e: {  	s0 =	sadd.s32 $0x80000000, s14;
	s14 =	simm.s32 $0x0;
	s16 =	simm.s32 $0x80000080;
	v10 =	vadd.s32 s1, v10;
	(v2sf) =	vpush v11, $0xF  }
0x52f: {  	s14 =	smov.u32 @p0 s0;
	p0 =	por p1, p1;
	p3 =	sgt.s32 s23, $0xAAA  }
0x530: {  	s0 =	simm.s32 $0x2060;
	p1 =	por p6, p6;
	p3 =	por !p5, !p3;
	v11, _, _ =	vpop (xrf0)  }
0x531: {  	p3 =	por !p3, !p3;
	s3 =	sadd.s32 $0x80000010, s17;
	s17 =	simm.s32 $0x800000A0;
	v8 =	vld [tilespmem:s0+$0x0];
	vm2 =	vgt.s32 v10, $0xAAA;
	(v2sf) =	vpush v11, $0xF;
	v10, _, _ =	vpop (xrf0)  }
0x532: {  	s18 =	simm.s32 $0x80000090;
	s15 =	simm.s32 @p3 $0x1;
	s14 =	smov.u32 @p0 s3;
	(v2sf) =	vpush v10, $0xF;
	v63, _, _ =	vpop (xrf0)  }
0x533: {  	p4 =	seq.s32 s15, $0x0;
	p5 =	sgt.s32 s1, $0xAAA;
	s30 =	spop (v2sf);
	v11 =	vnsel vm2, $0x80000010, v3;
	(v2sf) =	vpush v63, $0xF  }
0x534: {  	p0 =	por p0, p0;
	p3 =	por p3, p3;
	p6 =	por !p4, !p5;
	(xrf0) =	vmin.scan.msk.u32 $0xffff, v11  }
0x535: {  	p2 =	por !p6, !p6;
	s31 =	sxor.u32 $0x80000000, s30;
	s4 =	sadd.s32 $0x80000020, s30  }
0x536: {  	s28 =	smov.u32 s1;
	s15 =	simm.s32 @p2 $0x1;
	s14 =	smov.u32 @p3 s4;
	v11 =	vmov s31;
	(xrf0) =	vadd.scan.msk.s32 $0xffff, v8  }
.LBB2_31:
0x537: {  	p4 =	sne.s32 s2, $0x800000F0;
	s3 =	spop (v2sf);
	s4 =	smov.u32 s25  }
0x538: {  	s25 =	smov.u32 s24;
	s24 =	smov.u32 s20;
	s20 =	smov.u32 s19  }
0x539: {  	vm2 =	vgt.s32 v11, v0;
	p5 =	por p1, p1;
	p1 =	por p0, p0;
	p0 =	por p3, p3  }
0x53a: {  	s19 =	smov.u32 s16;
	s16 =	smov.u32 s18;
	s1 =	sadd.s32 s1, s3;
	v11, _, _ =	vpop (xrf0);
	v12 =	vnsel vm2, $0x0, v7;
	v7 =	vmov v6;
	v6 =	vmov v9  }
0x53b: {  	s0 =	sadd.s32 $0x10, s0;
	p3 =	seq.s32 s15, $0x0;
	v9 =	vmovc v5;
	v5 =	vmov v8;
	v13 =	vadd.s32 s1, v10;
	p6 =	sgt.s32 s1, $0xAAA;
	(v2sf) =	vpush v11, $0xF;
	(xrf0) =	vadd.scan.msk.s32 $0xffff, v12  }
0x53c: {  	s18 =	smov.u32 s17;
	s17 =	smov.u32 s2;
	v8 =	vld [tilespmem:s0+$0x0];
	vm2 =	vgt.s32 v13, $0xAAA;
	p6 =	por !p3, !p6  }
0x53d: {  	p3 =	por p2, p2;
	v10, _, _ =	vpop (xrf0);
	v11 =	vnsel vm2, $0x80000010, v3;
	s3 =	spop (v2sf);
	p2 =	por !p6, !p6  }
.Ltmp15:
0x53e: {  	(v2sf) =	vpush v10, $0xF;
	(xrf0) =	vmin.scan.msk.u32 $0xffff, v11;
	s15 =	simm.s32 @p2 $0x1;
	s3 =	sadd.s32 s12, s3;
	(pc) =	sbr.rel @p4 .LBB2_31-.Ltmp15, $4  }
0x53f: {  	s12 =	smov.u32 s21;
	s21 =	smov.u32 s22;
	s11 =	smov.u32 @p5 s3  }
0x540: {  	s22 =	smov.u32 s23;
	s23 =	smov.u32 s28;
	s3 =	spop (v2sf)  }
0x541: {  	s28 =	smov.u32 s1;
	(xrf0) =	vadd.scan.msk.s32 $0xffff, v8;
	s5 =	sxor.u32 $0x80000000, s3;
	s3 =	sadd.s32 s26, s3;
	v12, _, _ =	vpop (xrf0)  }
0x542: {  	s2 =	sadd.s32 $0x10, s2;
	s26 =	smov.u32 s4;
	v11 =	vmov s5;
	s14 =	smov.u32 @p3 s3;
	(v2sf) =	vpush v12, $0xF  }
0x543: {  	_ =	sdelay $0x2  }
0x544: {  	v12, _, _ =	vpop (xrf0)  }
0x545: {  	(v2sf) =	vpush v12, $0xF;
	v40, _, _ =	vpop (xrf0)  }
0x546: {  	(v2sf) =	vpush v40, $0xF;
	_ =	sdelay $0x3  }
0x547: {  	s2 =	spop (v2sf);
	s0 =	sadd.s32 $0x10, s0  }
0x548: {  	s30 =	sadd.s32 s1, s2;
	v13 =	vld [tilespmem:s0+$0x0]  }
0x549: {  	vm2 =	vgt.s32 v11, v0;
	v10 =	vadd.s32 s30, v10  }
0x54a: {  	v7 =	vnsel vm2, $0x0, v7;
	vm2 =	vgt.s32 v10, $0xAAA  }
0x54b: {  	(xrf0) =	vadd.scan.msk.s32 $0xffff, v7;
	v7 =	vnsel vm2, $0x80000010, v3  }
0x54c: {  	s13 =	spop (v2sf);
	(xrf0) =	vmin.scan.msk.u32 $0xffff, v7  }
0x54d: {  	(xrf0) =	vadd.scan.msk.s32 $0xffff, v13;
	s6 =	spop (v2sf)  }
0x54e: {  	s29 =	sxor.u32 $0x80000000, s6;
	s31 =	spop (v2sf)  }
0x54f: {  	s0 =	sadd.s32 $0x10, s0;
	v41 =	vmov s29;
	s29 =	sadd.s32 s30, s31  }
0x550: {  	v7 =	vld [tilespmem:s0+$0x0];
	vm2 =	vgt.s32 v41, v0;
	v43 =	vadd.s32 s29, v40;
	s2 =	spop (v2sf)  }
0x551: {  	v42, _, _ =	vpop (xrf0);
	v6 =	vnsel vm2, $0x0, v6;
	vm2 =	vgt.s32 v43, $0xAAA;
	s5 =	spop (v2sf)  }
0x552: {  	s4 =	sadd.s32 $0x10, s0;
	(v2sf) =	vpush v42, $0xF;
	v44, _, _ =	vpop (xrf0);
	(xrf0) =	vadd.scan.msk.s32 $0xffff, v6;
	v46 =	vnsel vm2, $0x80000010, v3;
	s3 =	sxor.u32 $0x80000000, s5;
	s7 =	spop (v2sf)  }
0x553: {  	(v2sf) =	vpush v44, $0xF;
	v45, _, _ =	vpop (xrf0);
	v6 =	vld [tilespmem:s4+$0x0];
	(xrf0) =	vmin.scan.msk.u32 $0xffff, v46;
	v47 =	vmov s3;
	s31 =	sadd.s32 s29, s7  }
0x554: {  	(v2sf) =	vpush v45, $0xF;
	vm2 =	vgt.s32 v47, v0;
	v10 =	vadd.s32 s31, v45  }
0x555: {  	(xrf0) =	vadd.scan.msk.s32 $0xffff, v7;
	v9 =	vnsel vm2, $0x0, v9;
	vm2 =	vgt.s32 v10, $0xAAA  }
0x556: {  	(xrf0) =	vadd.scan.msk.s32 $0xffff, v9;
	v48 =	vnsel vm2, $0x80000010, v3  }
0x557: {  	(xrf0) =	vmin.scan.msk.u32 $0xffff, v48  }
0x558: {  	v49, _, _ =	vpop (xrf0);
	(xrf0) =	vadd.scan.msk.s32 $0xffff, v6  }
0x559: {  	(v2sf) =	vpush v49, $0xF;
	v50, _, _ =	vpop (xrf0)  }
0x55a: {  	(v2sf) =	vpush v50, $0xF  }
0x55b: {  	v51, _, _ =	vpop (xrf0)  }
0x55c: {  	(v2sf) =	vpush v51, $0xF;
	v52, _, _ =	vpop (xrf0)  }
0x55d: {  	(v2sf) =	vpush v52, $0xF;
	v53, _, _ =	vpop (xrf0)  }
0x55e: {  	(v2sf) =	vpush v53, $0xF;
	v54, _, _ =	vpop (xrf0)  }
0x55f: {  	(v2sf) =	vpush v54, $0xF;
	_ =	sdelay $0x1  }
0x560: {  	s9 =	spop (v2sf)  }
0x561: {  	[dreg:$0x14] =	wrdreg s13;
	s3 =	spop (v2sf)  }
0x562: {  	s8 =	sadd.s32 $0x10, s4;
	s13 =	sxor.u32 $0x80000000, s3;
	s0 =	spop (v2sf)  }
0x563: {  	v56 =	vld [tilespmem:s8+$0x0];
	[dreg:$0xf] =	wrdreg s2;
	v55 =	vmov s13;
	s2 =	sadd.s32 s31, s0  }
0x564: {  	vm2 =	vgt.s32 v55, v0;
	v9 =	vadd.s32 s2, v51  }
0x565: {  	v5 =	vnsel vm2, $0x0, v5;
	vm2 =	vgt.s32 v9, $0xAAA  }
0x566: {  	(xrf0) =	vadd.scan.msk.s32 $0xffff, v5;
	v5 =	vnsel vm2, $0x80000010, v3  }
0x567: {  	(xrf0) =	vmin.scan.msk.u32 $0xffff, v5;
	s13 =	spop (v2sf)  }
0x568: {  	(xrf0) =	vadd.scan.msk.s32 $0xffff, v56;
	s8 =	spop (v2sf)  }
0x569: {  	s4 =	sxor.u32 $0x80000000, s8  }
0x56a: {  	s1 =	spop (v2sf);
	v5 =	vmov s4  }
0x56b: {  	s7 =	spop (v2sf)  }
0x56c: {  	v57, _, _ =	vpop (xrf0);
	s1 =	sadd.s32 s2, s1;
	s4 =	spop (v2sf)  }
0x56d: {  	vm2 =	vgt.s32 v5, v0;
	v10 =	vadd.s32 s1, v54;
	v5, _, _ =	vpop (xrf0);
	[dreg:$0xe] =	wrdreg s7;
	s7 =	sxor.u32 $0x80000000, s4;
	s0 =	spop (v2sf)  }
0x56e: {  	v8 =	vnsel vm2, $0x0, v8;
	vm2 =	vgt.s32 v10, $0xAAA;
	v59, _, _ =	vpop (xrf0);
	v58 =	vmov s7;
	s7 =	sadd.s32 s1, s0  }
0x56f: {  	(xrf0) =	vadd.scan.msk.s32 $0xffff, v8;
	v60 =	vnsel vm2, $0x80000010, v3;
	vm2 =	vgt.s32 v58, v0;
	v61 =	vadd.s32 s7, v59  }
0x570: {  	(xrf0) =	vmin.scan.msk.u32 $0xffff, v60;
	v62 =	vnsel vm2, $0x0, v13;
	vm2 =	vgt.s32 v61, $0xAAA  }
0x571: {  	(xrf0) =	vadd.scan.msk.s32 $0xffff, v62;
	v63 =	vnsel vm2, $0x80000010, v3  }
0x572: {  	(xrf0) =	vmin.scan.msk.u32 $0xffff, v63  }
0x573: {  	(v2sf) =	vpush v57, $0xF  }
0x574: {  	(v2sf) =	vpush v5, $0xF  }
0x575: {  	(v2sf) =	vpush v59, $0xF;
	v5, _, _ =	vpop (xrf0)  }
0x576: {  	(v2sf) =	vpush v5, $0xF;
	v5, _, _ =	vpop (xrf0)  }
0x577: {  	(v2sf) =	vpush v5, $0xF;
	v5, _, _ =	vpop (xrf0)  }
0x578: {  	(v2sf) =	vpush v5, $0xF;
	v5, _, _ =	vpop (xrf0)  }
0x579: {  	p1 =	por p1, p1;
	(v2sf) =	vpush v5, $0xF  }
0x57a: {  	p4 =	seq.s32 s15, $0x0;
	p0 =	por p0, p0;
	p3 =	por p3, p3  }
0x57b: {  	p0 =	por p0, p0;
	p3 =	por p3, p3;
	p5 =	sgt.s32 s30, $0xAAA  }
0x57c: {  	p3 =	por p3, p3;
	p4 =	por !p4, !p5;
	s0 =	rddreg [dreg:$0x14]  }
0x57d: {  	p6 =	sgt.s32 s29, $0xAAA;
	s3 =	sadd.s32 s24, s3;
	s0 =	sadd.s32 s12, s0  }
0x57e: {  	s13 =	sadd.s32 s23, s13;
	s12 =	rddreg [dreg:$0xf];
	s11 =	smov.u32 @p1 s0  }
0x57f: {  	s0 =	sadd.s32 s26, s6;
	p1 =	por p2, p2;
	p2 =	por !p4, !p4  }
0x580: {  	s14 =	smov.u32 @p1 s0;
	s0 =	sadd.s32 s21, s12;
	s15 =	simm.s32 @p2 $0x1  }
0x581: {  	s11 =	smov.u32 @p0 s0;
	p0 =	por p2, p2;
	s0 =	sadd.s32 s25, s5  }
0x582: {  	p2 =	por p1, p1;
	p5 =	seq.s32 s15, $0x0;
	s12 =	spop (v2sf)  }
0x583: {  	s14 =	smov.u32 @p0 s0;
	p1 =	por !p5, !p6;
	s5 =	spop (v2sf)  }
0x584: {  	s0 =	sadd.s32 s22, s9;
	p1 =	por !p1, !p1;
	s21 =	spop (v2sf)  }
0x585: {  	s11 =	smov.u32 @p3 s0;
	s15 =	simm.s32 @p1 $0x1;
	s9 =	spop (v2sf)  }
0x586: {  	p1 =	por p1, p1;
	s24 =	sxor.u32 $0x80000000, s5;
	s0 =	spop (v2sf)  }
0x587: {  	s8 =	sadd.s32 s20, s8;
	s14 =	smov.u32 @p1 s3;
	v5 =	vmov s24;
	s3 =	spop (v2sf)  }
0x588: {  	p2 =	por p2, p2;
	vm2 =	vgt.s32 v5, v0;
	s25 =	sxor.u32 $0x80000000, s0;
	s6 =	spop (v2sf)  }
0x589: {  	s4 =	sadd.s32 s19, s4;
	p2 =	por p2, p2;
	v7 =	vnsel vm2, $0x0, v7;
	v5 =	vmov s25;
	s26 =	sxor.u32 $0x80000000, s6  }
0x58a: {  	p6 =	sgt.s32 s31, $0xAAA;
	s11 =	smov.u32 @p2 s13;
	p5 =	seq.s32 s15, $0x0;
	(xrf0) =	vadd.scan.msk.s32 $0xffff, v7;
	vm2 =	vgt.s32 v5, v0;
	v5 =	vmov s26  }
0x58b: {  	p1 =	por p1, p1;
	p3 =	por !p5, !p6;
	p5 =	sgt.s32 s2, $0xAAA;
	v6 =	vnsel vm2, $0x0, v6;
	vm2 =	vgt.s32 v5, v0  }
0x58c: {  	p6 =	por p0, p0;
	p1 =	por p1, p1;
	p3 =	por !p3, !p3;
	(xrf0) =	vadd.scan.msk.s32 $0xffff, v6;
	v5 =	vnsel vm2, $0x0, v56  }
0x58d: {  	s5 =	sadd.s32 s16, s5;
	s15 =	simm.s32 @p3 $0x1;
	p0 =	por p3, p3;
	(xrf0) =	vadd.scan.msk.s32 $0xffff, v5  }
0x58e: {  	s24 =	rddreg [dreg:$0xe];
	p4 =	seq.s32 s15, $0x0;
	s14 =	smov.u32 @p0 s8  }
0x58f: {  	s8 =	sadd.s32 s28, s24;
	p2 =	por !p4, !p5;
	p4 =	por p6, p6  }
0x590: {  	p6 =	sgt.s32 s1, $0xAAA;
	p2 =	por !p2, !p2;
	p3 =	por p4, p4;
	v5, _, _ =	vpop (xrf0)  }
0x591: {  	s15 =	simm.s32 @p2 $0x1;
	s11 =	smov.u32 @p3 s8;
	p3 =	por p2, p2;
	(v2sf) =	vpush v5, $0xF  }
0x592: {  	p2 =	por p0, p0;
	p0 =	sgt.s32 s7, $0xAAA;
	p5 =	seq.s32 s15, $0x0;
	v5, _, _ =	vpop (xrf0)  }
0x593: {  	s14 =	smov.u32 @p3 s4;
	p2 =	por p2, p2;
	s4 =	sadd.s32 s30, s12;
	(v2sf) =	vpush v5, $0xF;
	v5, _, _ =	vpop (xrf0)  }
0x594: {  	p4 =	por !p5, !p6;
	p5 =	por p1, p1;
	p1 =	por p3, p3;
	(v2sf) =	vpush v5, $0xF  }
0x595: {  	p2 =	por p2, p2;
	s0 =	sadd.s32 s18, s0;
	p4 =	por !p4, !p4  }
0x596: {  	[tilespmem:$0x2000] =	vst v1;
	s11 =	smov.u32 @p5 s4;
	s25 =	sadd.s32 s7, s21;
	s15 =	simm.s32 @p4 $0x1  }
0x597: {  	[tilespmem:$0x2010] =	vst v1;
	p1 =	por p1, p1;
	s4 =	sadd.s32 s29, s9;
	p6 =	seq.s32 s15, $0x0  }
0x598: {  	[tilespmem:$0x2020] =	vst v1;
	p3 =	por p4, p4;
	s11 =	smov.u32 @p2 s4;
	p0 =	por !p6, !p0  }
0x599: {  	[tilespmem:$0x2030] =	vst v1;
	p1 =	por p1, p1;
	s14 =	smov.u32 @p3 s5;
	p0 =	por !p0, !p0  }
0x59a: {  	[tilespmem:$0x2040] =	vst v1;
	p3 =	por p3, p3;
	s15 =	simm.s32 @p0 $0x1;
	p0 =	por p0, p0  }
0x59b: {  	[tilespmem:$0x2050] =	vst v1;
	p6 =	sgt.s32 s25, $0xAAA;
	p5 =	seq.s32 s15, $0x0;
	s14 =	smov.u32 @p0 s0  }
0x59c: {  	[tilespmem:$0x2060] =	vst v1;
	p0 =	por p0, p0;
	p4 =	por !p5, !p6;
	p6 =	por p3, p3  }
0x59d: {  	[tilespmem:$0x2070] =	vst v1;
	p0 =	por p0, p0;
	p4 =	por !p4, !p4;
	s0 =	sadd.s32 s31, s3  }
0x59e: {  	[tilespmem:$0x2080] =	vst v1;
	p0 =	por p0, p0;
	s31 =	rddreg [dreg:$0x7];
	p3 =	por p4, p4  }
0x59f: {  	[tilespmem:$0x2090] =	vst v1;
	s11 =	smov.u32 @p1 s0;
	s0 =	sadd.s32 s17, s6;
	p1 =	por p6, p6  }
0x5a0: {  	[tilespmem:$0x20A0] =	vst v1;
	s14 =	smov.u32 @p3 s0;
	p5 =	por p3, p3;
	s26 =	spop (v2sf)  }
0x5a1: {  	[tilespmem:$0x20B0] =	vst v1;
	p6 =	por p5, p5;
	s29 =	sshll.u32 s14, $0x8;
	s0 =	sadd.s32 s2, s26  }
0x5a2: {  	[tilespmem:$0x20C0] =	vst v1;
	s12 =	sor.u32 s31, s29;
	s28 =	spop (v2sf);
	s11 =	smov.u32 @p1 s0  }
0x5a3: {  	[tilespmem:$0x20D0] =	vst v1;
	s0 =	sadd.s32 s1, s28;
	s1 =	sshrl.u32 s12, $0x8;
	s30 =	spop (v2sf)  }
0x5a4: {  	[tilespmem:$0x20E0] =	vst v1;
	s11 =	smov.u32 @p0 s0;
	p0 =	por p6, p6;
	s0 =	sadd.s32 s7, s30  }
0x5a5: {  	[tilespmem:$0x20F0] =	vst v1;
	v5 =	vmov s1;
	s1 =	simm.s32 $0x1040;
	s11 =	smov.u32 @p0 s0;
	s0 =	simm.s32 $0xFFFFFFF8  }
.LBB2_33:
0x5a6: {  	v6 =	vld [tilespmem:s1+$0xFFFFFFC0];
	_ =	sdelay $0x4  }
0x5a7: {  	v7 =	vshrl.u32 v6, $0x8  }
0x5a8: {  	vm2 =	veq.s32 v7, v5  }
0x5a9: {  	v6 =	vand.u32 $0xFF, v6;
	_ =	sdelay $0x3  }
0x5aa: {  	s2 =	simm.s32 $0x2000  }
0x5ab: {  	[tilespmem:v6+s2+$0x0] =	vst.idx.add.s32.msk vm2, v2  }
0x5ac: {  	v6 =	vld [tilespmem:s1+$0xFFFFFFD0];
	_ =	sdelay $0x4  }
0x5ad: {  	v7 =	vshrl.u32 v6, $0x8  }
0x5ae: {  	vm2 =	veq.s32 v7, v5  }
0x5af: {  	v6 =	vand.u32 $0xFF, v6;
	_ =	sdelay $0x4  }
0x5b0: {  	[tilespmem:v6+s2+$0x0] =	vst.idx.add.s32.msk vm2, v2  }
0x5b1: {  	v6 =	vld [tilespmem:s1+$0xFFFFFFE0];
	_ =	sdelay $0x4  }
0x5b2: {  	v7 =	vshrl.u32 v6, $0x8  }
0x5b3: {  	vm2 =	veq.s32 v7, v5  }
0x5b4: {  	v6 =	vand.u32 $0xFF, v6;
	_ =	sdelay $0x4  }
0x5b5: {  	[tilespmem:v6+s2+$0x0] =	vst.idx.add.s32.msk vm2, v2  }
0x5b6: {  	v6 =	vld [tilespmem:s1+$0xFFFFFFF0];
	_ =	sdelay $0x4  }
0x5b7: {  	v7 =	vshrl.u32 v6, $0x8  }
0x5b8: {  	vm2 =	veq.s32 v7, v5  }
0x5b9: {  	v6 =	vand.u32 $0xFF, v6;
	_ =	sdelay $0x4  }
0x5ba: {  	[tilespmem:v6+s2+$0x0] =	vst.idx.add.s32.msk vm2, v2  }
0x5bb: {  	v6 =	vld [tilespmem:s1+$0x0];
	_ =	sdelay $0x4  }
0x5bc: {  	v7 =	vshrl.u32 v6, $0x8  }
0x5bd: {  	vm2 =	veq.s32 v7, v5  }
0x5be: {  	v6 =	vand.u32 $0xFF, v6;
	_ =	sdelay $0x4  }
0x5bf: {  	[tilespmem:v6+s2+$0x0] =	vst.idx.add.s32.msk vm2, v2  }
0x5c0: {  	v6 =	vld [tilespmem:s1+$0x10];
	_ =	sdelay $0x4  }
0x5c1: {  	v7 =	vshrl.u32 v6, $0x8  }
0x5c2: {  	vm2 =	veq.s32 v7, v5  }
0x5c3: {  	v6 =	vand.u32 $0xFF, v6;
	_ =	sdelay $0x4  }
0x5c4: {  	[tilespmem:v6+s2+$0x0] =	vst.idx.add.s32.msk vm2, v2  }
0x5c5: {  	v6 =	vld [tilespmem:s1+$0x20];
	_ =	sdelay $0x4  }
0x5c6: {  	v7 =	vshrl.u32 v6, $0x8  }
0x5c7: {  	vm2 =	veq.s32 v7, v5  }
0x5c8: {  	v6 =	vand.u32 $0xFF, v6;
	_ =	sdelay $0x4  }
0x5c9: {  	[tilespmem:v6+s2+$0x0] =	vst.idx.add.s32.msk vm2, v2  }
0x5ca: {  	v6 =	vld [tilespmem:s1+$0x30];
	_ =	sdelay $0x4  }
0x5cb: {  	v7 =	vshrl.u32 v6, $0x8  }
0x5cc: {  	s0 =	sadd.s32 $0x8, s0;
	vm2 =	veq.s32 v7, v5  }
0x5cd: {  	p0 =	slt.u32 s0, $0xF8;
	v6 =	vand.u32 $0xFF, v6  }
.Ltmp16:
0x5ce: {  	_ = 	snop;
	(pc) =	sbr.rel @p0 .LBB2_33-.Ltmp16, $2  }
0x5cf: {  	_ =	sdelay $0x2  }
0x5d0: {  	s13 =	simm.s32 $0x0;
	s14 =	simm.s32 $0x80000000;
	s1 =	sadd.s32 $0x80, s1;
	[tilespmem:v6+s2+$0x0] =	vst.idx.add.s32.msk vm2, v2  }
0x5d1: {  	v5 =	vld [tilespmem:s2+$0x0];
	_ =	sdelay $0x4  }
0x5d2: {  	(xrf0) =	vadd.scan.msk.s32 $0xffff, v5;
	_ =	sdelay $0x1  }
0x5d3: {  	s0 =	simm.s32 $0x2010  }
0x5d4: {  	v5 =	vld [tilespmem:s0+$0x0];
	_ =	sdelay $0x2  }
0x5d5: {  	v6, _, _ =	vpop (xrf0)  }
0x5d6: {  	s25 =	simm.s32 $0x2020;
	(v2sf) =	vpush v6, $0xF  }
0x5d7: {  	(xrf0) =	vadd.scan.msk.s32 $0xffff, v5;
	v5 =	vld [tilespmem:s25+$0x0];
	_ =	sdelay $0x4  }
0x5d8: {  	(xrf0) =	vadd.scan.msk.s32 $0xffff, v5;
	_ =	sdelay $0x3  }
0x5d9: {  	v5, _, _ =	vpop (xrf0)  }
0x5da: {  	(v2sf) =	vpush v5, $0xF  }
0x5db: {  	v7, _, _ =	vpop (xrf0)  }
0x5dc: {  	s26 =	simm.s32 $0x2030;
	(v2sf) =	vpush v7, $0xF  }
0x5dd: {  	v8 =	vld [tilespmem:s26+$0x0]  }
0x5de: {  	s28 =	simm.s32 $0x2040;
	v6 =	vadd.s32 s11, v6;
	s1 =	spop (v2sf)  }
0x5df: {  	vm2 =	vgt.s32 v6, $0xAAA;
	v6 =	vld [tilespmem:s28+$0x0];
	s29 =	sadd.s32 s11, s1  }
0x5e0: {  	v9 =	vnsel vm2, $0x80000010, v3;
	v5 =	vadd.s32 s29, v5  }
0x5e1: {  	(xrf0) =	vmin.scan.msk.u32 $0xffff, v9;
	vm2 =	vgt.s32 v5, $0xAAA  }
0x5e2: {  	(xrf0) =	vadd.scan.msk.s32 $0xffff, v8;
	v5 =	vnsel vm2, $0x80000010, v3  }
0x5e3: {  	(xrf0) =	vmin.scan.msk.u32 $0xffff, v5  }
0x5e4: {  	(xrf0) =	vadd.scan.msk.s32 $0xffff, v6;
	_ =	sdelay $0x2  }
0x5e5: {  	v6, _, _ =	vpop (xrf0)  }
0x5e6: {  	v5, _, _ =	vpop (xrf0);
	(v2sf) =	vpush v6, $0xF  }
0x5e7: {  	s17 =	simm.s32 $0x80000010;
	s31 =	spop (v2sf);
	(v2sf) =	vpush v5, $0xF;
	v63, _, _ =	vpop (xrf0)  }
0x5e8: {  	s18 =	simm.s32 $0x80000020;
	p0 =	por $0x1, $0x1;
	p1 =	sgt.s32 s29, $0xAAA;
	v6, _, _ =	vpop (xrf0);
	(v2sf) =	vpush v63, $0xF  }
0x5e9: {  	s30 =	simm.s32 $0x2050;
	p0 =	por !p0, !p1;
	s5 =	spop (v2sf);
	(v2sf) =	vpush v6, $0xF  }
0x5ea: {  	v8 =	vld [tilespmem:s30+$0x0];
	s11 =	simm.s32 $0x0;
	p0 =	por !p0, !p0;
	s2 =	sadd.s32 s29, s31  }
0x5eb: {  	s7 =	simm.s32 $0x80000030;
	s16 =	simm.s32 $0x80000040;
	s11 =	simm.s32 @p0 $0x1;
	v7 =	vadd.s32 s2, v7  }
0x5ec: {  	s15 =	simm.s32 $0x80000070;
	p6 =	seq.s32 s11, $0x0;
	p2 =	sgt.s32 s2, $0xAAA;
	vm2 =	vgt.s32 v7, $0xAAA  }
0x5ed: {  	s3 =	simm.s32 $0x2060;
	s4 =	simm.s32 $0x80000080;
	p1 =	por !p6, !p2;
	v7 =	vnsel vm2, $0x80000010, v3  }
0x5ee: {  	s0 =	simm.s32 $0x80000050;
	s1 =	simm.s32 $0x80000060;
	p1 =	por !p1, !p1;
	(xrf0) =	vmin.scan.msk.u32 $0xffff, v7  }
0x5ef: {  	p0 =	por p0, p0;
	s11 =	simm.s32 @p1 $0x1;
	v7 =	vld [tilespmem:s3+$0x0];
	(xrf0) =	vadd.scan.msk.s32 $0xffff, v8;
	s2 =	sadd.s32 s2, s5  }
.LBB2_35:
0x5f0: {  	p2 =	sne.s32 s4, $0x800000F0;
	p4 =	seq.s32 s11, $0x0  }
0x5f1: {  	p5 =	sgt.s32 s2, $0xAAA;
	s5 =	smov.u32 s14;
	s14 =	smov.u32 s17  }
0x5f2: {  	v8 =	vadd.s32 s2, v5;
	v5 =	vmov v6;
	s17 =	smov.u32 s18;
	p3 =	por p0, p0;
	p0 =	por p1, p1  }
0x5f3: {  	s18 =	smov.u32 s7;
	s7 =	smov.u32 s16;
	vm2 =	vgt.s32 v8, $0xAAA;
	p1 =	por !p4, !p5  }
.Ltmp17:
0x5f4: {  	s16 =	smov.u32 s0;
	v8 =	vnsel vm2, $0x80000010, v3;
	p1 =	por !p1, !p1;
	v9, _, _ =	vpop (xrf0);
	(pc) =	sbr.rel @p2 .LBB2_35-.Ltmp17, $4  }
0x5f5: {  	s0 =	smov.u32 s1;
	s1 =	smov.u32 s15;
	v6, _, _ =	vpop (xrf0);
	(xrf0) =	vmin.scan.msk.u32 $0xffff, v8;
	s11 =	simm.s32 @p1 $0x1;
	(v2sf) =	vpush v9, $0xF  }
0x5f6: {  	s15 =	smov.u32 s4;
	(xrf0) =	vadd.scan.msk.s32 $0xffff, v7;
	(v2sf) =	vpush v6, $0xF;
	s6 =	spop (v2sf)  }
0x5f7: {  	s3 =	sadd.s32 $0x10, s3;
	s8 =	spop (v2sf);
	s5 =	sadd.s32 s5, s6  }
0x5f8: {  	s4 =	sadd.s32 $0x10, s4;
	v7 =	vld [tilespmem:s3+$0x0];
	s2 =	sadd.s32 s2, s8;
	s13 =	smov.u32 @p3 s5  }
0x5f9: {  	v5 =	vadd.s32 s2, v5  }
0x5fa: {  	vm2 =	vgt.s32 v5, $0xAAA  }
0x5fb: {  	v5 =	vnsel vm2, $0x80000010, v3  }
0x5fc: {  	(xrf0) =	vmin.scan.msk.u32 $0xffff, v5  }
0x5fd: {  	(xrf0) =	vadd.scan.msk.s32 $0xffff, v7;
	_ =	sdelay $0x2  }
0x5fe: {  	v5, _, _ =	vpop (xrf0)  }
0x5ff: {  	v7, _, _ =	vpop (xrf0);
	(v2sf) =	vpush v5, $0xF  }
0x600: {  	(v2sf) =	vpush v7, $0xF;
	v5, _, _ =	vpop (xrf0)  }
0x601: {  	v8, _, _ =	vpop (xrf0);
	(v2sf) =	vpush v5, $0xF  }
0x602: {  	(v2sf) =	vpush v8, $0xF;
	_ =	sdelay $0x2  }
0x603: {  	s4 =	spop (v2sf)  }
0x604: {  	s3 =	sadd.s32 $0x10, s3;
	s5 =	spop (v2sf)  }
0x605: {  	s30 =	sadd.s32 s2, s5;
	v5 =	vld [tilespmem:s3+$0x0]  }
0x606: {  	v6 =	vadd.s32 s30, v6  }
0x607: {  	vm2 =	vgt.s32 v6, $0xAAA  }
0x608: {  	v6 =	vnsel vm2, $0x80000010, v3  }
0x609: {  	(xrf0) =	vmin.scan.msk.u32 $0xffff, v6;
	s31 =	spop (v2sf)  }
0x60a: {  	s6 =	spop (v2sf);
	(xrf0) =	vadd.scan.msk.s32 $0xffff, v5  }
0x60b: {  	s6 =	sadd.s32 s30, s6  }
0x60c: {  	v5 =	vadd.s32 s6, v7;
	s8 =	spop (v2sf)  }
0x60d: {  	s9 =	spop (v2sf)  }
0x60e: {  	s19 =	spop (v2sf)  }
0x60f: {  	vm2 =	vgt.s32 v5, $0xAAA;
	v5, _, _ =	vpop (xrf0);
	s9 =	sadd.s32 s6, s9;
	s20 =	spop (v2sf)  }
0x610: {  	v7 =	vnsel vm2, $0x80000010, v3;
	v63, _, _ =	vpop (xrf0);
	v6 =	vadd.s32 s9, v8;
	s20 =	sadd.s32 s9, s20  }
0x611: {  	(xrf0) =	vmin.scan.msk.u32 $0xffff, v7;
	vm2 =	vgt.s32 v6, $0xAAA;
	v7 =	vadd.s32 s20, v63  }
0x612: {  	p2 =	sgt.s32 s2, $0xAAA;
	p3 =	seq.s32 s11, $0x0;
	v6 =	vnsel vm2, $0x80000010, v3;
	vm2 =	vgt.s32 v7, $0xAAA  }
0x613: {  	p2 =	por !p3, !p2;
	(xrf0) =	vmin.scan.msk.u32 $0xffff, v6;
	v6 =	vnsel vm2, $0x80000010, v3  }
0x614: {  	p3 =	por !p2, !p2;
	(v2sf) =	vpush v5, $0xF;
	(xrf0) =	vmin.scan.msk.u32 $0xffff, v6  }
0x615: {  	s11 =	simm.s32 @p3 $0x1;
	(v2sf) =	vpush v63, $0xF  }
0x616: {  	p5 =	sgt.s32 s30, $0xAAA;
	p4 =	seq.s32 s11, $0x0  }
0x617: {  	p2 =	por !p4, !p5;
	v5, _, _ =	vpop (xrf0)  }
0x618: {  	p0 =	por p0, p0;
	p2 =	por !p2, !p2;
	(v2sf) =	vpush v5, $0xF  }
0x619: {  	p1 =	por p1, p1;
	s26 =	rddreg [dreg:$0x5];
	s11 =	simm.s32 @p2 $0x1;
	v5, _, _ =	vpop (xrf0)  }
0x61a: {  	s2 =	sadd.s32 s14, s4;
	p5 =	seq.s32 s11, $0x0;
	p6 =	sgt.s32 s6, $0xAAA;
	(v2sf) =	vpush v5, $0xF;
	v5, _, _ =	vpop (xrf0)  }
0x61b: {  	s13 =	smov.u32 @p0 s2;
	p0 =	por p1, p1;
	p6 =	por !p5, !p6;
	(v2sf) =	vpush v5, $0xF  }
0x61c: {  	p3 =	por p3, p3;
	s2 =	sadd.s32 s17, s31;
	p1 =	por !p6, !p6  }
0x61d: {  	s13 =	smov.u32 @p0 s2;
	p0 =	por p3, p3;
	s11 =	simm.s32 @p1 $0x1  }
0x61e: {  	p5 =	por p2, p2;
	p4 =	seq.s32 s11, $0x0;
	p6 =	sgt.s32 s9, $0xAAA  }
0x61f: {  	p1 =	por p1, p1;
	s2 =	sadd.s32 s18, s8;
	p6 =	por !p4, !p6  }
0x620: {  	p1 =	por p1, p1;
	s13 =	smov.u32 @p0 s2;
	p2 =	por !p6, !p6  }
0x621: {  	p0 =	por p5, p5;
	s2 =	sadd.s32 s7, s19;
	s11 =	simm.s32 @p2 $0x1  }
0x622: {  	s13 =	smov.u32 @p0 s2;
	p3 =	seq.s32 s11, $0x0;
	p4 =	sgt.s32 s20, $0xAAA  }
0x623: {  	p2 =	por p2, p2;
	p0 =	por !p3, !p4;
	s21 =	spop (v2sf)  }
0x624: {  	p2 =	por p2, p2;
	p0 =	por !p0, !p0;
	s22 =	spop (v2sf)  }
0x625: {  	s11 =	simm.s32 @p0 $0x1;
	p0 =	por p0, p0;
	s3 =	sadd.s32 s20, s22  }
0x626: {  	p5 =	seq.s32 s11, $0x0;
	s2 =	sadd.s32 s16, s21;
	p6 =	sgt.s32 s3, $0xAAA  }
0x627: {  	s13 =	smov.u32 @p1 s2;
	p1 =	por !p5, !p6;
	s23 =	spop (v2sf)  }
0x628: {  	p0 =	por p0, p0;
	p1 =	por !p1, !p1;
	s0 =	sadd.s32 s0, s23  }
0x629: {  	s13 =	smov.u32 @p2 s0;
	p1 =	por p1, p1;
	s24 =	spop (v2sf)  }
0x62a: {  	s0 =	sadd.s32 s1, s24;
	s1 =	sor.u32 s26, s10;
	s25 =	spop (v2sf)  }
0x62b: {  	s13 =	smov.u32 @p0 s0;
	p0 =	por p1, p1;
	s0 =	sadd.s32 s15, s25  }
0x62c: {  	v5 =	vmov s1;
	s13 =	smov.u32 @p0 s0  }
0x62d: {  	v5 =	vnsel vm0, $0x0, v5;
	s0 =	sor.u32 s12, s13  }
0x62e: {  	v5 =	vsel vm1, s0, v5  }
0x62f: {  	vm2 =	vgt.s32 v5, $0xFFFFFFFF  }
0x630: {  	v6 =	vsel vm2, $0xFFFFFFFF, v4  }
0x631: {  	s28 =	rddreg [dreg:$0x1];
	v5 =	vxor.u32 v5, v6  }
0x632: {  	s29 =	simm.s32 $0x2100;
	s2 =	simm.s32 $0x1;
	s1 =	simm.s32 $0x0;
	[tilespmem:$0x2100] =	vst v5  }
0x633: {  	[hbm4b:s28+s1] =	stream.linear.scatter [tilespmem:s29], [sflag:$0x1], $0x80, $0x38;
	[tilespmem:$0x2180] =	vst v63  }
0x634: {  	_ =	swait.ge [sflag:s2], $0x80  }
0x635: {  	s30 =	rddreg [dreg:$0x4]  }
0x636: {  	s31 =	rddreg [dreg:$0x3];
	s3 =	sadd.s32 $0x1, s30  }
0x637: {  	p0 =	sne.s32 s3, s31  }
.Ltmp18:
0x638: {  	_ = 	snop;
	(pc) =	sbr.rel @p0 .LBB2_2-.Ltmp18, $3  }
0x639: {  	_ =	sdelay $0x1  }
0x63a: {  	[sflag:s2] =	ssyncset.done $0x0  }
0x63b: {  	[sflag:s2] =	ssyncadd.s32 $0xFFFFFF80  }
.LBB2_37:
0x63c: {  	_ =	sfence.sel $0x180000  }
0x63d: {  	[bflag:$0x0] =	sbarrier.arrive $0xFFFF  }
0x63e: {  	_ =	strace $0x90000047  }
0x63f: {  	s0 =	stileid.u32;
	[bflag:$0x2] =	sbarrier.arrive $0xFFFF  }
0x640: {  	p0 =	sne.s32 s0, $0x0;
	s0 =	rddreg [dreg:$0x2]  }
0x641: {  	s0 =	sadd.s32 @!p0 $0x100000, s0  }
0x642: {  	[sflag:s0] =	ssyncadd.tile.s32 @!p0 $0x1;
	_ =	shalt  }
.Lfunc_end2:
_tile_overlayer_lowered:
.L_overlay_start_2:
0x643: {  	(tag) =	ssettag $0x2  }
0x644: {  	s0 =	rddreg [dreg:$0x0];
	s2 =	stileid.u32  }
0x645: {  	s1 =	rddreg [dreg:$0x1];
	p0 =	sne.s32 s2, $0x0  }
0x646: {  	s3 =	rddreg [dreg:$0x2];
	[bflag:$0x3] =	sbarrier.arrive $0xFFFF;
	s2 =	simm.s32 @!p0 $0x1C01  }
0x647: {  	[timem:s3], [sflag:s2] =	dma.local @!p0 [hbm:s0], s1  }
0x648: {  	s0 =	simm.s32 @!p0 $0x1  }
0x649: {  	_ =	swait.ge @!p0 [sflag:s0], s1  }
0x64a: {  	s1 =	ssub.s32 @!p0 $0x0, s1;
	[sflag:s0] =	ssyncset.done @!p0 $0x0  }
0x64b: {  	[sflag:s0] =	ssyncadd.s32 @!p0 s1  }
0x64c: {  	[bflag:$0x3] =	sbarrier.arrive $0xFFFF  }
0x64d: {  	_ =	shalt  }

</sc_bundles>
